<compile_context>
chip_gen: v7x
topology: tpu7x:2x2x1
jax: 0.10.2.dev20260603
libtpu: 0.0.44.dev20260713+nightly
codegen_flags: <defaults>
</compile_context>

<pallas_src>
import functools
import jax
import jax.numpy as jnp
from jax import lax
from jax.experimental import pallas as pl
from jax.experimental.pallas import tpu as pltpu
from jax.experimental.pallas import tpu_sc as plsc

_NLANES = 16


def _prep_body(wt_ref, pe_ref, wseed_ref):
    PE_C, L = pe_ref.shape
    E, K, _ = wseed_ref.shape
    c_i = lax.broadcasted_iota(jnp.int32, (PE_C, L), 0)
    l_f = lax.broadcasted_iota(jnp.int32, (PE_C, L), 1).astype(jnp.float32)
    pair = (c_i // 2).astype(jnp.float32)
    div = jnp.exp(pair * (-jnp.log(10000.0) * 2.0 / PE_C))
    angle = l_f * div
    pe_ref[...] = jnp.where((c_i % 2) == 0, jnp.sin(angle), jnp.cos(angle))
    wseed_ref[...] = jnp.broadcast_to(wt_ref[...], (E, K, _NLANES))


def kernel(cond_mask, embed_weight):
    B, _, K, L = cond_mask.shape
    E = embed_weight.shape[1]
    C = 128 + E
    PE_C = 128
    wt = embed_weight.T[:, :, None]

    pe, wseed = pl.pallas_call(
        _prep_body,
        out_shape=[
            jax.ShapeDtypeStruct((PE_C, L), jnp.float32),
            jax.ShapeDtypeStruct((E, K, _NLANES), jnp.float32),
        ],
    )(wt)

    info = plsc.get_sparse_core_info()
    NC, NS = info.num_cores, info.num_subcores
    NW = NC * NS
    tc_per_w = PE_C // NW
    half_b = B // 2
    n_grp = L // _NLANES
    ROWS_PER_STEP = 4

    mesh = plsc.VectorSubcoreMesh(core_axis_name="c", subcore_axis_name="s")

    @functools.partial(
        pl.kernel,
        mesh=mesh,
        out_type=jax.ShapeDtypeStruct((B, C, K, L), jnp.float32),
        scratch_types=[
            pltpu.VMEM((K, L), jnp.float32),
            pltpu.VMEM((K, L), jnp.float32),
            pltpu.VMEM((K, L), jnp.float32),
            pltpu.VMEM((L,), jnp.float32),
            pltpu.VMEM((K, _NLANES), jnp.float32),
            pltpu.SemaphoreType.DMA,
            pltpu.SemaphoreType.DMA,
            pltpu.SemaphoreType.DMA,
        ],
    )
    def sc_fanout(pe_hbm, wseed_hbm, out_hbm, buf0, buf1, buf2, rowbuf,
                  seedbuf, ws0, ws1, ws2):
        wid = lax.axis_index("s") * NC + lax.axis_index("c")
        bufs = [buf0, buf1, buf2]
        wsems = [ws0, ws1, ws2]

        def fill_time(buf, c):
            pltpu.sync_copy(pe_hbm.at[c], rowbuf)
            vs = [rowbuf[pl.ds(_NLANES * j, _NLANES)] for j in range(n_grp)]

            def row_step(t, _):
                for r in range(ROWS_PER_STEP):
                    k = t * ROWS_PER_STEP + r
                    for j in range(n_grp):
                        buf[k, pl.ds(_NLANES * j, _NLANES)] = vs[j]
                return _

            lax.fori_loop(0, K // ROWS_PER_STEP, row_step, None)

        def fill_feat(buf, e):
            pltpu.sync_copy(wseed_hbm.at[e], seedbuf)

            def row_step(t, _):
                for r in range(ROWS_PER_STEP):
                    k = t * ROWS_PER_STEP + r
                    v = seedbuf[k, :]
                    for j in range(n_grp):
                        buf[k, pl.ds(_NLANES * j, _NLANES)] = v
                return _

            lax.fori_loop(0, K // ROWS_PER_STEP, row_step, None)

        fb0 = (wid % 2) * half_b
        units = [(True, wid * tc_per_w + i, list(range(B)))
                 for i in range(tc_per_w)]
        units.append((False, wid // 2, [fb0 + j for j in range(half_b)]))

        whandles = [[], [], []]
        for i, (is_time, idx, bs) in enumerate(units):
            p = i % 3
            for h in whandles[p]:
                h.wait()
            whandles[p] = []
            if is_time:
                fill_time(bufs[p], idx)
                c = idx
            else:
                fill_feat(bufs[p], idx)
                c = PE_C + idx
            whandles[p] = [
                pltpu.async_copy(bufs[p], out_hbm.at[b, c], wsems[p])
                for b in bs
            ]
        for p in (0, 1, 2):
            for h in whandles[p]:
                h.wait()

    return sc_fanout(pe, wseed)

# --- scband reference (transcript-rebuilt; emitter-appended) ---
"""Pipeline reference for scband-side-info-16157666967889 (READ-ONLY COPY).

The authoritative reference and input builder live on the scoring server;
editing this copy changes nothing except your own understanding.
"""

import jax, jax.numpy as jnp
import numpy as np

TIME_STEPS = 256
NUM_NODES = 128
EMBED_DIM = 16

def setup_inputs(seed: int = 0) -> dict:
    key = jax.random.key(seed)
    k1, k2 = jax.random.split(key)
    cond_mask = jax.random.uniform(k1, (8, 1, NUM_NODES, TIME_STEPS), dtype=jnp.float32)
    embed_weight = jax.random.normal(k2, (NUM_NODES, EMBED_DIM), dtype=jnp.float32)
    return {"cond_mask": cond_mask, "embed_weight": embed_weight}

def _get_time(B, L):
    div_term = 1.0 / jnp.power(10000.0, jnp.arange(0, 128, 2, dtype=jnp.float32) / 128.0)
    pos = jnp.tile(jnp.arange(L, dtype=jnp.float32)[None, :], (B, 1))
    position = pos[:, :, None]
    pe = jnp.zeros((B, L, 128), dtype=jnp.float32)
    pe = pe.at[:, :, 0::2].set(jnp.sin(position * div_term))
    pe = pe.at[:, :, 1::2].set(jnp.cos(position * div_term))
    return pe

def reference(cond_mask, embed_weight):
    B, _, K, L = cond_mask.shape
    node_arange = jnp.arange(K)
    feature_embed = jnp.take(embed_weight, node_arange, axis=0)  # [K, 16] embedding lookup
    feature_embed = jnp.broadcast_to(feature_embed[None, None, :, :], (B, L, K, EMBED_DIM))
    time_embed = _get_time(B, L)  # [B, L, 128]
    time_embed = jnp.broadcast_to(time_embed[:, :, None, :], (B, L, K, 128))
    side_info = jnp.concatenate([time_embed, feature_embed], axis=-1)  # [B, L, K, 144]
    side_info = jnp.transpose(side_info, (0, 3, 2, 1))  # [B, 144, K, L]
    return side_info

if __name__ == "__main__":
    import jax
    _d = setup_inputs()
    print(jax.jit(kernel)(*tuple(_d.values())))

</pallas_src>

<mosaic_0001>
#map = affine_map<(d0, d1) -> (0, 0)>
#map1 = affine_map<(d0, d1) -> (0, 0, 0)>
#map2 = affine_map<(d0, d1) -> (0, 0, 0, 0)>
module attributes {stable_mosaic.version = 14 : i64} {
  func.func @sc_fanout(%arg0: i32, %arg1: i32, %arg2: memref<128x256xf32, #tpu.memory_space<hbm>>, %arg3: memref<16x128x16xf32, #tpu.memory_space<hbm>>, %arg4: memref<8x144x128x256xf32, #tpu.memory_space<hbm>>, %arg5: memref<128x256xf32, #tpu.memory_space<vmem>>, %arg6: memref<128x256xf32, #tpu.memory_space<vmem>>, %arg7: memref<128x256xf32, #tpu.memory_space<vmem>>, %arg8: memref<256xf32, #tpu.memory_space<vmem>>, %arg9: memref<128x16xf32, #tpu.memory_space<vmem>>, %arg10: memref<!tpu.dma_semaphore, #tpu.memory_space<semaphore_mem>>, %arg11: memref<!tpu.dma_semaphore, #tpu.memory_space<semaphore_mem>>, %arg12: memref<!tpu.dma_semaphore, #tpu.memory_space<semaphore_mem>>) attributes {dimension_semantics = [#tpu.dimension_semantics<core_parallel>, #tpu.dimension_semantics<subcore_parallel>], iteration_bounds = array<i64: 2, 16>, scalar_prefetch = 0 : i64, scratch_operands = 8 : i64, tpu.core_type = #tpu.core_type<sc_vector_subcore>, window_params = [{transform_indices = #map}, {transform_indices = #map1}, {transform_indices = #map2}]} {
    %mul3A = arith.constant 2 : i32
    %mul3A_0 = arith.muli %arg1, %mul3A : i32
    %add3A = arith.addi %mul3A_0, %arg0 : i32
    %jit3A = arith.constant 2 : i32
    %eq3A = arith.constant 0 : i32
    %eq3A_1 = arith.cmpi eq, %jit3A, %eq3A : i32
    %jit3A_2 = arith.constant 1 : i32
    %select_n3A = arith.select %eq3A_1, %jit3A_2, %jit3A : i32
    %rem3A = arith.remsi %add3A, %select_n3A : i32
    %ne3A = arith.constant 0 : i32
    %ne3A_3 = arith.cmpi ne, %rem3A, %ne3A : i32
    %lt3A = arith.constant 0 : i32
    %lt3A_4 = arith.cmpi slt, %rem3A, %lt3A : i32
    %lt3A_5 = arith.constant 0 : i32
    %lt3A_6 = arith.cmpi slt, %select_n3A, %lt3A_5 : i32
    %ne3A_7 = arith.xori %lt3A_4, %lt3A_6 : i1
    %and3A = arith.andi %ne3A_7, %ne3A_3 : i1
    %add3A_8 = arith.addi %rem3A, %select_n3A : i32
    %select_n3A_9 = arith.select %and3A, %add3A_8, %rem3A : i32
    %mul3A_10 = arith.constant 4 : i32
    %mul3A_11 = arith.muli %select_n3A_9, %mul3A_10 : i32
    %mul3A_12 = arith.constant 4 : i32
    %mul3A_13 = arith.muli %add3A, %mul3A_12 : i32
    %add3A_14 = arith.constant 0 : i32
    %add3A_15 = arith.addi %mul3A_13, %add3A_14 : i32
    %mul3A_16 = arith.constant 4 : i32
    %mul3A_17 = arith.muli %add3A, %mul3A_16 : i32
    %add3A_18 = arith.constant 1 : i32
    %add3A_19 = arith.addi %mul3A_17, %add3A_18 : i32
    %mul3A_20 = arith.constant 4 : i32
    %mul3A_21 = arith.muli %add3A, %mul3A_20 : i32
    %add3A_22 = arith.constant 2 : i32
    %add3A_23 = arith.addi %mul3A_21, %add3A_22 : i32
    %mul3A_24 = arith.constant 4 : i32
    %mul3A_25 = arith.muli %add3A, %mul3A_24 : i32
    %add3A_26 = arith.constant 3 : i32
    %add3A_27 = arith.addi %mul3A_25, %add3A_26 : i32
    %jit3A_28 = arith.constant 2 : i32
    %div3A = arith.divsi %add3A, %jit3A_28 : i32
    %sign3A = arith.constant 0 : i32
    %sign3A_29 = arith.cmpi sgt, %add3A, %sign3A : i32
    %sign3A_30 = arith.extui %sign3A_29 : i1 to i32
    %sign3A_31 = arith.constant 0 : i32
    %sign3A_32 = arith.cmpi slt, %add3A, %sign3A_31 : i32
    %sign3A_33 = arith.extui %sign3A_32 : i1 to i32
    %sign3A_34 = arith.subi %sign3A_30, %sign3A_33 : i32
    %sign3A_35 = arith.constant 0 : i32
    %sign3A_36 = arith.cmpi sgt, %jit3A_28, %sign3A_35 : i32
    %sign3A_37 = arith.extui %sign3A_36 : i1 to i32
    %sign3A_38 = arith.constant 0 : i32
    %sign3A_39 = arith.cmpi slt, %jit3A_28, %sign3A_38 : i32
    %sign3A_40 = arith.extui %sign3A_39 : i1 to i32
    %sign3A_41 = arith.subi %sign3A_37, %sign3A_40 : i32
    %ne3A_42 = arith.cmpi ne, %sign3A_34, %sign3A_41 : i32
    %rem3A_43 = arith.remsi %add3A, %jit3A_28 : i32
    %ne3A_44 = arith.constant 0 : i32
    %ne3A_45 = arith.cmpi ne, %rem3A_43, %ne3A_44 : i32
    %and3A_46 = arith.andi %ne3A_42, %ne3A_45 : i1
    %sub3A = arith.constant 1 : i32
    %sub3A_47 = arith.subi %div3A, %sub3A : i32
    %select_n3A_48 = arith.select %and3A_46, %sub3A_47, %div3A : i32
    %add3A_49 = arith.constant 0 : i32
    %add3A_50 = arith.addi %mul3A_11, %add3A_49 : i32
    %add3A_51 = arith.constant 1 : i32
    %add3A_52 = arith.addi %mul3A_11, %add3A_51 : i32
    %add3A_53 = arith.constant 2 : i32
    %add3A_54 = arith.addi %mul3A_11, %add3A_53 : i32
    %add3A_55 = arith.constant 3 : i32
    %add3A_56 = arith.addi %mul3A_11, %add3A_55 : i32
    "tpu.region"() ({
      %run_scoped3A = tpu.sem_alloc : memref<!tpu.dma_semaphore, #tpu.memory_space<semaphore_mem>>
      %dma_start3A_912 = arith.constant 0 : i32
      %dma_start3A_913 = tpu.memref_slice %arg2[%add3A_15, %dma_start3A_912] : memref<128x256xf32, #tpu.memory_space<hbm>> -> memref<1x256xf32, #tpu.memory_space<hbm>>
      %dma_start3A_914 = tpu.memref_squeeze %dma_start3A_913 : memref<1x256xf32, #tpu.memory_space<hbm>> -> memref<256xf32, #tpu.memory_space<hbm>>
      %dma_start3A_915 = arith.constant 0 : i32
      %dma_start3A_916 = tpu.memref_slice %arg2[%add3A_15, %dma_start3A_915] : memref<128x256xf32, #tpu.memory_space<hbm>> -> memref<1x256xf32, #tpu.memory_space<hbm>>
      %dma_start3A_917 = tpu.memref_squeeze %dma_start3A_916 : memref<1x256xf32, #tpu.memory_space<hbm>> -> memref<256xf32, #tpu.memory_space<hbm>>
      tpu.enqueue_dma source(%dma_start3A_917 : memref<256xf32, #tpu.memory_space<hbm>>) target(%arg8 : memref<256xf32, #tpu.memory_space<vmem>>) target_semaphore(%run_scoped3A : memref<!tpu.dma_semaphore, #tpu.memory_space<semaphore_mem>>)
      %dma_wait3A_918 = arith.constant 0 : i32
      %dma_wait3A_919 = tpu.memref_slice %arg2[%add3A_15, %dma_wait3A_918] : memref<128x256xf32, #tpu.memory_space<hbm>> -> memref<1x256xf32, #tpu.memory_space<hbm>>
      %dma_wait3A_920 = tpu.memref_squeeze %dma_wait3A_919 : memref<1x256xf32, #tpu.memory_space<hbm>> -> memref<256xf32, #tpu.memory_space<hbm>>
      %dma_wait3A_921 = arith.constant 0 : i32
      %dma_wait3A_922 = tpu.memref_slice %arg2[%add3A_15, %dma_wait3A_921] : memref<128x256xf32, #tpu.memory_space<hbm>> -> memref<1x256xf32, #tpu.memory_space<hbm>>
      %dma_wait3A_923 = tpu.memref_squeeze %dma_wait3A_922 : memref<1x256xf32, #tpu.memory_space<hbm>> -> memref<256xf32, #tpu.memory_space<hbm>>
      tpu.wait_dma2 semaphore(%run_scoped3A : memref<!tpu.dma_semaphore, #tpu.memory_space<semaphore_mem>>) src(%dma_wait3A_923 : memref<256xf32, #tpu.memory_space<hbm>>) dst(%arg8 : memref<256xf32, #tpu.memory_space<vmem>>)
      tpu.yield
    }) : () -> ()
    %get3A = arith.constant 0 : index
    %get3A_57 = tpu.vector_load %arg8[%get3A] {strides = array<i32>} : memref<256xf32, #tpu.memory_space<vmem>>, vector<16xf32>,
    %get3A_58 = vector.shape_cast %get3A_57 : vector<16xf32> to vector<16xf32>
    %get3A_59 = arith.constant 16 : index
    %get3A_60 = tpu.vector_load %arg8[%get3A_59] {strides = array<i32>} : memref<256xf32, #tpu.memory_space<vmem>>, vector<16xf32>,
    %get3A_61 = vector.shape_cast %get3A_60 : vector<16xf32> to vector<16xf32>
    %get3A_62 = arith.constant 32 : index
    %get3A_63 = tpu.vector_load %arg8[%get3A_62] {strides = array<i32>} : memref<256xf32, #tpu.memory_space<vmem>>, vector<16xf32>,
    %get3A_64 = vector.shape_cast %get3A_63 : vector<16xf32> to vector<16xf32>
    %get3A_65 = arith.constant 48 : index
    %get3A_66 = tpu.vector_load %arg8[%get3A_65] {strides = array<i32>} : memref<256xf32, #tpu.memory_space<vmem>>, vector<16xf32>,
    %get3A_67 = vector.shape_cast %get3A_66 : vector<16xf32> to vector<16xf32>
    %get3A_68 = arith.constant 64 : index
    %get3A_69 = tpu.vector_load %arg8[%get3A_68] {strides = array<i32>} : memref<256xf32, #tpu.memory_space<vmem>>, vector<16xf32>,
    %get3A_70 = vector.shape_cast %get3A_69 : vector<16xf32> to vector<16xf32>
    %get3A_71 = arith.constant 80 : index
    %get3A_72 = tpu.vector_load %arg8[%get3A_71] {strides = array<i32>} : memref<256xf32, #tpu.memory_space<vmem>>, vector<16xf32>,
    %get3A_73 = vector.shape_cast %get3A_72 : vector<16xf32> to vector<16xf32>
    %get3A_74 = arith.constant 96 : index
    %get3A_75 = tpu.vector_load %arg8[%get3A_74] {strides = array<i32>} : memref<256xf32, #tpu.memory_space<vmem>>, vector<16xf32>,
    %get3A_76 = vector.shape_cast %get3A_75 : vector<16xf32> to vector<16xf32>
    %get3A_77 = arith.constant 112 : index
    %get3A_78 = tpu.vector_load %arg8[%get3A_77] {strides = array<i32>} : memref<256xf32, #tpu.memory_space<vmem>>, vector<16xf32>,
    %get3A_79 = vector.shape_cast %get3A_78 : vector<16xf32> to vector<16xf32>
    %get3A_80 = arith.constant 128 : index
    %get3A_81 = tpu.vector_load %arg8[%get3A_80] {strides = array<i32>} : memref<256xf32, #tpu.memory_space<vmem>>, vector<16xf32>,
    %get3A_82 = vector.shape_cast %get3A_81 : vector<16xf32> to vector<16xf32>
    %get3A_83 = arith.constant 144 : index
    %get3A_84 = tpu.vector_load %arg8[%get3A_83] {strides = array<i32>} : memref<256xf32, #tpu.memory_space<vmem>>, vector<16xf32>,
    %get3A_85 = vector.shape_cast %get3A_84 : vector<16xf32> to vector<16xf32>
    %get3A_86 = arith.constant 160 : index
    %get3A_87 = tpu.vector_load %arg8[%get3A_86] {strides = array<i32>} : memref<256xf32, #tpu.memory_space<vmem>>, vector<16xf32>,
    %get3A_88 = vector.shape_cast %get3A_87 : vector<16xf32> to vector<16xf32>
    %get3A_89 = arith.constant 176 : index
    %get3A_90 = tpu.vector_load %arg8[%get3A_89] {strides = array<i32>} : memref<256xf32, #tpu.memory_space<vmem>>, vector<16xf32>,
    %get3A_91 = vector.shape_cast %get3A_90 : vector<16xf32> to vector<16xf32>
    %get3A_92 = arith.constant 192 : index
    %get3A_93 = tpu.vector_load %arg8[%get3A_92] {strides = array<i32>} : memref<256xf32, #tpu.memory_space<vmem>>, vector<16xf32>,
    %get3A_94 = vector.shape_cast %get3A_93 : vector<16xf32> to vector<16xf32>
    %get3A_95 = arith.constant 208 : index
    %get3A_96 = tpu.vector_load %arg8[%get3A_95] {strides = array<i32>} : memref<256xf32, #tpu.memory_space<vmem>>, vector<16xf32>,
    %get3A_97 = vector.shape_cast %get3A_96 : vector<16xf32> to vector<16xf32>
    %get3A_98 = arith.constant 224 : index
    %get3A_99 = tpu.vector_load %arg8[%get3A_98] {strides = array<i32>} : memref<256xf32, #tpu.memory_space<vmem>>, vector<16xf32>,
    %get3A_100 = vector.shape_cast %get3A_99 : vector<16xf32> to vector<16xf32>
    %get3A_101 = arith.constant 240 : index
    %get3A_102 = tpu.vector_load %arg8[%get3A_101] {strides = array<i32>} : memref<256xf32, #tpu.memory_space<vmem>>, vector<16xf32>,
    %get3A_103 = vector.shape_cast %get3A_102 : vector<16xf32> to vector<16xf32>
    %scan3A = arith.constant 0 : i32
    %scan3A_104 = arith.constant 32 : i32
    %scan3A_105 = arith.addi %scan3A, %scan3A_104 : i32
    %scan3A_106 = arith.constant 1 : i32
    scf.for %scan3A_912 = %scan3A to %scan3A_105 step %scan3A_106  : i32 {
      %mul3A_913 = arith.constant 4 : i32
      %mul3A_914 = arith.muli %scan3A_912, %mul3A_913 : i32
      %add3A_915 = arith.constant 0 : i32
      %add3A_916 = arith.addi %mul3A_914, %add3A_915 : i32
      %swap3A = arith.index_cast %add3A_916 : i32 to index
      %swap3A_917 = arith.constant 0 : index
      %swap3A_918 = tpu.vector_load %arg5[%swap3A, %swap3A_917] {strides = array<i32>} : memref<128x256xf32, #tpu.memory_space<vmem>>, vector<1x16xf32>,
      %swap3A_919 = vector.shape_cast %swap3A_918 : vector<1x16xf32> to vector<16xf32>
      %swap3A_920 = vector.shape_cast %get3A_58 : vector<16xf32> to vector<1x16xf32>
      tpu.vector_store %arg5[%swap3A, %swap3A_917], %swap3A_920 {strides = array<i32>} : memref<128x256xf32, #tpu.memory_space<vmem>>, vector<1x16xf32>,
      %swap3A_921 = arith.index_cast %add3A_916 : i32 to index
      %swap3A_922 = arith.constant 16 : index
      %swap3A_923 = tpu.vector_load %arg5[%swap3A_921, %swap3A_922] {strides = array<i32>} : memref<128x256xf32, #tpu.memory_space<vmem>>, vector<1x16xf32>,
      %swap3A_924 = vector.shape_cast %swap3A_923 : vector<1x16xf32> to vector<16xf32>
      %swap3A_925 = vector.shape_cast %get3A_61 : vector<16xf32> to vector<1x16xf32>
      tpu.vector_store %arg5[%swap3A_921, %swap3A_922], %swap3A_925 {strides = array<i32>} : memref<128x256xf32, #tpu.memory_space<vmem>>, vector<1x16xf32>,
      %swap3A_926 = arith.index_cast %add3A_916 : i32 to index
      %swap3A_927 = arith.constant 32 : index
      %swap3A_928 = tpu.vector_load %arg5[%swap3A_926, %swap3A_927] {strides = array<i32>} : memref<128x256xf32, #tpu.memory_space<vmem>>, vector<1x16xf32>,
      %swap3A_929 = vector.shape_cast %swap3A_928 : vector<1x16xf32> to vector<16xf32>
      %swap3A_930 = vector.shape_cast %get3A_64 : vector<16xf32> to vector<1x16xf32>
      tpu.vector_store %arg5[%swap3A_926, %swap3A_927], %swap3A_930 {strides = array<i32>} : memref<128x256xf32, #tpu.memory_space<vmem>>, vector<1x16xf32>,
      %swap3A_931 = arith.index_cast %add3A_916 : i32 to index
      %swap3A_932 = arith.constant 48 : index
      %swap3A_933 = tpu.vector_load %arg5[%swap3A_931, %swap3A_932] {strides = array<i32>} : memref<128x256xf32, #tpu.memory_space<vmem>>, vector<1x16xf32>,
      %swap3A_934 = vector.shape_cast %swap3A_933 : vector<1x16xf32> to vector<16xf32>
      %swap3A_935 = vector.shape_cast %get3A_67 : vector<16xf32> to vector<1x16xf32>
      tpu.vector_store %arg5[%swap3A_931, %swap3A_932], %swap3A_935 {strides = array<i32>} : memref<128x256xf32, #tpu.memory_space<vmem>>, vector<1x16xf32>,
      %swap3A_936 = arith.index_cast %add3A_916 : i32 to index
      %swap3A_937 = arith.constant 64 : index
      %swap3A_938 = tpu.vector_load %arg5[%swap3A_936, %swap3A_937] {strides = array<i32>} : memref<128x256xf32, #tpu.memory_space<vmem>>, vector<1x16xf32>,
      %swap3A_939 = vector.shape_cast %swap3A_938 : vector<1x16xf32> to vector<16xf32>
      %swap3A_940 = vector.shape_cast %get3A_70 : vector<16xf32> to vector<1x16xf32>
      tpu.vector_store %arg5[%swap3A_936, %swap3A_937], %swap3A_940 {strides = array<i32>} : memref<128x256xf32, #tpu.memory_space<vmem>>, vector<1x16xf32>,
      %swap3A_941 = arith.index_cast %add3A_916 : i32 to index
      %swap3A_942 = arith.constant 80 : index
      %swap3A_943 = tpu.vector_load %arg5[%swap3A_941, %swap3A_942] {strides = array<i32>} : memref<128x256xf32, #tpu.memory_space<vmem>>, vector<1x16xf32>,
      %swap3A_944 = vector.shape_cast %swap3A_943 : vector<1x16xf32> to vector<16xf32>
      %swap3A_945 = vector.shape_cast %get3A_73 : vector<16xf32> to vector<1x16xf32>
      tpu.vector_store %arg5[%swap3A_941, %swap3A_942], %swap3A_945 {strides = array<i32>} : memref<128x256xf32, #tpu.memory_space<vmem>>, vector<1x16xf32>,
      %swap3A_946 = arith.index_cast %add3A_916 : i32 to index
      %swap3A_947 = arith.constant 96 : index
      %swap3A_948 = tpu.vector_load %arg5[%swap3A_946, %swap3A_947] {strides = array<i32>} : memref<128x256xf32, #tpu.memory_space<vmem>>, vector<1x16xf32>,
      %swap3A_949 = vector.shape_cast %swap3A_948 : vector<1x16xf32> to vector<16xf32>
      %swap3A_950 = vector.shape_cast %get3A_76 : vector<16xf32> to vector<1x16xf32>
      tpu.vector_store %arg5[%swap3A_946, %swap3A_947], %swap3A_950 {strides = array<i32>} : memref<128x256xf32, #tpu.memory_space<vmem>>, vector<1x16xf32>,
      %swap3A_951 = arith.index_cast %add3A_916 : i32 to index
      %swap3A_952 = arith.constant 112 : index
      %swap3A_953 = tpu.vector_load %arg5[%swap3A_951, %swap3A_952] {strides = array<i32>} : memref<128x256xf32, #tpu.memory_space<vmem>>, vector<1x16xf32>,
      %swap3A_954 = vector.shape_cast %swap3A_953 : vector<1x16xf32> to vector<16xf32>
      %swap3A_955 = vector.shape_cast %get3A_79 : vector<16xf32> to vector<1x16xf32>
      tpu.vector_store %arg5[%swap3A_951, %swap3A_952], %swap3A_955 {strides = array<i32>} : memref<128x256xf32, #tpu.memory_space<vmem>>, vector<1x16xf32>,
      %swap3A_956 = arith.index_cast %add3A_916 : i32 to index
      %swap3A_957 = arith.constant 128 : index
      %swap3A_958 = tpu.vector_load %arg5[%swap3A_956, %swap3A_957] {strides = array<i32>} : memref<128x256xf32, #tpu.memory_space<vmem>>, vector<1x16xf32>,
      %swap3A_959 = vector.shape_cast %swap3A_958 : vector<1x16xf32> to vector<16xf32>
      %swap3A_960 = vector.shape_cast %get3A_82 : vector<16xf32> to vector<1x16xf32>
      tpu.vector_store %arg5[%swap3A_956, %swap3A_957], %swap3A_960 {strides = array<i32>} : memref<128x256xf32, #tpu.memory_space<vmem>>, vector<1x16xf32>,
      %swap3A_961 = arith.index_cast %add3A_916 : i32 to index
      %swap3A_962 = arith.constant 144 : index
      %swap3A_963 = tpu.vector_load %arg5[%swap3A_961, %swap3A_962] {strides = array<i32>} : memref<128x256xf32, #tpu.memory_space<vmem>>, vector<1x16xf32>,
      %swap3A_964 = vector.shape_cast %swap3A_963 : vector<1x16xf32> to vector<16xf32>
      %swap3A_965 = vector.shape_cast %get3A_85 : vector<16xf32> to vector<1x16xf32>
      tpu.vector_store %arg5[%swap3A_961, %swap3A_962], %swap3A_965 {strides = array<i32>} : memref<128x256xf32, #tpu.memory_space<vmem>>, vector<1x16xf32>,
      %swap3A_966 = arith.index_cast %add3A_916 : i32 to index
      %swap3A_967 = arith.constant 160 : index
      %swap3A_968 = tpu.vector_load %arg5[%swap3A_966, %swap3A_967] {strides = array<i32>} : memref<128x256xf32, #tpu.memory_space<vmem>>, vector<1x16xf32>,
      %swap3A_969 = vector.shape_cast %swap3A_968 : vector<1x16xf32> to vector<16xf32>
      %swap3A_970 = vector.shape_cast %get3A_88 : vector<16xf32> to vector<1x16xf32>
      tpu.vector_store %arg5[%swap3A_966, %swap3A_967], %swap3A_970 {strides = array<i32>} : memref<128x256xf32, #tpu.memory_space<vmem>>, vector<1x16xf32>,
      %swap3A_971 = arith.index_cast %add3A_916 : i32 to index
      %swap3A_972 = arith.constant 176 : index
      %swap3A_973 = tpu.vector_load %arg5[%swap3A_971, %swap3A_972] {strides = array<i32>} : memref<128x256xf32, #tpu.memory_space<vmem>>, vector<1x16xf32>,
      %swap3A_974 = vector.shape_cast %swap3A_973 : vector<1x16xf32> to vector<16xf32>
      %swap3A_975 = vector.shape_cast %get3A_91 : vector<16xf32> to vector<1x16xf32>
      tpu.vector_store %arg5[%swap3A_971, %swap3A_972], %swap3A_975 {strides = array<i32>} : memref<128x256xf32, #tpu.memory_space<vmem>>, vector<1x16xf32>,
      %swap3A_976 = arith.index_cast %add3A_916 : i32 to index
      %swap3A_977 = arith.constant 192 : index
      %swap3A_978 = tpu.vector_load %arg5[%swap3A_976, %swap3A_977] {strides = array<i32>} : memref<128x256xf32, #tpu.memory_space<vmem>>, vector<1x16xf32>,
      %swap3A_979 = vector.shape_cast %swap3A_978 : vector<1x16xf32> to vector<16xf32>
      %swap3A_980 = vector.shape_cast %get3A_94 : vector<16xf32> to vector<1x16xf32>
      tpu.vector_store %arg5[%swap3A_976, %swap3A_977], %swap3A_980 {strides = array<i32>} : memref<128x256xf32, #tpu.memory_space<vmem>>, vector<1x16xf32>,
      %swap3A_981 = arith.index_cast %add3A_916 : i32 to index
      %swap3A_982 = arith.constant 208 : index
      %swap3A_983 = tpu.vector_load %arg5[%swap3A_981, %swap3A_982] {strides = array<i32>} : memref<128x256xf32, #tpu.memory_space<vmem>>, vector<1x16xf32>,
      %swap3A_984 = vector.shape_cast %swap3A_983 : vector<1x16xf32> to vector<16xf32>
      %swap3A_985 = vector.shape_cast %get3A_97 : vector<16xf32> to vector<1x16xf32>
      tpu.vector_store %arg5[%swap3A_981, %swap3A_982], %swap3A_985 {strides = array<i32>} : memref<128x256xf32, #tpu.memory_space<vmem>>, vector<1x16xf32>,
      %swap3A_986 = arith.index_cast %add3A_916 : i32 to index
      %swap3A_987 = arith.constant 224 : index
      %swap3A_988 = tpu.vector_load %arg5[%swap3A_986, %swap3A_987] {strides = array<i32>} : memref<128x256xf32, #tpu.memory_space<vmem>>, vector<1x16xf32>,
      %swap3A_989 = vector.shape_cast %swap3A_988 : vector<1x16xf32> to vector<16xf32>
      %swap3A_990 = vector.shape_cast %get3A_100 : vector<16xf32> to vector<1x16xf32>
      tpu.vector_store %arg5[%swap3A_986, %swap3A_987], %swap3A_990 {strides = array<i32>} : memref<128x256xf32, #tpu.memory_space<vmem>>, vector<1x16xf32>,
      %swap3A_991 = arith.index_cast %add3A_916 : i32 to index
      %swap3A_992 = arith.constant 240 : index
      %swap3A_993 = tpu.vector_load %arg5[%swap3A_991, %swap3A_992] {strides = array<i32>} : memref<128x256xf32, #tpu.memory_space<vmem>>, vector<1x16xf32>,
      %swap3A_994 = vector.shape_cast %swap3A_993 : vector<1x16xf32> to vector<16xf32>
      %swap3A_995 = vector.shape_cast %get3A_103 : vector<16xf32> to vector<1x16xf32>
      tpu.vector_store %arg5[%swap3A_991, %swap3A_992], %swap3A_995 {strides = array<i32>} : memref<128x256xf32, #tpu.memory_space<vmem>>, vector<1x16xf32>,
      %mul3A_996 = arith.constant 4 : i32
      %mul3A_997 = arith.muli %scan3A_912, %mul3A_996 : i32
      %add3A_998 = arith.constant 1 : i32
      %add3A_999 = arith.addi %mul3A_997, %add3A_998 : i32
      %swap3A_1000 = arith.index_cast %add3A_999 : i32 to index
      %swap3A_1001 = arith.constant 0 : index
      %swap3A_1002 = tpu.vector_load %arg5[%swap3A_1000, %swap3A_1001] {strides = array<i32>} : memref<128x256xf32, #tpu.memory_space<vmem>>, vector<1x16xf32>,
      %swap3A_1003 = vector.shape_cast %swap3A_1002 : vector<1x16xf32> to vector<16xf32>
      %swap3A_1004 = vector.shape_cast %get3A_58 : vector<16xf32> to vector<1x16xf32>
      tpu.vector_store %arg5[%swap3A_1000, %swap3A_1001], %swap3A_1004 {strides = array<i32>} : memref<128x256xf32, #tpu.memory_space<vmem>>, vector<1x16xf32>,
      %swap3A_1005 = arith.index_cast %add3A_999 : i32 to index
      %swap3A_1006 = arith.constant 16 : index
      %swap3A_1007 = tpu.vector_load %arg5[%swap3A_1005, %swap3A_1006] {strides = array<i32>} : memref<128x256xf32, #tpu.memory_space<vmem>>, vector<1x16xf32>,
      %swap3A_1008 = vector.shape_cast %swap3A_1007 : vector<1x16xf32> to vector<16xf32>
      %swap3A_1009 = vector.shape_cast %get3A_61 : vector<16xf32> to vector<1x16xf32>
      tpu.vector_store %arg5[%swap3A_1005, %swap3A_1006], %swap3A_1009 {strides = array<i32>} : memref<128x256xf32, #tpu.memory_space<vmem>>, vector<1x16xf32>,
      %swap3A_1010 = arith.index_cast %add3A_999 : i32 to index
      %swap3A_1011 = arith.constant 32 : index
      %swap3A_1012 = tpu.vector_load %arg5[%swap3A_1010, %swap3A_1011] {strides = array<i32>} : memref<128x256xf32, #tpu.memory_space<vmem>>, vector<1x16xf32>,
      %swap3A_1013 = vector.shape_cast %swap3A_1012 : vector<1x16xf32> to vector<16xf32>
      %swap3A_1014 = vector.shape_cast %get3A_64 : vector<16xf32> to vector<1x16xf32>
      tpu.vector_store %arg5[%swap3A_1010, %swap3A_1011], %swap3A_1014 {strides = array<i32>} : memref<128x256xf32, #tpu.memory_space<vmem>>, vector<1x16xf32>,
      %swap3A_1015 = arith.index_cast %add3A_999 : i32 to index
      %swap3A_1016 = arith.constant 48 : index
      %swap3A_1017 = tpu.vector_load %arg5[%swap3A_1015, %swap3A_1016] {strides = array<i32>} : memref<128x256xf32, #tpu.memory_space<vmem>>, vector<1x16xf32>,
      %swap3A_1018 = vector.shape_cast %swap3A_1017 : vector<1x16xf32> to vector<16xf32>
      %swap3A_1019 = vector.shape_cast %get3A_67 : vector<16xf32> to vector<1x16xf32>
      tpu.vector_store %arg5[%swap3A_1015, %swap3A_1016], %swap3A_1019 {strides = array<i32>} : memref<128x256xf32, #tpu.memory_space<vmem>>, vector<1x16xf32>,
      %swap3A_1020 = arith.index_cast %add3A_999 : i32 to index
      %swap3A_1021 = arith.constant 64 : index
      %swap3A_1022 = tpu.vector_load %arg5[%swap3A_1020, %swap3A_1021] {strides = array<i32>} : memref<128x256xf32, #tpu.memory_space<vmem>>, vector<1x16xf32>,
      %swap3A_1023 = vector.shape_cast %swap3A_1022 : vector<1x16xf32> to vector<16xf32>
      %swap3A_1024 = vector.shape_cast %get3A_70 : vector<16xf32> to vector<1x16xf32>
      tpu.vector_store %arg5[%swap3A_1020, %swap3A_1021], %swap3A_1024 {strides = array<i32>} : memref<128x256xf32, #tpu.memory_space<vmem>>, vector<1x16xf32>,
      %swap3A_1025 = arith.index_cast %add3A_999 : i32 to index
      %swap3A_1026 = arith.constant 80 : index
      %swap3A_1027 = tpu.vector_load %arg5[%swap3A_1025, %swap3A_1026] {strides = array<i32>} : memref<128x256xf32, #tpu.memory_space<vmem>>, vector<1x16xf32>,
      %swap3A_1028 = vector.shape_cast %swap3A_1027 : vector<1x16xf32> to vector<16xf32>
      %swap3A_1029 = vector.shape_cast %get3A_73 : vector<16xf32> to vector<1x16xf32>
      tpu.vector_store %arg5[%swap3A_1025, %swap3A_1026], %swap3A_1029 {strides = array<i32>} : memref<128x256xf32, #tpu.memory_space<vmem>>, vector<1x16xf32>,
      %swap3A_1030 = arith.index_cast %add3A_999 : i32 to index
      %swap3A_1031 = arith.constant 96 : index
      %swap3A_1032 = tpu.vector_load %arg5[%swap3A_1030, %swap3A_1031] {strides = array<i32>} : memref<128x256xf32, #tpu.memory_space<vmem>>, vector<1x16xf32>,
      %swap3A_1033 = vector.shape_cast %swap3A_1032 : vector<1x16xf32> to vector<16xf32>
      %swap3A_1034 = vector.shape_cast %get3A_76 : vector<16xf32> to vector<1x16xf32>
      tpu.vector_store %arg5[%swap3A_1030, %swap3A_1031], %swap3A_1034 {strides = array<i32>} : memref<128x256xf32, #tpu.memory_space<vmem>>, vector<1x16xf32>,
      %swap3A_1035 = arith.index_cast %add3A_999 : i32 to index
      %swap3A_1036 = arith.constant 112 : index
      %swap3A_1037 = tpu.vector_load %arg5[%swap3A_1035, %swap3A_1036] {strides = array<i32>} : memref<128x256xf32, #tpu.memory_space<vmem>>, vector<1x16xf32>,
      %swap3A_1038 = vector.shape_cast %swap3A_1037 : vector<1x16xf32> to vector<16xf32>
      %swap3A_1039 = vector.shape_cast %get3A_79 : vector<16xf32> to vector<1x16xf32>
      tpu.vector_store %arg5[%swap3A_1035, %swap3A_1036], %swap3A_1039 {strides = array<i32>} : memref<128x256xf32, #tpu.memory_space<vmem>>, vector<1x16xf32>,
      %swap3A_1040 = arith.index_cast %add3A_999 : i32 to index
      %swap3A_1041 = arith.constant 128 : index
      %swap3A_1042 = tpu.vector_load %arg5[%swap3A_1040, %swap3A_1041] {strides = array<i32>} : memref<128x256xf32, #tpu.memory_space<vmem>>, vector<1x16xf32>,
      %swap3A_1043 = vector.shape_cast %swap3A_1042 : vector<1x16xf32> to vector<16xf32>
      %swap3A_1044 = vector.shape_cast %get3A_82 : vector<16xf32> to vector<1x16xf32>
      tpu.vector_store %arg5[%swap3A_1040, %swap3A_1041], %swap3A_1044 {strides = array<i32>} : memref<128x256xf32, #tpu.memory_space<vmem>>, vector<1x16xf32>,
      %swap3A_1045 = arith.index_cast %add3A_999 : i32 to index
      %swap3A_1046 = arith.constant 144 : index
      %swap3A_1047 = tpu.vector_load %arg5[%swap3A_1045, %swap3A_1046] {strides = array<i32>} : memref<128x256xf32, #tpu.memory_space<vmem>>, vector<1x16xf32>,
      %swap3A_1048 = vector.shape_cast %swap3A_1047 : vector<1x16xf32> to vector<16xf32>
      %swap3A_1049 = vector.shape_cast %get3A_85 : vector<16xf32> to vector<1x16xf32>
      tpu.vector_store %arg5[%swap3A_1045, %swap3A_1046], %swap3A_1049 {strides = array<i32>} : memref<128x256xf32, #tpu.memory_space<vmem>>, vector<1x16xf32>,
      %swap3A_1050 = arith.index_cast %add3A_999 : i32 to index
      %swap3A_1051 = arith.constant 160 : index
      %swap3A_1052 = tpu.vector_load %arg5[%swap3A_1050, %swap3A_1051] {strides = array<i32>} : memref<128x256xf32, #tpu.memory_space<vmem>>, vector<1x16xf32>,
      %swap3A_1053 = vector.shape_cast %swap3A_1052 : vector<1x16xf32> to vector<16xf32>
      %swap3A_1054 = vector.shape_cast %get3A_88 : vector<16xf32> to vector<1x16xf32>
      tpu.vector_store %arg5[%swap3A_1050, %swap3A_1051], %swap3A_1054 {strides = array<i32>} : memref<128x256xf32, #tpu.memory_space<vmem>>, vector<1x16xf32>,
      %swap3A_1055 = arith.index_cast %add3A_999 : i32 to index
      %swap3A_1056 = arith.constant 176 : index
      %swap3A_1057 = tpu.vector_load %arg5[%swap3A_1055, %swap3A_1056] {strides = array<i32>} : memref<128x256xf32, #tpu.memory_space<vmem>>, vector<1x16xf32>,
      %swap3A_1058 = vector.shape_cast %swap3A_1057 : vector<1x16xf32> to vector<16xf32>
      %swap3A_1059 = vector.shape_cast %get3A_91 : vector<16xf32> to vector<1x16xf32>
      tpu.vector_store %arg5[%swap3A_1055, %swap3A_1056], %swap3A_1059 {strides = array<i32>} : memref<128x256xf32, #tpu.memory_space<vmem>>, vector<1x16xf32>,
      %swap3A_1060 = arith.index_cast %add3A_999 : i32 to index
      %swap3A_1061 = arith.constant 192 : index
      %swap3A_1062 = tpu.vector_load %arg5[%swap3A_1060, %swap3A_1061] {strides = array<i32>} : memref<128x256xf32, #tpu.memory_space<vmem>>, vector<1x16xf32>,
      %swap3A_1063 = vector.shape_cast %swap3A_1062 : vector<1x16xf32> to vector<16xf32>
      %swap3A_1064 = vector.shape_cast %get3A_94 : vector<16xf32> to vector<1x16xf32>
      tpu.vector_store %arg5[%swap3A_1060, %swap3A_1061], %swap3A_1064 {strides = array<i32>} : memref<128x256xf32, #tpu.memory_space<vmem>>, vector<1x16xf32>,
      %swap3A_1065 = arith.index_cast %add3A_999 : i32 to index
      %swap3A_1066 = arith.constant 208 : index
      %swap3A_1067 = tpu.vector_load %arg5[%swap3A_1065, %swap3A_1066] {strides = array<i32>} : memref<128x256xf32, #tpu.memory_space<vmem>>, vector<1x16xf32>,
      %swap3A_1068 = vector.shape_cast %swap3A_1067 : vector<1x16xf32> to vector<16xf32>
      %swap3A_1069 = vector.shape_cast %get3A_97 : vector<16xf32> to vector<1x16xf32>
      tpu.vector_store %arg5[%swap3A_1065, %swap3A_1066], %swap3A_1069 {strides = array<i32>} : memref<128x256xf32, #tpu.memory_space<vmem>>, vector<1x16xf32>,
      %swap3A_1070 = arith.index_cast %add3A_999 : i32 to index
      %swap3A_1071 = arith.constant 224 : index
      %swap3A_1072 = tpu.vector_load %arg5[%swap3A_1070, %swap3A_1071] {strides = array<i32>} : memref<128x256xf32, #tpu.memory_space<vmem>>, vector<1x16xf32>,
      %swap3A_1073 = vector.shape_cast %swap3A_1072 : vector<1x16xf32> to vector<16xf32>
      %swap3A_1074 = vector.shape_cast %get3A_100 : vector<16xf32> to vector<1x16xf32>
      tpu.vector_store %arg5[%swap3A_1070, %swap3A_1071], %swap3A_1074 {strides = array<i32>} : memref<128x256xf32, #tpu.memory_space<vmem>>, vector<1x16xf32>,
      %swap3A_1075 = arith.index_cast %add3A_999 : i32 to index
      %swap3A_1076 = arith.constant 240 : index
      %swap3A_1077 = tpu.vector_load %arg5[%swap3A_1075, %swap3A_1076] {strides = array<i32>} : memref<128x256xf32, #tpu.memory_space<vmem>>, vector<1x16xf32>,
      %swap3A_1078 = vector.shape_cast %swap3A_1077 : vector<1x16xf32> to vector<16xf32>
      %swap3A_1079 = vector.shape_cast %get3A_103 : vector<16xf32> to vector<1x16xf32>
      tpu.vector_store %arg5[%swap3A_1075, %swap3A_1076], %swap3A_1079 {strides = array<i32>} : memref<128x256xf32, #tpu.memory_space<vmem>>, vector<1x16xf32>,
      %mul3A_1080 = arith.constant 4 : i32
      %mul3A_1081 = arith.muli %scan3A_912, %mul3A_1080 : i32
      %add3A_1082 = arith.constant 2 : i32
      %add3A_1083 = arith.addi %mul3A_1081, %add3A_1082 : i32
      %swap3A_1084 = arith.index_cast %add3A_1083 : i32 to index
      %swap3A_1085 = arith.constant 0 : index
      %swap3A_1086 = tpu.vector_load %arg5[%swap3A_1084, %swap3A_1085] {strides = array<i32>} : memref<128x256xf32, #tpu.memory_space<vmem>>, vector<1x16xf32>,
      %swap3A_1087 = vector.shape_cast %swap3A_1086 : vector<1x16xf32> to vector<16xf32>
      %swap3A_1088 = vector.shape_cast %get3A_58 : vector<16xf32> to vector<1x16xf32>
      tpu.vector_store %arg5[%swap3A_1084, %swap3A_1085], %swap3A_1088 {strides = array<i32>} : memref<128x256xf32, #tpu.memory_space<vmem>>, vector<1x16xf32>,
      %swap3A_1089 = arith.index_cast %add3A_1083 : i32 to index
      %swap3A_1090 = arith.constant 16 : index
      %swap3A_1091 = tpu.vector_load %arg5[%swap3A_1089, %swap3A_1090] {strides = array<i32>} : memref<128x256xf32, #tpu.memory_space<vmem>>, vector<1x16xf32>,
      %swap3A_1092 = vector.shape_cast %swap3A_1091 : vector<1x16xf32> to vector<16xf32>
      %swap3A_1093 = vector.shape_cast %get3A_61 : vector<16xf32> to vector<1x16xf32>
      tpu.vector_store %arg5[%swap3A_1089, %swap3A_1090], %swap3A_1093 {strides = array<i32>} : memref<128x256xf32, #tpu.memory_space<vmem>>, vector<1x16xf32>,
      %swap3A_1094 = arith.index_cast %add3A_1083 : i32 to index
      %swap3A_1095 = arith.constant 32 : index
      %swap3A_1096 = tpu.vector_load %arg5[%swap3A_1094, %swap3A_1095] {strides = array<i32>} : memref<128x256xf32, #tpu.memory_space<vmem>>, vector<1x16xf32>,
      %swap3A_1097 = vector.shape_cast %swap3A_1096 : vector<1x16xf32> to vector<16xf32>
      %swap3A_1098 = vector.shape_cast %get3A_64 : vector<16xf32> to vector<1x16xf32>
      tpu.vector_store %arg5[%swap3A_1094, %swap3A_1095], %swap3A_1098 {strides = array<i32>} : memref<128x256xf32, #tpu.memory_space<vmem>>, vector<1x16xf32>,
      %swap3A_1099 = arith.index_cast %add3A_1083 : i32 to index
      %swap3A_1100 = arith.constant 48 : index
      %swap3A_1101 = tpu.vector_load %arg5[%swap3A_1099, %swap3A_1100] {strides = array<i32>} : memref<128x256xf32, #tpu.memory_space<vmem>>, vector<1x16xf32>,
      %swap3A_1102 = vector.shape_cast %swap3A_1101 : vector<1x16xf32> to vector<16xf32>
      %swap3A_1103 = vector.shape_cast %get3A_67 : vector<16xf32> to vector<1x16xf32>
      tpu.vector_store %arg5[%swap3A_1099, %swap3A_1100], %swap3A_1103 {strides = array<i32>} : memref<128x256xf32, #tpu.memory_space<vmem>>, vector<1x16xf32>,
      %swap3A_1104 = arith.index_cast %add3A_1083 : i32 to index
      %swap3A_1105 = arith.constant 64 : index
      %swap3A_1106 = tpu.vector_load %arg5[%swap3A_1104, %swap3A_1105] {strides = array<i32>} : memref<128x256xf32, #tpu.memory_space<vmem>>, vector<1x16xf32>,
      %swap3A_1107 = vector.shape_cast %swap3A_1106 : vector<1x16xf32> to vector<16xf32>
      %swap3A_1108 = vector.shape_cast %get3A_70 : vector<16xf32> to vector<1x16xf32>
      tpu.vector_store %arg5[%swap3A_1104, %swap3A_1105], %swap3A_1108 {strides = array<i32>} : memref<128x256xf32, #tpu.memory_space<vmem>>, vector<1x16xf32>,
      %swap3A_1109 = arith.index_cast %add3A_1083 : i32 to index
      %swap3A_1110 = arith.constant 80 : index
      %swap3A_1111 = tpu.vector_load %arg5[%swap3A_1109, %swap3A_1110] {strides = array<i32>} : memref<128x256xf32, #tpu.memory_space<vmem>>, vector<1x16xf32>,
      %swap3A_1112 = vector.shape_cast %swap3A_1111 : vector<1x16xf32> to vector<16xf32>
      %swap3A_1113 = vector.shape_cast %get3A_73 : vector<16xf32> to vector<1x16xf32>
      tpu.vector_store %arg5[%swap3A_1109, %swap3A_1110], %swap3A_1113 {strides = array<i32>} : memref<128x256xf32, #tpu.memory_space<vmem>>, vector<1x16xf32>,
      %swap3A_1114 = arith.index_cast %add3A_1083 : i32 to index
      %swap3A_1115 = arith.constant 96 : index
      %swap3A_1116 = tpu.vector_load %arg5[%swap3A_1114, %swap3A_1115] {strides = array<i32>} : memref<128x256xf32, #tpu.memory_space<vmem>>, vector<1x16xf32>,
      %swap3A_1117 = vector.shape_cast %swap3A_1116 : vector<1x16xf32> to vector<16xf32>
      %swap3A_1118 = vector.shape_cast %get3A_76 : vector<16xf32> to vector<1x16xf32>
      tpu.vector_store %arg5[%swap3A_1114, %swap3A_1115], %swap3A_1118 {strides = array<i32>} : memref<128x256xf32, #tpu.memory_space<vmem>>, vector<1x16xf32>,
      %swap3A_1119 = arith.index_cast %add3A_1083 : i32 to index
      %swap3A_1120 = arith.constant 112 : index
      %swap3A_1121 = tpu.vector_load %arg5[%swap3A_1119, %swap3A_1120] {strides = array<i32>} : memref<128x256xf32, #tpu.memory_space<vmem>>, vector<1x16xf32>,
      %swap3A_1122 = vector.shape_cast %swap3A_1121 : vector<1x16xf32> to vector<16xf32>
      %swap3A_1123 = vector.shape_cast %get3A_79 : vector<16xf32> to vector<1x16xf32>
      tpu.vector_store %arg5[%swap3A_1119, %swap3A_1120], %swap3A_1123 {strides = array<i32>} : memref<128x256xf32, #tpu.memory_space<vmem>>, vector<1x16xf32>,
      %swap3A_1124 = arith.index_cast %add3A_1083 : i32 to index
      %swap3A_1125 = arith.constant 128 : index
      %swap3A_1126 = tpu.vector_load %arg5[%swap3A_1124, %swap3A_1125] {strides = array<i32>} : memref<128x256xf32, #tpu.memory_space<vmem>>, vector<1x16xf32>,
      %swap3A_1127 = vector.shape_cast %swap3A_1126 : vector<1x16xf32> to vector<16xf32>
      %swap3A_1128 = vector.shape_cast %get3A_82 : vector<16xf32> to vector<1x16xf32>
      tpu.vector_store %arg5[%swap3A_1124, %swap3A_1125], %swap3A_1128 {strides = array<i32>} : memref<128x256xf32, #tpu.memory_space<vmem>>, vector<1x16xf32>,
      %swap3A_1129 = arith.index_cast %add3A_1083 : i32 to index
      %swap3A_1130 = arith.constant 144 : index
      %swap3A_1131 = tpu.vector_load %arg5[%swap3A_1129, %swap3A_1130] {strides = array<i32>} : memref<128x256xf32, #tpu.memory_space<vmem>>, vector<1x16xf32>,
      %swap3A_1132 = vector.shape_cast %swap3A_1131 : vector<1x16xf32> to vector<16xf32>
      %swap3A_1133 = vector.shape_cast %get3A_85 : vector<16xf32> to vector<1x16xf32>
      tpu.vector_store %arg5[%swap3A_1129, %swap3A_1130], %swap3A_1133 {strides = array<i32>} : memref<128x256xf32, #tpu.memory_space<vmem>>, vector<1x16xf32>,
      %swap3A_1134 = arith.index_cast %add3A_1083 : i32 to index
      %swap3A_1135 = arith.constant 160 : index
      %swap3A_1136 = tpu.vector_load %arg5[%swap3A_1134, %swap3A_1135] {strides = array<i32>} : memref<128x256xf32, #tpu.memory_space<vmem>>, vector<1x16xf32>,
      %swap3A_1137 = vector.shape_cast %swap3A_1136 : vector<1x16xf32> to vector<16xf32>
      %swap3A_1138 = vector.shape_cast %get3A_88 : vector<16xf32> to vector<1x16xf32>
      tpu.vector_store %arg5[%swap3A_1134, %swap3A_1135], %swap3A_1138 {strides = array<i32>} : memref<128x256xf32, #tpu.memory_space<vmem>>, vector<1x16xf32>,
      %swap3A_1139 = arith.index_cast %add3A_1083 : i32 to index
      %swap3A_1140 = arith.constant 176 : index
      %swap3A_1141 = tpu.vector_load %arg5[%swap3A_1139, %swap3A_1140] {strides = array<i32>} : memref<128x256xf32, #tpu.memory_space<vmem>>, vector<1x16xf32>,
      %swap3A_1142 = vector.shape_cast %swap3A_1141 : vector<1x16xf32> to vector<16xf32>
      %swap3A_1143 = vector.shape_cast %get3A_91 : vector<16xf32> to vector<1x16xf32>
      tpu.vector_store %arg5[%swap3A_1139, %swap3A_1140], %swap3A_1143 {strides = array<i32>} : memref<128x256xf32, #tpu.memory_space<vmem>>, vector<1x16xf32>,
      %swap3A_1144 = arith.index_cast %add3A_1083 : i32 to index
      %swap3A_1145 = arith.constant 192 : index
      %swap3A_1146 = tpu.vector_load %arg5[%swap3A_1144, %swap3A_1145] {strides = array<i32>} : memref<128x256xf32, #tpu.memory_space<vmem>>, vector<1x16xf32>,
      %swap3A_1147 = vector.shape_cast %swap3A_1146 : vector<1x16xf32> to vector<16xf32>
      %swap3A_1148 = vector.shape_cast %get3A_94 : vector<16xf32> to vector<1x16xf32>
      tpu.vector_store %arg5[%swap3A_1144, %swap3A_1145], %swap3A_1148 {strides = array<i32>} : memref<128x256xf32, #tpu.memory_space<vmem>>, vector<1x16xf32>,
      %swap3A_1149 = arith.index_cast %add3A_1083 : i32 to index
      %swap3A_1150 = arith.constant 208 : index
      %swap3A_1151 = tpu.vector_load %arg5[%swap3A_1149, %swap3A_1150] {strides = array<i32>} : memref<128x256xf32, #tpu.memory_space<vmem>>, vector<1x16xf32>,
      %swap3A_1152 = vector.shape_cast %swap3A_1151 : vector<1x16xf32> to vector<16xf32>
      %swap3A_1153 = vector.shape_cast %get3A_97 : vector<16xf32> to vector<1x16xf32>
      tpu.vector_store %arg5[%swap3A_1149, %swap3A_1150], %swap3A_1153 {strides = array<i32>} : memref<128x256xf32, #tpu.memory_space<vmem>>, vector<1x16xf32>,
      %swap3A_1154 = arith.index_cast %add3A_1083 : i32 to index
      %swap3A_1155 = arith.constant 224 : index
      %swap3A_1156 = tpu.vector_load %arg5[%swap3A_1154, %swap3A_1155] {strides = array<i32>} : memref<128x256xf32, #tpu.memory_space<vmem>>, vector<1x16xf32>,
      %swap3A_1157 = vector.shape_cast %swap3A_1156 : vector<1x16xf32> to vector<16xf32>
      %swap3A_1158 = vector.shape_cast %get3A_100 : vector<16xf32> to vector<1x16xf32>
      tpu.vector_store %arg5[%swap3A_1154, %swap3A_1155], %swap3A_1158 {strides = array<i32>} : memref<128x256xf32, #tpu.memory_space<vmem>>, vector<1x16xf32>,
      %swap3A_1159 = arith.index_cast %add3A_1083 : i32 to index
      %swap3A_1160 = arith.constant 240 : index
      %swap3A_1161 = tpu.vector_load %arg5[%swap3A_1159, %swap3A_1160] {strides = array<i32>} : memref<128x256xf32, #tpu.memory_space<vmem>>, vector<1x16xf32>,
      %swap3A_1162 = vector.shape_cast %swap3A_1161 : vector<1x16xf32> to vector<16xf32>
      %swap3A_1163 = vector.shape_cast %get3A_103 : vector<16xf32> to vector<1x16xf32>
      tpu.vector_store %arg5[%swap3A_1159, %swap3A_1160], %swap3A_1163 {strides = array<i32>} : memref<128x256xf32, #tpu.memory_space<vmem>>, vector<1x16xf32>,
      %mul3A_1164 = arith.constant 4 : i32
      %mul3A_1165 = arith.muli %scan3A_912, %mul3A_1164 : i32
      %add3A_1166 = arith.constant 3 : i32
      %add3A_1167 = arith.addi %mul3A_1165, %add3A_1166 : i32
      %swap3A_1168 = arith.index_cast %add3A_1167 : i32 to index
      %swap3A_1169 = arith.constant 0 : index
      %swap3A_1170 = tpu.vector_load %arg5[%swap3A_1168, %swap3A_1169] {strides = array<i32>} : memref<128x256xf32, #tpu.memory_space<vmem>>, vector<1x16xf32>,
      %swap3A_1171 = vector.shape_cast %swap3A_1170 : vector<1x16xf32> to vector<16xf32>
      %swap3A_1172 = vector.shape_cast %get3A_58 : vector<16xf32> to vector<1x16xf32>
      tpu.vector_store %arg5[%swap3A_1168, %swap3A_1169], %swap3A_1172 {strides = array<i32>} : memref<128x256xf32, #tpu.memory_space<vmem>>, vector<1x16xf32>,
      %swap3A_1173 = arith.index_cast %add3A_1167 : i32 to index
      %swap3A_1174 = arith.constant 16 : index
      %swap3A_1175 = tpu.vector_load %arg5[%swap3A_1173, %swap3A_1174] {strides = array<i32>} : memref<128x256xf32, #tpu.memory_space<vmem>>, vector<1x16xf32>,
      %swap3A_1176 = vector.shape_cast %swap3A_1175 : vector<1x16xf32> to vector<16xf32>
      %swap3A_1177 = vector.shape_cast %get3A_61 : vector<16xf32> to vector<1x16xf32>
      tpu.vector_store %arg5[%swap3A_1173, %swap3A_1174], %swap3A_1177 {strides = array<i32>} : memref<128x256xf32, #tpu.memory_space<vmem>>, vector<1x16xf32>,
      %swap3A_1178 = arith.index_cast %add3A_1167 : i32 to index
      %swap3A_1179 = arith.constant 32 : index
      %swap3A_1180 = tpu.vector_load %arg5[%swap3A_1178, %swap3A_1179] {strides = array<i32>} : memref<128x256xf32, #tpu.memory_space<vmem>>, vector<1x16xf32>,
      %swap3A_1181 = vector.shape_cast %swap3A_1180 : vector<1x16xf32> to vector<16xf32>
      %swap3A_1182 = vector.shape_cast %get3A_64 : vector<16xf32> to vector<1x16xf32>
      tpu.vector_store %arg5[%swap3A_1178, %swap3A_1179], %swap3A_1182 {strides = array<i32>} : memref<128x256xf32, #tpu.memory_space<vmem>>, vector<1x16xf32>,
      %swap3A_1183 = arith.index_cast %add3A_1167 : i32 to index
      %swap3A_1184 = arith.constant 48 : index
      %swap3A_1185 = tpu.vector_load %arg5[%swap3A_1183, %swap3A_1184] {strides = array<i32>} : memref<128x256xf32, #tpu.memory_space<vmem>>, vector<1x16xf32>,
      %swap3A_1186 = vector.shape_cast %swap3A_1185 : vector<1x16xf32> to vector<16xf32>
      %swap3A_1187 = vector.shape_cast %get3A_67 : vector<16xf32> to vector<1x16xf32>
      tpu.vector_store %arg5[%swap3A_1183, %swap3A_1184], %swap3A_1187 {strides = array<i32>} : memref<128x256xf32, #tpu.memory_space<vmem>>, vector<1x16xf32>,
      %swap3A_1188 = arith.index_cast %add3A_1167 : i32 to index
      %swap3A_1189 = arith.constant 64 : index
      %swap3A_1190 = tpu.vector_load %arg5[%swap3A_1188, %swap3A_1189] {strides = array<i32>} : memref<128x256xf32, #tpu.memory_space<vmem>>, vector<1x16xf32>,
      %swap3A_1191 = vector.shape_cast %swap3A_1190 : vector<1x16xf32> to vector<16xf32>
      %swap3A_1192 = vector.shape_cast %get3A_70 : vector<16xf32> to vector<1x16xf32>
      tpu.vector_store %arg5[%swap3A_1188, %swap3A_1189], %swap3A_1192 {strides = array<i32>} : memref<128x256xf32, #tpu.memory_space<vmem>>, vector<1x16xf32>,
      %swap3A_1193 = arith.index_cast %add3A_1167 : i32 to index
      %swap3A_1194 = arith.constant 80 : index
      %swap3A_1195 = tpu.vector_load %arg5[%swap3A_1193, %swap3A_1194] {strides = array<i32>} : memref<128x256xf32, #tpu.memory_space<vmem>>, vector<1x16xf32>,
      %swap3A_1196 = vector.shape_cast %swap3A_1195 : vector<1x16xf32> to vector<16xf32>
      %swap3A_1197 = vector.shape_cast %get3A_73 : vector<16xf32> to vector<1x16xf32>
      tpu.vector_store %arg5[%swap3A_1193, %swap3A_1194], %swap3A_1197 {strides = array<i32>} : memref<128x256xf32, #tpu.memory_space<vmem>>, vector<1x16xf32>,
      %swap3A_1198 = arith.index_cast %add3A_1167 : i32 to index
      %swap3A_1199 = arith.constant 96 : index
      %swap3A_1200 = tpu.vector_load %arg5[%swap3A_1198, %swap3A_1199] {strides = array<i32>} : memref<128x256xf32, #tpu.memory_space<vmem>>, vector<1x16xf32>,
      %swap3A_1201 = vector.shape_cast %swap3A_1200 : vector<1x16xf32> to vector<16xf32>
      %swap3A_1202 = vector.shape_cast %get3A_76 : vector<16xf32> to vector<1x16xf32>
      tpu.vector_store %arg5[%swap3A_1198, %swap3A_1199], %swap3A_1202 {strides = array<i32>} : memref<128x256xf32, #tpu.memory_space<vmem>>, vector<1x16xf32>,
      %swap3A_1203 = arith.index_cast %add3A_1167 : i32 to index
      %swap3A_1204 = arith.constant 112 : index
      %swap3A_1205 = tpu.vector_load %arg5[%swap3A_1203, %swap3A_1204] {strides = array<i32>} : memref<128x256xf32, #tpu.memory_space<vmem>>, vector<1x16xf32>,
      %swap3A_1206 = vector.shape_cast %swap3A_1205 : vector<1x16xf32> to vector<16xf32>
      %swap3A_1207 = vector.shape_cast %get3A_79 : vector<16xf32> to vector<1x16xf32>
      tpu.vector_store %arg5[%swap3A_1203, %swap3A_1204], %swap3A_1207 {strides = array<i32>} : memref<128x256xf32, #tpu.memory_space<vmem>>, vector<1x16xf32>,
      %swap3A_1208 = arith.index_cast %add3A_1167 : i32 to index
      %swap3A_1209 = arith.constant 128 : index
      %swap3A_1210 = tpu.vector_load %arg5[%swap3A_1208, %swap3A_1209] {strides = array<i32>} : memref<128x256xf32, #tpu.memory_space<vmem>>, vector<1x16xf32>,
      %swap3A_1211 = vector.shape_cast %swap3A_1210 : vector<1x16xf32> to vector<16xf32>
      %swap3A_1212 = vector.shape_cast %get3A_82 : vector<16xf32> to vector<1x16xf32>
      tpu.vector_store %arg5[%swap3A_1208, %swap3A_1209], %swap3A_1212 {strides = array<i32>} : memref<128x256xf32, #tpu.memory_space<vmem>>, vector<1x16xf32>,
      %swap3A_1213 = arith.index_cast %add3A_1167 : i32 to index
      %swap3A_1214 = arith.constant 144 : index
      %swap3A_1215 = tpu.vector_load %arg5[%swap3A_1213, %swap3A_1214] {strides = array<i32>} : memref<128x256xf32, #tpu.memory_space<vmem>>, vector<1x16xf32>,
      %swap3A_1216 = vector.shape_cast %swap3A_1215 : vector<1x16xf32> to vector<16xf32>
      %swap3A_1217 = vector.shape_cast %get3A_85 : vector<16xf32> to vector<1x16xf32>
      tpu.vector_store %arg5[%swap3A_1213, %swap3A_1214], %swap3A_1217 {strides = array<i32>} : memref<128x256xf32, #tpu.memory_space<vmem>>, vector<1x16xf32>,
      %swap3A_1218 = arith.index_cast %add3A_1167 : i32 to index
      %swap3A_1219 = arith.constant 160 : index
      %swap3A_1220 = tpu.vector_load %arg5[%swap3A_1218, %swap3A_1219] {strides = array<i32>} : memref<128x256xf32, #tpu.memory_space<vmem>>, vector<1x16xf32>,
      %swap3A_1221 = vector.shape_cast %swap3A_1220 : vector<1x16xf32> to vector<16xf32>
      %swap3A_1222 = vector.shape_cast %get3A_88 : vector<16xf32> to vector<1x16xf32>
      tpu.vector_store %arg5[%swap3A_1218, %swap3A_1219], %swap3A_1222 {strides = array<i32>} : memref<128x256xf32, #tpu.memory_space<vmem>>, vector<1x16xf32>,
      %swap3A_1223 = arith.index_cast %add3A_1167 : i32 to index
      %swap3A_1224 = arith.constant 176 : index
      %swap3A_1225 = tpu.vector_load %arg5[%swap3A_1223, %swap3A_1224] {strides = array<i32>} : memref<128x256xf32, #tpu.memory_space<vmem>>, vector<1x16xf32>,
      %swap3A_1226 = vector.shape_cast %swap3A_1225 : vector<1x16xf32> to vector<16xf32>
      %swap3A_1227 = vector.shape_cast %get3A_91 : vector<16xf32> to vector<1x16xf32>
      tpu.vector_store %arg5[%swap3A_1223, %swap3A_1224], %swap3A_1227 {strides = array<i32>} : memref<128x256xf32, #tpu.memory_space<vmem>>, vector<1x16xf32>,
      %swap3A_1228 = arith.index_cast %add3A_1167 : i32 to index
      %swap3A_1229 = arith.constant 192 : index
      %swap3A_1230 = tpu.vector_load %arg5[%swap3A_1228, %swap3A_1229] {strides = array<i32>} : memref<128x256xf32, #tpu.memory_space<vmem>>, vector<1x16xf32>,
      %swap3A_1231 = vector.shape_cast %swap3A_1230 : vector<1x16xf32> to vector<16xf32>
      %swap3A_1232 = vector.shape_cast %get3A_94 : vector<16xf32> to vector<1x16xf32>
      tpu.vector_store %arg5[%swap3A_1228, %swap3A_1229], %swap3A_1232 {strides = array<i32>} : memref<128x256xf32, #tpu.memory_space<vmem>>, vector<1x16xf32>,
      %swap3A_1233 = arith.index_cast %add3A_1167 : i32 to index
      %swap3A_1234 = arith.constant 208 : index
      %swap3A_1235 = tpu.vector_load %arg5[%swap3A_1233, %swap3A_1234] {strides = array<i32>} : memref<128x256xf32, #tpu.memory_space<vmem>>, vector<1x16xf32>,
      %swap3A_1236 = vector.shape_cast %swap3A_1235 : vector<1x16xf32> to vector<16xf32>
      %swap3A_1237 = vector.shape_cast %get3A_97 : vector<16xf32> to vector<1x16xf32>
      tpu.vector_store %arg5[%swap3A_1233, %swap3A_1234], %swap3A_1237 {strides = array<i32>} : memref<128x256xf32, #tpu.memory_space<vmem>>, vector<1x16xf32>,
      %swap3A_1238 = arith.index_cast %add3A_1167 : i32 to index
      %swap3A_1239 = arith.constant 224 : index
      %swap3A_1240 = tpu.vector_load %arg5[%swap3A_1238, %swap3A_1239] {strides = array<i32>} : memref<128x256xf32, #tpu.memory_space<vmem>>, vector<1x16xf32>,
      %swap3A_1241 = vector.shape_cast %swap3A_1240 : vector<1x16xf32> to vector<16xf32>
      %swap3A_1242 = vector.shape_cast %get3A_100 : vector<16xf32> to vector<1x16xf32>
      tpu.vector_store %arg5[%swap3A_1238, %swap3A_1239], %swap3A_1242 {strides = array<i32>} : memref<128x256xf32, #tpu.memory_space<vmem>>, vector<1x16xf32>,
      %swap3A_1243 = arith.index_cast %add3A_1167 : i32 to index
      %swap3A_1244 = arith.constant 240 : index
      %swap3A_1245 = tpu.vector_load %arg5[%swap3A_1243, %swap3A_1244] {strides = array<i32>} : memref<128x256xf32, #tpu.memory_space<vmem>>, vector<1x16xf32>,
      %swap3A_1246 = vector.shape_cast %swap3A_1245 : vector<1x16xf32> to vector<16xf32>
      %swap3A_1247 = vector.shape_cast %get3A_103 : vector<16xf32> to vector<1x16xf32>
      tpu.vector_store %arg5[%swap3A_1243, %swap3A_1244], %swap3A_1247 {strides = array<i32>} : memref<128x256xf32, #tpu.memory_space<vmem>>, vector<1x16xf32>,
    }
    %scan3A_107 = arith.constant 32 : i32
    %dma_start3A = arith.constant 0 : i32
    %dma_start3A_108 = arith.constant 0 : i32
    %dma_start3A_109 = arith.constant 0 : i32
    %dma_start3A_110 = tpu.memref_slice %arg4[%dma_start3A, %add3A_15, %dma_start3A_108, %dma_start3A_109] : memref<8x144x128x256xf32, #tpu.memory_space<hbm>> -> memref<1x1x128x256xf32, #tpu.memory_space<hbm>>
    %dma_start3A_111 = tpu.memref_squeeze %dma_start3A_110 : memref<1x1x128x256xf32, #tpu.memory_space<hbm>> -> memref<128x256xf32, #tpu.memory_space<hbm>>
    %dma_start3A_112 = arith.constant 0 : i32
    %dma_start3A_113 = arith.constant 0 : i32
    %dma_start3A_114 = tpu.memref_slice %arg4[%dma_start3A, %add3A_15, %dma_start3A_112, %dma_start3A_113] : memref<8x144x128x256xf32, #tpu.memory_space<hbm>> -> memref<1x1x128x256xf32, #tpu.memory_space<hbm>>
    %dma_start3A_115 = tpu.memref_squeeze %dma_start3A_114 : memref<1x1x128x256xf32, #tpu.memory_space<hbm>> -> memref<128x256xf32, #tpu.memory_space<hbm>>
    tpu.enqueue_dma source(%arg5 : memref<128x256xf32, #tpu.memory_space<vmem>>) target(%dma_start3A_115 : memref<128x256xf32, #tpu.memory_space<hbm>>) target_semaphore(%arg10 : memref<!tpu.dma_semaphore, #tpu.memory_space<semaphore_mem>>)
    %dma_start3A_116 = arith.constant 1 : i32
    %dma_start3A_117 = arith.constant 0 : i32
    %dma_start3A_118 = arith.constant 0 : i32
    %dma_start3A_119 = tpu.memref_slice %arg4[%dma_start3A_116, %add3A_15, %dma_start3A_117, %dma_start3A_118] : memref<8x144x128x256xf32, #tpu.memory_space<hbm>> -> memref<1x1x128x256xf32, #tpu.memory_space<hbm>>
    %dma_start3A_120 = tpu.memref_squeeze %dma_start3A_119 : memref<1x1x128x256xf32, #tpu.memory_space<hbm>> -> memref<128x256xf32, #tpu.memory_space<hbm>>
    %dma_start3A_121 = arith.constant 0 : i32
    %dma_start3A_122 = arith.constant 0 : i32
    %dma_start3A_123 = tpu.memref_slice %arg4[%dma_start3A_116, %add3A_15, %dma_start3A_121, %dma_start3A_122] : memref<8x144x128x256xf32, #tpu.memory_space<hbm>> -> memref<1x1x128x256xf32, #tpu.memory_space<hbm>>
    %dma_start3A_124 = tpu.memref_squeeze %dma_start3A_123 : memref<1x1x128x256xf32, #tpu.memory_space<hbm>> -> memref<128x256xf32, #tpu.memory_space<hbm>>
    tpu.enqueue_dma source(%arg5 : memref<128x256xf32, #tpu.memory_space<vmem>>) target(%dma_start3A_124 : memref<128x256xf32, #tpu.memory_space<hbm>>) target_semaphore(%arg10 : memref<!tpu.dma_semaphore, #tpu.memory_space<semaphore_mem>>)
    %dma_start3A_125 = arith.constant 2 : i32
    %dma_start3A_126 = arith.constant 0 : i32
    %dma_start3A_127 = arith.constant 0 : i32
    %dma_start3A_128 = tpu.memref_slice %arg4[%dma_start3A_125, %add3A_15, %dma_start3A_126, %dma_start3A_127] : memref<8x144x128x256xf32, #tpu.memory_space<hbm>> -> memref<1x1x128x256xf32, #tpu.memory_space<hbm>>
    %dma_start3A_129 = tpu.memref_squeeze %dma_start3A_128 : memref<1x1x128x256xf32, #tpu.memory_space<hbm>> -> memref<128x256xf32, #tpu.memory_space<hbm>>
    %dma_start3A_130 = arith.constant 0 : i32
    %dma_start3A_131 = arith.constant 0 : i32
    %dma_start3A_132 = tpu.memref_slice %arg4[%dma_start3A_125, %add3A_15, %dma_start3A_130, %dma_start3A_131] : memref<8x144x128x256xf32, #tpu.memory_space<hbm>> -> memref<1x1x128x256xf32, #tpu.memory_space<hbm>>
    %dma_start3A_133 = tpu.memref_squeeze %dma_start3A_132 : memref<1x1x128x256xf32, #tpu.memory_space<hbm>> -> memref<128x256xf32, #tpu.memory_space<hbm>>
    tpu.enqueue_dma source(%arg5 : memref<128x256xf32, #tpu.memory_space<vmem>>) target(%dma_start3A_133 : memref<128x256xf32, #tpu.memory_space<hbm>>) target_semaphore(%arg10 : memref<!tpu.dma_semaphore, #tpu.memory_space<semaphore_mem>>)
    %dma_start3A_134 = arith.constant 3 : i32
    %dma_start3A_135 = arith.constant 0 : i32
    %dma_start3A_136 = arith.constant 0 : i32
    %dma_start3A_137 = tpu.memref_slice %arg4[%dma_start3A_134, %add3A_15, %dma_start3A_135, %dma_start3A_136] : memref<8x144x128x256xf32, #tpu.memory_space<hbm>> -> memref<1x1x128x256xf32, #tpu.memory_space<hbm>>
    %dma_start3A_138 = tpu.memref_squeeze %dma_start3A_137 : memref<1x1x128x256xf32, #tpu.memory_space<hbm>> -> memref<128x256xf32, #tpu.memory_space<hbm>>
    %dma_start3A_139 = arith.constant 0 : i32
    %dma_start3A_140 = arith.constant 0 : i32
    %dma_start3A_141 = tpu.memref_slice %arg4[%dma_start3A_134, %add3A_15, %dma_start3A_139, %dma_start3A_140] : memref<8x144x128x256xf32, #tpu.memory_space<hbm>> -> memref<1x1x128x256xf32, #tpu.memory_space<hbm>>
    %dma_start3A_142 = tpu.memref_squeeze %dma_start3A_141 : memref<1x1x128x256xf32, #tpu.memory_space<hbm>> -> memref<128x256xf32, #tpu.memory_space<hbm>>
    tpu.enqueue_dma source(%arg5 : memref<128x256xf32, #tpu.memory_space<vmem>>) target(%dma_start3A_142 : memref<128x256xf32, #tpu.memory_space<hbm>>) target_semaphore(%arg10 : memref<!tpu.dma_semaphore, #tpu.memory_space<semaphore_mem>>)
    %dma_start3A_143 = arith.constant 4 : i32
    %dma_start3A_144 = arith.constant 0 : i32
    %dma_start3A_145 = arith.constant 0 : i32
    %dma_start3A_146 = tpu.memref_slice %arg4[%dma_start3A_143, %add3A_15, %dma_start3A_144, %dma_start3A_145] : memref<8x144x128x256xf32, #tpu.memory_space<hbm>> -> memref<1x1x128x256xf32, #tpu.memory_space<hbm>>
    %dma_start3A_147 = tpu.memref_squeeze %dma_start3A_146 : memref<1x1x128x256xf32, #tpu.memory_space<hbm>> -> memref<128x256xf32, #tpu.memory_space<hbm>>
    %dma_start3A_148 = arith.constant 0 : i32
    %dma_start3A_149 = arith.constant 0 : i32
    %dma_start3A_150 = tpu.memref_slice %arg4[%dma_start3A_143, %add3A_15, %dma_start3A_148, %dma_start3A_149] : memref<8x144x128x256xf32, #tpu.memory_space<hbm>> -> memref<1x1x128x256xf32, #tpu.memory_space<hbm>>
    %dma_start3A_151 = tpu.memref_squeeze %dma_start3A_150 : memref<1x1x128x256xf32, #tpu.memory_space<hbm>> -> memref<128x256xf32, #tpu.memory_space<hbm>>
    tpu.enqueue_dma source(%arg5 : memref<128x256xf32, #tpu.memory_space<vmem>>) target(%dma_start3A_151 : memref<128x256xf32, #tpu.memory_space<hbm>>) target_semaphore(%arg10 : memref<!tpu.dma_semaphore, #tpu.memory_space<semaphore_mem>>)
    %dma_start3A_152 = arith.constant 5 : i32
    %dma_start3A_153 = arith.constant 0 : i32
    %dma_start3A_154 = arith.constant 0 : i32
    %dma_start3A_155 = tpu.memref_slice %arg4[%dma_start3A_152, %add3A_15, %dma_start3A_153, %dma_start3A_154] : memref<8x144x128x256xf32, #tpu.memory_space<hbm>> -> memref<1x1x128x256xf32, #tpu.memory_space<hbm>>
    %dma_start3A_156 = tpu.memref_squeeze %dma_start3A_155 : memref<1x1x128x256xf32, #tpu.memory_space<hbm>> -> memref<128x256xf32, #tpu.memory_space<hbm>>
    %dma_start3A_157 = arith.constant 0 : i32
    %dma_start3A_158 = arith.constant 0 : i32
    %dma_start3A_159 = tpu.memref_slice %arg4[%dma_start3A_152, %add3A_15, %dma_start3A_157, %dma_start3A_158] : memref<8x144x128x256xf32, #tpu.memory_space<hbm>> -> memref<1x1x128x256xf32, #tpu.memory_space<hbm>>
    %dma_start3A_160 = tpu.memref_squeeze %dma_start3A_159 : memref<1x1x128x256xf32, #tpu.memory_space<hbm>> -> memref<128x256xf32, #tpu.memory_space<hbm>>
    tpu.enqueue_dma source(%arg5 : memref<128x256xf32, #tpu.memory_space<vmem>>) target(%dma_start3A_160 : memref<128x256xf32, #tpu.memory_space<hbm>>) target_semaphore(%arg10 : memref<!tpu.dma_semaphore, #tpu.memory_space<semaphore_mem>>)
    %dma_start3A_161 = arith.constant 6 : i32
    %dma_start3A_162 = arith.constant 0 : i32
    %dma_start3A_163 = arith.constant 0 : i32
    %dma_start3A_164 = tpu.memref_slice %arg4[%dma_start3A_161, %add3A_15, %dma_start3A_162, %dma_start3A_163] : memref<8x144x128x256xf32, #tpu.memory_space<hbm>> -> memref<1x1x128x256xf32, #tpu.memory_space<hbm>>
    %dma_start3A_165 = tpu.memref_squeeze %dma_start3A_164 : memref<1x1x128x256xf32, #tpu.memory_space<hbm>> -> memref<128x256xf32, #tpu.memory_space<hbm>>
    %dma_start3A_166 = arith.constant 0 : i32
    %dma_start3A_167 = arith.constant 0 : i32
    %dma_start3A_168 = tpu.memref_slice %arg4[%dma_start3A_161, %add3A_15, %dma_start3A_166, %dma_start3A_167] : memref<8x144x128x256xf32, #tpu.memory_space<hbm>> -> memref<1x1x128x256xf32, #tpu.memory_space<hbm>>
    %dma_start3A_169 = tpu.memref_squeeze %dma_start3A_168 : memref<1x1x128x256xf32, #tpu.memory_space<hbm>> -> memref<128x256xf32, #tpu.memory_space<hbm>>
    tpu.enqueue_dma source(%arg5 : memref<128x256xf32, #tpu.memory_space<vmem>>) target(%dma_start3A_169 : memref<128x256xf32, #tpu.memory_space<hbm>>) target_semaphore(%arg10 : memref<!tpu.dma_semaphore, #tpu.memory_space<semaphore_mem>>)
    %dma_start3A_170 = arith.constant 7 : i32
    %dma_start3A_171 = arith.constant 0 : i32
    %dma_start3A_172 = arith.constant 0 : i32
    %dma_start3A_173 = tpu.memref_slice %arg4[%dma_start3A_170, %add3A_15, %dma_start3A_171, %dma_start3A_172] : memref<8x144x128x256xf32, #tpu.memory_space<hbm>> -> memref<1x1x128x256xf32, #tpu.memory_space<hbm>>
    %dma_start3A_174 = tpu.memref_squeeze %dma_start3A_173 : memref<1x1x128x256xf32, #tpu.memory_space<hbm>> -> memref<128x256xf32, #tpu.memory_space<hbm>>
    %dma_start3A_175 = arith.constant 0 : i32
    %dma_start3A_176 = arith.constant 0 : i32
    %dma_start3A_177 = tpu.memref_slice %arg4[%dma_start3A_170, %add3A_15, %dma_start3A_175, %dma_start3A_176] : memref<8x144x128x256xf32, #tpu.memory_space<hbm>> -> memref<1x1x128x256xf32, #tpu.memory_space<hbm>>
    %dma_start3A_178 = tpu.memref_squeeze %dma_start3A_177 : memref<1x1x128x256xf32, #tpu.memory_space<hbm>> -> memref<128x256xf32, #tpu.memory_space<hbm>>
    tpu.enqueue_dma source(%arg5 : memref<128x256xf32, #tpu.memory_space<vmem>>) target(%dma_start3A_178 : memref<128x256xf32, #tpu.memory_space<hbm>>) target_semaphore(%arg10 : memref<!tpu.dma_semaphore, #tpu.memory_space<semaphore_mem>>)
    "tpu.region"() ({
      %run_scoped3A = tpu.sem_alloc : memref<!tpu.dma_semaphore, #tpu.memory_space<semaphore_mem>>
      %dma_start3A_912 = arith.constant 0 : i32
      %dma_start3A_913 = tpu.memref_slice %arg2[%add3A_19, %dma_start3A_912] : memref<128x256xf32, #tpu.memory_space<hbm>> -> memref<1x256xf32, #tpu.memory_space<hbm>>
      %dma_start3A_914 = tpu.memref_squeeze %dma_start3A_913 : memref<1x256xf32, #tpu.memory_space<hbm>> -> memref<256xf32, #tpu.memory_space<hbm>>
      %dma_start3A_915 = arith.constant 0 : i32
      %dma_start3A_916 = tpu.memref_slice %arg2[%add3A_19, %dma_start3A_915] : memref<128x256xf32, #tpu.memory_space<hbm>> -> memref<1x256xf32, #tpu.memory_space<hbm>>
      %dma_start3A_917 = tpu.memref_squeeze %dma_start3A_916 : memref<1x256xf32, #tpu.memory_space<hbm>> -> memref<256xf32, #tpu.memory_space<hbm>>
      tpu.enqueue_dma source(%dma_start3A_917 : memref<256xf32, #tpu.memory_space<hbm>>) target(%arg8 : memref<256xf32, #tpu.memory_space<vmem>>) target_semaphore(%run_scoped3A : memref<!tpu.dma_semaphore, #tpu.memory_space<semaphore_mem>>)
      %dma_wait3A_918 = arith.constant 0 : i32
      %dma_wait3A_919 = tpu.memref_slice %arg2[%add3A_19, %dma_wait3A_918] : memref<128x256xf32, #tpu.memory_space<hbm>> -> memref<1x256xf32, #tpu.memory_space<hbm>>
      %dma_wait3A_920 = tpu.memref_squeeze %dma_wait3A_919 : memref<1x256xf32, #tpu.memory_space<hbm>> -> memref<256xf32, #tpu.memory_space<hbm>>
      %dma_wait3A_921 = arith.constant 0 : i32
      %dma_wait3A_922 = tpu.memref_slice %arg2[%add3A_19, %dma_wait3A_921] : memref<128x256xf32, #tpu.memory_space<hbm>> -> memref<1x256xf32, #tpu.memory_space<hbm>>
      %dma_wait3A_923 = tpu.memref_squeeze %dma_wait3A_922 : memref<1x256xf32, #tpu.memory_space<hbm>> -> memref<256xf32, #tpu.memory_space<hbm>>
      tpu.wait_dma2 semaphore(%run_scoped3A : memref<!tpu.dma_semaphore, #tpu.memory_space<semaphore_mem>>) src(%dma_wait3A_923 : memref<256xf32, #tpu.memory_space<hbm>>) dst(%arg8 : memref<256xf32, #tpu.memory_space<vmem>>)
      tpu.yield
    }) : () -> ()
    %get3A_179 = arith.constant 0 : index
    %get3A_180 = tpu.vector_load %arg8[%get3A_179] {strides = array<i32>} : memref<256xf32, #tpu.memory_space<vmem>>, vector<16xf32>,
    %get3A_181 = vector.shape_cast %get3A_180 : vector<16xf32> to vector<16xf32>
    %get3A_182 = arith.constant 16 : index
    %get3A_183 = tpu.vector_load %arg8[%get3A_182] {strides = array<i32>} : memref<256xf32, #tpu.memory_space<vmem>>, vector<16xf32>,
    %get3A_184 = vector.shape_cast %get3A_183 : vector<16xf32> to vector<16xf32>
    %get3A_185 = arith.constant 32 : index
    %get3A_186 = tpu.vector_load %arg8[%get3A_185] {strides = array<i32>} : memref<256xf32, #tpu.memory_space<vmem>>, vector<16xf32>,
    %get3A_187 = vector.shape_cast %get3A_186 : vector<16xf32> to vector<16xf32>
    %get3A_188 = arith.constant 48 : index
    %get3A_189 = tpu.vector_load %arg8[%get3A_188] {strides = array<i32>} : memref<256xf32, #tpu.memory_space<vmem>>, vector<16xf32>,
    %get3A_190 = vector.shape_cast %get3A_189 : vector<16xf32> to vector<16xf32>
    %get3A_191 = arith.constant 64 : index
    %get3A_192 = tpu.vector_load %arg8[%get3A_191] {strides = array<i32>} : memref<256xf32, #tpu.memory_space<vmem>>, vector<16xf32>,
    %get3A_193 = vector.shape_cast %get3A_192 : vector<16xf32> to vector<16xf32>
    %get3A_194 = arith.constant 80 : index
    %get3A_195 = tpu.vector_load %arg8[%get3A_194] {strides = array<i32>} : memref<256xf32, #tpu.memory_space<vmem>>, vector<16xf32>,
    %get3A_196 = vector.shape_cast %get3A_195 : vector<16xf32> to vector<16xf32>
    %get3A_197 = arith.constant 96 : index
    %get3A_198 = tpu.vector_load %arg8[%get3A_197] {strides = array<i32>} : memref<256xf32, #tpu.memory_space<vmem>>, vector<16xf32>,
    %get3A_199 = vector.shape_cast %get3A_198 : vector<16xf32> to vector<16xf32>
    %get3A_200 = arith.constant 112 : index
    %get3A_201 = tpu.vector_load %arg8[%get3A_200] {strides = array<i32>} : memref<256xf32, #tpu.memory_space<vmem>>, vector<16xf32>,
    %get3A_202 = vector.shape_cast %get3A_201 : vector<16xf32> to vector<16xf32>
    %get3A_203 = arith.constant 128 : index
    %get3A_204 = tpu.vector_load %arg8[%get3A_203] {strides = array<i32>} : memref<256xf32, #tpu.memory_space<vmem>>, vector<16xf32>,
    %get3A_205 = vector.shape_cast %get3A_204 : vector<16xf32> to vector<16xf32>
    %get3A_206 = arith.constant 144 : index
    %get3A_207 = tpu.vector_load %arg8[%get3A_206] {strides = array<i32>} : memref<256xf32, #tpu.memory_space<vmem>>, vector<16xf32>,
    %get3A_208 = vector.shape_cast %get3A_207 : vector<16xf32> to vector<16xf32>
    %get3A_209 = arith.constant 160 : index
    %get3A_210 = tpu.vector_load %arg8[%get3A_209] {strides = array<i32>} : memref<256xf32, #tpu.memory_space<vmem>>, vector<16xf32>,
    %get3A_211 = vector.shape_cast %get3A_210 : vector<16xf32> to vector<16xf32>
    %get3A_212 = arith.constant 176 : index
    %get3A_213 = tpu.vector_load %arg8[%get3A_212] {strides = array<i32>} : memref<256xf32, #tpu.memory_space<vmem>>, vector<16xf32>,
    %get3A_214 = vector.shape_cast %get3A_213 : vector<16xf32> to vector<16xf32>
    %get3A_215 = arith.constant 192 : index
    %get3A_216 = tpu.vector_load %arg8[%get3A_215] {strides = array<i32>} : memref<256xf32, #tpu.memory_space<vmem>>, vector<16xf32>,
    %get3A_217 = vector.shape_cast %get3A_216 : vector<16xf32> to vector<16xf32>
    %get3A_218 = arith.constant 208 : index
    %get3A_219 = tpu.vector_load %arg8[%get3A_218] {strides = array<i32>} : memref<256xf32, #tpu.memory_space<vmem>>, vector<16xf32>,
    %get3A_220 = vector.shape_cast %get3A_219 : vector<16xf32> to vector<16xf32>
    %get3A_221 = arith.constant 224 : index
    %get3A_222 = tpu.vector_load %arg8[%get3A_221] {strides = array<i32>} : memref<256xf32, #tpu.memory_space<vmem>>, vector<16xf32>,
    %get3A_223 = vector.shape_cast %get3A_222 : vector<16xf32> to vector<16xf32>
    %get3A_224 = arith.constant 240 : index
    %get3A_225 = tpu.vector_load %arg8[%get3A_224] {strides = array<i32>} : memref<256xf32, #tpu.memory_space<vmem>>, vector<16xf32>,
    %get3A_226 = vector.shape_cast %get3A_225 : vector<16xf32> to vector<16xf32>
    %scan3A_227 = arith.constant 0 : i32
    %scan3A_228 = arith.constant 32 : i32
    %scan3A_229 = arith.addi %scan3A_227, %scan3A_228 : i32
    %scan3A_230 = arith.constant 1 : i32
    scf.for %scan3A_912 = %scan3A_227 to %scan3A_229 step %scan3A_230  : i32 {
      %mul3A_913 = arith.constant 4 : i32
      %mul3A_914 = arith.muli %scan3A_912, %mul3A_913 : i32
      %add3A_915 = arith.constant 0 : i32
      %add3A_916 = arith.addi %mul3A_914, %add3A_915 : i32
      %swap3A = arith.index_cast %add3A_916 : i32 to index
      %swap3A_917 = arith.constant 0 : index
      %swap3A_918 = tpu.vector_load %arg6[%swap3A, %swap3A_917] {strides = array<i32>} : memref<128x256xf32, #tpu.memory_space<vmem>>, vector<1x16xf32>,
      %swap3A_919 = vector.shape_cast %swap3A_918 : vector<1x16xf32> to vector<16xf32>
      %swap3A_920 = vector.shape_cast %get3A_181 : vector<16xf32> to vector<1x16xf32>
      tpu.vector_store %arg6[%swap3A, %swap3A_917], %swap3A_920 {strides = array<i32>} : memref<128x256xf32, #tpu.memory_space<vmem>>, vector<1x16xf32>,
      %swap3A_921 = arith.index_cast %add3A_916 : i32 to index
      %swap3A_922 = arith.constant 16 : index
      %swap3A_923 = tpu.vector_load %arg6[%swap3A_921, %swap3A_922] {strides = array<i32>} : memref<128x256xf32, #tpu.memory_space<vmem>>, vector<1x16xf32>,
      %swap3A_924 = vector.shape_cast %swap3A_923 : vector<1x16xf32> to vector<16xf32>
      %swap3A_925 = vector.shape_cast %get3A_184 : vector<16xf32> to vector<1x16xf32>
      tpu.vector_store %arg6[%swap3A_921, %swap3A_922], %swap3A_925 {strides = array<i32>} : memref<128x256xf32, #tpu.memory_space<vmem>>, vector<1x16xf32>,
      %swap3A_926 = arith.index_cast %add3A_916 : i32 to index
      %swap3A_927 = arith.constant 32 : index
      %swap3A_928 = tpu.vector_load %arg6[%swap3A_926, %swap3A_927] {strides = array<i32>} : memref<128x256xf32, #tpu.memory_space<vmem>>, vector<1x16xf32>,
      %swap3A_929 = vector.shape_cast %swap3A_928 : vector<1x16xf32> to vector<16xf32>
      %swap3A_930 = vector.shape_cast %get3A_187 : vector<16xf32> to vector<1x16xf32>
      tpu.vector_store %arg6[%swap3A_926, %swap3A_927], %swap3A_930 {strides = array<i32>} : memref<128x256xf32, #tpu.memory_space<vmem>>, vector<1x16xf32>,
      %swap3A_931 = arith.index_cast %add3A_916 : i32 to index
      %swap3A_932 = arith.constant 48 : index
      %swap3A_933 = tpu.vector_load %arg6[%swap3A_931, %swap3A_932] {strides = array<i32>} : memref<128x256xf32, #tpu.memory_space<vmem>>, vector<1x16xf32>,
      %swap3A_934 = vector.shape_cast %swap3A_933 : vector<1x16xf32> to vector<16xf32>
      %swap3A_935 = vector.shape_cast %get3A_190 : vector<16xf32> to vector<1x16xf32>
      tpu.vector_store %arg6[%swap3A_931, %swap3A_932], %swap3A_935 {strides = array<i32>} : memref<128x256xf32, #tpu.memory_space<vmem>>, vector<1x16xf32>,
      %swap3A_936 = arith.index_cast %add3A_916 : i32 to index
      %swap3A_937 = arith.constant 64 : index
      %swap3A_938 = tpu.vector_load %arg6[%swap3A_936, %swap3A_937] {strides = array<i32>} : memref<128x256xf32, #tpu.memory_space<vmem>>, vector<1x16xf32>,
      %swap3A_939 = vector.shape_cast %swap3A_938 : vector<1x16xf32> to vector<16xf32>
      %swap3A_940 = vector.shape_cast %get3A_193 : vector<16xf32> to vector<1x16xf32>
      tpu.vector_store %arg6[%swap3A_936, %swap3A_937], %swap3A_940 {strides = array<i32>} : memref<128x256xf32, #tpu.memory_space<vmem>>, vector<1x16xf32>,
      %swap3A_941 = arith.index_cast %add3A_916 : i32 to index
      %swap3A_942 = arith.constant 80 : index
      %swap3A_943 = tpu.vector_load %arg6[%swap3A_941, %swap3A_942] {strides = array<i32>} : memref<128x256xf32, #tpu.memory_space<vmem>>, vector<1x16xf32>,
      %swap3A_944 = vector.shape_cast %swap3A_943 : vector<1x16xf32> to vector<16xf32>
      %swap3A_945 = vector.shape_cast %get3A_196 : vector<16xf32> to vector<1x16xf32>
      tpu.vector_store %arg6[%swap3A_941, %swap3A_942], %swap3A_945 {strides = array<i32>} : memref<128x256xf32, #tpu.memory_space<vmem>>, vector<1x16xf32>,
      %swap3A_946 = arith.index_cast %add3A_916 : i32 to index
      %swap3A_947 = arith.constant 96 : index
      %swap3A_948 = tpu.vector_load %arg6[%swap3A_946, %swap3A_947] {strides = array<i32>} : memref<128x256xf32, #tpu.memory_space<vmem>>, vector<1x16xf32>,
      %swap3A_949 = vector.shape_cast %swap3A_948 : vector<1x16xf32> to vector<16xf32>
      %swap3A_950 = vector.shape_cast %get3A_199 : vector<16xf32> to vector<1x16xf32>
      tpu.vector_store %arg6[%swap3A_946, %swap3A_947], %swap3A_950 {strides = array<i32>} : memref<128x256xf32, #tpu.memory_space<vmem>>, vector<1x16xf32>,
      %swap3A_951 = arith.index_cast %add3A_916 : i32 to index
      %swap3A_952 = arith.constant 112 : index
      %swap3A_953 = tpu.vector_load %arg6[%swap3A_951, %swap3A_952] {strides = array<i32>} : memref<128x256xf32, #tpu.memory_space<vmem>>, vector<1x16xf32>,
      %swap3A_954 = vector.shape_cast %swap3A_953 : vector<1x16xf32> to vector<16xf32>
      %swap3A_955 = vector.shape_cast %get3A_202 : vector<16xf32> to vector<1x16xf32>
      tpu.vector_store %arg6[%swap3A_951, %swap3A_952], %swap3A_955 {strides = array<i32>} : memref<128x256xf32, #tpu.memory_space<vmem>>, vector<1x16xf32>,
      %swap3A_956 = arith.index_cast %add3A_916 : i32 to index
      %swap3A_957 = arith.constant 128 : index
      %swap3A_958 = tpu.vector_load %arg6[%swap3A_956, %swap3A_957] {strides = array<i32>} : memref<128x256xf32, #tpu.memory_space<vmem>>, vector<1x16xf32>,
      %swap3A_959 = vector.shape_cast %swap3A_958 : vector<1x16xf32> to vector<16xf32>
      %swap3A_960 = vector.shape_cast %get3A_205 : vector<16xf32> to vector<1x16xf32>
      tpu.vector_store %arg6[%swap3A_956, %swap3A_957], %swap3A_960 {strides = array<i32>} : memref<128x256xf32, #tpu.memory_space<vmem>>, vector<1x16xf32>,
      %swap3A_961 = arith.index_cast %add3A_916 : i32 to index
      %swap3A_962 = arith.constant 144 : index
      %swap3A_963 = tpu.vector_load %arg6[%swap3A_961, %swap3A_962] {strides = array<i32>} : memref<128x256xf32, #tpu.memory_space<vmem>>, vector<1x16xf32>,
      %swap3A_964 = vector.shape_cast %swap3A_963 : vector<1x16xf32> to vector<16xf32>
      %swap3A_965 = vector.shape_cast %get3A_208 : vector<16xf32> to vector<1x16xf32>
      tpu.vector_store %arg6[%swap3A_961, %swap3A_962], %swap3A_965 {strides = array<i32>} : memref<128x256xf32, #tpu.memory_space<vmem>>, vector<1x16xf32>,
      %swap3A_966 = arith.index_cast %add3A_916 : i32 to index
      %swap3A_967 = arith.constant 160 : index
      %swap3A_968 = tpu.vector_load %arg6[%swap3A_966, %swap3A_967] {strides = array<i32>} : memref<128x256xf32, #tpu.memory_space<vmem>>, vector<1x16xf32>,
      %swap3A_969 = vector.shape_cast %swap3A_968 : vector<1x16xf32> to vector<16xf32>
      %swap3A_970 = vector.shape_cast %get3A_211 : vector<16xf32> to vector<1x16xf32>
      tpu.vector_store %arg6[%swap3A_966, %swap3A_967], %swap3A_970 {strides = array<i32>} : memref<128x256xf32, #tpu.memory_space<vmem>>, vector<1x16xf32>,
      %swap3A_971 = arith.index_cast %add3A_916 : i32 to index
      %swap3A_972 = arith.constant 176 : index
      %swap3A_973 = tpu.vector_load %arg6[%swap3A_971, %swap3A_972] {strides = array<i32>} : memref<128x256xf32, #tpu.memory_space<vmem>>, vector<1x16xf32>,
      %swap3A_974 = vector.shape_cast %swap3A_973 : vector<1x16xf32> to vector<16xf32>
      %swap3A_975 = vector.shape_cast %get3A_214 : vector<16xf32> to vector<1x16xf32>
      tpu.vector_store %arg6[%swap3A_971, %swap3A_972], %swap3A_975 {strides = array<i32>} : memref<128x256xf32, #tpu.memory_space<vmem>>, vector<1x16xf32>,
      %swap3A_976 = arith.index_cast %add3A_916 : i32 to index
      %swap3A_977 = arith.constant 192 : index
      %swap3A_978 = tpu.vector_load %arg6[%swap3A_976, %swap3A_977] {strides = array<i32>} : memref<128x256xf32, #tpu.memory_space<vmem>>, vector<1x16xf32>,
      %swap3A_979 = vector.shape_cast %swap3A_978 : vector<1x16xf32> to vector<16xf32>
      %swap3A_980 = vector.shape_cast %get3A_217 : vector<16xf32> to vector<1x16xf32>
      tpu.vector_store %arg6[%swap3A_976, %swap3A_977], %swap3A_980 {strides = array<i32>} : memref<128x256xf32, #tpu.memory_space<vmem>>, vector<1x16xf32>,
      %swap3A_981 = arith.index_cast %add3A_916 : i32 to index
      %swap3A_982 = arith.constant 208 : index
      %swap3A_983 = tpu.vector_load %arg6[%swap3A_981, %swap3A_982] {strides = array<i32>} : memref<128x256xf32, #tpu.memory_space<vmem>>, vector<1x16xf32>,
      %swap3A_984 = vector.shape_cast %swap3A_983 : vector<1x16xf32> to vector<16xf32>
      %swap3A_985 = vector.shape_cast %get3A_220 : vector<16xf32> to vector<1x16xf32>
      tpu.vector_store %arg6[%swap3A_981, %swap3A_982], %swap3A_985 {strides = array<i32>} : memref<128x256xf32, #tpu.memory_space<vmem>>, vector<1x16xf32>,
      %swap3A_986 = arith.index_cast %add3A_916 : i32 to index
      %swap3A_987 = arith.constant 224 : index
      %swap3A_988 = tpu.vector_load %arg6[%swap3A_986, %swap3A_987] {strides = array<i32>} : memref<128x256xf32, #tpu.memory_space<vmem>>, vector<1x16xf32>,
      %swap3A_989 = vector.shape_cast %swap3A_988 : vector<1x16xf32> to vector<16xf32>
      %swap3A_990 = vector.shape_cast %get3A_223 : vector<16xf32> to vector<1x16xf32>
      tpu.vector_store %arg6[%swap3A_986, %swap3A_987], %swap3A_990 {strides = array<i32>} : memref<128x256xf32, #tpu.memory_space<vmem>>, vector<1x16xf32>,
      %swap3A_991 = arith.index_cast %add3A_916 : i32 to index
      %swap3A_992 = arith.constant 240 : index
      %swap3A_993 = tpu.vector_load %arg6[%swap3A_991, %swap3A_992] {strides = array<i32>} : memref<128x256xf32, #tpu.memory_space<vmem>>, vector<1x16xf32>,
      %swap3A_994 = vector.shape_cast %swap3A_993 : vector<1x16xf32> to vector<16xf32>
      %swap3A_995 = vector.shape_cast %get3A_226 : vector<16xf32> to vector<1x16xf32>
      tpu.vector_store %arg6[%swap3A_991, %swap3A_992], %swap3A_995 {strides = array<i32>} : memref<128x256xf32, #tpu.memory_space<vmem>>, vector<1x16xf32>,
      %mul3A_996 = arith.constant 4 : i32
      %mul3A_997 = arith.muli %scan3A_912, %mul3A_996 : i32
      %add3A_998 = arith.constant 1 : i32
      %add3A_999 = arith.addi %mul3A_997, %add3A_998 : i32
      %swap3A_1000 = arith.index_cast %add3A_999 : i32 to index
      %swap3A_1001 = arith.constant 0 : index
      %swap3A_1002 = tpu.vector_load %arg6[%swap3A_1000, %swap3A_1001] {strides = array<i32>} : memref<128x256xf32, #tpu.memory_space<vmem>>, vector<1x16xf32>,
      %swap3A_1003 = vector.shape_cast %swap3A_1002 : vector<1x16xf32> to vector<16xf32>
      %swap3A_1004 = vector.shape_cast %get3A_181 : vector<16xf32> to vector<1x16xf32>
      tpu.vector_store %arg6[%swap3A_1000, %swap3A_1001], %swap3A_1004 {strides = array<i32>} : memref<128x256xf32, #tpu.memory_space<vmem>>, vector<1x16xf32>,
      %swap3A_1005 = arith.index_cast %add3A_999 : i32 to index
      %swap3A_1006 = arith.constant 16 : index
      %swap3A_1007 = tpu.vector_load %arg6[%swap3A_1005, %swap3A_1006] {strides = array<i32>} : memref<128x256xf32, #tpu.memory_space<vmem>>, vector<1x16xf32>,
      %swap3A_1008 = vector.shape_cast %swap3A_1007 : vector<1x16xf32> to vector<16xf32>
      %swap3A_1009 = vector.shape_cast %get3A_184 : vector<16xf32> to vector<1x16xf32>
      tpu.vector_store %arg6[%swap3A_1005, %swap3A_1006], %swap3A_1009 {strides = array<i32>} : memref<128x256xf32, #tpu.memory_space<vmem>>, vector<1x16xf32>,
      %swap3A_1010 = arith.index_cast %add3A_999 : i32 to index
      %swap3A_1011 = arith.constant 32 : index
      %swap3A_1012 = tpu.vector_load %arg6[%swap3A_1010, %swap3A_1011] {strides = array<i32>} : memref<128x256xf32, #tpu.memory_space<vmem>>, vector<1x16xf32>,
      %swap3A_1013 = vector.shape_cast %swap3A_1012 : vector<1x16xf32> to vector<16xf32>
      %swap3A_1014 = vector.shape_cast %get3A_187 : vector<16xf32> to vector<1x16xf32>
      tpu.vector_store %arg6[%swap3A_1010, %swap3A_1011], %swap3A_1014 {strides = array<i32>} : memref<128x256xf32, #tpu.memory_space<vmem>>, vector<1x16xf32>,
      %swap3A_1015 = arith.index_cast %add3A_999 : i32 to index
      %swap3A_1016 = arith.constant 48 : index
      %swap3A_1017 = tpu.vector_load %arg6[%swap3A_1015, %swap3A_1016] {strides = array<i32>} : memref<128x256xf32, #tpu.memory_space<vmem>>, vector<1x16xf32>,
      %swap3A_1018 = vector.shape_cast %swap3A_1017 : vector<1x16xf32> to vector<16xf32>
      %swap3A_1019 = vector.shape_cast %get3A_190 : vector<16xf32> to vector<1x16xf32>
      tpu.vector_store %arg6[%swap3A_1015, %swap3A_1016], %swap3A_1019 {strides = array<i32>} : memref<128x256xf32, #tpu.memory_space<vmem>>, vector<1x16xf32>,
      %swap3A_1020 = arith.index_cast %add3A_999 : i32 to index
      %swap3A_1021 = arith.constant 64 : index
      %swap3A_1022 = tpu.vector_load %arg6[%swap3A_1020, %swap3A_1021] {strides = array<i32>} : memref<128x256xf32, #tpu.memory_space<vmem>>, vector<1x16xf32>,
      %swap3A_1023 = vector.shape_cast %swap3A_1022 : vector<1x16xf32> to vector<16xf32>
      %swap3A_1024 = vector.shape_cast %get3A_193 : vector<16xf32> to vector<1x16xf32>
      tpu.vector_store %arg6[%swap3A_1020, %swap3A_1021], %swap3A_1024 {strides = array<i32>} : memref<128x256xf32, #tpu.memory_space<vmem>>, vector<1x16xf32>,
      %swap3A_1025 = arith.index_cast %add3A_999 : i32 to index
      %swap3A_1026 = arith.constant 80 : index
      %swap3A_1027 = tpu.vector_load %arg6[%swap3A_1025, %swap3A_1026] {strides = array<i32>} : memref<128x256xf32, #tpu.memory_space<vmem>>, vector<1x16xf32>,
      %swap3A_1028 = vector.shape_cast %swap3A_1027 : vector<1x16xf32> to vector<16xf32>
      %swap3A_1029 = vector.shape_cast %get3A_196 : vector<16xf32> to vector<1x16xf32>
      tpu.vector_store %arg6[%swap3A_1025, %swap3A_1026], %swap3A_1029 {strides = array<i32>} : memref<128x256xf32, #tpu.memory_space<vmem>>, vector<1x16xf32>,
      %swap3A_1030 = arith.index_cast %add3A_999 : i32 to index
      %swap3A_1031 = arith.constant 96 : index
      %swap3A_1032 = tpu.vector_load %arg6[%swap3A_1030, %swap3A_1031] {strides = array<i32>} : memref<128x256xf32, #tpu.memory_space<vmem>>, vector<1x16xf32>,
      %swap3A_1033 = vector.shape_cast %swap3A_1032 : vector<1x16xf32> to vector<16xf32>
      %swap3A_1034 = vector.shape_cast %get3A_199 : vector<16xf32> to vector<1x16xf32>
      tpu.vector_store %arg6[%swap3A_1030, %swap3A_1031], %swap3A_1034 {strides = array<i32>} : memref<128x256xf32, #tpu.memory_space<vmem>>, vector<1x16xf32>,
      %swap3A_1035 = arith.index_cast %add3A_999 : i32 to index
      %swap3A_1036 = arith.constant 112 : index
      %swap3A_1037 = tpu.vector_load %arg6[%swap3A_1035, %swap3A_1036] {strides = array<i32>} : memref<128x256xf32, #tpu.memory_space<vmem>>, vector<1x16xf32>,
      %swap3A_1038 = vector.shape_cast %swap3A_1037 : vector<1x16xf32> to vector<16xf32>
      %swap3A_1039 = vector.shape_cast %get3A_202 : vector<16xf32> to vector<1x16xf32>
      tpu.vector_store %arg6[%swap3A_1035, %swap3A_1036], %swap3A_1039 {strides = array<i32>} : memref<128x256xf32, #tpu.memory_space<vmem>>, vector<1x16xf32>,
      %swap3A_1040 = arith.index_cast %add3A_999 : i32 to index
      %swap3A_1041 = arith.constant 128 : index
      %swap3A_1042 = tpu.vector_load %arg6[%swap3A_1040, %swap3A_1041] {strides = array<i32>} : memref<128x256xf32, #tpu.memory_space<vmem>>, vector<1x16xf32>,
      %swap3A_1043 = vector.shape_cast %swap3A_1042 : vector<1x16xf32> to vector<16xf32>
      %swap3A_1044 = vector.shape_cast %get3A_205 : vector<16xf32> to vector<1x16xf32>
      tpu.vector_store %arg6[%swap3A_1040, %swap3A_1041], %swap3A_1044 {strides = array<i32>} : memref<128x256xf32, #tpu.memory_space<vmem>>, vector<1x16xf32>,
      %swap3A_1045 = arith.index_cast %add3A_999 : i32 to index
      %swap3A_1046 = arith.constant 144 : index
      %swap3A_1047 = tpu.vector_load %arg6[%swap3A_1045, %swap3A_1046] {strides = array<i32>} : memref<128x256xf32, #tpu.memory_space<vmem>>, vector<1x16xf32>,
      %swap3A_1048 = vector.shape_cast %swap3A_1047 : vector<1x16xf32> to vector<16xf32>
      %swap3A_1049 = vector.shape_cast %get3A_208 : vector<16xf32> to vector<1x16xf32>
      tpu.vector_store %arg6[%swap3A_1045, %swap3A_1046], %swap3A_1049 {strides = array<i32>} : memref<128x256xf32, #tpu.memory_space<vmem>>, vector<1x16xf32>,
      %swap3A_1050 = arith.index_cast %add3A_999 : i32 to index
      %swap3A_1051 = arith.constant 160 : index
      %swap3A_1052 = tpu.vector_load %arg6[%swap3A_1050, %swap3A_1051] {strides = array<i32>} : memref<128x256xf32, #tpu.memory_space<vmem>>, vector<1x16xf32>,
      %swap3A_1053 = vector.shape_cast %swap3A_1052 : vector<1x16xf32> to vector<16xf32>
      %swap3A_1054 = vector.shape_cast %get3A_211 : vector<16xf32> to vector<1x16xf32>
      tpu.vector_store %arg6[%swap3A_1050, %swap3A_1051], %swap3A_1054 {strides = array<i32>} : memref<128x256xf32, #tpu.memory_space<vmem>>, vector<1x16xf32>,
      %swap3A_1055 = arith.index_cast %add3A_999 : i32 to index
      %swap3A_1056 = arith.constant 176 : index
      %swap3A_1057 = tpu.vector_load %arg6[%swap3A_1055, %swap3A_1056] {strides = array<i32>} : memref<128x256xf32, #tpu.memory_space<vmem>>, vector<1x16xf32>,
      %swap3A_1058 = vector.shape_cast %swap3A_1057 : vector<1x16xf32> to vector<16xf32>
      %swap3A_1059 = vector.shape_cast %get3A_214 : vector<16xf32> to vector<1x16xf32>
      tpu.vector_store %arg6[%swap3A_1055, %swap3A_1056], %swap3A_1059 {strides = array<i32>} : memref<128x256xf32, #tpu.memory_space<vmem>>, vector<1x16xf32>,
      %swap3A_1060 = arith.index_cast %add3A_999 : i32 to index
      %swap3A_1061 = arith.constant 192 : index
      %swap3A_1062 = tpu.vector_load %arg6[%swap3A_1060, %swap3A_1061] {strides = array<i32>} : memref<128x256xf32, #tpu.memory_space<vmem>>, vector<1x16xf32>,
      %swap3A_1063 = vector.shape_cast %swap3A_1062 : vector<1x16xf32> to vector<16xf32>
      %swap3A_1064 = vector.shape_cast %get3A_217 : vector<16xf32> to vector<1x16xf32>
      tpu.vector_store %arg6[%swap3A_1060, %swap3A_1061], %swap3A_1064 {strides = array<i32>} : memref<128x256xf32, #tpu.memory_space<vmem>>, vector<1x16xf32>,
      %swap3A_1065 = arith.index_cast %add3A_999 : i32 to index
      %swap3A_1066 = arith.constant 208 : index
      %swap3A_1067 = tpu.vector_load %arg6[%swap3A_1065, %swap3A_1066] {strides = array<i32>} : memref<128x256xf32, #tpu.memory_space<vmem>>, vector<1x16xf32>,
      %swap3A_1068 = vector.shape_cast %swap3A_1067 : vector<1x16xf32> to vector<16xf32>
      %swap3A_1069 = vector.shape_cast %get3A_220 : vector<16xf32> to vector<1x16xf32>
      tpu.vector_store %arg6[%swap3A_1065, %swap3A_1066], %swap3A_1069 {strides = array<i32>} : memref<128x256xf32, #tpu.memory_space<vmem>>, vector<1x16xf32>,
      %swap3A_1070 = arith.index_cast %add3A_999 : i32 to index
      %swap3A_1071 = arith.constant 224 : index
      %swap3A_1072 = tpu.vector_load %arg6[%swap3A_1070, %swap3A_1071] {strides = array<i32>} : memref<128x256xf32, #tpu.memory_space<vmem>>, vector<1x16xf32>,
      %swap3A_1073 = vector.shape_cast %swap3A_1072 : vector<1x16xf32> to vector<16xf32>
      %swap3A_1074 = vector.shape_cast %get3A_223 : vector<16xf32> to vector<1x16xf32>
      tpu.vector_store %arg6[%swap3A_1070, %swap3A_1071], %swap3A_1074 {strides = array<i32>} : memref<128x256xf32, #tpu.memory_space<vmem>>, vector<1x16xf32>,
      %swap3A_1075 = arith.index_cast %add3A_999 : i32 to index
      %swap3A_1076 = arith.constant 240 : index
      %swap3A_1077 = tpu.vector_load %arg6[%swap3A_1075, %swap3A_1076] {strides = array<i32>} : memref<128x256xf32, #tpu.memory_space<vmem>>, vector<1x16xf32>,
      %swap3A_1078 = vector.shape_cast %swap3A_1077 : vector<1x16xf32> to vector<16xf32>
      %swap3A_1079 = vector.shape_cast %get3A_226 : vector<16xf32> to vector<1x16xf32>
      tpu.vector_store %arg6[%swap3A_1075, %swap3A_1076], %swap3A_1079 {strides = array<i32>} : memref<128x256xf32, #tpu.memory_space<vmem>>, vector<1x16xf32>,
      %mul3A_1080 = arith.constant 4 : i32
      %mul3A_1081 = arith.muli %scan3A_912, %mul3A_1080 : i32
      %add3A_1082 = arith.constant 2 : i32
      %add3A_1083 = arith.addi %mul3A_1081, %add3A_1082 : i32
      %swap3A_1084 = arith.index_cast %add3A_1083 : i32 to index
      %swap3A_1085 = arith.constant 0 : index
      %swap3A_1086 = tpu.vector_load %arg6[%swap3A_1084, %swap3A_1085] {strides = array<i32>} : memref<128x256xf32, #tpu.memory_space<vmem>>, vector<1x16xf32>,
      %swap3A_1087 = vector.shape_cast %swap3A_1086 : vector<1x16xf32> to vector<16xf32>
      %swap3A_1088 = vector.shape_cast %get3A_181 : vector<16xf32> to vector<1x16xf32>
      tpu.vector_store %arg6[%swap3A_1084, %swap3A_1085], %swap3A_1088 {strides = array<i32>} : memref<128x256xf32, #tpu.memory_space<vmem>>, vector<1x16xf32>,
      %swap3A_1089 = arith.index_cast %add3A_1083 : i32 to index
      %swap3A_1090 = arith.constant 16 : index
      %swap3A_1091 = tpu.vector_load %arg6[%swap3A_1089, %swap3A_1090] {strides = array<i32>} : memref<128x256xf32, #tpu.memory_space<vmem>>, vector<1x16xf32>,
      %swap3A_1092 = vector.shape_cast %swap3A_1091 : vector<1x16xf32> to vector<16xf32>
      %swap3A_1093 = vector.shape_cast %get3A_184 : vector<16xf32> to vector<1x16xf32>
      tpu.vector_store %arg6[%swap3A_1089, %swap3A_1090], %swap3A_1093 {strides = array<i32>} : memref<128x256xf32, #tpu.memory_space<vmem>>, vector<1x16xf32>,
      %swap3A_1094 = arith.index_cast %add3A_1083 : i32 to index
      %swap3A_1095 = arith.constant 32 : index
      %swap3A_1096 = tpu.vector_load %arg6[%swap3A_1094, %swap3A_1095] {strides = array<i32>} : memref<128x256xf32, #tpu.memory_space<vmem>>, vector<1x16xf32>,
      %swap3A_1097 = vector.shape_cast %swap3A_1096 : vector<1x16xf32> to vector<16xf32>
      %swap3A_1098 = vector.shape_cast %get3A_187 : vector<16xf32> to vector<1x16xf32>
      tpu.vector_store %arg6[%swap3A_1094, %swap3A_1095], %swap3A_1098 {strides = array<i32>} : memref<128x256xf32, #tpu.memory_space<vmem>>, vector<1x16xf32>,
      %swap3A_1099 = arith.index_cast %add3A_1083 : i32 to index
      %swap3A_1100 = arith.constant 48 : index
      %swap3A_1101 = tpu.vector_load %arg6[%swap3A_1099, %swap3A_1100] {strides = array<i32>} : memref<128x256xf32, #tpu.memory_space<vmem>>, vector<1x16xf32>,
      %swap3A_1102 = vector.shape_cast %swap3A_1101 : vector<1x16xf32> to vector<16xf32>
      %swap3A_1103 = vector.shape_cast %get3A_190 : vector<16xf32> to vector<1x16xf32>
      tpu.vector_store %arg6[%swap3A_1099, %swap3A_1100], %swap3A_1103 {strides = array<i32>} : memref<128x256xf32, #tpu.memory_space<vmem>>, vector<1x16xf32>,
      %swap3A_1104 = arith.index_cast %add3A_1083 : i32 to index
      %swap3A_1105 = arith.constant 64 : index
      %swap3A_1106 = tpu.vector_load %arg6[%swap3A_1104, %swap3A_1105] {strides = array<i32>} : memref<128x256xf32, #tpu.memory_space<vmem>>, vector<1x16xf32>,
      %swap3A_1107 = vector.shape_cast %swap3A_1106 : vector<1x16xf32> to vector<16xf32>
      %swap3A_1108 = vector.shape_cast %get3A_193 : vector<16xf32> to vector<1x16xf32>
      tpu.vector_store %arg6[%swap3A_1104, %swap3A_1105], %swap3A_1108 {strides = array<i32>} : memref<128x256xf32, #tpu.memory_space<vmem>>, vector<1x16xf32>,
      %swap3A_1109 = arith.index_cast %add3A_1083 : i32 to index
      %swap3A_1110 = arith.constant 80 : index
      %swap3A_1111 = tpu.vector_load %arg6[%swap3A_1109, %swap3A_1110] {strides = array<i32>} : memref<128x256xf32, #tpu.memory_space<vmem>>, vector<1x16xf32>,
      %swap3A_1112 = vector.shape_cast %swap3A_1111 : vector<1x16xf32> to vector<16xf32>
      %swap3A_1113 = vector.shape_cast %get3A_196 : vector<16xf32> to vector<1x16xf32>
      tpu.vector_store %arg6[%swap3A_1109, %swap3A_1110], %swap3A_1113 {strides = array<i32>} : memref<128x256xf32, #tpu.memory_space<vmem>>, vector<1x16xf32>,
      %swap3A_1114 = arith.index_cast %add3A_1083 : i32 to index
      %swap3A_1115 = arith.constant 96 : index
      %swap3A_1116 = tpu.vector_load %arg6[%swap3A_1114, %swap3A_1115] {strides = array<i32>} : memref<128x256xf32, #tpu.memory_space<vmem>>, vector<1x16xf32>,
      %swap3A_1117 = vector.shape_cast %swap3A_1116 : vector<1x16xf32> to vector<16xf32>
      %swap3A_1118 = vector.shape_cast %get3A_199 : vector<16xf32> to vector<1x16xf32>
      tpu.vector_store %arg6[%swap3A_1114, %swap3A_1115], %swap3A_1118 {strides = array<i32>} : memref<128x256xf32, #tpu.memory_space<vmem>>, vector<1x16xf32>,
      %swap3A_1119 = arith.index_cast %add3A_1083 : i32 to index
      %swap3A_1120 = arith.constant 112 : index
      %swap3A_1121 = tpu.vector_load %arg6[%swap3A_1119, %swap3A_1120] {strides = array<i32>} : memref<128x256xf32, #tpu.memory_space<vmem>>, vector<1x16xf32>,
      %swap3A_1122 = vector.shape_cast %swap3A_1121 : vector<1x16xf32> to vector<16xf32>
      %swap3A_1123 = vector.shape_cast %get3A_202 : vector<16xf32> to vector<1x16xf32>
      tpu.vector_store %arg6[%swap3A_1119, %swap3A_1120], %swap3A_1123 {strides = array<i32>} : memref<128x256xf32, #tpu.memory_space<vmem>>, vector<1x16xf32>,
      %swap3A_1124 = arith.index_cast %add3A_1083 : i32 to index
      %swap3A_1125 = arith.constant 128 : index
      %swap3A_1126 = tpu.vector_load %arg6[%swap3A_1124, %swap3A_1125] {strides = array<i32>} : memref<128x256xf32, #tpu.memory_space<vmem>>, vector<1x16xf32>,
      %swap3A_1127 = vector.shape_cast %swap3A_1126 : vector<1x16xf32> to vector<16xf32>
      %swap3A_1128 = vector.shape_cast %get3A_205 : vector<16xf32> to vector<1x16xf32>
      tpu.vector_store %arg6[%swap3A_1124, %swap3A_1125], %swap3A_1128 {strides = array<i32>} : memref<128x256xf32, #tpu.memory_space<vmem>>, vector<1x16xf32>,
      %swap3A_1129 = arith.index_cast %add3A_1083 : i32 to index
      %swap3A_1130 = arith.constant 144 : index
      %swap3A_1131 = tpu.vector_load %arg6[%swap3A_1129, %swap3A_1130] {strides = array<i32>} : memref<128x256xf32, #tpu.memory_space<vmem>>, vector<1x16xf32>,
      %swap3A_1132 = vector.shape_cast %swap3A_1131 : vector<1x16xf32> to vector<16xf32>
      %swap3A_1133 = vector.shape_cast %get3A_208 : vector<16xf32> to vector<1x16xf32>
      tpu.vector_store %arg6[%swap3A_1129, %swap3A_1130], %swap3A_1133 {strides = array<i32>} : memref<128x256xf32, #tpu.memory_space<vmem>>, vector<1x16xf32>,
      %swap3A_1134 = arith.index_cast %add3A_1083 : i32 to index
      %swap3A_1135 = arith.constant 160 : index
      %swap3A_1136 = tpu.vector_load %arg6[%swap3A_1134, %swap3A_1135] {strides = array<i32>} : memref<128x256xf32, #tpu.memory_space<vmem>>, vector<1x16xf32>,
      %swap3A_1137 = vector.shape_cast %swap3A_1136 : vector<1x16xf32> to vector<16xf32>
      %swap3A_1138 = vector.shape_cast %get3A_211 : vector<16xf32> to vector<1x16xf32>
      tpu.vector_store %arg6[%swap3A_1134, %swap3A_1135], %swap3A_1138 {strides = array<i32>} : memref<128x256xf32, #tpu.memory_space<vmem>>, vector<1x16xf32>,
      %swap3A_1139 = arith.index_cast %add3A_1083 : i32 to index
      %swap3A_1140 = arith.constant 176 : index
      %swap3A_1141 = tpu.vector_load %arg6[%swap3A_1139, %swap3A_1140] {strides = array<i32>} : memref<128x256xf32, #tpu.memory_space<vmem>>, vector<1x16xf32>,
      %swap3A_1142 = vector.shape_cast %swap3A_1141 : vector<1x16xf32> to vector<16xf32>
      %swap3A_1143 = vector.shape_cast %get3A_214 : vector<16xf32> to vector<1x16xf32>
      tpu.vector_store %arg6[%swap3A_1139, %swap3A_1140], %swap3A_1143 {strides = array<i32>} : memref<128x256xf32, #tpu.memory_space<vmem>>, vector<1x16xf32>,
      %swap3A_1144 = arith.index_cast %add3A_1083 : i32 to index
      %swap3A_1145 = arith.constant 192 : index
      %swap3A_1146 = tpu.vector_load %arg6[%swap3A_1144, %swap3A_1145] {strides = array<i32>} : memref<128x256xf32, #tpu.memory_space<vmem>>, vector<1x16xf32>,
      %swap3A_1147 = vector.shape_cast %swap3A_1146 : vector<1x16xf32> to vector<16xf32>
      %swap3A_1148 = vector.shape_cast %get3A_217 : vector<16xf32> to vector<1x16xf32>
      tpu.vector_store %arg6[%swap3A_1144, %swap3A_1145], %swap3A_1148 {strides = array<i32>} : memref<128x256xf32, #tpu.memory_space<vmem>>, vector<1x16xf32>,
      %swap3A_1149 = arith.index_cast %add3A_1083 : i32 to index
      %swap3A_1150 = arith.constant 208 : index
      %swap3A_1151 = tpu.vector_load %arg6[%swap3A_1149, %swap3A_1150] {strides = array<i32>} : memref<128x256xf32, #tpu.memory_space<vmem>>, vector<1x16xf32>,
      %swap3A_1152 = vector.shape_cast %swap3A_1151 : vector<1x16xf32> to vector<16xf32>
      %swap3A_1153 = vector.shape_cast %get3A_220 : vector<16xf32> to vector<1x16xf32>
      tpu.vector_store %arg6[%swap3A_1149, %swap3A_1150], %swap3A_1153 {strides = array<i32>} : memref<128x256xf32, #tpu.memory_space<vmem>>, vector<1x16xf32>,
      %swap3A_1154 = arith.index_cast %add3A_1083 : i32 to index
      %swap3A_1155 = arith.constant 224 : index
      %swap3A_1156 = tpu.vector_load %arg6[%swap3A_1154, %swap3A_1155] {strides = array<i32>} : memref<128x256xf32, #tpu.memory_space<vmem>>, vector<1x16xf32>,
      %swap3A_1157 = vector.shape_cast %swap3A_1156 : vector<1x16xf32> to vector<16xf32>
      %swap3A_1158 = vector.shape_cast %get3A_223 : vector<16xf32> to vector<1x16xf32>
      tpu.vector_store %arg6[%swap3A_1154, %swap3A_1155], %swap3A_1158 {strides = array<i32>} : memref<128x256xf32, #tpu.memory_space<vmem>>, vector<1x16xf32>,
      %swap3A_1159 = arith.index_cast %add3A_1083 : i32 to index
      %swap3A_1160 = arith.constant 240 : index
      %swap3A_1161 = tpu.vector_load %arg6[%swap3A_1159, %swap3A_1160] {strides = array<i32>} : memref<128x256xf32, #tpu.memory_space<vmem>>, vector<1x16xf32>,
      %swap3A_1162 = vector.shape_cast %swap3A_1161 : vector<1x16xf32> to vector<16xf32>
      %swap3A_1163 = vector.shape_cast %get3A_226 : vector<16xf32> to vector<1x16xf32>
      tpu.vector_store %arg6[%swap3A_1159, %swap3A_1160], %swap3A_1163 {strides = array<i32>} : memref<128x256xf32, #tpu.memory_space<vmem>>, vector<1x16xf32>,
      %mul3A_1164 = arith.constant 4 : i32
      %mul3A_1165 = arith.muli %scan3A_912, %mul3A_1164 : i32
      %add3A_1166 = arith.constant 3 : i32
      %add3A_1167 = arith.addi %mul3A_1165, %add3A_1166 : i32
      %swap3A_1168 = arith.index_cast %add3A_1167 : i32 to index
      %swap3A_1169 = arith.constant 0 : index
      %swap3A_1170 = tpu.vector_load %arg6[%swap3A_1168, %swap3A_1169] {strides = array<i32>} : memref<128x256xf32, #tpu.memory_space<vmem>>, vector<1x16xf32>,
      %swap3A_1171 = vector.shape_cast %swap3A_1170 : vector<1x16xf32> to vector<16xf32>
      %swap3A_1172 = vector.shape_cast %get3A_181 : vector<16xf32> to vector<1x16xf32>
      tpu.vector_store %arg6[%swap3A_1168, %swap3A_1169], %swap3A_1172 {strides = array<i32>} : memref<128x256xf32, #tpu.memory_space<vmem>>, vector<1x16xf32>,
      %swap3A_1173 = arith.index_cast %add3A_1167 : i32 to index
      %swap3A_1174 = arith.constant 16 : index
      %swap3A_1175 = tpu.vector_load %arg6[%swap3A_1173, %swap3A_1174] {strides = array<i32>} : memref<128x256xf32, #tpu.memory_space<vmem>>, vector<1x16xf32>,
      %swap3A_1176 = vector.shape_cast %swap3A_1175 : vector<1x16xf32> to vector<16xf32>
      %swap3A_1177 = vector.shape_cast %get3A_184 : vector<16xf32> to vector<1x16xf32>
      tpu.vector_store %arg6[%swap3A_1173, %swap3A_1174], %swap3A_1177 {strides = array<i32>} : memref<128x256xf32, #tpu.memory_space<vmem>>, vector<1x16xf32>,
      %swap3A_1178 = arith.index_cast %add3A_1167 : i32 to index
      %swap3A_1179 = arith.constant 32 : index
      %swap3A_1180 = tpu.vector_load %arg6[%swap3A_1178, %swap3A_1179] {strides = array<i32>} : memref<128x256xf32, #tpu.memory_space<vmem>>, vector<1x16xf32>,
      %swap3A_1181 = vector.shape_cast %swap3A_1180 : vector<1x16xf32> to vector<16xf32>
      %swap3A_1182 = vector.shape_cast %get3A_187 : vector<16xf32> to vector<1x16xf32>
      tpu.vector_store %arg6[%swap3A_1178, %swap3A_1179], %swap3A_1182 {strides = array<i32>} : memref<128x256xf32, #tpu.memory_space<vmem>>, vector<1x16xf32>,
      %swap3A_1183 = arith.index_cast %add3A_1167 : i32 to index
      %swap3A_1184 = arith.constant 48 : index
      %swap3A_1185 = tpu.vector_load %arg6[%swap3A_1183, %swap3A_1184] {strides = array<i32>} : memref<128x256xf32, #tpu.memory_space<vmem>>, vector<1x16xf32>,
      %swap3A_1186 = vector.shape_cast %swap3A_1185 : vector<1x16xf32> to vector<16xf32>
      %swap3A_1187 = vector.shape_cast %get3A_190 : vector<16xf32> to vector<1x16xf32>
      tpu.vector_store %arg6[%swap3A_1183, %swap3A_1184], %swap3A_1187 {strides = array<i32>} : memref<128x256xf32, #tpu.memory_space<vmem>>, vector<1x16xf32>,
      %swap3A_1188 = arith.index_cast %add3A_1167 : i32 to index
      %swap3A_1189 = arith.constant 64 : index
      %swap3A_1190 = tpu.vector_load %arg6[%swap3A_1188, %swap3A_1189] {strides = array<i32>} : memref<128x256xf32, #tpu.memory_space<vmem>>, vector<1x16xf32>,
      %swap3A_1191 = vector.shape_cast %swap3A_1190 : vector<1x16xf32> to vector<16xf32>
      %swap3A_1192 = vector.shape_cast %get3A_193 : vector<16xf32> to vector<1x16xf32>
      tpu.vector_store %arg6[%swap3A_1188, %swap3A_1189], %swap3A_1192 {strides = array<i32>} : memref<128x256xf32, #tpu.memory_space<vmem>>, vector<1x16xf32>,
      %swap3A_1193 = arith.index_cast %add3A_1167 : i32 to index
      %swap3A_1194 = arith.constant 80 : index
      %swap3A_1195 = tpu.vector_load %arg6[%swap3A_1193, %swap3A_1194] {strides = array<i32>} : memref<128x256xf32, #tpu.memory_space<vmem>>, vector<1x16xf32>,
      %swap3A_1196 = vector.shape_cast %swap3A_1195 : vector<1x16xf32> to vector<16xf32>
      %swap3A_1197 = vector.shape_cast %get3A_196 : vector<16xf32> to vector<1x16xf32>
      tpu.vector_store %arg6[%swap3A_1193, %swap3A_1194], %swap3A_1197 {strides = array<i32>} : memref<128x256xf32, #tpu.memory_space<vmem>>, vector<1x16xf32>,
      %swap3A_1198 = arith.index_cast %add3A_1167 : i32 to index
      %swap3A_1199 = arith.constant 96 : index
      %swap3A_1200 = tpu.vector_load %arg6[%swap3A_1198, %swap3A_1199] {strides = array<i32>} : memref<128x256xf32, #tpu.memory_space<vmem>>, vector<1x16xf32>,
      %swap3A_1201 = vector.shape_cast %swap3A_1200 : vector<1x16xf32> to vector<16xf32>
      %swap3A_1202 = vector.shape_cast %get3A_199 : vector<16xf32> to vector<1x16xf32>
      tpu.vector_store %arg6[%swap3A_1198, %swap3A_1199], %swap3A_1202 {strides = array<i32>} : memref<128x256xf32, #tpu.memory_space<vmem>>, vector<1x16xf32>,
      %swap3A_1203 = arith.index_cast %add3A_1167 : i32 to index
      %swap3A_1204 = arith.constant 112 : index
      %swap3A_1205 = tpu.vector_load %arg6[%swap3A_1203, %swap3A_1204] {strides = array<i32>} : memref<128x256xf32, #tpu.memory_space<vmem>>, vector<1x16xf32>,
      %swap3A_1206 = vector.shape_cast %swap3A_1205 : vector<1x16xf32> to vector<16xf32>
      %swap3A_1207 = vector.shape_cast %get3A_202 : vector<16xf32> to vector<1x16xf32>
      tpu.vector_store %arg6[%swap3A_1203, %swap3A_1204], %swap3A_1207 {strides = array<i32>} : memref<128x256xf32, #tpu.memory_space<vmem>>, vector<1x16xf32>,
      %swap3A_1208 = arith.index_cast %add3A_1167 : i32 to index
      %swap3A_1209 = arith.constant 128 : index
      %swap3A_1210 = tpu.vector_load %arg6[%swap3A_1208, %swap3A_1209] {strides = array<i32>} : memref<128x256xf32, #tpu.memory_space<vmem>>, vector<1x16xf32>,
      %swap3A_1211 = vector.shape_cast %swap3A_1210 : vector<1x16xf32> to vector<16xf32>
      %swap3A_1212 = vector.shape_cast %get3A_205 : vector<16xf32> to vector<1x16xf32>
      tpu.vector_store %arg6[%swap3A_1208, %swap3A_1209], %swap3A_1212 {strides = array<i32>} : memref<128x256xf32, #tpu.memory_space<vmem>>, vector<1x16xf32>,
      %swap3A_1213 = arith.index_cast %add3A_1167 : i32 to index
      %swap3A_1214 = arith.constant 144 : index
      %swap3A_1215 = tpu.vector_load %arg6[%swap3A_1213, %swap3A_1214] {strides = array<i32>} : memref<128x256xf32, #tpu.memory_space<vmem>>, vector<1x16xf32>,
      %swap3A_1216 = vector.shape_cast %swap3A_1215 : vector<1x16xf32> to vector<16xf32>
      %swap3A_1217 = vector.shape_cast %get3A_208 : vector<16xf32> to vector<1x16xf32>
      tpu.vector_store %arg6[%swap3A_1213, %swap3A_1214], %swap3A_1217 {strides = array<i32>} : memref<128x256xf32, #tpu.memory_space<vmem>>, vector<1x16xf32>,
      %swap3A_1218 = arith.index_cast %add3A_1167 : i32 to index
      %swap3A_1219 = arith.constant 160 : index
      %swap3A_1220 = tpu.vector_load %arg6[%swap3A_1218, %swap3A_1219] {strides = array<i32>} : memref<128x256xf32, #tpu.memory_space<vmem>>, vector<1x16xf32>,
      %swap3A_1221 = vector.shape_cast %swap3A_1220 : vector<1x16xf32> to vector<16xf32>
      %swap3A_1222 = vector.shape_cast %get3A_211 : vector<16xf32> to vector<1x16xf32>
      tpu.vector_store %arg6[%swap3A_1218, %swap3A_1219], %swap3A_1222 {strides = array<i32>} : memref<128x256xf32, #tpu.memory_space<vmem>>, vector<1x16xf32>,
      %swap3A_1223 = arith.index_cast %add3A_1167 : i32 to index
      %swap3A_1224 = arith.constant 176 : index
      %swap3A_1225 = tpu.vector_load %arg6[%swap3A_1223, %swap3A_1224] {strides = array<i32>} : memref<128x256xf32, #tpu.memory_space<vmem>>, vector<1x16xf32>,
      %swap3A_1226 = vector.shape_cast %swap3A_1225 : vector<1x16xf32> to vector<16xf32>
      %swap3A_1227 = vector.shape_cast %get3A_214 : vector<16xf32> to vector<1x16xf32>
      tpu.vector_store %arg6[%swap3A_1223, %swap3A_1224], %swap3A_1227 {strides = array<i32>} : memref<128x256xf32, #tpu.memory_space<vmem>>, vector<1x16xf32>,
      %swap3A_1228 = arith.index_cast %add3A_1167 : i32 to index
      %swap3A_1229 = arith.constant 192 : index
      %swap3A_1230 = tpu.vector_load %arg6[%swap3A_1228, %swap3A_1229] {strides = array<i32>} : memref<128x256xf32, #tpu.memory_space<vmem>>, vector<1x16xf32>,
      %swap3A_1231 = vector.shape_cast %swap3A_1230 : vector<1x16xf32> to vector<16xf32>
      %swap3A_1232 = vector.shape_cast %get3A_217 : vector<16xf32> to vector<1x16xf32>
      tpu.vector_store %arg6[%swap3A_1228, %swap3A_1229], %swap3A_1232 {strides = array<i32>} : memref<128x256xf32, #tpu.memory_space<vmem>>, vector<1x16xf32>,
      %swap3A_1233 = arith.index_cast %add3A_1167 : i32 to index
      %swap3A_1234 = arith.constant 208 : index
      %swap3A_1235 = tpu.vector_load %arg6[%swap3A_1233, %swap3A_1234] {strides = array<i32>} : memref<128x256xf32, #tpu.memory_space<vmem>>, vector<1x16xf32>,
      %swap3A_1236 = vector.shape_cast %swap3A_1235 : vector<1x16xf32> to vector<16xf32>
      %swap3A_1237 = vector.shape_cast %get3A_220 : vector<16xf32> to vector<1x16xf32>
      tpu.vector_store %arg6[%swap3A_1233, %swap3A_1234], %swap3A_1237 {strides = array<i32>} : memref<128x256xf32, #tpu.memory_space<vmem>>, vector<1x16xf32>,
      %swap3A_1238 = arith.index_cast %add3A_1167 : i32 to index
      %swap3A_1239 = arith.constant 224 : index
      %swap3A_1240 = tpu.vector_load %arg6[%swap3A_1238, %swap3A_1239] {strides = array<i32>} : memref<128x256xf32, #tpu.memory_space<vmem>>, vector<1x16xf32>,
      %swap3A_1241 = vector.shape_cast %swap3A_1240 : vector<1x16xf32> to vector<16xf32>
      %swap3A_1242 = vector.shape_cast %get3A_223 : vector<16xf32> to vector<1x16xf32>
      tpu.vector_store %arg6[%swap3A_1238, %swap3A_1239], %swap3A_1242 {strides = array<i32>} : memref<128x256xf32, #tpu.memory_space<vmem>>, vector<1x16xf32>,
      %swap3A_1243 = arith.index_cast %add3A_1167 : i32 to index
      %swap3A_1244 = arith.constant 240 : index
      %swap3A_1245 = tpu.vector_load %arg6[%swap3A_1243, %swap3A_1244] {strides = array<i32>} : memref<128x256xf32, #tpu.memory_space<vmem>>, vector<1x16xf32>,
      %swap3A_1246 = vector.shape_cast %swap3A_1245 : vector<1x16xf32> to vector<16xf32>
      %swap3A_1247 = vector.shape_cast %get3A_226 : vector<16xf32> to vector<1x16xf32>
      tpu.vector_store %arg6[%swap3A_1243, %swap3A_1244], %swap3A_1247 {strides = array<i32>} : memref<128x256xf32, #tpu.memory_space<vmem>>, vector<1x16xf32>,
    }
    %scan3A_231 = arith.constant 32 : i32
    %dma_start3A_232 = arith.constant 0 : i32
    %dma_start3A_233 = arith.constant 0 : i32
    %dma_start3A_234 = arith.constant 0 : i32
    %dma_start3A_235 = tpu.memref_slice %arg4[%dma_start3A_232, %add3A_19, %dma_start3A_233, %dma_start3A_234] : memref<8x144x128x256xf32, #tpu.memory_space<hbm>> -> memref<1x1x128x256xf32, #tpu.memory_space<hbm>>
    %dma_start3A_236 = tpu.memref_squeeze %dma_start3A_235 : memref<1x1x128x256xf32, #tpu.memory_space<hbm>> -> memref<128x256xf32, #tpu.memory_space<hbm>>
    %dma_start3A_237 = arith.constant 0 : i32
    %dma_start3A_238 = arith.constant 0 : i32
    %dma_start3A_239 = tpu.memref_slice %arg4[%dma_start3A_232, %add3A_19, %dma_start3A_237, %dma_start3A_238] : memref<8x144x128x256xf32, #tpu.memory_space<hbm>> -> memref<1x1x128x256xf32, #tpu.memory_space<hbm>>
    %dma_start3A_240 = tpu.memref_squeeze %dma_start3A_239 : memref<1x1x128x256xf32, #tpu.memory_space<hbm>> -> memref<128x256xf32, #tpu.memory_space<hbm>>
    tpu.enqueue_dma source(%arg6 : memref<128x256xf32, #tpu.memory_space<vmem>>) target(%dma_start3A_240 : memref<128x256xf32, #tpu.memory_space<hbm>>) target_semaphore(%arg11 : memref<!tpu.dma_semaphore, #tpu.memory_space<semaphore_mem>>)
    %dma_start3A_241 = arith.constant 1 : i32
    %dma_start3A_242 = arith.constant 0 : i32
    %dma_start3A_243 = arith.constant 0 : i32
    %dma_start3A_244 = tpu.memref_slice %arg4[%dma_start3A_241, %add3A_19, %dma_start3A_242, %dma_start3A_243] : memref<8x144x128x256xf32, #tpu.memory_space<hbm>> -> memref<1x1x128x256xf32, #tpu.memory_space<hbm>>
    %dma_start3A_245 = tpu.memref_squeeze %dma_start3A_244 : memref<1x1x128x256xf32, #tpu.memory_space<hbm>> -> memref<128x256xf32, #tpu.memory_space<hbm>>
    %dma_start3A_246 = arith.constant 0 : i32
    %dma_start3A_247 = arith.constant 0 : i32
    %dma_start3A_248 = tpu.memref_slice %arg4[%dma_start3A_241, %add3A_19, %dma_start3A_246, %dma_start3A_247] : memref<8x144x128x256xf32, #tpu.memory_space<hbm>> -> memref<1x1x128x256xf32, #tpu.memory_space<hbm>>
    %dma_start3A_249 = tpu.memref_squeeze %dma_start3A_248 : memref<1x1x128x256xf32, #tpu.memory_space<hbm>> -> memref<128x256xf32, #tpu.memory_space<hbm>>
    tpu.enqueue_dma source(%arg6 : memref<128x256xf32, #tpu.memory_space<vmem>>) target(%dma_start3A_249 : memref<128x256xf32, #tpu.memory_space<hbm>>) target_semaphore(%arg11 : memref<!tpu.dma_semaphore, #tpu.memory_space<semaphore_mem>>)
    %dma_start3A_250 = arith.constant 2 : i32
    %dma_start3A_251 = arith.constant 0 : i32
    %dma_start3A_252 = arith.constant 0 : i32
    %dma_start3A_253 = tpu.memref_slice %arg4[%dma_start3A_250, %add3A_19, %dma_start3A_251, %dma_start3A_252] : memref<8x144x128x256xf32, #tpu.memory_space<hbm>> -> memref<1x1x128x256xf32, #tpu.memory_space<hbm>>
    %dma_start3A_254 = tpu.memref_squeeze %dma_start3A_253 : memref<1x1x128x256xf32, #tpu.memory_space<hbm>> -> memref<128x256xf32, #tpu.memory_space<hbm>>
    %dma_start3A_255 = arith.constant 0 : i32
    %dma_start3A_256 = arith.constant 0 : i32
    %dma_start3A_257 = tpu.memref_slice %arg4[%dma_start3A_250, %add3A_19, %dma_start3A_255, %dma_start3A_256] : memref<8x144x128x256xf32, #tpu.memory_space<hbm>> -> memref<1x1x128x256xf32, #tpu.memory_space<hbm>>
    %dma_start3A_258 = tpu.memref_squeeze %dma_start3A_257 : memref<1x1x128x256xf32, #tpu.memory_space<hbm>> -> memref<128x256xf32, #tpu.memory_space<hbm>>
    tpu.enqueue_dma source(%arg6 : memref<128x256xf32, #tpu.memory_space<vmem>>) target(%dma_start3A_258 : memref<128x256xf32, #tpu.memory_space<hbm>>) target_semaphore(%arg11 : memref<!tpu.dma_semaphore, #tpu.memory_space<semaphore_mem>>)
    %dma_start3A_259 = arith.constant 3 : i32
    %dma_start3A_260 = arith.constant 0 : i32
    %dma_start3A_261 = arith.constant 0 : i32
    %dma_start3A_262 = tpu.memref_slice %arg4[%dma_start3A_259, %add3A_19, %dma_start3A_260, %dma_start3A_261] : memref<8x144x128x256xf32, #tpu.memory_space<hbm>> -> memref<1x1x128x256xf32, #tpu.memory_space<hbm>>
    %dma_start3A_263 = tpu.memref_squeeze %dma_start3A_262 : memref<1x1x128x256xf32, #tpu.memory_space<hbm>> -> memref<128x256xf32, #tpu.memory_space<hbm>>
    %dma_start3A_264 = arith.constant 0 : i32
    %dma_start3A_265 = arith.constant 0 : i32
    %dma_start3A_266 = tpu.memref_slice %arg4[%dma_start3A_259, %add3A_19, %dma_start3A_264, %dma_start3A_265] : memref<8x144x128x256xf32, #tpu.memory_space<hbm>> -> memref<1x1x128x256xf32, #tpu.memory_space<hbm>>
    %dma_start3A_267 = tpu.memref_squeeze %dma_start3A_266 : memref<1x1x128x256xf32, #tpu.memory_space<hbm>> -> memref<128x256xf32, #tpu.memory_space<hbm>>
    tpu.enqueue_dma source(%arg6 : memref<128x256xf32, #tpu.memory_space<vmem>>) target(%dma_start3A_267 : memref<128x256xf32, #tpu.memory_space<hbm>>) target_semaphore(%arg11 : memref<!tpu.dma_semaphore, #tpu.memory_space<semaphore_mem>>)
    %dma_start3A_268 = arith.constant 4 : i32
    %dma_start3A_269 = arith.constant 0 : i32
    %dma_start3A_270 = arith.constant 0 : i32
    %dma_start3A_271 = tpu.memref_slice %arg4[%dma_start3A_268, %add3A_19, %dma_start3A_269, %dma_start3A_270] : memref<8x144x128x256xf32, #tpu.memory_space<hbm>> -> memref<1x1x128x256xf32, #tpu.memory_space<hbm>>
    %dma_start3A_272 = tpu.memref_squeeze %dma_start3A_271 : memref<1x1x128x256xf32, #tpu.memory_space<hbm>> -> memref<128x256xf32, #tpu.memory_space<hbm>>
    %dma_start3A_273 = arith.constant 0 : i32
    %dma_start3A_274 = arith.constant 0 : i32
    %dma_start3A_275 = tpu.memref_slice %arg4[%dma_start3A_268, %add3A_19, %dma_start3A_273, %dma_start3A_274] : memref<8x144x128x256xf32, #tpu.memory_space<hbm>> -> memref<1x1x128x256xf32, #tpu.memory_space<hbm>>
    %dma_start3A_276 = tpu.memref_squeeze %dma_start3A_275 : memref<1x1x128x256xf32, #tpu.memory_space<hbm>> -> memref<128x256xf32, #tpu.memory_space<hbm>>
    tpu.enqueue_dma source(%arg6 : memref<128x256xf32, #tpu.memory_space<vmem>>) target(%dma_start3A_276 : memref<128x256xf32, #tpu.memory_space<hbm>>) target_semaphore(%arg11 : memref<!tpu.dma_semaphore, #tpu.memory_space<semaphore_mem>>)
    %dma_start3A_277 = arith.constant 5 : i32
    %dma_start3A_278 = arith.constant 0 : i32
    %dma_start3A_279 = arith.constant 0 : i32
    %dma_start3A_280 = tpu.memref_slice %arg4[%dma_start3A_277, %add3A_19, %dma_start3A_278, %dma_start3A_279] : memref<8x144x128x256xf32, #tpu.memory_space<hbm>> -> memref<1x1x128x256xf32, #tpu.memory_space<hbm>>
    %dma_start3A_281 = tpu.memref_squeeze %dma_start3A_280 : memref<1x1x128x256xf32, #tpu.memory_space<hbm>> -> memref<128x256xf32, #tpu.memory_space<hbm>>
    %dma_start3A_282 = arith.constant 0 : i32
    %dma_start3A_283 = arith.constant 0 : i32
    %dma_start3A_284 = tpu.memref_slice %arg4[%dma_start3A_277, %add3A_19, %dma_start3A_282, %dma_start3A_283] : memref<8x144x128x256xf32, #tpu.memory_space<hbm>> -> memref<1x1x128x256xf32, #tpu.memory_space<hbm>>
    %dma_start3A_285 = tpu.memref_squeeze %dma_start3A_284 : memref<1x1x128x256xf32, #tpu.memory_space<hbm>> -> memref<128x256xf32, #tpu.memory_space<hbm>>
    tpu.enqueue_dma source(%arg6 : memref<128x256xf32, #tpu.memory_space<vmem>>) target(%dma_start3A_285 : memref<128x256xf32, #tpu.memory_space<hbm>>) target_semaphore(%arg11 : memref<!tpu.dma_semaphore, #tpu.memory_space<semaphore_mem>>)
    %dma_start3A_286 = arith.constant 6 : i32
    %dma_start3A_287 = arith.constant 0 : i32
    %dma_start3A_288 = arith.constant 0 : i32
    %dma_start3A_289 = tpu.memref_slice %arg4[%dma_start3A_286, %add3A_19, %dma_start3A_287, %dma_start3A_288] : memref<8x144x128x256xf32, #tpu.memory_space<hbm>> -> memref<1x1x128x256xf32, #tpu.memory_space<hbm>>
    %dma_start3A_290 = tpu.memref_squeeze %dma_start3A_289 : memref<1x1x128x256xf32, #tpu.memory_space<hbm>> -> memref<128x256xf32, #tpu.memory_space<hbm>>
    %dma_start3A_291 = arith.constant 0 : i32
    %dma_start3A_292 = arith.constant 0 : i32
    %dma_start3A_293 = tpu.memref_slice %arg4[%dma_start3A_286, %add3A_19, %dma_start3A_291, %dma_start3A_292] : memref<8x144x128x256xf32, #tpu.memory_space<hbm>> -> memref<1x1x128x256xf32, #tpu.memory_space<hbm>>
    %dma_start3A_294 = tpu.memref_squeeze %dma_start3A_293 : memref<1x1x128x256xf32, #tpu.memory_space<hbm>> -> memref<128x256xf32, #tpu.memory_space<hbm>>
    tpu.enqueue_dma source(%arg6 : memref<128x256xf32, #tpu.memory_space<vmem>>) target(%dma_start3A_294 : memref<128x256xf32, #tpu.memory_space<hbm>>) target_semaphore(%arg11 : memref<!tpu.dma_semaphore, #tpu.memory_space<semaphore_mem>>)
    %dma_start3A_295 = arith.constant 7 : i32
    %dma_start3A_296 = arith.constant 0 : i32
    %dma_start3A_297 = arith.constant 0 : i32
    %dma_start3A_298 = tpu.memref_slice %arg4[%dma_start3A_295, %add3A_19, %dma_start3A_296, %dma_start3A_297] : memref<8x144x128x256xf32, #tpu.memory_space<hbm>> -> memref<1x1x128x256xf32, #tpu.memory_space<hbm>>
    %dma_start3A_299 = tpu.memref_squeeze %dma_start3A_298 : memref<1x1x128x256xf32, #tpu.memory_space<hbm>> -> memref<128x256xf32, #tpu.memory_space<hbm>>
    %dma_start3A_300 = arith.constant 0 : i32
    %dma_start3A_301 = arith.constant 0 : i32
    %dma_start3A_302 = tpu.memref_slice %arg4[%dma_start3A_295, %add3A_19, %dma_start3A_300, %dma_start3A_301] : memref<8x144x128x256xf32, #tpu.memory_space<hbm>> -> memref<1x1x128x256xf32, #tpu.memory_space<hbm>>
    %dma_start3A_303 = tpu.memref_squeeze %dma_start3A_302 : memref<1x1x128x256xf32, #tpu.memory_space<hbm>> -> memref<128x256xf32, #tpu.memory_space<hbm>>
    tpu.enqueue_dma source(%arg6 : memref<128x256xf32, #tpu.memory_space<vmem>>) target(%dma_start3A_303 : memref<128x256xf32, #tpu.memory_space<hbm>>) target_semaphore(%arg11 : memref<!tpu.dma_semaphore, #tpu.memory_space<semaphore_mem>>)
    "tpu.region"() ({
      %run_scoped3A = tpu.sem_alloc : memref<!tpu.dma_semaphore, #tpu.memory_space<semaphore_mem>>
      %dma_start3A_912 = arith.constant 0 : i32
      %dma_start3A_913 = tpu.memref_slice %arg2[%add3A_23, %dma_start3A_912] : memref<128x256xf32, #tpu.memory_space<hbm>> -> memref<1x256xf32, #tpu.memory_space<hbm>>
      %dma_start3A_914 = tpu.memref_squeeze %dma_start3A_913 : memref<1x256xf32, #tpu.memory_space<hbm>> -> memref<256xf32, #tpu.memory_space<hbm>>
      %dma_start3A_915 = arith.constant 0 : i32
      %dma_start3A_916 = tpu.memref_slice %arg2[%add3A_23, %dma_start3A_915] : memref<128x256xf32, #tpu.memory_space<hbm>> -> memref<1x256xf32, #tpu.memory_space<hbm>>
      %dma_start3A_917 = tpu.memref_squeeze %dma_start3A_916 : memref<1x256xf32, #tpu.memory_space<hbm>> -> memref<256xf32, #tpu.memory_space<hbm>>
      tpu.enqueue_dma source(%dma_start3A_917 : memref<256xf32, #tpu.memory_space<hbm>>) target(%arg8 : memref<256xf32, #tpu.memory_space<vmem>>) target_semaphore(%run_scoped3A : memref<!tpu.dma_semaphore, #tpu.memory_space<semaphore_mem>>)
      %dma_wait3A_918 = arith.constant 0 : i32
      %dma_wait3A_919 = tpu.memref_slice %arg2[%add3A_23, %dma_wait3A_918] : memref<128x256xf32, #tpu.memory_space<hbm>> -> memref<1x256xf32, #tpu.memory_space<hbm>>
      %dma_wait3A_920 = tpu.memref_squeeze %dma_wait3A_919 : memref<1x256xf32, #tpu.memory_space<hbm>> -> memref<256xf32, #tpu.memory_space<hbm>>
      %dma_wait3A_921 = arith.constant 0 : i32
      %dma_wait3A_922 = tpu.memref_slice %arg2[%add3A_23, %dma_wait3A_921] : memref<128x256xf32, #tpu.memory_space<hbm>> -> memref<1x256xf32, #tpu.memory_space<hbm>>
      %dma_wait3A_923 = tpu.memref_squeeze %dma_wait3A_922 : memref<1x256xf32, #tpu.memory_space<hbm>> -> memref<256xf32, #tpu.memory_space<hbm>>
      tpu.wait_dma2 semaphore(%run_scoped3A : memref<!tpu.dma_semaphore, #tpu.memory_space<semaphore_mem>>) src(%dma_wait3A_923 : memref<256xf32, #tpu.memory_space<hbm>>) dst(%arg8 : memref<256xf32, #tpu.memory_space<vmem>>)
      tpu.yield
    }) : () -> ()
    %get3A_304 = arith.constant 0 : index
    %get3A_305 = tpu.vector_load %arg8[%get3A_304] {strides = array<i32>} : memref<256xf32, #tpu.memory_space<vmem>>, vector<16xf32>,
    %get3A_306 = vector.shape_cast %get3A_305 : vector<16xf32> to vector<16xf32>
    %get3A_307 = arith.constant 16 : index
    %get3A_308 = tpu.vector_load %arg8[%get3A_307] {strides = array<i32>} : memref<256xf32, #tpu.memory_space<vmem>>, vector<16xf32>,
    %get3A_309 = vector.shape_cast %get3A_308 : vector<16xf32> to vector<16xf32>
    %get3A_310 = arith.constant 32 : index
    %get3A_311 = tpu.vector_load %arg8[%get3A_310] {strides = array<i32>} : memref<256xf32, #tpu.memory_space<vmem>>, vector<16xf32>,
    %get3A_312 = vector.shape_cast %get3A_311 : vector<16xf32> to vector<16xf32>
    %get3A_313 = arith.constant 48 : index
    %get3A_314 = tpu.vector_load %arg8[%get3A_313] {strides = array<i32>} : memref<256xf32, #tpu.memory_space<vmem>>, vector<16xf32>,
    %get3A_315 = vector.shape_cast %get3A_314 : vector<16xf32> to vector<16xf32>
    %get3A_316 = arith.constant 64 : index
    %get3A_317 = tpu.vector_load %arg8[%get3A_316] {strides = array<i32>} : memref<256xf32, #tpu.memory_space<vmem>>, vector<16xf32>,
    %get3A_318 = vector.shape_cast %get3A_317 : vector<16xf32> to vector<16xf32>
    %get3A_319 = arith.constant 80 : index
    %get3A_320 = tpu.vector_load %arg8[%get3A_319] {strides = array<i32>} : memref<256xf32, #tpu.memory_space<vmem>>, vector<16xf32>,
    %get3A_321 = vector.shape_cast %get3A_320 : vector<16xf32> to vector<16xf32>
    %get3A_322 = arith.constant 96 : index
    %get3A_323 = tpu.vector_load %arg8[%get3A_322] {strides = array<i32>} : memref<256xf32, #tpu.memory_space<vmem>>, vector<16xf32>,
    %get3A_324 = vector.shape_cast %get3A_323 : vector<16xf32> to vector<16xf32>
    %get3A_325 = arith.constant 112 : index
    %get3A_326 = tpu.vector_load %arg8[%get3A_325] {strides = array<i32>} : memref<256xf32, #tpu.memory_space<vmem>>, vector<16xf32>,
    %get3A_327 = vector.shape_cast %get3A_326 : vector<16xf32> to vector<16xf32>
    %get3A_328 = arith.constant 128 : index
    %get3A_329 = tpu.vector_load %arg8[%get3A_328] {strides = array<i32>} : memref<256xf32, #tpu.memory_space<vmem>>, vector<16xf32>,
    %get3A_330 = vector.shape_cast %get3A_329 : vector<16xf32> to vector<16xf32>
    %get3A_331 = arith.constant 144 : index
    %get3A_332 = tpu.vector_load %arg8[%get3A_331] {strides = array<i32>} : memref<256xf32, #tpu.memory_space<vmem>>, vector<16xf32>,
    %get3A_333 = vector.shape_cast %get3A_332 : vector<16xf32> to vector<16xf32>
    %get3A_334 = arith.constant 160 : index
    %get3A_335 = tpu.vector_load %arg8[%get3A_334] {strides = array<i32>} : memref<256xf32, #tpu.memory_space<vmem>>, vector<16xf32>,
    %get3A_336 = vector.shape_cast %get3A_335 : vector<16xf32> to vector<16xf32>
    %get3A_337 = arith.constant 176 : index
    %get3A_338 = tpu.vector_load %arg8[%get3A_337] {strides = array<i32>} : memref<256xf32, #tpu.memory_space<vmem>>, vector<16xf32>,
    %get3A_339 = vector.shape_cast %get3A_338 : vector<16xf32> to vector<16xf32>
    %get3A_340 = arith.constant 192 : index
    %get3A_341 = tpu.vector_load %arg8[%get3A_340] {strides = array<i32>} : memref<256xf32, #tpu.memory_space<vmem>>, vector<16xf32>,
    %get3A_342 = vector.shape_cast %get3A_341 : vector<16xf32> to vector<16xf32>
    %get3A_343 = arith.constant 208 : index
    %get3A_344 = tpu.vector_load %arg8[%get3A_343] {strides = array<i32>} : memref<256xf32, #tpu.memory_space<vmem>>, vector<16xf32>,
    %get3A_345 = vector.shape_cast %get3A_344 : vector<16xf32> to vector<16xf32>
    %get3A_346 = arith.constant 224 : index
    %get3A_347 = tpu.vector_load %arg8[%get3A_346] {strides = array<i32>} : memref<256xf32, #tpu.memory_space<vmem>>, vector<16xf32>,
    %get3A_348 = vector.shape_cast %get3A_347 : vector<16xf32> to vector<16xf32>
    %get3A_349 = arith.constant 240 : index
    %get3A_350 = tpu.vector_load %arg8[%get3A_349] {strides = array<i32>} : memref<256xf32, #tpu.memory_space<vmem>>, vector<16xf32>,
    %get3A_351 = vector.shape_cast %get3A_350 : vector<16xf32> to vector<16xf32>
    %scan3A_352 = arith.constant 0 : i32
    %scan3A_353 = arith.constant 32 : i32
    %scan3A_354 = arith.addi %scan3A_352, %scan3A_353 : i32
    %scan3A_355 = arith.constant 1 : i32
    scf.for %scan3A_912 = %scan3A_352 to %scan3A_354 step %scan3A_355  : i32 {
      %mul3A_913 = arith.constant 4 : i32
      %mul3A_914 = arith.muli %scan3A_912, %mul3A_913 : i32
      %add3A_915 = arith.constant 0 : i32
      %add3A_916 = arith.addi %mul3A_914, %add3A_915 : i32
      %swap3A = arith.index_cast %add3A_916 : i32 to index
      %swap3A_917 = arith.constant 0 : index
      %swap3A_918 = tpu.vector_load %arg7[%swap3A, %swap3A_917] {strides = array<i32>} : memref<128x256xf32, #tpu.memory_space<vmem>>, vector<1x16xf32>,
      %swap3A_919 = vector.shape_cast %swap3A_918 : vector<1x16xf32> to vector<16xf32>
      %swap3A_920 = vector.shape_cast %get3A_306 : vector<16xf32> to vector<1x16xf32>
      tpu.vector_store %arg7[%swap3A, %swap3A_917], %swap3A_920 {strides = array<i32>} : memref<128x256xf32, #tpu.memory_space<vmem>>, vector<1x16xf32>,
      %swap3A_921 = arith.index_cast %add3A_916 : i32 to index
      %swap3A_922 = arith.constant 16 : index
      %swap3A_923 = tpu.vector_load %arg7[%swap3A_921, %swap3A_922] {strides = array<i32>} : memref<128x256xf32, #tpu.memory_space<vmem>>, vector<1x16xf32>,
      %swap3A_924 = vector.shape_cast %swap3A_923 : vector<1x16xf32> to vector<16xf32>
      %swap3A_925 = vector.shape_cast %get3A_309 : vector<16xf32> to vector<1x16xf32>
      tpu.vector_store %arg7[%swap3A_921, %swap3A_922], %swap3A_925 {strides = array<i32>} : memref<128x256xf32, #tpu.memory_space<vmem>>, vector<1x16xf32>,
      %swap3A_926 = arith.index_cast %add3A_916 : i32 to index
      %swap3A_927 = arith.constant 32 : index
      %swap3A_928 = tpu.vector_load %arg7[%swap3A_926, %swap3A_927] {strides = array<i32>} : memref<128x256xf32, #tpu.memory_space<vmem>>, vector<1x16xf32>,
      %swap3A_929 = vector.shape_cast %swap3A_928 : vector<1x16xf32> to vector<16xf32>
      %swap3A_930 = vector.shape_cast %get3A_312 : vector<16xf32> to vector<1x16xf32>
      tpu.vector_store %arg7[%swap3A_926, %swap3A_927], %swap3A_930 {strides = array<i32>} : memref<128x256xf32, #tpu.memory_space<vmem>>, vector<1x16xf32>,
      %swap3A_931 = arith.index_cast %add3A_916 : i32 to index
      %swap3A_932 = arith.constant 48 : index
      %swap3A_933 = tpu.vector_load %arg7[%swap3A_931, %swap3A_932] {strides = array<i32>} : memref<128x256xf32, #tpu.memory_space<vmem>>, vector<1x16xf32>,
      %swap3A_934 = vector.shape_cast %swap3A_933 : vector<1x16xf32> to vector<16xf32>
      %swap3A_935 = vector.shape_cast %get3A_315 : vector<16xf32> to vector<1x16xf32>
      tpu.vector_store %arg7[%swap3A_931, %swap3A_932], %swap3A_935 {strides = array<i32>} : memref<128x256xf32, #tpu.memory_space<vmem>>, vector<1x16xf32>,
      %swap3A_936 = arith.index_cast %add3A_916 : i32 to index
      %swap3A_937 = arith.constant 64 : index
      %swap3A_938 = tpu.vector_load %arg7[%swap3A_936, %swap3A_937] {strides = array<i32>} : memref<128x256xf32, #tpu.memory_space<vmem>>, vector<1x16xf32>,
      %swap3A_939 = vector.shape_cast %swap3A_938 : vector<1x16xf32> to vector<16xf32>
      %swap3A_940 = vector.shape_cast %get3A_318 : vector<16xf32> to vector<1x16xf32>
      tpu.vector_store %arg7[%swap3A_936, %swap3A_937], %swap3A_940 {strides = array<i32>} : memref<128x256xf32, #tpu.memory_space<vmem>>, vector<1x16xf32>,
      %swap3A_941 = arith.index_cast %add3A_916 : i32 to index
      %swap3A_942 = arith.constant 80 : index
      %swap3A_943 = tpu.vector_load %arg7[%swap3A_941, %swap3A_942] {strides = array<i32>} : memref<128x256xf32, #tpu.memory_space<vmem>>, vector<1x16xf32>,
      %swap3A_944 = vector.shape_cast %swap3A_943 : vector<1x16xf32> to vector<16xf32>
      %swap3A_945 = vector.shape_cast %get3A_321 : vector<16xf32> to vector<1x16xf32>
      tpu.vector_store %arg7[%swap3A_941, %swap3A_942], %swap3A_945 {strides = array<i32>} : memref<128x256xf32, #tpu.memory_space<vmem>>, vector<1x16xf32>,
      %swap3A_946 = arith.index_cast %add3A_916 : i32 to index
      %swap3A_947 = arith.constant 96 : index
      %swap3A_948 = tpu.vector_load %arg7[%swap3A_946, %swap3A_947] {strides = array<i32>} : memref<128x256xf32, #tpu.memory_space<vmem>>, vector<1x16xf32>,
      %swap3A_949 = vector.shape_cast %swap3A_948 : vector<1x16xf32> to vector<16xf32>
      %swap3A_950 = vector.shape_cast %get3A_324 : vector<16xf32> to vector<1x16xf32>
      tpu.vector_store %arg7[%swap3A_946, %swap3A_947], %swap3A_950 {strides = array<i32>} : memref<128x256xf32, #tpu.memory_space<vmem>>, vector<1x16xf32>,
      %swap3A_951 = arith.index_cast %add3A_916 : i32 to index
      %swap3A_952 = arith.constant 112 : index
      %swap3A_953 = tpu.vector_load %arg7[%swap3A_951, %swap3A_952] {strides = array<i32>} : memref<128x256xf32, #tpu.memory_space<vmem>>, vector<1x16xf32>,
      %swap3A_954 = vector.shape_cast %swap3A_953 : vector<1x16xf32> to vector<16xf32>
      %swap3A_955 = vector.shape_cast %get3A_327 : vector<16xf32> to vector<1x16xf32>
      tpu.vector_store %arg7[%swap3A_951, %swap3A_952], %swap3A_955 {strides = array<i32>} : memref<128x256xf32, #tpu.memory_space<vmem>>, vector<1x16xf32>,
      %swap3A_956 = arith.index_cast %add3A_916 : i32 to index
      %swap3A_957 = arith.constant 128 : index
      %swap3A_958 = tpu.vector_load %arg7[%swap3A_956, %swap3A_957] {strides = array<i32>} : memref<128x256xf32, #tpu.memory_space<vmem>>, vector<1x16xf32>,
      %swap3A_959 = vector.shape_cast %swap3A_958 : vector<1x16xf32> to vector<16xf32>
      %swap3A_960 = vector.shape_cast %get3A_330 : vector<16xf32> to vector<1x16xf32>
      tpu.vector_store %arg7[%swap3A_956, %swap3A_957], %swap3A_960 {strides = array<i32>} : memref<128x256xf32, #tpu.memory_space<vmem>>, vector<1x16xf32>,
      %swap3A_961 = arith.index_cast %add3A_916 : i32 to index
      %swap3A_962 = arith.constant 144 : index
      %swap3A_963 = tpu.vector_load %arg7[%swap3A_961, %swap3A_962] {strides = array<i32>} : memref<128x256xf32, #tpu.memory_space<vmem>>, vector<1x16xf32>,
      %swap3A_964 = vector.shape_cast %swap3A_963 : vector<1x16xf32> to vector<16xf32>
      %swap3A_965 = vector.shape_cast %get3A_333 : vector<16xf32> to vector<1x16xf32>
      tpu.vector_store %arg7[%swap3A_961, %swap3A_962], %swap3A_965 {strides = array<i32>} : memref<128x256xf32, #tpu.memory_space<vmem>>, vector<1x16xf32>,
      %swap3A_966 = arith.index_cast %add3A_916 : i32 to index
      %swap3A_967 = arith.constant 160 : index
      %swap3A_968 = tpu.vector_load %arg7[%swap3A_966, %swap3A_967] {strides = array<i32>} : memref<128x256xf32, #tpu.memory_space<vmem>>, vector<1x16xf32>,
      %swap3A_969 = vector.shape_cast %swap3A_968 : vector<1x16xf32> to vector<16xf32>
      %swap3A_970 = vector.shape_cast %get3A_336 : vector<16xf32> to vector<1x16xf32>
      tpu.vector_store %arg7[%swap3A_966, %swap3A_967], %swap3A_970 {strides = array<i32>} : memref<128x256xf32, #tpu.memory_space<vmem>>, vector<1x16xf32>,
      %swap3A_971 = arith.index_cast %add3A_916 : i32 to index
      %swap3A_972 = arith.constant 176 : index
      %swap3A_973 = tpu.vector_load %arg7[%swap3A_971, %swap3A_972] {strides = array<i32>} : memref<128x256xf32, #tpu.memory_space<vmem>>, vector<1x16xf32>,
      %swap3A_974 = vector.shape_cast %swap3A_973 : vector<1x16xf32> to vector<16xf32>
      %swap3A_975 = vector.shape_cast %get3A_339 : vector<16xf32> to vector<1x16xf32>
      tpu.vector_store %arg7[%swap3A_971, %swap3A_972], %swap3A_975 {strides = array<i32>} : memref<128x256xf32, #tpu.memory_space<vmem>>, vector<1x16xf32>,
      %swap3A_976 = arith.index_cast %add3A_916 : i32 to index
      %swap3A_977 = arith.constant 192 : index
      %swap3A_978 = tpu.vector_load %arg7[%swap3A_976, %swap3A_977] {strides = array<i32>} : memref<128x256xf32, #tpu.memory_space<vmem>>, vector<1x16xf32>,
      %swap3A_979 = vector.shape_cast %swap3A_978 : vector<1x16xf32> to vector<16xf32>
      %swap3A_980 = vector.shape_cast %get3A_342 : vector<16xf32> to vector<1x16xf32>
      tpu.vector_store %arg7[%swap3A_976, %swap3A_977], %swap3A_980 {strides = array<i32>} : memref<128x256xf32, #tpu.memory_space<vmem>>, vector<1x16xf32>,
      %swap3A_981 = arith.index_cast %add3A_916 : i32 to index
      %swap3A_982 = arith.constant 208 : index
      %swap3A_983 = tpu.vector_load %arg7[%swap3A_981, %swap3A_982] {strides = array<i32>} : memref<128x256xf32, #tpu.memory_space<vmem>>, vector<1x16xf32>,
      %swap3A_984 = vector.shape_cast %swap3A_983 : vector<1x16xf32> to vector<16xf32>
      %swap3A_985 = vector.shape_cast %get3A_345 : vector<16xf32> to vector<1x16xf32>
      tpu.vector_store %arg7[%swap3A_981, %swap3A_982], %swap3A_985 {strides = array<i32>} : memref<128x256xf32, #tpu.memory_space<vmem>>, vector<1x16xf32>,
      %swap3A_986 = arith.index_cast %add3A_916 : i32 to index
      %swap3A_987 = arith.constant 224 : index
      %swap3A_988 = tpu.vector_load %arg7[%swap3A_986, %swap3A_987] {strides = array<i32>} : memref<128x256xf32, #tpu.memory_space<vmem>>, vector<1x16xf32>,
      %swap3A_989 = vector.shape_cast %swap3A_988 : vector<1x16xf32> to vector<16xf32>
      %swap3A_990 = vector.shape_cast %get3A_348 : vector<16xf32> to vector<1x16xf32>
      tpu.vector_store %arg7[%swap3A_986, %swap3A_987], %swap3A_990 {strides = array<i32>} : memref<128x256xf32, #tpu.memory_space<vmem>>, vector<1x16xf32>,
      %swap3A_991 = arith.index_cast %add3A_916 : i32 to index
      %swap3A_992 = arith.constant 240 : index
      %swap3A_993 = tpu.vector_load %arg7[%swap3A_991, %swap3A_992] {strides = array<i32>} : memref<128x256xf32, #tpu.memory_space<vmem>>, vector<1x16xf32>,
      %swap3A_994 = vector.shape_cast %swap3A_993 : vector<1x16xf32> to vector<16xf32>
      %swap3A_995 = vector.shape_cast %get3A_351 : vector<16xf32> to vector<1x16xf32>
      tpu.vector_store %arg7[%swap3A_991, %swap3A_992], %swap3A_995 {strides = array<i32>} : memref<128x256xf32, #tpu.memory_space<vmem>>, vector<1x16xf32>,
      %mul3A_996 = arith.constant 4 : i32
      %mul3A_997 = arith.muli %scan3A_912, %mul3A_996 : i32
      %add3A_998 = arith.constant 1 : i32
      %add3A_999 = arith.addi %mul3A_997, %add3A_998 : i32
      %swap3A_1000 = arith.index_cast %add3A_999 : i32 to index
      %swap3A_1001 = arith.constant 0 : index
      %swap3A_1002 = tpu.vector_load %arg7[%swap3A_1000, %swap3A_1001] {strides = array<i32>} : memref<128x256xf32, #tpu.memory_space<vmem>>, vector<1x16xf32>,
      %swap3A_1003 = vector.shape_cast %swap3A_1002 : vector<1x16xf32> to vector<16xf32>
      %swap3A_1004 = vector.shape_cast %get3A_306 : vector<16xf32> to vector<1x16xf32>
      tpu.vector_store %arg7[%swap3A_1000, %swap3A_1001], %swap3A_1004 {strides = array<i32>} : memref<128x256xf32, #tpu.memory_space<vmem>>, vector<1x16xf32>,
      %swap3A_1005 = arith.index_cast %add3A_999 : i32 to index
      %swap3A_1006 = arith.constant 16 : index
      %swap3A_1007 = tpu.vector_load %arg7[%swap3A_1005, %swap3A_1006] {strides = array<i32>} : memref<128x256xf32, #tpu.memory_space<vmem>>, vector<1x16xf32>,
      %swap3A_1008 = vector.shape_cast %swap3A_1007 : vector<1x16xf32> to vector<16xf32>
      %swap3A_1009 = vector.shape_cast %get3A_309 : vector<16xf32> to vector<1x16xf32>
      tpu.vector_store %arg7[%swap3A_1005, %swap3A_1006], %swap3A_1009 {strides = array<i32>} : memref<128x256xf32, #tpu.memory_space<vmem>>, vector<1x16xf32>,
      %swap3A_1010 = arith.index_cast %add3A_999 : i32 to index
      %swap3A_1011 = arith.constant 32 : index
      %swap3A_1012 = tpu.vector_load %arg7[%swap3A_1010, %swap3A_1011] {strides = array<i32>} : memref<128x256xf32, #tpu.memory_space<vmem>>, vector<1x16xf32>,
      %swap3A_1013 = vector.shape_cast %swap3A_1012 : vector<1x16xf32> to vector<16xf32>
      %swap3A_1014 = vector.shape_cast %get3A_312 : vector<16xf32> to vector<1x16xf32>
      tpu.vector_store %arg7[%swap3A_1010, %swap3A_1011], %swap3A_1014 {strides = array<i32>} : memref<128x256xf32, #tpu.memory_space<vmem>>, vector<1x16xf32>,
      %swap3A_1015 = arith.index_cast %add3A_999 : i32 to index
      %swap3A_1016 = arith.constant 48 : index
      %swap3A_1017 = tpu.vector_load %arg7[%swap3A_1015, %swap3A_1016] {strides = array<i32>} : memref<128x256xf32, #tpu.memory_space<vmem>>, vector<1x16xf32>,
      %swap3A_1018 = vector.shape_cast %swap3A_1017 : vector<1x16xf32> to vector<16xf32>
      %swap3A_1019 = vector.shape_cast %get3A_315 : vector<16xf32> to vector<1x16xf32>
      tpu.vector_store %arg7[%swap3A_1015, %swap3A_1016], %swap3A_1019 {strides = array<i32>} : memref<128x256xf32, #tpu.memory_space<vmem>>, vector<1x16xf32>,
      %swap3A_1020 = arith.index_cast %add3A_999 : i32 to index
      %swap3A_1021 = arith.constant 64 : index
      %swap3A_1022 = tpu.vector_load %arg7[%swap3A_1020, %swap3A_1021] {strides = array<i32>} : memref<128x256xf32, #tpu.memory_space<vmem>>, vector<1x16xf32>,
      %swap3A_1023 = vector.shape_cast %swap3A_1022 : vector<1x16xf32> to vector<16xf32>
      %swap3A_1024 = vector.shape_cast %get3A_318 : vector<16xf32> to vector<1x16xf32>
      tpu.vector_store %arg7[%swap3A_1020, %swap3A_1021], %swap3A_1024 {strides = array<i32>} : memref<128x256xf32, #tpu.memory_space<vmem>>, vector<1x16xf32>,
      %swap3A_1025 = arith.index_cast %add3A_999 : i32 to index
      %swap3A_1026 = arith.constant 80 : index
      %swap3A_1027 = tpu.vector_load %arg7[%swap3A_1025, %swap3A_1026] {strides = array<i32>} : memref<128x256xf32, #tpu.memory_space<vmem>>, vector<1x16xf32>,
      %swap3A_1028 = vector.shape_cast %swap3A_1027 : vector<1x16xf32> to vector<16xf32>
      %swap3A_1029 = vector.shape_cast %get3A_321 : vector<16xf32> to vector<1x16xf32>
      tpu.vector_store %arg7[%swap3A_1025, %swap3A_1026], %swap3A_1029 {strides = array<i32>} : memref<128x256xf32, #tpu.memory_space<vmem>>, vector<1x16xf32>,
      %swap3A_1030 = arith.index_cast %add3A_999 : i32 to index
      %swap3A_1031 = arith.constant 96 : index
      %swap3A_1032 = tpu.vector_load %arg7[%swap3A_1030, %swap3A_1031] {strides = array<i32>} : memref<128x256xf32, #tpu.memory_space<vmem>>, vector<1x16xf32>,
      %swap3A_1033 = vector.shape_cast %swap3A_1032 : vector<1x16xf32> to vector<16xf32>
      %swap3A_1034 = vector.shape_cast %get3A_324 : vector<16xf32> to vector<1x16xf32>
      tpu.vector_store %arg7[%swap3A_1030, %swap3A_1031], %swap3A_1034 {strides = array<i32>} : memref<128x256xf32, #tpu.memory_space<vmem>>, vector<1x16xf32>,
      %swap3A_1035 = arith.index_cast %add3A_999 : i32 to index
      %swap3A_1036 = arith.constant 112 : index
      %swap3A_1037 = tpu.vector_load %arg7[%swap3A_1035, %swap3A_1036] {strides = array<i32>} : memref<128x256xf32, #tpu.memory_space<vmem>>, vector<1x16xf32>,
      %swap3A_1038 = vector.shape_cast %swap3A_1037 : vector<1x16xf32> to vector<16xf32>
      %swap3A_1039 = vector.shape_cast %get3A_327 : vector<16xf32> to vector<1x16xf32>
      tpu.vector_store %arg7[%swap3A_1035, %swap3A_1036], %swap3A_1039 {strides = array<i32>} : memref<128x256xf32, #tpu.memory_space<vmem>>, vector<1x16xf32>,
      %swap3A_1040 = arith.index_cast %add3A_999 : i32 to index
      %swap3A_1041 = arith.constant 128 : index
      %swap3A_1042 = tpu.vector_load %arg7[%swap3A_1040, %swap3A_1041] {strides = array<i32>} : memref<128x256xf32, #tpu.memory_space<vmem>>, vector<1x16xf32>,
      %swap3A_1043 = vector.shape_cast %swap3A_1042 : vector<1x16xf32> to vector<16xf32>
      %swap3A_1044 = vector.shape_cast %get3A_330 : vector<16xf32> to vector<1x16xf32>
      tpu.vector_store %arg7[%swap3A_1040, %swap3A_1041], %swap3A_1044 {strides = array<i32>} : memref<128x256xf32, #tpu.memory_space<vmem>>, vector<1x16xf32>,
      %swap3A_1045 = arith.index_cast %add3A_999 : i32 to index
      %swap3A_1046 = arith.constant 144 : index
      %swap3A_1047 = tpu.vector_load %arg7[%swap3A_1045, %swap3A_1046] {strides = array<i32>} : memref<128x256xf32, #tpu.memory_space<vmem>>, vector<1x16xf32>,
      %swap3A_1048 = vector.shape_cast %swap3A_1047 : vector<1x16xf32> to vector<16xf32>
      %swap3A_1049 = vector.shape_cast %get3A_333 : vector<16xf32> to vector<1x16xf32>
      tpu.vector_store %arg7[%swap3A_1045, %swap3A_1046], %swap3A_1049 {strides = array<i32>} : memref<128x256xf32, #tpu.memory_space<vmem>>, vector<1x16xf32>,
      %swap3A_1050 = arith.index_cast %add3A_999 : i32 to index
      %swap3A_1051 = arith.constant 160 : index
      %swap3A_1052 = tpu.vector_load %arg7[%swap3A_1050, %swap3A_1051] {strides = array<i32>} : memref<128x256xf32, #tpu.memory_space<vmem>>, vector<1x16xf32>,
      %swap3A_1053 = vector.shape_cast %swap3A_1052 : vector<1x16xf32> to vector<16xf32>
      %swap3A_1054 = vector.shape_cast %get3A_336 : vector<16xf32> to vector<1x16xf32>
      tpu.vector_store %arg7[%swap3A_1050, %swap3A_1051], %swap3A_1054 {strides = array<i32>} : memref<128x256xf32, #tpu.memory_space<vmem>>, vector<1x16xf32>,
      %swap3A_1055 = arith.index_cast %add3A_999 : i32 to index
      %swap3A_1056 = arith.constant 176 : index
      %swap3A_1057 = tpu.vector_load %arg7[%swap3A_1055, %swap3A_1056] {strides = array<i32>} : memref<128x256xf32, #tpu.memory_space<vmem>>, vector<1x16xf32>,
      %swap3A_1058 = vector.shape_cast %swap3A_1057 : vector<1x16xf32> to vector<16xf32>
      %swap3A_1059 = vector.shape_cast %get3A_339 : vector<16xf32> to vector<1x16xf32>
      tpu.vector_store %arg7[%swap3A_1055, %swap3A_1056], %swap3A_1059 {strides = array<i32>} : memref<128x256xf32, #tpu.memory_space<vmem>>, vector<1x16xf32>,
      %swap3A_1060 = arith.index_cast %add3A_999 : i32 to index
      %swap3A_1061 = arith.constant 192 : index
      %swap3A_1062 = tpu.vector_load %arg7[%swap3A_1060, %swap3A_1061] {strides = array<i32>} : memref<128x256xf32, #tpu.memory_space<vmem>>, vector<1x16xf32>,
      %swap3A_1063 = vector.shape_cast %swap3A_1062 : vector<1x16xf32> to vector<16xf32>
      %swap3A_1064 = vector.shape_cast %get3A_342 : vector<16xf32> to vector<1x16xf32>
      tpu.vector_store %arg7[%swap3A_1060, %swap3A_1061], %swap3A_1064 {strides = array<i32>} : memref<128x256xf32, #tpu.memory_space<vmem>>, vector<1x16xf32>,
      %swap3A_1065 = arith.index_cast %add3A_999 : i32 to index
      %swap3A_1066 = arith.constant 208 : index
      %swap3A_1067 = tpu.vector_load %arg7[%swap3A_1065, %swap3A_1066] {strides = array<i32>} : memref<128x256xf32, #tpu.memory_space<vmem>>, vector<1x16xf32>,
      %swap3A_1068 = vector.shape_cast %swap3A_1067 : vector<1x16xf32> to vector<16xf32>
      %swap3A_1069 = vector.shape_cast %get3A_345 : vector<16xf32> to vector<1x16xf32>
      tpu.vector_store %arg7[%swap3A_1065, %swap3A_1066], %swap3A_1069 {strides = array<i32>} : memref<128x256xf32, #tpu.memory_space<vmem>>, vector<1x16xf32>,
      %swap3A_1070 = arith.index_cast %add3A_999 : i32 to index
      %swap3A_1071 = arith.constant 224 : index
      %swap3A_1072 = tpu.vector_load %arg7[%swap3A_1070, %swap3A_1071] {strides = array<i32>} : memref<128x256xf32, #tpu.memory_space<vmem>>, vector<1x16xf32>,
      %swap3A_1073 = vector.shape_cast %swap3A_1072 : vector<1x16xf32> to vector<16xf32>
      %swap3A_1074 = vector.shape_cast %get3A_348 : vector<16xf32> to vector<1x16xf32>
      tpu.vector_store %arg7[%swap3A_1070, %swap3A_1071], %swap3A_1074 {strides = array<i32>} : memref<128x256xf32, #tpu.memory_space<vmem>>, vector<1x16xf32>,
      %swap3A_1075 = arith.index_cast %add3A_999 : i32 to index
      %swap3A_1076 = arith.constant 240 : index
      %swap3A_1077 = tpu.vector_load %arg7[%swap3A_1075, %swap3A_1076] {strides = array<i32>} : memref<128x256xf32, #tpu.memory_space<vmem>>, vector<1x16xf32>,
      %swap3A_1078 = vector.shape_cast %swap3A_1077 : vector<1x16xf32> to vector<16xf32>
      %swap3A_1079 = vector.shape_cast %get3A_351 : vector<16xf32> to vector<1x16xf32>
      tpu.vector_store %arg7[%swap3A_1075, %swap3A_1076], %swap3A_1079 {strides = array<i32>} : memref<128x256xf32, #tpu.memory_space<vmem>>, vector<1x16xf32>,
      %mul3A_1080 = arith.constant 4 : i32
      %mul3A_1081 = arith.muli %scan3A_912, %mul3A_1080 : i32
      %add3A_1082 = arith.constant 2 : i32
      %add3A_1083 = arith.addi %mul3A_1081, %add3A_1082 : i32
      %swap3A_1084 = arith.index_cast %add3A_1083 : i32 to index
      %swap3A_1085 = arith.constant 0 : index
      %swap3A_1086 = tpu.vector_load %arg7[%swap3A_1084, %swap3A_1085] {strides = array<i32>} : memref<128x256xf32, #tpu.memory_space<vmem>>, vector<1x16xf32>,
      %swap3A_1087 = vector.shape_cast %swap3A_1086 : vector<1x16xf32> to vector<16xf32>
      %swap3A_1088 = vector.shape_cast %get3A_306 : vector<16xf32> to vector<1x16xf32>
      tpu.vector_store %arg7[%swap3A_1084, %swap3A_1085], %swap3A_1088 {strides = array<i32>} : memref<128x256xf32, #tpu.memory_space<vmem>>, vector<1x16xf32>,
      %swap3A_1089 = arith.index_cast %add3A_1083 : i32 to index
      %swap3A_1090 = arith.constant 16 : index
      %swap3A_1091 = tpu.vector_load %arg7[%swap3A_1089, %swap3A_1090] {strides = array<i32>} : memref<128x256xf32, #tpu.memory_space<vmem>>, vector<1x16xf32>,
      %swap3A_1092 = vector.shape_cast %swap3A_1091 : vector<1x16xf32> to vector<16xf32>
      %swap3A_1093 = vector.shape_cast %get3A_309 : vector<16xf32> to vector<1x16xf32>
      tpu.vector_store %arg7[%swap3A_1089, %swap3A_1090], %swap3A_1093 {strides = array<i32>} : memref<128x256xf32, #tpu.memory_space<vmem>>, vector<1x16xf32>,
      %swap3A_1094 = arith.index_cast %add3A_1083 : i32 to index
      %swap3A_1095 = arith.constant 32 : index
      %swap3A_1096 = tpu.vector_load %arg7[%swap3A_1094, %swap3A_1095] {strides = array<i32>} : memref<128x256xf32, #tpu.memory_space<vmem>>, vector<1x16xf32>,
      %swap3A_1097 = vector.shape_cast %swap3A_1096 : vector<1x16xf32> to vector<16xf32>
      %swap3A_1098 = vector.shape_cast %get3A_312 : vector<16xf32> to vector<1x16xf32>
      tpu.vector_store %arg7[%swap3A_1094, %swap3A_1095], %swap3A_1098 {strides = array<i32>} : memref<128x256xf32, #tpu.memory_space<vmem>>, vector<1x16xf32>,
      %swap3A_1099 = arith.index_cast %add3A_1083 : i32 to index
      %swap3A_1100 = arith.constant 48 : index
      %swap3A_1101 = tpu.vector_load %arg7[%swap3A_1099, %swap3A_1100] {strides = array<i32>} : memref<128x256xf32, #tpu.memory_space<vmem>>, vector<1x16xf32>,
      %swap3A_1102 = vector.shape_cast %swap3A_1101 : vector<1x16xf32> to vector<16xf32>
      %swap3A_1103 = vector.shape_cast %get3A_315 : vector<16xf32> to vector<1x16xf32>
      tpu.vector_store %arg7[%swap3A_1099, %swap3A_1100], %swap3A_1103 {strides = array<i32>} : memref<128x256xf32, #tpu.memory_space<vmem>>, vector<1x16xf32>,
      %swap3A_1104 = arith.index_cast %add3A_1083 : i32 to index
      %swap3A_1105 = arith.constant 64 : index
      %swap3A_1106 = tpu.vector_load %arg7[%swap3A_1104, %swap3A_1105] {strides = array<i32>} : memref<128x256xf32, #tpu.memory_space<vmem>>, vector<1x16xf32>,
      %swap3A_1107 = vector.shape_cast %swap3A_1106 : vector<1x16xf32> to vector<16xf32>
      %swap3A_1108 = vector.shape_cast %get3A_318 : vector<16xf32> to vector<1x16xf32>
      tpu.vector_store %arg7[%swap3A_1104, %swap3A_1105], %swap3A_1108 {strides = array<i32>} : memref<128x256xf32, #tpu.memory_space<vmem>>, vector<1x16xf32>,
      %swap3A_1109 = arith.index_cast %add3A_1083 : i32 to index
      %swap3A_1110 = arith.constant 80 : index
      %swap3A_1111 = tpu.vector_load %arg7[%swap3A_1109, %swap3A_1110] {strides = array<i32>} : memref<128x256xf32, #tpu.memory_space<vmem>>, vector<1x16xf32>,
      %swap3A_1112 = vector.shape_cast %swap3A_1111 : vector<1x16xf32> to vector<16xf32>
      %swap3A_1113 = vector.shape_cast %get3A_321 : vector<16xf32> to vector<1x16xf32>
      tpu.vector_store %arg7[%swap3A_1109, %swap3A_1110], %swap3A_1113 {strides = array<i32>} : memref<128x256xf32, #tpu.memory_space<vmem>>, vector<1x16xf32>,
      %swap3A_1114 = arith.index_cast %add3A_1083 : i32 to index
      %swap3A_1115 = arith.constant 96 : index
      %swap3A_1116 = tpu.vector_load %arg7[%swap3A_1114, %swap3A_1115] {strides = array<i32>} : memref<128x256xf32, #tpu.memory_space<vmem>>, vector<1x16xf32>,
      %swap3A_1117 = vector.shape_cast %swap3A_1116 : vector<1x16xf32> to vector<16xf32>
      %swap3A_1118 = vector.shape_cast %get3A_324 : vector<16xf32> to vector<1x16xf32>
      tpu.vector_store %arg7[%swap3A_1114, %swap3A_1115], %swap3A_1118 {strides = array<i32>} : memref<128x256xf32, #tpu.memory_space<vmem>>, vector<1x16xf32>,
      %swap3A_1119 = arith.index_cast %add3A_1083 : i32 to index
      %swap3A_1120 = arith.constant 112 : index
      %swap3A_1121 = tpu.vector_load %arg7[%swap3A_1119, %swap3A_1120] {strides = array<i32>} : memref<128x256xf32, #tpu.memory_space<vmem>>, vector<1x16xf32>,
      %swap3A_1122 = vector.shape_cast %swap3A_1121 : vector<1x16xf32> to vector<16xf32>
      %swap3A_1123 = vector.shape_cast %get3A_327 : vector<16xf32> to vector<1x16xf32>
      tpu.vector_store %arg7[%swap3A_1119, %swap3A_1120], %swap3A_1123 {strides = array<i32>} : memref<128x256xf32, #tpu.memory_space<vmem>>, vector<1x16xf32>,
      %swap3A_1124 = arith.index_cast %add3A_1083 : i32 to index
      %swap3A_1125 = arith.constant 128 : index
      %swap3A_1126 = tpu.vector_load %arg7[%swap3A_1124, %swap3A_1125] {strides = array<i32>} : memref<128x256xf32, #tpu.memory_space<vmem>>, vector<1x16xf32>,
      %swap3A_1127 = vector.shape_cast %swap3A_1126 : vector<1x16xf32> to vector<16xf32>
      %swap3A_1128 = vector.shape_cast %get3A_330 : vector<16xf32> to vector<1x16xf32>
      tpu.vector_store %arg7[%swap3A_1124, %swap3A_1125], %swap3A_1128 {strides = array<i32>} : memref<128x256xf32, #tpu.memory_space<vmem>>, vector<1x16xf32>,
      %swap3A_1129 = arith.index_cast %add3A_1083 : i32 to index
      %swap3A_1130 = arith.constant 144 : index
      %swap3A_1131 = tpu.vector_load %arg7[%swap3A_1129, %swap3A_1130] {strides = array<i32>} : memref<128x256xf32, #tpu.memory_space<vmem>>, vector<1x16xf32>,
      %swap3A_1132 = vector.shape_cast %swap3A_1131 : vector<1x16xf32> to vector<16xf32>
      %swap3A_1133 = vector.shape_cast %get3A_333 : vector<16xf32> to vector<1x16xf32>
      tpu.vector_store %arg7[%swap3A_1129, %swap3A_1130], %swap3A_1133 {strides = array<i32>} : memref<128x256xf32, #tpu.memory_space<vmem>>, vector<1x16xf32>,
      %swap3A_1134 = arith.index_cast %add3A_1083 : i32 to index
      %swap3A_1135 = arith.constant 160 : index
      %swap3A_1136 = tpu.vector_load %arg7[%swap3A_1134, %swap3A_1135] {strides = array<i32>} : memref<128x256xf32, #tpu.memory_space<vmem>>, vector<1x16xf32>,
      %swap3A_1137 = vector.shape_cast %swap3A_1136 : vector<1x16xf32> to vector<16xf32>
      %swap3A_1138 = vector.shape_cast %get3A_336 : vector<16xf32> to vector<1x16xf32>
      tpu.vector_store %arg7[%swap3A_1134, %swap3A_1135], %swap3A_1138 {strides = array<i32>} : memref<128x256xf32, #tpu.memory_space<vmem>>, vector<1x16xf32>,
      %swap3A_1139 = arith.index_cast %add3A_1083 : i32 to index
      %swap3A_1140 = arith.constant 176 : index
      %swap3A_1141 = tpu.vector_load %arg7[%swap3A_1139, %swap3A_1140] {strides = array<i32>} : memref<128x256xf32, #tpu.memory_space<vmem>>, vector<1x16xf32>,
      %swap3A_1142 = vector.shape_cast %swap3A_1141 : vector<1x16xf32> to vector<16xf32>
      %swap3A_1143 = vector.shape_cast %get3A_339 : vector<16xf32> to vector<1x16xf32>
      tpu.vector_store %arg7[%swap3A_1139, %swap3A_1140], %swap3A_1143 {strides = array<i32>} : memref<128x256xf32, #tpu.memory_space<vmem>>, vector<1x16xf32>,
      %swap3A_1144 = arith.index_cast %add3A_1083 : i32 to index
      %swap3A_1145 = arith.constant 192 : index
      %swap3A_1146 = tpu.vector_load %arg7[%swap3A_1144, %swap3A_1145] {strides = array<i32>} : memref<128x256xf32, #tpu.memory_space<vmem>>, vector<1x16xf32>,
      %swap3A_1147 = vector.shape_cast %swap3A_1146 : vector<1x16xf32> to vector<16xf32>
      %swap3A_1148 = vector.shape_cast %get3A_342 : vector<16xf32> to vector<1x16xf32>
      tpu.vector_store %arg7[%swap3A_1144, %swap3A_1145], %swap3A_1148 {strides = array<i32>} : memref<128x256xf32, #tpu.memory_space<vmem>>, vector<1x16xf32>,
      %swap3A_1149 = arith.index_cast %add3A_1083 : i32 to index
      %swap3A_1150 = arith.constant 208 : index
      %swap3A_1151 = tpu.vector_load %arg7[%swap3A_1149, %swap3A_1150] {strides = array<i32>} : memref<128x256xf32, #tpu.memory_space<vmem>>, vector<1x16xf32>,
      %swap3A_1152 = vector.shape_cast %swap3A_1151 : vector<1x16xf32> to vector<16xf32>
      %swap3A_1153 = vector.shape_cast %get3A_345 : vector<16xf32> to vector<1x16xf32>
      tpu.vector_store %arg7[%swap3A_1149, %swap3A_1150], %swap3A_1153 {strides = array<i32>} : memref<128x256xf32, #tpu.memory_space<vmem>>, vector<1x16xf32>,
      %swap3A_1154 = arith.index_cast %add3A_1083 : i32 to index
      %swap3A_1155 = arith.constant 224 : index
      %swap3A_1156 = tpu.vector_load %arg7[%swap3A_1154, %swap3A_1155] {strides = array<i32>} : memref<128x256xf32, #tpu.memory_space<vmem>>, vector<1x16xf32>,
      %swap3A_1157 = vector.shape_cast %swap3A_1156 : vector<1x16xf32> to vector<16xf32>
      %swap3A_1158 = vector.shape_cast %get3A_348 : vector<16xf32> to vector<1x16xf32>
      tpu.vector_store %arg7[%swap3A_1154, %swap3A_1155], %swap3A_1158 {strides = array<i32>} : memref<128x256xf32, #tpu.memory_space<vmem>>, vector<1x16xf32>,
      %swap3A_1159 = arith.index_cast %add3A_1083 : i32 to index
      %swap3A_1160 = arith.constant 240 : index
      %swap3A_1161 = tpu.vector_load %arg7[%swap3A_1159, %swap3A_1160] {strides = array<i32>} : memref<128x256xf32, #tpu.memory_space<vmem>>, vector<1x16xf32>,
      %swap3A_1162 = vector.shape_cast %swap3A_1161 : vector<1x16xf32> to vector<16xf32>
      %swap3A_1163 = vector.shape_cast %get3A_351 : vector<16xf32> to vector<1x16xf32>
      tpu.vector_store %arg7[%swap3A_1159, %swap3A_1160], %swap3A_1163 {strides = array<i32>} : memref<128x256xf32, #tpu.memory_space<vmem>>, vector<1x16xf32>,
      %mul3A_1164 = arith.constant 4 : i32
      %mul3A_1165 = arith.muli %scan3A_912, %mul3A_1164 : i32
      %add3A_1166 = arith.constant 3 : i32
      %add3A_1167 = arith.addi %mul3A_1165, %add3A_1166 : i32
      %swap3A_1168 = arith.index_cast %add3A_1167 : i32 to index
      %swap3A_1169 = arith.constant 0 : index
      %swap3A_1170 = tpu.vector_load %arg7[%swap3A_1168, %swap3A_1169] {strides = array<i32>} : memref<128x256xf32, #tpu.memory_space<vmem>>, vector<1x16xf32>,
      %swap3A_1171 = vector.shape_cast %swap3A_1170 : vector<1x16xf32> to vector<16xf32>
      %swap3A_1172 = vector.shape_cast %get3A_306 : vector<16xf32> to vector<1x16xf32>
      tpu.vector_store %arg7[%swap3A_1168, %swap3A_1169], %swap3A_1172 {strides = array<i32>} : memref<128x256xf32, #tpu.memory_space<vmem>>, vector<1x16xf32>,
      %swap3A_1173 = arith.index_cast %add3A_1167 : i32 to index
      %swap3A_1174 = arith.constant 16 : index
      %swap3A_1175 = tpu.vector_load %arg7[%swap3A_1173, %swap3A_1174] {strides = array<i32>} : memref<128x256xf32, #tpu.memory_space<vmem>>, vector<1x16xf32>,
      %swap3A_1176 = vector.shape_cast %swap3A_1175 : vector<1x16xf32> to vector<16xf32>
      %swap3A_1177 = vector.shape_cast %get3A_309 : vector<16xf32> to vector<1x16xf32>
      tpu.vector_store %arg7[%swap3A_1173, %swap3A_1174], %swap3A_1177 {strides = array<i32>} : memref<128x256xf32, #tpu.memory_space<vmem>>, vector<1x16xf32>,
      %swap3A_1178 = arith.index_cast %add3A_1167 : i32 to index
      %swap3A_1179 = arith.constant 32 : index
      %swap3A_1180 = tpu.vector_load %arg7[%swap3A_1178, %swap3A_1179] {strides = array<i32>} : memref<128x256xf32, #tpu.memory_space<vmem>>, vector<1x16xf32>,
      %swap3A_1181 = vector.shape_cast %swap3A_1180 : vector<1x16xf32> to vector<16xf32>
      %swap3A_1182 = vector.shape_cast %get3A_312 : vector<16xf32> to vector<1x16xf32>
      tpu.vector_store %arg7[%swap3A_1178, %swap3A_1179], %swap3A_1182 {strides = array<i32>} : memref<128x256xf32, #tpu.memory_space<vmem>>, vector<1x16xf32>,
      %swap3A_1183 = arith.index_cast %add3A_1167 : i32 to index
      %swap3A_1184 = arith.constant 48 : index
      %swap3A_1185 = tpu.vector_load %arg7[%swap3A_1183, %swap3A_1184] {strides = array<i32>} : memref<128x256xf32, #tpu.memory_space<vmem>>, vector<1x16xf32>,
      %swap3A_1186 = vector.shape_cast %swap3A_1185 : vector<1x16xf32> to vector<16xf32>
      %swap3A_1187 = vector.shape_cast %get3A_315 : vector<16xf32> to vector<1x16xf32>
      tpu.vector_store %arg7[%swap3A_1183, %swap3A_1184], %swap3A_1187 {strides = array<i32>} : memref<128x256xf32, #tpu.memory_space<vmem>>, vector<1x16xf32>,
      %swap3A_1188 = arith.index_cast %add3A_1167 : i32 to index
      %swap3A_1189 = arith.constant 64 : index
      %swap3A_1190 = tpu.vector_load %arg7[%swap3A_1188, %swap3A_1189] {strides = array<i32>} : memref<128x256xf32, #tpu.memory_space<vmem>>, vector<1x16xf32>,
      %swap3A_1191 = vector.shape_cast %swap3A_1190 : vector<1x16xf32> to vector<16xf32>
      %swap3A_1192 = vector.shape_cast %get3A_318 : vector<16xf32> to vector<1x16xf32>
      tpu.vector_store %arg7[%swap3A_1188, %swap3A_1189], %swap3A_1192 {strides = array<i32>} : memref<128x256xf32, #tpu.memory_space<vmem>>, vector<1x16xf32>,
      %swap3A_1193 = arith.index_cast %add3A_1167 : i32 to index
      %swap3A_1194 = arith.constant 80 : index
      %swap3A_1195 = tpu.vector_load %arg7[%swap3A_1193, %swap3A_1194] {strides = array<i32>} : memref<128x256xf32, #tpu.memory_space<vmem>>, vector<1x16xf32>,
      %swap3A_1196 = vector.shape_cast %swap3A_1195 : vector<1x16xf32> to vector<16xf32>
      %swap3A_1197 = vector.shape_cast %get3A_321 : vector<16xf32> to vector<1x16xf32>
      tpu.vector_store %arg7[%swap3A_1193, %swap3A_1194], %swap3A_1197 {strides = array<i32>} : memref<128x256xf32, #tpu.memory_space<vmem>>, vector<1x16xf32>,
      %swap3A_1198 = arith.index_cast %add3A_1167 : i32 to index
      %swap3A_1199 = arith.constant 96 : index
      %swap3A_1200 = tpu.vector_load %arg7[%swap3A_1198, %swap3A_1199] {strides = array<i32>} : memref<128x256xf32, #tpu.memory_space<vmem>>, vector<1x16xf32>,
      %swap3A_1201 = vector.shape_cast %swap3A_1200 : vector<1x16xf32> to vector<16xf32>
      %swap3A_1202 = vector.shape_cast %get3A_324 : vector<16xf32> to vector<1x16xf32>
      tpu.vector_store %arg7[%swap3A_1198, %swap3A_1199], %swap3A_1202 {strides = array<i32>} : memref<128x256xf32, #tpu.memory_space<vmem>>, vector<1x16xf32>,
      %swap3A_1203 = arith.index_cast %add3A_1167 : i32 to index
      %swap3A_1204 = arith.constant 112 : index
      %swap3A_1205 = tpu.vector_load %arg7[%swap3A_1203, %swap3A_1204] {strides = array<i32>} : memref<128x256xf32, #tpu.memory_space<vmem>>, vector<1x16xf32>,
      %swap3A_1206 = vector.shape_cast %swap3A_1205 : vector<1x16xf32> to vector<16xf32>
      %swap3A_1207 = vector.shape_cast %get3A_327 : vector<16xf32> to vector<1x16xf32>
      tpu.vector_store %arg7[%swap3A_1203, %swap3A_1204], %swap3A_1207 {strides = array<i32>} : memref<128x256xf32, #tpu.memory_space<vmem>>, vector<1x16xf32>,
      %swap3A_1208 = arith.index_cast %add3A_1167 : i32 to index
      %swap3A_1209 = arith.constant 128 : index
      %swap3A_1210 = tpu.vector_load %arg7[%swap3A_1208, %swap3A_1209] {strides = array<i32>} : memref<128x256xf32, #tpu.memory_space<vmem>>, vector<1x16xf32>,
      %swap3A_1211 = vector.shape_cast %swap3A_1210 : vector<1x16xf32> to vector<16xf32>
      %swap3A_1212 = vector.shape_cast %get3A_330 : vector<16xf32> to vector<1x16xf32>
      tpu.vector_store %arg7[%swap3A_1208, %swap3A_1209], %swap3A_1212 {strides = array<i32>} : memref<128x256xf32, #tpu.memory_space<vmem>>, vector<1x16xf32>,
      %swap3A_1213 = arith.index_cast %add3A_1167 : i32 to index
      %swap3A_1214 = arith.constant 144 : index
      %swap3A_1215 = tpu.vector_load %arg7[%swap3A_1213, %swap3A_1214] {strides = array<i32>} : memref<128x256xf32, #tpu.memory_space<vmem>>, vector<1x16xf32>,
      %swap3A_1216 = vector.shape_cast %swap3A_1215 : vector<1x16xf32> to vector<16xf32>
      %swap3A_1217 = vector.shape_cast %get3A_333 : vector<16xf32> to vector<1x16xf32>
      tpu.vector_store %arg7[%swap3A_1213, %swap3A_1214], %swap3A_1217 {strides = array<i32>} : memref<128x256xf32, #tpu.memory_space<vmem>>, vector<1x16xf32>,
      %swap3A_1218 = arith.index_cast %add3A_1167 : i32 to index
      %swap3A_1219 = arith.constant 160 : index
      %swap3A_1220 = tpu.vector_load %arg7[%swap3A_1218, %swap3A_1219] {strides = array<i32>} : memref<128x256xf32, #tpu.memory_space<vmem>>, vector<1x16xf32>,
      %swap3A_1221 = vector.shape_cast %swap3A_1220 : vector<1x16xf32> to vector<16xf32>
      %swap3A_1222 = vector.shape_cast %get3A_336 : vector<16xf32> to vector<1x16xf32>
      tpu.vector_store %arg7[%swap3A_1218, %swap3A_1219], %swap3A_1222 {strides = array<i32>} : memref<128x256xf32, #tpu.memory_space<vmem>>, vector<1x16xf32>,
      %swap3A_1223 = arith.index_cast %add3A_1167 : i32 to index
      %swap3A_1224 = arith.constant 176 : index
      %swap3A_1225 = tpu.vector_load %arg7[%swap3A_1223, %swap3A_1224] {strides = array<i32>} : memref<128x256xf32, #tpu.memory_space<vmem>>, vector<1x16xf32>,
      %swap3A_1226 = vector.shape_cast %swap3A_1225 : vector<1x16xf32> to vector<16xf32>
      %swap3A_1227 = vector.shape_cast %get3A_339 : vector<16xf32> to vector<1x16xf32>
      tpu.vector_store %arg7[%swap3A_1223, %swap3A_1224], %swap3A_1227 {strides = array<i32>} : memref<128x256xf32, #tpu.memory_space<vmem>>, vector<1x16xf32>,
      %swap3A_1228 = arith.index_cast %add3A_1167 : i32 to index
      %swap3A_1229 = arith.constant 192 : index
      %swap3A_1230 = tpu.vector_load %arg7[%swap3A_1228, %swap3A_1229] {strides = array<i32>} : memref<128x256xf32, #tpu.memory_space<vmem>>, vector<1x16xf32>,
      %swap3A_1231 = vector.shape_cast %swap3A_1230 : vector<1x16xf32> to vector<16xf32>
      %swap3A_1232 = vector.shape_cast %get3A_342 : vector<16xf32> to vector<1x16xf32>
      tpu.vector_store %arg7[%swap3A_1228, %swap3A_1229], %swap3A_1232 {strides = array<i32>} : memref<128x256xf32, #tpu.memory_space<vmem>>, vector<1x16xf32>,
      %swap3A_1233 = arith.index_cast %add3A_1167 : i32 to index
      %swap3A_1234 = arith.constant 208 : index
      %swap3A_1235 = tpu.vector_load %arg7[%swap3A_1233, %swap3A_1234] {strides = array<i32>} : memref<128x256xf32, #tpu.memory_space<vmem>>, vector<1x16xf32>,
      %swap3A_1236 = vector.shape_cast %swap3A_1235 : vector<1x16xf32> to vector<16xf32>
      %swap3A_1237 = vector.shape_cast %get3A_345 : vector<16xf32> to vector<1x16xf32>
      tpu.vector_store %arg7[%swap3A_1233, %swap3A_1234], %swap3A_1237 {strides = array<i32>} : memref<128x256xf32, #tpu.memory_space<vmem>>, vector<1x16xf32>,
      %swap3A_1238 = arith.index_cast %add3A_1167 : i32 to index
      %swap3A_1239 = arith.constant 224 : index
      %swap3A_1240 = tpu.vector_load %arg7[%swap3A_1238, %swap3A_1239] {strides = array<i32>} : memref<128x256xf32, #tpu.memory_space<vmem>>, vector<1x16xf32>,
      %swap3A_1241 = vector.shape_cast %swap3A_1240 : vector<1x16xf32> to vector<16xf32>
      %swap3A_1242 = vector.shape_cast %get3A_348 : vector<16xf32> to vector<1x16xf32>
      tpu.vector_store %arg7[%swap3A_1238, %swap3A_1239], %swap3A_1242 {strides = array<i32>} : memref<128x256xf32, #tpu.memory_space<vmem>>, vector<1x16xf32>,
      %swap3A_1243 = arith.index_cast %add3A_1167 : i32 to index
      %swap3A_1244 = arith.constant 240 : index
      %swap3A_1245 = tpu.vector_load %arg7[%swap3A_1243, %swap3A_1244] {strides = array<i32>} : memref<128x256xf32, #tpu.memory_space<vmem>>, vector<1x16xf32>,
      %swap3A_1246 = vector.shape_cast %swap3A_1245 : vector<1x16xf32> to vector<16xf32>
      %swap3A_1247 = vector.shape_cast %get3A_351 : vector<16xf32> to vector<1x16xf32>
      tpu.vector_store %arg7[%swap3A_1243, %swap3A_1244], %swap3A_1247 {strides = array<i32>} : memref<128x256xf32, #tpu.memory_space<vmem>>, vector<1x16xf32>,
    }
    %scan3A_356 = arith.constant 32 : i32
    %dma_start3A_357 = arith.constant 0 : i32
    %dma_start3A_358 = arith.constant 0 : i32
    %dma_start3A_359 = arith.constant 0 : i32
    %dma_start3A_360 = tpu.memref_slice %arg4[%dma_start3A_357, %add3A_23, %dma_start3A_358, %dma_start3A_359] : memref<8x144x128x256xf32, #tpu.memory_space<hbm>> -> memref<1x1x128x256xf32, #tpu.memory_space<hbm>>
    %dma_start3A_361 = tpu.memref_squeeze %dma_start3A_360 : memref<1x1x128x256xf32, #tpu.memory_space<hbm>> -> memref<128x256xf32, #tpu.memory_space<hbm>>
    %dma_start3A_362 = arith.constant 0 : i32
    %dma_start3A_363 = arith.constant 0 : i32
    %dma_start3A_364 = tpu.memref_slice %arg4[%dma_start3A_357, %add3A_23, %dma_start3A_362, %dma_start3A_363] : memref<8x144x128x256xf32, #tpu.memory_space<hbm>> -> memref<1x1x128x256xf32, #tpu.memory_space<hbm>>
    %dma_start3A_365 = tpu.memref_squeeze %dma_start3A_364 : memref<1x1x128x256xf32, #tpu.memory_space<hbm>> -> memref<128x256xf32, #tpu.memory_space<hbm>>
    tpu.enqueue_dma source(%arg7 : memref<128x256xf32, #tpu.memory_space<vmem>>) target(%dma_start3A_365 : memref<128x256xf32, #tpu.memory_space<hbm>>) target_semaphore(%arg12 : memref<!tpu.dma_semaphore, #tpu.memory_space<semaphore_mem>>)
    %dma_start3A_366 = arith.constant 1 : i32
    %dma_start3A_367 = arith.constant 0 : i32
    %dma_start3A_368 = arith.constant 0 : i32
    %dma_start3A_369 = tpu.memref_slice %arg4[%dma_start3A_366, %add3A_23, %dma_start3A_367, %dma_start3A_368] : memref<8x144x128x256xf32, #tpu.memory_space<hbm>> -> memref<1x1x128x256xf32, #tpu.memory_space<hbm>>
    %dma_start3A_370 = tpu.memref_squeeze %dma_start3A_369 : memref<1x1x128x256xf32, #tpu.memory_space<hbm>> -> memref<128x256xf32, #tpu.memory_space<hbm>>
    %dma_start3A_371 = arith.constant 0 : i32
    %dma_start3A_372 = arith.constant 0 : i32
    %dma_start3A_373 = tpu.memref_slice %arg4[%dma_start3A_366, %add3A_23, %dma_start3A_371, %dma_start3A_372] : memref<8x144x128x256xf32, #tpu.memory_space<hbm>> -> memref<1x1x128x256xf32, #tpu.memory_space<hbm>>
    %dma_start3A_374 = tpu.memref_squeeze %dma_start3A_373 : memref<1x1x128x256xf32, #tpu.memory_space<hbm>> -> memref<128x256xf32, #tpu.memory_space<hbm>>
    tpu.enqueue_dma source(%arg7 : memref<128x256xf32, #tpu.memory_space<vmem>>) target(%dma_start3A_374 : memref<128x256xf32, #tpu.memory_space<hbm>>) target_semaphore(%arg12 : memref<!tpu.dma_semaphore, #tpu.memory_space<semaphore_mem>>)
    %dma_start3A_375 = arith.constant 2 : i32
    %dma_start3A_376 = arith.constant 0 : i32
    %dma_start3A_377 = arith.constant 0 : i32
    %dma_start3A_378 = tpu.memref_slice %arg4[%dma_start3A_375, %add3A_23, %dma_start3A_376, %dma_start3A_377] : memref<8x144x128x256xf32, #tpu.memory_space<hbm>> -> memref<1x1x128x256xf32, #tpu.memory_space<hbm>>
    %dma_start3A_379 = tpu.memref_squeeze %dma_start3A_378 : memref<1x1x128x256xf32, #tpu.memory_space<hbm>> -> memref<128x256xf32, #tpu.memory_space<hbm>>
    %dma_start3A_380 = arith.constant 0 : i32
    %dma_start3A_381 = arith.constant 0 : i32
    %dma_start3A_382 = tpu.memref_slice %arg4[%dma_start3A_375, %add3A_23, %dma_start3A_380, %dma_start3A_381] : memref<8x144x128x256xf32, #tpu.memory_space<hbm>> -> memref<1x1x128x256xf32, #tpu.memory_space<hbm>>
    %dma_start3A_383 = tpu.memref_squeeze %dma_start3A_382 : memref<1x1x128x256xf32, #tpu.memory_space<hbm>> -> memref<128x256xf32, #tpu.memory_space<hbm>>
    tpu.enqueue_dma source(%arg7 : memref<128x256xf32, #tpu.memory_space<vmem>>) target(%dma_start3A_383 : memref<128x256xf32, #tpu.memory_space<hbm>>) target_semaphore(%arg12 : memref<!tpu.dma_semaphore, #tpu.memory_space<semaphore_mem>>)
    %dma_start3A_384 = arith.constant 3 : i32
    %dma_start3A_385 = arith.constant 0 : i32
    %dma_start3A_386 = arith.constant 0 : i32
    %dma_start3A_387 = tpu.memref_slice %arg4[%dma_start3A_384, %add3A_23, %dma_start3A_385, %dma_start3A_386] : memref<8x144x128x256xf32, #tpu.memory_space<hbm>> -> memref<1x1x128x256xf32, #tpu.memory_space<hbm>>
    %dma_start3A_388 = tpu.memref_squeeze %dma_start3A_387 : memref<1x1x128x256xf32, #tpu.memory_space<hbm>> -> memref<128x256xf32, #tpu.memory_space<hbm>>
    %dma_start3A_389 = arith.constant 0 : i32
    %dma_start3A_390 = arith.constant 0 : i32
    %dma_start3A_391 = tpu.memref_slice %arg4[%dma_start3A_384, %add3A_23, %dma_start3A_389, %dma_start3A_390] : memref<8x144x128x256xf32, #tpu.memory_space<hbm>> -> memref<1x1x128x256xf32, #tpu.memory_space<hbm>>
    %dma_start3A_392 = tpu.memref_squeeze %dma_start3A_391 : memref<1x1x128x256xf32, #tpu.memory_space<hbm>> -> memref<128x256xf32, #tpu.memory_space<hbm>>
    tpu.enqueue_dma source(%arg7 : memref<128x256xf32, #tpu.memory_space<vmem>>) target(%dma_start3A_392 : memref<128x256xf32, #tpu.memory_space<hbm>>) target_semaphore(%arg12 : memref<!tpu.dma_semaphore, #tpu.memory_space<semaphore_mem>>)
    %dma_start3A_393 = arith.constant 4 : i32
    %dma_start3A_394 = arith.constant 0 : i32
    %dma_start3A_395 = arith.constant 0 : i32
    %dma_start3A_396 = tpu.memref_slice %arg4[%dma_start3A_393, %add3A_23, %dma_start3A_394, %dma_start3A_395] : memref<8x144x128x256xf32, #tpu.memory_space<hbm>> -> memref<1x1x128x256xf32, #tpu.memory_space<hbm>>
    %dma_start3A_397 = tpu.memref_squeeze %dma_start3A_396 : memref<1x1x128x256xf32, #tpu.memory_space<hbm>> -> memref<128x256xf32, #tpu.memory_space<hbm>>
    %dma_start3A_398 = arith.constant 0 : i32
    %dma_start3A_399 = arith.constant 0 : i32
    %dma_start3A_400 = tpu.memref_slice %arg4[%dma_start3A_393, %add3A_23, %dma_start3A_398, %dma_start3A_399] : memref<8x144x128x256xf32, #tpu.memory_space<hbm>> -> memref<1x1x128x256xf32, #tpu.memory_space<hbm>>
    %dma_start3A_401 = tpu.memref_squeeze %dma_start3A_400 : memref<1x1x128x256xf32, #tpu.memory_space<hbm>> -> memref<128x256xf32, #tpu.memory_space<hbm>>
    tpu.enqueue_dma source(%arg7 : memref<128x256xf32, #tpu.memory_space<vmem>>) target(%dma_start3A_401 : memref<128x256xf32, #tpu.memory_space<hbm>>) target_semaphore(%arg12 : memref<!tpu.dma_semaphore, #tpu.memory_space<semaphore_mem>>)
    %dma_start3A_402 = arith.constant 5 : i32
    %dma_start3A_403 = arith.constant 0 : i32
    %dma_start3A_404 = arith.constant 0 : i32
    %dma_start3A_405 = tpu.memref_slice %arg4[%dma_start3A_402, %add3A_23, %dma_start3A_403, %dma_start3A_404] : memref<8x144x128x256xf32, #tpu.memory_space<hbm>> -> memref<1x1x128x256xf32, #tpu.memory_space<hbm>>
    %dma_start3A_406 = tpu.memref_squeeze %dma_start3A_405 : memref<1x1x128x256xf32, #tpu.memory_space<hbm>> -> memref<128x256xf32, #tpu.memory_space<hbm>>
    %dma_start3A_407 = arith.constant 0 : i32
    %dma_start3A_408 = arith.constant 0 : i32
    %dma_start3A_409 = tpu.memref_slice %arg4[%dma_start3A_402, %add3A_23, %dma_start3A_407, %dma_start3A_408] : memref<8x144x128x256xf32, #tpu.memory_space<hbm>> -> memref<1x1x128x256xf32, #tpu.memory_space<hbm>>
    %dma_start3A_410 = tpu.memref_squeeze %dma_start3A_409 : memref<1x1x128x256xf32, #tpu.memory_space<hbm>> -> memref<128x256xf32, #tpu.memory_space<hbm>>
    tpu.enqueue_dma source(%arg7 : memref<128x256xf32, #tpu.memory_space<vmem>>) target(%dma_start3A_410 : memref<128x256xf32, #tpu.memory_space<hbm>>) target_semaphore(%arg12 : memref<!tpu.dma_semaphore, #tpu.memory_space<semaphore_mem>>)
    %dma_start3A_411 = arith.constant 6 : i32
    %dma_start3A_412 = arith.constant 0 : i32
    %dma_start3A_413 = arith.constant 0 : i32
    %dma_start3A_414 = tpu.memref_slice %arg4[%dma_start3A_411, %add3A_23, %dma_start3A_412, %dma_start3A_413] : memref<8x144x128x256xf32, #tpu.memory_space<hbm>> -> memref<1x1x128x256xf32, #tpu.memory_space<hbm>>
    %dma_start3A_415 = tpu.memref_squeeze %dma_start3A_414 : memref<1x1x128x256xf32, #tpu.memory_space<hbm>> -> memref<128x256xf32, #tpu.memory_space<hbm>>
    %dma_start3A_416 = arith.constant 0 : i32
    %dma_start3A_417 = arith.constant 0 : i32
    %dma_start3A_418 = tpu.memref_slice %arg4[%dma_start3A_411, %add3A_23, %dma_start3A_416, %dma_start3A_417] : memref<8x144x128x256xf32, #tpu.memory_space<hbm>> -> memref<1x1x128x256xf32, #tpu.memory_space<hbm>>
    %dma_start3A_419 = tpu.memref_squeeze %dma_start3A_418 : memref<1x1x128x256xf32, #tpu.memory_space<hbm>> -> memref<128x256xf32, #tpu.memory_space<hbm>>
    tpu.enqueue_dma source(%arg7 : memref<128x256xf32, #tpu.memory_space<vmem>>) target(%dma_start3A_419 : memref<128x256xf32, #tpu.memory_space<hbm>>) target_semaphore(%arg12 : memref<!tpu.dma_semaphore, #tpu.memory_space<semaphore_mem>>)
    %dma_start3A_420 = arith.constant 7 : i32
    %dma_start3A_421 = arith.constant 0 : i32
    %dma_start3A_422 = arith.constant 0 : i32
    %dma_start3A_423 = tpu.memref_slice %arg4[%dma_start3A_420, %add3A_23, %dma_start3A_421, %dma_start3A_422] : memref<8x144x128x256xf32, #tpu.memory_space<hbm>> -> memref<1x1x128x256xf32, #tpu.memory_space<hbm>>
    %dma_start3A_424 = tpu.memref_squeeze %dma_start3A_423 : memref<1x1x128x256xf32, #tpu.memory_space<hbm>> -> memref<128x256xf32, #tpu.memory_space<hbm>>
    %dma_start3A_425 = arith.constant 0 : i32
    %dma_start3A_426 = arith.constant 0 : i32
    %dma_start3A_427 = tpu.memref_slice %arg4[%dma_start3A_420, %add3A_23, %dma_start3A_425, %dma_start3A_426] : memref<8x144x128x256xf32, #tpu.memory_space<hbm>> -> memref<1x1x128x256xf32, #tpu.memory_space<hbm>>
    %dma_start3A_428 = tpu.memref_squeeze %dma_start3A_427 : memref<1x1x128x256xf32, #tpu.memory_space<hbm>> -> memref<128x256xf32, #tpu.memory_space<hbm>>
    tpu.enqueue_dma source(%arg7 : memref<128x256xf32, #tpu.memory_space<vmem>>) target(%dma_start3A_428 : memref<128x256xf32, #tpu.memory_space<hbm>>) target_semaphore(%arg12 : memref<!tpu.dma_semaphore, #tpu.memory_space<semaphore_mem>>)
    %dma_wait3A = arith.constant 0 : i32
    %dma_wait3A_429 = arith.constant 0 : i32
    %dma_wait3A_430 = arith.constant 0 : i32
    %dma_wait3A_431 = tpu.memref_slice %arg4[%dma_wait3A, %add3A_15, %dma_wait3A_429, %dma_wait3A_430] : memref<8x144x128x256xf32, #tpu.memory_space<hbm>> -> memref<1x1x128x256xf32, #tpu.memory_space<hbm>>
    %dma_wait3A_432 = tpu.memref_squeeze %dma_wait3A_431 : memref<1x1x128x256xf32, #tpu.memory_space<hbm>> -> memref<128x256xf32, #tpu.memory_space<hbm>>
    %dma_wait3A_433 = arith.constant 0 : i32
    %dma_wait3A_434 = arith.constant 0 : i32
    %dma_wait3A_435 = tpu.memref_slice %arg4[%dma_wait3A, %add3A_15, %dma_wait3A_433, %dma_wait3A_434] : memref<8x144x128x256xf32, #tpu.memory_space<hbm>> -> memref<1x1x128x256xf32, #tpu.memory_space<hbm>>
    %dma_wait3A_436 = tpu.memref_squeeze %dma_wait3A_435 : memref<1x1x128x256xf32, #tpu.memory_space<hbm>> -> memref<128x256xf32, #tpu.memory_space<hbm>>
    tpu.wait_dma2 semaphore(%arg10 : memref<!tpu.dma_semaphore, #tpu.memory_space<semaphore_mem>>) src(%arg5 : memref<128x256xf32, #tpu.memory_space<vmem>>) dst(%dma_wait3A_436 : memref<128x256xf32, #tpu.memory_space<hbm>>)
    %dma_wait3A_437 = arith.constant 1 : i32
    %dma_wait3A_438 = arith.constant 0 : i32
    %dma_wait3A_439 = arith.constant 0 : i32
    %dma_wait3A_440 = tpu.memref_slice %arg4[%dma_wait3A_437, %add3A_15, %dma_wait3A_438, %dma_wait3A_439] : memref<8x144x128x256xf32, #tpu.memory_space<hbm>> -> memref<1x1x128x256xf32, #tpu.memory_space<hbm>>
    %dma_wait3A_441 = tpu.memref_squeeze %dma_wait3A_440 : memref<1x1x128x256xf32, #tpu.memory_space<hbm>> -> memref<128x256xf32, #tpu.memory_space<hbm>>
    %dma_wait3A_442 = arith.constant 0 : i32
    %dma_wait3A_443 = arith.constant 0 : i32
    %dma_wait3A_444 = tpu.memref_slice %arg4[%dma_wait3A_437, %add3A_15, %dma_wait3A_442, %dma_wait3A_443] : memref<8x144x128x256xf32, #tpu.memory_space<hbm>> -> memref<1x1x128x256xf32, #tpu.memory_space<hbm>>
    %dma_wait3A_445 = tpu.memref_squeeze %dma_wait3A_444 : memref<1x1x128x256xf32, #tpu.memory_space<hbm>> -> memref<128x256xf32, #tpu.memory_space<hbm>>
    tpu.wait_dma2 semaphore(%arg10 : memref<!tpu.dma_semaphore, #tpu.memory_space<semaphore_mem>>) src(%arg5 : memref<128x256xf32, #tpu.memory_space<vmem>>) dst(%dma_wait3A_445 : memref<128x256xf32, #tpu.memory_space<hbm>>)
    %dma_wait3A_446 = arith.constant 2 : i32
    %dma_wait3A_447 = arith.constant 0 : i32
    %dma_wait3A_448 = arith.constant 0 : i32
    %dma_wait3A_449 = tpu.memref_slice %arg4[%dma_wait3A_446, %add3A_15, %dma_wait3A_447, %dma_wait3A_448] : memref<8x144x128x256xf32, #tpu.memory_space<hbm>> -> memref<1x1x128x256xf32, #tpu.memory_space<hbm>>
    %dma_wait3A_450 = tpu.memref_squeeze %dma_wait3A_449 : memref<1x1x128x256xf32, #tpu.memory_space<hbm>> -> memref<128x256xf32, #tpu.memory_space<hbm>>
    %dma_wait3A_451 = arith.constant 0 : i32
    %dma_wait3A_452 = arith.constant 0 : i32
    %dma_wait3A_453 = tpu.memref_slice %arg4[%dma_wait3A_446, %add3A_15, %dma_wait3A_451, %dma_wait3A_452] : memref<8x144x128x256xf32, #tpu.memory_space<hbm>> -> memref<1x1x128x256xf32, #tpu.memory_space<hbm>>
    %dma_wait3A_454 = tpu.memref_squeeze %dma_wait3A_453 : memref<1x1x128x256xf32, #tpu.memory_space<hbm>> -> memref<128x256xf32, #tpu.memory_space<hbm>>
    tpu.wait_dma2 semaphore(%arg10 : memref<!tpu.dma_semaphore, #tpu.memory_space<semaphore_mem>>) src(%arg5 : memref<128x256xf32, #tpu.memory_space<vmem>>) dst(%dma_wait3A_454 : memref<128x256xf32, #tpu.memory_space<hbm>>)
    %dma_wait3A_455 = arith.constant 3 : i32
    %dma_wait3A_456 = arith.constant 0 : i32
    %dma_wait3A_457 = arith.constant 0 : i32
    %dma_wait3A_458 = tpu.memref_slice %arg4[%dma_wait3A_455, %add3A_15, %dma_wait3A_456, %dma_wait3A_457] : memref<8x144x128x256xf32, #tpu.memory_space<hbm>> -> memref<1x1x128x256xf32, #tpu.memory_space<hbm>>
    %dma_wait3A_459 = tpu.memref_squeeze %dma_wait3A_458 : memref<1x1x128x256xf32, #tpu.memory_space<hbm>> -> memref<128x256xf32, #tpu.memory_space<hbm>>
    %dma_wait3A_460 = arith.constant 0 : i32
    %dma_wait3A_461 = arith.constant 0 : i32
    %dma_wait3A_462 = tpu.memref_slice %arg4[%dma_wait3A_455, %add3A_15, %dma_wait3A_460, %dma_wait3A_461] : memref<8x144x128x256xf32, #tpu.memory_space<hbm>> -> memref<1x1x128x256xf32, #tpu.memory_space<hbm>>
    %dma_wait3A_463 = tpu.memref_squeeze %dma_wait3A_462 : memref<1x1x128x256xf32, #tpu.memory_space<hbm>> -> memref<128x256xf32, #tpu.memory_space<hbm>>
    tpu.wait_dma2 semaphore(%arg10 : memref<!tpu.dma_semaphore, #tpu.memory_space<semaphore_mem>>) src(%arg5 : memref<128x256xf32, #tpu.memory_space<vmem>>) dst(%dma_wait3A_463 : memref<128x256xf32, #tpu.memory_space<hbm>>)
    %dma_wait3A_464 = arith.constant 4 : i32
    %dma_wait3A_465 = arith.constant 0 : i32
    %dma_wait3A_466 = arith.constant 0 : i32
    %dma_wait3A_467 = tpu.memref_slice %arg4[%dma_wait3A_464, %add3A_15, %dma_wait3A_465, %dma_wait3A_466] : memref<8x144x128x256xf32, #tpu.memory_space<hbm>> -> memref<1x1x128x256xf32, #tpu.memory_space<hbm>>
    %dma_wait3A_468 = tpu.memref_squeeze %dma_wait3A_467 : memref<1x1x128x256xf32, #tpu.memory_space<hbm>> -> memref<128x256xf32, #tpu.memory_space<hbm>>
    %dma_wait3A_469 = arith.constant 0 : i32
    %dma_wait3A_470 = arith.constant 0 : i32
    %dma_wait3A_471 = tpu.memref_slice %arg4[%dma_wait3A_464, %add3A_15, %dma_wait3A_469, %dma_wait3A_470] : memref<8x144x128x256xf32, #tpu.memory_space<hbm>> -> memref<1x1x128x256xf32, #tpu.memory_space<hbm>>
    %dma_wait3A_472 = tpu.memref_squeeze %dma_wait3A_471 : memref<1x1x128x256xf32, #tpu.memory_space<hbm>> -> memref<128x256xf32, #tpu.memory_space<hbm>>
    tpu.wait_dma2 semaphore(%arg10 : memref<!tpu.dma_semaphore, #tpu.memory_space<semaphore_mem>>) src(%arg5 : memref<128x256xf32, #tpu.memory_space<vmem>>) dst(%dma_wait3A_472 : memref<128x256xf32, #tpu.memory_space<hbm>>)
    %dma_wait3A_473 = arith.constant 5 : i32
    %dma_wait3A_474 = arith.constant 0 : i32
    %dma_wait3A_475 = arith.constant 0 : i32
    %dma_wait3A_476 = tpu.memref_slice %arg4[%dma_wait3A_473, %add3A_15, %dma_wait3A_474, %dma_wait3A_475] : memref<8x144x128x256xf32, #tpu.memory_space<hbm>> -> memref<1x1x128x256xf32, #tpu.memory_space<hbm>>
    %dma_wait3A_477 = tpu.memref_squeeze %dma_wait3A_476 : memref<1x1x128x256xf32, #tpu.memory_space<hbm>> -> memref<128x256xf32, #tpu.memory_space<hbm>>
    %dma_wait3A_478 = arith.constant 0 : i32
    %dma_wait3A_479 = arith.constant 0 : i32
    %dma_wait3A_480 = tpu.memref_slice %arg4[%dma_wait3A_473, %add3A_15, %dma_wait3A_478, %dma_wait3A_479] : memref<8x144x128x256xf32, #tpu.memory_space<hbm>> -> memref<1x1x128x256xf32, #tpu.memory_space<hbm>>
    %dma_wait3A_481 = tpu.memref_squeeze %dma_wait3A_480 : memref<1x1x128x256xf32, #tpu.memory_space<hbm>> -> memref<128x256xf32, #tpu.memory_space<hbm>>
    tpu.wait_dma2 semaphore(%arg10 : memref<!tpu.dma_semaphore, #tpu.memory_space<semaphore_mem>>) src(%arg5 : memref<128x256xf32, #tpu.memory_space<vmem>>) dst(%dma_wait3A_481 : memref<128x256xf32, #tpu.memory_space<hbm>>)
    %dma_wait3A_482 = arith.constant 6 : i32
    %dma_wait3A_483 = arith.constant 0 : i32
    %dma_wait3A_484 = arith.constant 0 : i32
    %dma_wait3A_485 = tpu.memref_slice %arg4[%dma_wait3A_482, %add3A_15, %dma_wait3A_483, %dma_wait3A_484] : memref<8x144x128x256xf32, #tpu.memory_space<hbm>> -> memref<1x1x128x256xf32, #tpu.memory_space<hbm>>
    %dma_wait3A_486 = tpu.memref_squeeze %dma_wait3A_485 : memref<1x1x128x256xf32, #tpu.memory_space<hbm>> -> memref<128x256xf32, #tpu.memory_space<hbm>>
    %dma_wait3A_487 = arith.constant 0 : i32
    %dma_wait3A_488 = arith.constant 0 : i32
    %dma_wait3A_489 = tpu.memref_slice %arg4[%dma_wait3A_482, %add3A_15, %dma_wait3A_487, %dma_wait3A_488] : memref<8x144x128x256xf32, #tpu.memory_space<hbm>> -> memref<1x1x128x256xf32, #tpu.memory_space<hbm>>
    %dma_wait3A_490 = tpu.memref_squeeze %dma_wait3A_489 : memref<1x1x128x256xf32, #tpu.memory_space<hbm>> -> memref<128x256xf32, #tpu.memory_space<hbm>>
    tpu.wait_dma2 semaphore(%arg10 : memref<!tpu.dma_semaphore, #tpu.memory_space<semaphore_mem>>) src(%arg5 : memref<128x256xf32, #tpu.memory_space<vmem>>) dst(%dma_wait3A_490 : memref<128x256xf32, #tpu.memory_space<hbm>>)
    %dma_wait3A_491 = arith.constant 7 : i32
    %dma_wait3A_492 = arith.constant 0 : i32
    %dma_wait3A_493 = arith.constant 0 : i32
    %dma_wait3A_494 = tpu.memref_slice %arg4[%dma_wait3A_491, %add3A_15, %dma_wait3A_492, %dma_wait3A_493] : memref<8x144x128x256xf32, #tpu.memory_space<hbm>> -> memref<1x1x128x256xf32, #tpu.memory_space<hbm>>
    %dma_wait3A_495 = tpu.memref_squeeze %dma_wait3A_494 : memref<1x1x128x256xf32, #tpu.memory_space<hbm>> -> memref<128x256xf32, #tpu.memory_space<hbm>>
    %dma_wait3A_496 = arith.constant 0 : i32
    %dma_wait3A_497 = arith.constant 0 : i32
    %dma_wait3A_498 = tpu.memref_slice %arg4[%dma_wait3A_491, %add3A_15, %dma_wait3A_496, %dma_wait3A_497] : memref<8x144x128x256xf32, #tpu.memory_space<hbm>> -> memref<1x1x128x256xf32, #tpu.memory_space<hbm>>
    %dma_wait3A_499 = tpu.memref_squeeze %dma_wait3A_498 : memref<1x1x128x256xf32, #tpu.memory_space<hbm>> -> memref<128x256xf32, #tpu.memory_space<hbm>>
    tpu.wait_dma2 semaphore(%arg10 : memref<!tpu.dma_semaphore, #tpu.memory_space<semaphore_mem>>) src(%arg5 : memref<128x256xf32, #tpu.memory_space<vmem>>) dst(%dma_wait3A_499 : memref<128x256xf32, #tpu.memory_space<hbm>>)
    "tpu.region"() ({
      %run_scoped3A = tpu.sem_alloc : memref<!tpu.dma_semaphore, #tpu.memory_space<semaphore_mem>>
      %dma_start3A_912 = arith.constant 0 : i32
      %dma_start3A_913 = tpu.memref_slice %arg2[%add3A_27, %dma_start3A_912] : memref<128x256xf32, #tpu.memory_space<hbm>> -> memref<1x256xf32, #tpu.memory_space<hbm>>
      %dma_start3A_914 = tpu.memref_squeeze %dma_start3A_913 : memref<1x256xf32, #tpu.memory_space<hbm>> -> memref<256xf32, #tpu.memory_space<hbm>>
      %dma_start3A_915 = arith.constant 0 : i32
      %dma_start3A_916 = tpu.memref_slice %arg2[%add3A_27, %dma_start3A_915] : memref<128x256xf32, #tpu.memory_space<hbm>> -> memref<1x256xf32, #tpu.memory_space<hbm>>
      %dma_start3A_917 = tpu.memref_squeeze %dma_start3A_916 : memref<1x256xf32, #tpu.memory_space<hbm>> -> memref<256xf32, #tpu.memory_space<hbm>>
      tpu.enqueue_dma source(%dma_start3A_917 : memref<256xf32, #tpu.memory_space<hbm>>) target(%arg8 : memref<256xf32, #tpu.memory_space<vmem>>) target_semaphore(%run_scoped3A : memref<!tpu.dma_semaphore, #tpu.memory_space<semaphore_mem>>)
      %dma_wait3A_918 = arith.constant 0 : i32
      %dma_wait3A_919 = tpu.memref_slice %arg2[%add3A_27, %dma_wait3A_918] : memref<128x256xf32, #tpu.memory_space<hbm>> -> memref<1x256xf32, #tpu.memory_space<hbm>>
      %dma_wait3A_920 = tpu.memref_squeeze %dma_wait3A_919 : memref<1x256xf32, #tpu.memory_space<hbm>> -> memref<256xf32, #tpu.memory_space<hbm>>
      %dma_wait3A_921 = arith.constant 0 : i32
      %dma_wait3A_922 = tpu.memref_slice %arg2[%add3A_27, %dma_wait3A_921] : memref<128x256xf32, #tpu.memory_space<hbm>> -> memref<1x256xf32, #tpu.memory_space<hbm>>
      %dma_wait3A_923 = tpu.memref_squeeze %dma_wait3A_922 : memref<1x256xf32, #tpu.memory_space<hbm>> -> memref<256xf32, #tpu.memory_space<hbm>>
      tpu.wait_dma2 semaphore(%run_scoped3A : memref<!tpu.dma_semaphore, #tpu.memory_space<semaphore_mem>>) src(%dma_wait3A_923 : memref<256xf32, #tpu.memory_space<hbm>>) dst(%arg8 : memref<256xf32, #tpu.memory_space<vmem>>)
      tpu.yield
    }) : () -> ()
    %get3A_500 = arith.constant 0 : index
    %get3A_501 = tpu.vector_load %arg8[%get3A_500] {strides = array<i32>} : memref<256xf32, #tpu.memory_space<vmem>>, vector<16xf32>,
    %get3A_502 = vector.shape_cast %get3A_501 : vector<16xf32> to vector<16xf32>
    %get3A_503 = arith.constant 16 : index
    %get3A_504 = tpu.vector_load %arg8[%get3A_503] {strides = array<i32>} : memref<256xf32, #tpu.memory_space<vmem>>, vector<16xf32>,
    %get3A_505 = vector.shape_cast %get3A_504 : vector<16xf32> to vector<16xf32>
    %get3A_506 = arith.constant 32 : index
    %get3A_507 = tpu.vector_load %arg8[%get3A_506] {strides = array<i32>} : memref<256xf32, #tpu.memory_space<vmem>>, vector<16xf32>,
    %get3A_508 = vector.shape_cast %get3A_507 : vector<16xf32> to vector<16xf32>
    %get3A_509 = arith.constant 48 : index
    %get3A_510 = tpu.vector_load %arg8[%get3A_509] {strides = array<i32>} : memref<256xf32, #tpu.memory_space<vmem>>, vector<16xf32>,
    %get3A_511 = vector.shape_cast %get3A_510 : vector<16xf32> to vector<16xf32>
    %get3A_512 = arith.constant 64 : index
    %get3A_513 = tpu.vector_load %arg8[%get3A_512] {strides = array<i32>} : memref<256xf32, #tpu.memory_space<vmem>>, vector<16xf32>,
    %get3A_514 = vector.shape_cast %get3A_513 : vector<16xf32> to vector<16xf32>
    %get3A_515 = arith.constant 80 : index
    %get3A_516 = tpu.vector_load %arg8[%get3A_515] {strides = array<i32>} : memref<256xf32, #tpu.memory_space<vmem>>, vector<16xf32>,
    %get3A_517 = vector.shape_cast %get3A_516 : vector<16xf32> to vector<16xf32>
    %get3A_518 = arith.constant 96 : index
    %get3A_519 = tpu.vector_load %arg8[%get3A_518] {strides = array<i32>} : memref<256xf32, #tpu.memory_space<vmem>>, vector<16xf32>,
    %get3A_520 = vector.shape_cast %get3A_519 : vector<16xf32> to vector<16xf32>
    %get3A_521 = arith.constant 112 : index
    %get3A_522 = tpu.vector_load %arg8[%get3A_521] {strides = array<i32>} : memref<256xf32, #tpu.memory_space<vmem>>, vector<16xf32>,
    %get3A_523 = vector.shape_cast %get3A_522 : vector<16xf32> to vector<16xf32>
    %get3A_524 = arith.constant 128 : index
    %get3A_525 = tpu.vector_load %arg8[%get3A_524] {strides = array<i32>} : memref<256xf32, #tpu.memory_space<vmem>>, vector<16xf32>,
    %get3A_526 = vector.shape_cast %get3A_525 : vector<16xf32> to vector<16xf32>
    %get3A_527 = arith.constant 144 : index
    %get3A_528 = tpu.vector_load %arg8[%get3A_527] {strides = array<i32>} : memref<256xf32, #tpu.memory_space<vmem>>, vector<16xf32>,
    %get3A_529 = vector.shape_cast %get3A_528 : vector<16xf32> to vector<16xf32>
    %get3A_530 = arith.constant 160 : index
    %get3A_531 = tpu.vector_load %arg8[%get3A_530] {strides = array<i32>} : memref<256xf32, #tpu.memory_space<vmem>>, vector<16xf32>,
    %get3A_532 = vector.shape_cast %get3A_531 : vector<16xf32> to vector<16xf32>
    %get3A_533 = arith.constant 176 : index
    %get3A_534 = tpu.vector_load %arg8[%get3A_533] {strides = array<i32>} : memref<256xf32, #tpu.memory_space<vmem>>, vector<16xf32>,
    %get3A_535 = vector.shape_cast %get3A_534 : vector<16xf32> to vector<16xf32>
    %get3A_536 = arith.constant 192 : index
    %get3A_537 = tpu.vector_load %arg8[%get3A_536] {strides = array<i32>} : memref<256xf32, #tpu.memory_space<vmem>>, vector<16xf32>,
    %get3A_538 = vector.shape_cast %get3A_537 : vector<16xf32> to vector<16xf32>
    %get3A_539 = arith.constant 208 : index
    %get3A_540 = tpu.vector_load %arg8[%get3A_539] {strides = array<i32>} : memref<256xf32, #tpu.memory_space<vmem>>, vector<16xf32>,
    %get3A_541 = vector.shape_cast %get3A_540 : vector<16xf32> to vector<16xf32>
    %get3A_542 = arith.constant 224 : index
    %get3A_543 = tpu.vector_load %arg8[%get3A_542] {strides = array<i32>} : memref<256xf32, #tpu.memory_space<vmem>>, vector<16xf32>,
    %get3A_544 = vector.shape_cast %get3A_543 : vector<16xf32> to vector<16xf32>
    %get3A_545 = arith.constant 240 : index
    %get3A_546 = tpu.vector_load %arg8[%get3A_545] {strides = array<i32>} : memref<256xf32, #tpu.memory_space<vmem>>, vector<16xf32>,
    %get3A_547 = vector.shape_cast %get3A_546 : vector<16xf32> to vector<16xf32>
    %scan3A_548 = arith.constant 0 : i32
    %scan3A_549 = arith.constant 32 : i32
    %scan3A_550 = arith.addi %scan3A_548, %scan3A_549 : i32
    %scan3A_551 = arith.constant 1 : i32
    scf.for %scan3A_912 = %scan3A_548 to %scan3A_550 step %scan3A_551  : i32 {
      %mul3A_913 = arith.constant 4 : i32
      %mul3A_914 = arith.muli %scan3A_912, %mul3A_913 : i32
      %add3A_915 = arith.constant 0 : i32
      %add3A_916 = arith.addi %mul3A_914, %add3A_915 : i32
      %swap3A = arith.index_cast %add3A_916 : i32 to index
      %swap3A_917 = arith.constant 0 : index
      %swap3A_918 = tpu.vector_load %arg5[%swap3A, %swap3A_917] {strides = array<i32>} : memref<128x256xf32, #tpu.memory_space<vmem>>, vector<1x16xf32>,
      %swap3A_919 = vector.shape_cast %swap3A_918 : vector<1x16xf32> to vector<16xf32>
      %swap3A_920 = vector.shape_cast %get3A_502 : vector<16xf32> to vector<1x16xf32>
      tpu.vector_store %arg5[%swap3A, %swap3A_917], %swap3A_920 {strides = array<i32>} : memref<128x256xf32, #tpu.memory_space<vmem>>, vector<1x16xf32>,
      %swap3A_921 = arith.index_cast %add3A_916 : i32 to index
      %swap3A_922 = arith.constant 16 : index
      %swap3A_923 = tpu.vector_load %arg5[%swap3A_921, %swap3A_922] {strides = array<i32>} : memref<128x256xf32, #tpu.memory_space<vmem>>, vector<1x16xf32>,
      %swap3A_924 = vector.shape_cast %swap3A_923 : vector<1x16xf32> to vector<16xf32>
      %swap3A_925 = vector.shape_cast %get3A_505 : vector<16xf32> to vector<1x16xf32>
      tpu.vector_store %arg5[%swap3A_921, %swap3A_922], %swap3A_925 {strides = array<i32>} : memref<128x256xf32, #tpu.memory_space<vmem>>, vector<1x16xf32>,
      %swap3A_926 = arith.index_cast %add3A_916 : i32 to index
      %swap3A_927 = arith.constant 32 : index
      %swap3A_928 = tpu.vector_load %arg5[%swap3A_926, %swap3A_927] {strides = array<i32>} : memref<128x256xf32, #tpu.memory_space<vmem>>, vector<1x16xf32>,
      %swap3A_929 = vector.shape_cast %swap3A_928 : vector<1x16xf32> to vector<16xf32>
      %swap3A_930 = vector.shape_cast %get3A_508 : vector<16xf32> to vector<1x16xf32>
      tpu.vector_store %arg5[%swap3A_926, %swap3A_927], %swap3A_930 {strides = array<i32>} : memref<128x256xf32, #tpu.memory_space<vmem>>, vector<1x16xf32>,
      %swap3A_931 = arith.index_cast %add3A_916 : i32 to index
      %swap3A_932 = arith.constant 48 : index
      %swap3A_933 = tpu.vector_load %arg5[%swap3A_931, %swap3A_932] {strides = array<i32>} : memref<128x256xf32, #tpu.memory_space<vmem>>, vector<1x16xf32>,
      %swap3A_934 = vector.shape_cast %swap3A_933 : vector<1x16xf32> to vector<16xf32>
      %swap3A_935 = vector.shape_cast %get3A_511 : vector<16xf32> to vector<1x16xf32>
      tpu.vector_store %arg5[%swap3A_931, %swap3A_932], %swap3A_935 {strides = array<i32>} : memref<128x256xf32, #tpu.memory_space<vmem>>, vector<1x16xf32>,
      %swap3A_936 = arith.index_cast %add3A_916 : i32 to index
      %swap3A_937 = arith.constant 64 : index
      %swap3A_938 = tpu.vector_load %arg5[%swap3A_936, %swap3A_937] {strides = array<i32>} : memref<128x256xf32, #tpu.memory_space<vmem>>, vector<1x16xf32>,
      %swap3A_939 = vector.shape_cast %swap3A_938 : vector<1x16xf32> to vector<16xf32>
      %swap3A_940 = vector.shape_cast %get3A_514 : vector<16xf32> to vector<1x16xf32>
      tpu.vector_store %arg5[%swap3A_936, %swap3A_937], %swap3A_940 {strides = array<i32>} : memref<128x256xf32, #tpu.memory_space<vmem>>, vector<1x16xf32>,
      %swap3A_941 = arith.index_cast %add3A_916 : i32 to index
      %swap3A_942 = arith.constant 80 : index
      %swap3A_943 = tpu.vector_load %arg5[%swap3A_941, %swap3A_942] {strides = array<i32>} : memref<128x256xf32, #tpu.memory_space<vmem>>, vector<1x16xf32>,
      %swap3A_944 = vector.shape_cast %swap3A_943 : vector<1x16xf32> to vector<16xf32>
      %swap3A_945 = vector.shape_cast %get3A_517 : vector<16xf32> to vector<1x16xf32>
      tpu.vector_store %arg5[%swap3A_941, %swap3A_942], %swap3A_945 {strides = array<i32>} : memref<128x256xf32, #tpu.memory_space<vmem>>, vector<1x16xf32>,
      %swap3A_946 = arith.index_cast %add3A_916 : i32 to index
      %swap3A_947 = arith.constant 96 : index
      %swap3A_948 = tpu.vector_load %arg5[%swap3A_946, %swap3A_947] {strides = array<i32>} : memref<128x256xf32, #tpu.memory_space<vmem>>, vector<1x16xf32>,
      %swap3A_949 = vector.shape_cast %swap3A_948 : vector<1x16xf32> to vector<16xf32>
      %swap3A_950 = vector.shape_cast %get3A_520 : vector<16xf32> to vector<1x16xf32>
      tpu.vector_store %arg5[%swap3A_946, %swap3A_947], %swap3A_950 {strides = array<i32>} : memref<128x256xf32, #tpu.memory_space<vmem>>, vector<1x16xf32>,
      %swap3A_951 = arith.index_cast %add3A_916 : i32 to index
      %swap3A_952 = arith.constant 112 : index
      %swap3A_953 = tpu.vector_load %arg5[%swap3A_951, %swap3A_952] {strides = array<i32>} : memref<128x256xf32, #tpu.memory_space<vmem>>, vector<1x16xf32>,
      %swap3A_954 = vector.shape_cast %swap3A_953 : vector<1x16xf32> to vector<16xf32>
      %swap3A_955 = vector.shape_cast %get3A_523 : vector<16xf32> to vector<1x16xf32>
      tpu.vector_store %arg5[%swap3A_951, %swap3A_952], %swap3A_955 {strides = array<i32>} : memref<128x256xf32, #tpu.memory_space<vmem>>, vector<1x16xf32>,
      %swap3A_956 = arith.index_cast %add3A_916 : i32 to index
      %swap3A_957 = arith.constant 128 : index
      %swap3A_958 = tpu.vector_load %arg5[%swap3A_956, %swap3A_957] {strides = array<i32>} : memref<128x256xf32, #tpu.memory_space<vmem>>, vector<1x16xf32>,
      %swap3A_959 = vector.shape_cast %swap3A_958 : vector<1x16xf32> to vector<16xf32>
      %swap3A_960 = vector.shape_cast %get3A_526 : vector<16xf32> to vector<1x16xf32>
      tpu.vector_store %arg5[%swap3A_956, %swap3A_957], %swap3A_960 {strides = array<i32>} : memref<128x256xf32, #tpu.memory_space<vmem>>, vector<1x16xf32>,
      %swap3A_961 = arith.index_cast %add3A_916 : i32 to index
      %swap3A_962 = arith.constant 144 : index
      %swap3A_963 = tpu.vector_load %arg5[%swap3A_961, %swap3A_962] {strides = array<i32>} : memref<128x256xf32, #tpu.memory_space<vmem>>, vector<1x16xf32>,
      %swap3A_964 = vector.shape_cast %swap3A_963 : vector<1x16xf32> to vector<16xf32>
      %swap3A_965 = vector.shape_cast %get3A_529 : vector<16xf32> to vector<1x16xf32>
      tpu.vector_store %arg5[%swap3A_961, %swap3A_962], %swap3A_965 {strides = array<i32>} : memref<128x256xf32, #tpu.memory_space<vmem>>, vector<1x16xf32>,
      %swap3A_966 = arith.index_cast %add3A_916 : i32 to index
      %swap3A_967 = arith.constant 160 : index
      %swap3A_968 = tpu.vector_load %arg5[%swap3A_966, %swap3A_967] {strides = array<i32>} : memref<128x256xf32, #tpu.memory_space<vmem>>, vector<1x16xf32>,
      %swap3A_969 = vector.shape_cast %swap3A_968 : vector<1x16xf32> to vector<16xf32>
      %swap3A_970 = vector.shape_cast %get3A_532 : vector<16xf32> to vector<1x16xf32>
      tpu.vector_store %arg5[%swap3A_966, %swap3A_967], %swap3A_970 {strides = array<i32>} : memref<128x256xf32, #tpu.memory_space<vmem>>, vector<1x16xf32>,
      %swap3A_971 = arith.index_cast %add3A_916 : i32 to index
      %swap3A_972 = arith.constant 176 : index
      %swap3A_973 = tpu.vector_load %arg5[%swap3A_971, %swap3A_972] {strides = array<i32>} : memref<128x256xf32, #tpu.memory_space<vmem>>, vector<1x16xf32>,
      %swap3A_974 = vector.shape_cast %swap3A_973 : vector<1x16xf32> to vector<16xf32>
      %swap3A_975 = vector.shape_cast %get3A_535 : vector<16xf32> to vector<1x16xf32>
      tpu.vector_store %arg5[%swap3A_971, %swap3A_972], %swap3A_975 {strides = array<i32>} : memref<128x256xf32, #tpu.memory_space<vmem>>, vector<1x16xf32>,
      %swap3A_976 = arith.index_cast %add3A_916 : i32 to index
      %swap3A_977 = arith.constant 192 : index
      %swap3A_978 = tpu.vector_load %arg5[%swap3A_976, %swap3A_977] {strides = array<i32>} : memref<128x256xf32, #tpu.memory_space<vmem>>, vector<1x16xf32>,
      %swap3A_979 = vector.shape_cast %swap3A_978 : vector<1x16xf32> to vector<16xf32>
      %swap3A_980 = vector.shape_cast %get3A_538 : vector<16xf32> to vector<1x16xf32>
      tpu.vector_store %arg5[%swap3A_976, %swap3A_977], %swap3A_980 {strides = array<i32>} : memref<128x256xf32, #tpu.memory_space<vmem>>, vector<1x16xf32>,
      %swap3A_981 = arith.index_cast %add3A_916 : i32 to index
      %swap3A_982 = arith.constant 208 : index
      %swap3A_983 = tpu.vector_load %arg5[%swap3A_981, %swap3A_982] {strides = array<i32>} : memref<128x256xf32, #tpu.memory_space<vmem>>, vector<1x16xf32>,
      %swap3A_984 = vector.shape_cast %swap3A_983 : vector<1x16xf32> to vector<16xf32>
      %swap3A_985 = vector.shape_cast %get3A_541 : vector<16xf32> to vector<1x16xf32>
      tpu.vector_store %arg5[%swap3A_981, %swap3A_982], %swap3A_985 {strides = array<i32>} : memref<128x256xf32, #tpu.memory_space<vmem>>, vector<1x16xf32>,
      %swap3A_986 = arith.index_cast %add3A_916 : i32 to index
      %swap3A_987 = arith.constant 224 : index
      %swap3A_988 = tpu.vector_load %arg5[%swap3A_986, %swap3A_987] {strides = array<i32>} : memref<128x256xf32, #tpu.memory_space<vmem>>, vector<1x16xf32>,
      %swap3A_989 = vector.shape_cast %swap3A_988 : vector<1x16xf32> to vector<16xf32>
      %swap3A_990 = vector.shape_cast %get3A_544 : vector<16xf32> to vector<1x16xf32>
      tpu.vector_store %arg5[%swap3A_986, %swap3A_987], %swap3A_990 {strides = array<i32>} : memref<128x256xf32, #tpu.memory_space<vmem>>, vector<1x16xf32>,
      %swap3A_991 = arith.index_cast %add3A_916 : i32 to index
      %swap3A_992 = arith.constant 240 : index
      %swap3A_993 = tpu.vector_load %arg5[%swap3A_991, %swap3A_992] {strides = array<i32>} : memref<128x256xf32, #tpu.memory_space<vmem>>, vector<1x16xf32>,
      %swap3A_994 = vector.shape_cast %swap3A_993 : vector<1x16xf32> to vector<16xf32>
      %swap3A_995 = vector.shape_cast %get3A_547 : vector<16xf32> to vector<1x16xf32>
      tpu.vector_store %arg5[%swap3A_991, %swap3A_992], %swap3A_995 {strides = array<i32>} : memref<128x256xf32, #tpu.memory_space<vmem>>, vector<1x16xf32>,
      %mul3A_996 = arith.constant 4 : i32
      %mul3A_997 = arith.muli %scan3A_912, %mul3A_996 : i32
      %add3A_998 = arith.constant 1 : i32
      %add3A_999 = arith.addi %mul3A_997, %add3A_998 : i32
      %swap3A_1000 = arith.index_cast %add3A_999 : i32 to index
      %swap3A_1001 = arith.constant 0 : index
      %swap3A_1002 = tpu.vector_load %arg5[%swap3A_1000, %swap3A_1001] {strides = array<i32>} : memref<128x256xf32, #tpu.memory_space<vmem>>, vector<1x16xf32>,
      %swap3A_1003 = vector.shape_cast %swap3A_1002 : vector<1x16xf32> to vector<16xf32>
      %swap3A_1004 = vector.shape_cast %get3A_502 : vector<16xf32> to vector<1x16xf32>
      tpu.vector_store %arg5[%swap3A_1000, %swap3A_1001], %swap3A_1004 {strides = array<i32>} : memref<128x256xf32, #tpu.memory_space<vmem>>, vector<1x16xf32>,
      %swap3A_1005 = arith.index_cast %add3A_999 : i32 to index
      %swap3A_1006 = arith.constant 16 : index
      %swap3A_1007 = tpu.vector_load %arg5[%swap3A_1005, %swap3A_1006] {strides = array<i32>} : memref<128x256xf32, #tpu.memory_space<vmem>>, vector<1x16xf32>,
      %swap3A_1008 = vector.shape_cast %swap3A_1007 : vector<1x16xf32> to vector<16xf32>
      %swap3A_1009 = vector.shape_cast %get3A_505 : vector<16xf32> to vector<1x16xf32>
      tpu.vector_store %arg5[%swap3A_1005, %swap3A_1006], %swap3A_1009 {strides = array<i32>} : memref<128x256xf32, #tpu.memory_space<vmem>>, vector<1x16xf32>,
      %swap3A_1010 = arith.index_cast %add3A_999 : i32 to index
      %swap3A_1011 = arith.constant 32 : index
      %swap3A_1012 = tpu.vector_load %arg5[%swap3A_1010, %swap3A_1011] {strides = array<i32>} : memref<128x256xf32, #tpu.memory_space<vmem>>, vector<1x16xf32>,
      %swap3A_1013 = vector.shape_cast %swap3A_1012 : vector<1x16xf32> to vector<16xf32>
      %swap3A_1014 = vector.shape_cast %get3A_508 : vector<16xf32> to vector<1x16xf32>
      tpu.vector_store %arg5[%swap3A_1010, %swap3A_1011], %swap3A_1014 {strides = array<i32>} : memref<128x256xf32, #tpu.memory_space<vmem>>, vector<1x16xf32>,
      %swap3A_1015 = arith.index_cast %add3A_999 : i32 to index
      %swap3A_1016 = arith.constant 48 : index
      %swap3A_1017 = tpu.vector_load %arg5[%swap3A_1015, %swap3A_1016] {strides = array<i32>} : memref<128x256xf32, #tpu.memory_space<vmem>>, vector<1x16xf32>,
      %swap3A_1018 = vector.shape_cast %swap3A_1017 : vector<1x16xf32> to vector<16xf32>
      %swap3A_1019 = vector.shape_cast %get3A_511 : vector<16xf32> to vector<1x16xf32>
      tpu.vector_store %arg5[%swap3A_1015, %swap3A_1016], %swap3A_1019 {strides = array<i32>} : memref<128x256xf32, #tpu.memory_space<vmem>>, vector<1x16xf32>,
      %swap3A_1020 = arith.index_cast %add3A_999 : i32 to index
      %swap3A_1021 = arith.constant 64 : index
      %swap3A_1022 = tpu.vector_load %arg5[%swap3A_1020, %swap3A_1021] {strides = array<i32>} : memref<128x256xf32, #tpu.memory_space<vmem>>, vector<1x16xf32>,
      %swap3A_1023 = vector.shape_cast %swap3A_1022 : vector<1x16xf32> to vector<16xf32>
      %swap3A_1024 = vector.shape_cast %get3A_514 : vector<16xf32> to vector<1x16xf32>
      tpu.vector_store %arg5[%swap3A_1020, %swap3A_1021], %swap3A_1024 {strides = array<i32>} : memref<128x256xf32, #tpu.memory_space<vmem>>, vector<1x16xf32>,
      %swap3A_1025 = arith.index_cast %add3A_999 : i32 to index
      %swap3A_1026 = arith.constant 80 : index
      %swap3A_1027 = tpu.vector_load %arg5[%swap3A_1025, %swap3A_1026] {strides = array<i32>} : memref<128x256xf32, #tpu.memory_space<vmem>>, vector<1x16xf32>,
      %swap3A_1028 = vector.shape_cast %swap3A_1027 : vector<1x16xf32> to vector<16xf32>
      %swap3A_1029 = vector.shape_cast %get3A_517 : vector<16xf32> to vector<1x16xf32>
      tpu.vector_store %arg5[%swap3A_1025, %swap3A_1026], %swap3A_1029 {strides = array<i32>} : memref<128x256xf32, #tpu.memory_space<vmem>>, vector<1x16xf32>,
      %swap3A_1030 = arith.index_cast %add3A_999 : i32 to index
      %swap3A_1031 = arith.constant 96 : index
      %swap3A_1032 = tpu.vector_load %arg5[%swap3A_1030, %swap3A_1031] {strides = array<i32>} : memref<128x256xf32, #tpu.memory_space<vmem>>, vector<1x16xf32>,
      %swap3A_1033 = vector.shape_cast %swap3A_1032 : vector<1x16xf32> to vector<16xf32>
      %swap3A_1034 = vector.shape_cast %get3A_520 : vector<16xf32> to vector<1x16xf32>
      tpu.vector_store %arg5[%swap3A_1030, %swap3A_1031], %swap3A_1034 {strides = array<i32>} : memref<128x256xf32, #tpu.memory_space<vmem>>, vector<1x16xf32>,
      %swap3A_1035 = arith.index_cast %add3A_999 : i32 to index
      %swap3A_1036 = arith.constant 112 : index
      %swap3A_1037 = tpu.vector_load %arg5[%swap3A_1035, %swap3A_1036] {strides = array<i32>} : memref<128x256xf32, #tpu.memory_space<vmem>>, vector<1x16xf32>,
      %swap3A_1038 = vector.shape_cast %swap3A_1037 : vector<1x16xf32> to vector<16xf32>
      %swap3A_1039 = vector.shape_cast %get3A_523 : vector<16xf32> to vector<1x16xf32>
      tpu.vector_store %arg5[%swap3A_1035, %swap3A_1036], %swap3A_1039 {strides = array<i32>} : memref<128x256xf32, #tpu.memory_space<vmem>>, vector<1x16xf32>,
      %swap3A_1040 = arith.index_cast %add3A_999 : i32 to index
      %swap3A_1041 = arith.constant 128 : index
      %swap3A_1042 = tpu.vector_load %arg5[%swap3A_1040, %swap3A_1041] {strides = array<i32>} : memref<128x256xf32, #tpu.memory_space<vmem>>, vector<1x16xf32>,
      %swap3A_1043 = vector.shape_cast %swap3A_1042 : vector<1x16xf32> to vector<16xf32>
      %swap3A_1044 = vector.shape_cast %get3A_526 : vector<16xf32> to vector<1x16xf32>
      tpu.vector_store %arg5[%swap3A_1040, %swap3A_1041], %swap3A_1044 {strides = array<i32>} : memref<128x256xf32, #tpu.memory_space<vmem>>, vector<1x16xf32>,
      %swap3A_1045 = arith.index_cast %add3A_999 : i32 to index
      %swap3A_1046 = arith.constant 144 : index
      %swap3A_1047 = tpu.vector_load %arg5[%swap3A_1045, %swap3A_1046] {strides = array<i32>} : memref<128x256xf32, #tpu.memory_space<vmem>>, vector<1x16xf32>,
      %swap3A_1048 = vector.shape_cast %swap3A_1047 : vector<1x16xf32> to vector<16xf32>
      %swap3A_1049 = vector.shape_cast %get3A_529 : vector<16xf32> to vector<1x16xf32>
      tpu.vector_store %arg5[%swap3A_1045, %swap3A_1046], %swap3A_1049 {strides = array<i32>} : memref<128x256xf32, #tpu.memory_space<vmem>>, vector<1x16xf32>,
      %swap3A_1050 = arith.index_cast %add3A_999 : i32 to index
      %swap3A_1051 = arith.constant 160 : index
      %swap3A_1052 = tpu.vector_load %arg5[%swap3A_1050, %swap3A_1051] {strides = array<i32>} : memref<128x256xf32, #tpu.memory_space<vmem>>, vector<1x16xf32>,
      %swap3A_1053 = vector.shape_cast %swap3A_1052 : vector<1x16xf32> to vector<16xf32>
      %swap3A_1054 = vector.shape_cast %get3A_532 : vector<16xf32> to vector<1x16xf32>
      tpu.vector_store %arg5[%swap3A_1050, %swap3A_1051], %swap3A_1054 {strides = array<i32>} : memref<128x256xf32, #tpu.memory_space<vmem>>, vector<1x16xf32>,
      %swap3A_1055 = arith.index_cast %add3A_999 : i32 to index
      %swap3A_1056 = arith.constant 176 : index
      %swap3A_1057 = tpu.vector_load %arg5[%swap3A_1055, %swap3A_1056] {strides = array<i32>} : memref<128x256xf32, #tpu.memory_space<vmem>>, vector<1x16xf32>,
      %swap3A_1058 = vector.shape_cast %swap3A_1057 : vector<1x16xf32> to vector<16xf32>
      %swap3A_1059 = vector.shape_cast %get3A_535 : vector<16xf32> to vector<1x16xf32>
      tpu.vector_store %arg5[%swap3A_1055, %swap3A_1056], %swap3A_1059 {strides = array<i32>} : memref<128x256xf32, #tpu.memory_space<vmem>>, vector<1x16xf32>,
      %swap3A_1060 = arith.index_cast %add3A_999 : i32 to index
      %swap3A_1061 = arith.constant 192 : index
      %swap3A_1062 = tpu.vector_load %arg5[%swap3A_1060, %swap3A_1061] {strides = array<i32>} : memref<128x256xf32, #tpu.memory_space<vmem>>, vector<1x16xf32>,
      %swap3A_1063 = vector.shape_cast %swap3A_1062 : vector<1x16xf32> to vector<16xf32>
      %swap3A_1064 = vector.shape_cast %get3A_538 : vector<16xf32> to vector<1x16xf32>
      tpu.vector_store %arg5[%swap3A_1060, %swap3A_1061], %swap3A_1064 {strides = array<i32>} : memref<128x256xf32, #tpu.memory_space<vmem>>, vector<1x16xf32>,
      %swap3A_1065 = arith.index_cast %add3A_999 : i32 to index
      %swap3A_1066 = arith.constant 208 : index
      %swap3A_1067 = tpu.vector_load %arg5[%swap3A_1065, %swap3A_1066] {strides = array<i32>} : memref<128x256xf32, #tpu.memory_space<vmem>>, vector<1x16xf32>,
      %swap3A_1068 = vector.shape_cast %swap3A_1067 : vector<1x16xf32> to vector<16xf32>
      %swap3A_1069 = vector.shape_cast %get3A_541 : vector<16xf32> to vector<1x16xf32>
      tpu.vector_store %arg5[%swap3A_1065, %swap3A_1066], %swap3A_1069 {strides = array<i32>} : memref<128x256xf32, #tpu.memory_space<vmem>>, vector<1x16xf32>,
      %swap3A_1070 = arith.index_cast %add3A_999 : i32 to index
      %swap3A_1071 = arith.constant 224 : index
      %swap3A_1072 = tpu.vector_load %arg5[%swap3A_1070, %swap3A_1071] {strides = array<i32>} : memref<128x256xf32, #tpu.memory_space<vmem>>, vector<1x16xf32>,
      %swap3A_1073 = vector.shape_cast %swap3A_1072 : vector<1x16xf32> to vector<16xf32>
      %swap3A_1074 = vector.shape_cast %get3A_544 : vector<16xf32> to vector<1x16xf32>
      tpu.vector_store %arg5[%swap3A_1070, %swap3A_1071], %swap3A_1074 {strides = array<i32>} : memref<128x256xf32, #tpu.memory_space<vmem>>, vector<1x16xf32>,
      %swap3A_1075 = arith.index_cast %add3A_999 : i32 to index
      %swap3A_1076 = arith.constant 240 : index
      %swap3A_1077 = tpu.vector_load %arg5[%swap3A_1075, %swap3A_1076] {strides = array<i32>} : memref<128x256xf32, #tpu.memory_space<vmem>>, vector<1x16xf32>,
      %swap3A_1078 = vector.shape_cast %swap3A_1077 : vector<1x16xf32> to vector<16xf32>
      %swap3A_1079 = vector.shape_cast %get3A_547 : vector<16xf32> to vector<1x16xf32>
      tpu.vector_store %arg5[%swap3A_1075, %swap3A_1076], %swap3A_1079 {strides = array<i32>} : memref<128x256xf32, #tpu.memory_space<vmem>>, vector<1x16xf32>,
      %mul3A_1080 = arith.constant 4 : i32
      %mul3A_1081 = arith.muli %scan3A_912, %mul3A_1080 : i32
      %add3A_1082 = arith.constant 2 : i32
      %add3A_1083 = arith.addi %mul3A_1081, %add3A_1082 : i32
      %swap3A_1084 = arith.index_cast %add3A_1083 : i32 to index
      %swap3A_1085 = arith.constant 0 : index
      %swap3A_1086 = tpu.vector_load %arg5[%swap3A_1084, %swap3A_1085] {strides = array<i32>} : memref<128x256xf32, #tpu.memory_space<vmem>>, vector<1x16xf32>,
      %swap3A_1087 = vector.shape_cast %swap3A_1086 : vector<1x16xf32> to vector<16xf32>
      %swap3A_1088 = vector.shape_cast %get3A_502 : vector<16xf32> to vector<1x16xf32>
      tpu.vector_store %arg5[%swap3A_1084, %swap3A_1085], %swap3A_1088 {strides = array<i32>} : memref<128x256xf32, #tpu.memory_space<vmem>>, vector<1x16xf32>,
      %swap3A_1089 = arith.index_cast %add3A_1083 : i32 to index
      %swap3A_1090 = arith.constant 16 : index
      %swap3A_1091 = tpu.vector_load %arg5[%swap3A_1089, %swap3A_1090] {strides = array<i32>} : memref<128x256xf32, #tpu.memory_space<vmem>>, vector<1x16xf32>,
      %swap3A_1092 = vector.shape_cast %swap3A_1091 : vector<1x16xf32> to vector<16xf32>
      %swap3A_1093 = vector.shape_cast %get3A_505 : vector<16xf32> to vector<1x16xf32>
      tpu.vector_store %arg5[%swap3A_1089, %swap3A_1090], %swap3A_1093 {strides = array<i32>} : memref<128x256xf32, #tpu.memory_space<vmem>>, vector<1x16xf32>,
      %swap3A_1094 = arith.index_cast %add3A_1083 : i32 to index
      %swap3A_1095 = arith.constant 32 : index
      %swap3A_1096 = tpu.vector_load %arg5[%swap3A_1094, %swap3A_1095] {strides = array<i32>} : memref<128x256xf32, #tpu.memory_space<vmem>>, vector<1x16xf32>,
      %swap3A_1097 = vector.shape_cast %swap3A_1096 : vector<1x16xf32> to vector<16xf32>
      %swap3A_1098 = vector.shape_cast %get3A_508 : vector<16xf32> to vector<1x16xf32>
      tpu.vector_store %arg5[%swap3A_1094, %swap3A_1095], %swap3A_1098 {strides = array<i32>} : memref<128x256xf32, #tpu.memory_space<vmem>>, vector<1x16xf32>,
      %swap3A_1099 = arith.index_cast %add3A_1083 : i32 to index
      %swap3A_1100 = arith.constant 48 : index
      %swap3A_1101 = tpu.vector_load %arg5[%swap3A_1099, %swap3A_1100] {strides = array<i32>} : memref<128x256xf32, #tpu.memory_space<vmem>>, vector<1x16xf32>,
      %swap3A_1102 = vector.shape_cast %swap3A_1101 : vector<1x16xf32> to vector<16xf32>
      %swap3A_1103 = vector.shape_cast %get3A_511 : vector<16xf32> to vector<1x16xf32>
      tpu.vector_store %arg5[%swap3A_1099, %swap3A_1100], %swap3A_1103 {strides = array<i32>} : memref<128x256xf32, #tpu.memory_space<vmem>>, vector<1x16xf32>,
      %swap3A_1104 = arith.index_cast %add3A_1083 : i32 to index
      %swap3A_1105 = arith.constant 64 : index
      %swap3A_1106 = tpu.vector_load %arg5[%swap3A_1104, %swap3A_1105] {strides = array<i32>} : memref<128x256xf32, #tpu.memory_space<vmem>>, vector<1x16xf32>,
      %swap3A_1107 = vector.shape_cast %swap3A_1106 : vector<1x16xf32> to vector<16xf32>
      %swap3A_1108 = vector.shape_cast %get3A_514 : vector<16xf32> to vector<1x16xf32>
      tpu.vector_store %arg5[%swap3A_1104, %swap3A_1105], %swap3A_1108 {strides = array<i32>} : memref<128x256xf32, #tpu.memory_space<vmem>>, vector<1x16xf32>,
      %swap3A_1109 = arith.index_cast %add3A_1083 : i32 to index
      %swap3A_1110 = arith.constant 80 : index
      %swap3A_1111 = tpu.vector_load %arg5[%swap3A_1109, %swap3A_1110] {strides = array<i32>} : memref<128x256xf32, #tpu.memory_space<vmem>>, vector<1x16xf32>,
      %swap3A_1112 = vector.shape_cast %swap3A_1111 : vector<1x16xf32> to vector<16xf32>
      %swap3A_1113 = vector.shape_cast %get3A_517 : vector<16xf32> to vector<1x16xf32>
      tpu.vector_store %arg5[%swap3A_1109, %swap3A_1110], %swap3A_1113 {strides = array<i32>} : memref<128x256xf32, #tpu.memory_space<vmem>>, vector<1x16xf32>,
      %swap3A_1114 = arith.index_cast %add3A_1083 : i32 to index
      %swap3A_1115 = arith.constant 96 : index
      %swap3A_1116 = tpu.vector_load %arg5[%swap3A_1114, %swap3A_1115] {strides = array<i32>} : memref<128x256xf32, #tpu.memory_space<vmem>>, vector<1x16xf32>,
      %swap3A_1117 = vector.shape_cast %swap3A_1116 : vector<1x16xf32> to vector<16xf32>
      %swap3A_1118 = vector.shape_cast %get3A_520 : vector<16xf32> to vector<1x16xf32>
      tpu.vector_store %arg5[%swap3A_1114, %swap3A_1115], %swap3A_1118 {strides = array<i32>} : memref<128x256xf32, #tpu.memory_space<vmem>>, vector<1x16xf32>,
      %swap3A_1119 = arith.index_cast %add3A_1083 : i32 to index
      %swap3A_1120 = arith.constant 112 : index
      %swap3A_1121 = tpu.vector_load %arg5[%swap3A_1119, %swap3A_1120] {strides = array<i32>} : memref<128x256xf32, #tpu.memory_space<vmem>>, vector<1x16xf32>,
      %swap3A_1122 = vector.shape_cast %swap3A_1121 : vector<1x16xf32> to vector<16xf32>
      %swap3A_1123 = vector.shape_cast %get3A_523 : vector<16xf32> to vector<1x16xf32>
      tpu.vector_store %arg5[%swap3A_1119, %swap3A_1120], %swap3A_1123 {strides = array<i32>} : memref<128x256xf32, #tpu.memory_space<vmem>>, vector<1x16xf32>,
      %swap3A_1124 = arith.index_cast %add3A_1083 : i32 to index
      %swap3A_1125 = arith.constant 128 : index
      %swap3A_1126 = tpu.vector_load %arg5[%swap3A_1124, %swap3A_1125] {strides = array<i32>} : memref<128x256xf32, #tpu.memory_space<vmem>>, vector<1x16xf32>,
      %swap3A_1127 = vector.shape_cast %swap3A_1126 : vector<1x16xf32> to vector<16xf32>
      %swap3A_1128 = vector.shape_cast %get3A_526 : vector<16xf32> to vector<1x16xf32>
      tpu.vector_store %arg5[%swap3A_1124, %swap3A_1125], %swap3A_1128 {strides = array<i32>} : memref<128x256xf32, #tpu.memory_space<vmem>>, vector<1x16xf32>,
      %swap3A_1129 = arith.index_cast %add3A_1083 : i32 to index
      %swap3A_1130 = arith.constant 144 : index
      %swap3A_1131 = tpu.vector_load %arg5[%swap3A_1129, %swap3A_1130] {strides = array<i32>} : memref<128x256xf32, #tpu.memory_space<vmem>>, vector<1x16xf32>,
      %swap3A_1132 = vector.shape_cast %swap3A_1131 : vector<1x16xf32> to vector<16xf32>
      %swap3A_1133 = vector.shape_cast %get3A_529 : vector<16xf32> to vector<1x16xf32>
      tpu.vector_store %arg5[%swap3A_1129, %swap3A_1130], %swap3A_1133 {strides = array<i32>} : memref<128x256xf32, #tpu.memory_space<vmem>>, vector<1x16xf32>,
      %swap3A_1134 = arith.index_cast %add3A_1083 : i32 to index
      %swap3A_1135 = arith.constant 160 : index
      %swap3A_1136 = tpu.vector_load %arg5[%swap3A_1134, %swap3A_1135] {strides = array<i32>} : memref<128x256xf32, #tpu.memory_space<vmem>>, vector<1x16xf32>,
      %swap3A_1137 = vector.shape_cast %swap3A_1136 : vector<1x16xf32> to vector<16xf32>
      %swap3A_1138 = vector.shape_cast %get3A_532 : vector<16xf32> to vector<1x16xf32>
      tpu.vector_store %arg5[%swap3A_1134, %swap3A_1135], %swap3A_1138 {strides = array<i32>} : memref<128x256xf32, #tpu.memory_space<vmem>>, vector<1x16xf32>,
      %swap3A_1139 = arith.index_cast %add3A_1083 : i32 to index
      %swap3A_1140 = arith.constant 176 : index
      %swap3A_1141 = tpu.vector_load %arg5[%swap3A_1139, %swap3A_1140] {strides = array<i32>} : memref<128x256xf32, #tpu.memory_space<vmem>>, vector<1x16xf32>,
      %swap3A_1142 = vector.shape_cast %swap3A_1141 : vector<1x16xf32> to vector<16xf32>
      %swap3A_1143 = vector.shape_cast %get3A_535 : vector<16xf32> to vector<1x16xf32>
      tpu.vector_store %arg5[%swap3A_1139, %swap3A_1140], %swap3A_1143 {strides = array<i32>} : memref<128x256xf32, #tpu.memory_space<vmem>>, vector<1x16xf32>,
      %swap3A_1144 = arith.index_cast %add3A_1083 : i32 to index
      %swap3A_1145 = arith.constant 192 : index
      %swap3A_1146 = tpu.vector_load %arg5[%swap3A_1144, %swap3A_1145] {strides = array<i32>} : memref<128x256xf32, #tpu.memory_space<vmem>>, vector<1x16xf32>,
      %swap3A_1147 = vector.shape_cast %swap3A_1146 : vector<1x16xf32> to vector<16xf32>
      %swap3A_1148 = vector.shape_cast %get3A_538 : vector<16xf32> to vector<1x16xf32>
      tpu.vector_store %arg5[%swap3A_1144, %swap3A_1145], %swap3A_1148 {strides = array<i32>} : memref<128x256xf32, #tpu.memory_space<vmem>>, vector<1x16xf32>,
      %swap3A_1149 = arith.index_cast %add3A_1083 : i32 to index
      %swap3A_1150 = arith.constant 208 : index
      %swap3A_1151 = tpu.vector_load %arg5[%swap3A_1149, %swap3A_1150] {strides = array<i32>} : memref<128x256xf32, #tpu.memory_space<vmem>>, vector<1x16xf32>,
      %swap3A_1152 = vector.shape_cast %swap3A_1151 : vector<1x16xf32> to vector<16xf32>
      %swap3A_1153 = vector.shape_cast %get3A_541 : vector<16xf32> to vector<1x16xf32>
      tpu.vector_store %arg5[%swap3A_1149, %swap3A_1150], %swap3A_1153 {strides = array<i32>} : memref<128x256xf32, #tpu.memory_space<vmem>>, vector<1x16xf32>,
      %swap3A_1154 = arith.index_cast %add3A_1083 : i32 to index
      %swap3A_1155 = arith.constant 224 : index
      %swap3A_1156 = tpu.vector_load %arg5[%swap3A_1154, %swap3A_1155] {strides = array<i32>} : memref<128x256xf32, #tpu.memory_space<vmem>>, vector<1x16xf32>,
      %swap3A_1157 = vector.shape_cast %swap3A_1156 : vector<1x16xf32> to vector<16xf32>
      %swap3A_1158 = vector.shape_cast %get3A_544 : vector<16xf32> to vector<1x16xf32>
      tpu.vector_store %arg5[%swap3A_1154, %swap3A_1155], %swap3A_1158 {strides = array<i32>} : memref<128x256xf32, #tpu.memory_space<vmem>>, vector<1x16xf32>,
      %swap3A_1159 = arith.index_cast %add3A_1083 : i32 to index
      %swap3A_1160 = arith.constant 240 : index
      %swap3A_1161 = tpu.vector_load %arg5[%swap3A_1159, %swap3A_1160] {strides = array<i32>} : memref<128x256xf32, #tpu.memory_space<vmem>>, vector<1x16xf32>,
      %swap3A_1162 = vector.shape_cast %swap3A_1161 : vector<1x16xf32> to vector<16xf32>
      %swap3A_1163 = vector.shape_cast %get3A_547 : vector<16xf32> to vector<1x16xf32>
      tpu.vector_store %arg5[%swap3A_1159, %swap3A_1160], %swap3A_1163 {strides = array<i32>} : memref<128x256xf32, #tpu.memory_space<vmem>>, vector<1x16xf32>,
      %mul3A_1164 = arith.constant 4 : i32
      %mul3A_1165 = arith.muli %scan3A_912, %mul3A_1164 : i32
      %add3A_1166 = arith.constant 3 : i32
      %add3A_1167 = arith.addi %mul3A_1165, %add3A_1166 : i32
      %swap3A_1168 = arith.index_cast %add3A_1167 : i32 to index
      %swap3A_1169 = arith.constant 0 : index
      %swap3A_1170 = tpu.vector_load %arg5[%swap3A_1168, %swap3A_1169] {strides = array<i32>} : memref<128x256xf32, #tpu.memory_space<vmem>>, vector<1x16xf32>,
      %swap3A_1171 = vector.shape_cast %swap3A_1170 : vector<1x16xf32> to vector<16xf32>
      %swap3A_1172 = vector.shape_cast %get3A_502 : vector<16xf32> to vector<1x16xf32>
      tpu.vector_store %arg5[%swap3A_1168, %swap3A_1169], %swap3A_1172 {strides = array<i32>} : memref<128x256xf32, #tpu.memory_space<vmem>>, vector<1x16xf32>,
      %swap3A_1173 = arith.index_cast %add3A_1167 : i32 to index
      %swap3A_1174 = arith.constant 16 : index
      %swap3A_1175 = tpu.vector_load %arg5[%swap3A_1173, %swap3A_1174] {strides = array<i32>} : memref<128x256xf32, #tpu.memory_space<vmem>>, vector<1x16xf32>,
      %swap3A_1176 = vector.shape_cast %swap3A_1175 : vector<1x16xf32> to vector<16xf32>
      %swap3A_1177 = vector.shape_cast %get3A_505 : vector<16xf32> to vector<1x16xf32>
      tpu.vector_store %arg5[%swap3A_1173, %swap3A_1174], %swap3A_1177 {strides = array<i32>} : memref<128x256xf32, #tpu.memory_space<vmem>>, vector<1x16xf32>,
      %swap3A_1178 = arith.index_cast %add3A_1167 : i32 to index
      %swap3A_1179 = arith.constant 32 : index
      %swap3A_1180 = tpu.vector_load %arg5[%swap3A_1178, %swap3A_1179] {strides = array<i32>} : memref<128x256xf32, #tpu.memory_space<vmem>>, vector<1x16xf32>,
      %swap3A_1181 = vector.shape_cast %swap3A_1180 : vector<1x16xf32> to vector<16xf32>
      %swap3A_1182 = vector.shape_cast %get3A_508 : vector<16xf32> to vector<1x16xf32>
      tpu.vector_store %arg5[%swap3A_1178, %swap3A_1179], %swap3A_1182 {strides = array<i32>} : memref<128x256xf32, #tpu.memory_space<vmem>>, vector<1x16xf32>,
      %swap3A_1183 = arith.index_cast %add3A_1167 : i32 to index
      %swap3A_1184 = arith.constant 48 : index
      %swap3A_1185 = tpu.vector_load %arg5[%swap3A_1183, %swap3A_1184] {strides = array<i32>} : memref<128x256xf32, #tpu.memory_space<vmem>>, vector<1x16xf32>,
      %swap3A_1186 = vector.shape_cast %swap3A_1185 : vector<1x16xf32> to vector<16xf32>
      %swap3A_1187 = vector.shape_cast %get3A_511 : vector<16xf32> to vector<1x16xf32>
      tpu.vector_store %arg5[%swap3A_1183, %swap3A_1184], %swap3A_1187 {strides = array<i32>} : memref<128x256xf32, #tpu.memory_space<vmem>>, vector<1x16xf32>,
      %swap3A_1188 = arith.index_cast %add3A_1167 : i32 to index
      %swap3A_1189 = arith.constant 64 : index
      %swap3A_1190 = tpu.vector_load %arg5[%swap3A_1188, %swap3A_1189] {strides = array<i32>} : memref<128x256xf32, #tpu.memory_space<vmem>>, vector<1x16xf32>,
      %swap3A_1191 = vector.shape_cast %swap3A_1190 : vector<1x16xf32> to vector<16xf32>
      %swap3A_1192 = vector.shape_cast %get3A_514 : vector<16xf32> to vector<1x16xf32>
      tpu.vector_store %arg5[%swap3A_1188, %swap3A_1189], %swap3A_1192 {strides = array<i32>} : memref<128x256xf32, #tpu.memory_space<vmem>>, vector<1x16xf32>,
      %swap3A_1193 = arith.index_cast %add3A_1167 : i32 to index
      %swap3A_1194 = arith.constant 80 : index
      %swap3A_1195 = tpu.vector_load %arg5[%swap3A_1193, %swap3A_1194] {strides = array<i32>} : memref<128x256xf32, #tpu.memory_space<vmem>>, vector<1x16xf32>,
      %swap3A_1196 = vector.shape_cast %swap3A_1195 : vector<1x16xf32> to vector<16xf32>
      %swap3A_1197 = vector.shape_cast %get3A_517 : vector<16xf32> to vector<1x16xf32>
      tpu.vector_store %arg5[%swap3A_1193, %swap3A_1194], %swap3A_1197 {strides = array<i32>} : memref<128x256xf32, #tpu.memory_space<vmem>>, vector<1x16xf32>,
      %swap3A_1198 = arith.index_cast %add3A_1167 : i32 to index
      %swap3A_1199 = arith.constant 96 : index
      %swap3A_1200 = tpu.vector_load %arg5[%swap3A_1198, %swap3A_1199] {strides = array<i32>} : memref<128x256xf32, #tpu.memory_space<vmem>>, vector<1x16xf32>,
      %swap3A_1201 = vector.shape_cast %swap3A_1200 : vector<1x16xf32> to vector<16xf32>
      %swap3A_1202 = vector.shape_cast %get3A_520 : vector<16xf32> to vector<1x16xf32>
      tpu.vector_store %arg5[%swap3A_1198, %swap3A_1199], %swap3A_1202 {strides = array<i32>} : memref<128x256xf32, #tpu.memory_space<vmem>>, vector<1x16xf32>,
      %swap3A_1203 = arith.index_cast %add3A_1167 : i32 to index
      %swap3A_1204 = arith.constant 112 : index
      %swap3A_1205 = tpu.vector_load %arg5[%swap3A_1203, %swap3A_1204] {strides = array<i32>} : memref<128x256xf32, #tpu.memory_space<vmem>>, vector<1x16xf32>,
      %swap3A_1206 = vector.shape_cast %swap3A_1205 : vector<1x16xf32> to vector<16xf32>
      %swap3A_1207 = vector.shape_cast %get3A_523 : vector<16xf32> to vector<1x16xf32>
      tpu.vector_store %arg5[%swap3A_1203, %swap3A_1204], %swap3A_1207 {strides = array<i32>} : memref<128x256xf32, #tpu.memory_space<vmem>>, vector<1x16xf32>,
      %swap3A_1208 = arith.index_cast %add3A_1167 : i32 to index
      %swap3A_1209 = arith.constant 128 : index
      %swap3A_1210 = tpu.vector_load %arg5[%swap3A_1208, %swap3A_1209] {strides = array<i32>} : memref<128x256xf32, #tpu.memory_space<vmem>>, vector<1x16xf32>,
      %swap3A_1211 = vector.shape_cast %swap3A_1210 : vector<1x16xf32> to vector<16xf32>
      %swap3A_1212 = vector.shape_cast %get3A_526 : vector<16xf32> to vector<1x16xf32>
      tpu.vector_store %arg5[%swap3A_1208, %swap3A_1209], %swap3A_1212 {strides = array<i32>} : memref<128x256xf32, #tpu.memory_space<vmem>>, vector<1x16xf32>,
      %swap3A_1213 = arith.index_cast %add3A_1167 : i32 to index
      %swap3A_1214 = arith.constant 144 : index
      %swap3A_1215 = tpu.vector_load %arg5[%swap3A_1213, %swap3A_1214] {strides = array<i32>} : memref<128x256xf32, #tpu.memory_space<vmem>>, vector<1x16xf32>,
      %swap3A_1216 = vector.shape_cast %swap3A_1215 : vector<1x16xf32> to vector<16xf32>
      %swap3A_1217 = vector.shape_cast %get3A_529 : vector<16xf32> to vector<1x16xf32>
      tpu.vector_store %arg5[%swap3A_1213, %swap3A_1214], %swap3A_1217 {strides = array<i32>} : memref<128x256xf32, #tpu.memory_space<vmem>>, vector<1x16xf32>,
      %swap3A_1218 = arith.index_cast %add3A_1167 : i32 to index
      %swap3A_1219 = arith.constant 160 : index
      %swap3A_1220 = tpu.vector_load %arg5[%swap3A_1218, %swap3A_1219] {strides = array<i32>} : memref<128x256xf32, #tpu.memory_space<vmem>>, vector<1x16xf32>,
      %swap3A_1221 = vector.shape_cast %swap3A_1220 : vector<1x16xf32> to vector<16xf32>
      %swap3A_1222 = vector.shape_cast %get3A_532 : vector<16xf32> to vector<1x16xf32>
      tpu.vector_store %arg5[%swap3A_1218, %swap3A_1219], %swap3A_1222 {strides = array<i32>} : memref<128x256xf32, #tpu.memory_space<vmem>>, vector<1x16xf32>,
      %swap3A_1223 = arith.index_cast %add3A_1167 : i32 to index
      %swap3A_1224 = arith.constant 176 : index
      %swap3A_1225 = tpu.vector_load %arg5[%swap3A_1223, %swap3A_1224] {strides = array<i32>} : memref<128x256xf32, #tpu.memory_space<vmem>>, vector<1x16xf32>,
      %swap3A_1226 = vector.shape_cast %swap3A_1225 : vector<1x16xf32> to vector<16xf32>
      %swap3A_1227 = vector.shape_cast %get3A_535 : vector<16xf32> to vector<1x16xf32>
      tpu.vector_store %arg5[%swap3A_1223, %swap3A_1224], %swap3A_1227 {strides = array<i32>} : memref<128x256xf32, #tpu.memory_space<vmem>>, vector<1x16xf32>,
      %swap3A_1228 = arith.index_cast %add3A_1167 : i32 to index
      %swap3A_1229 = arith.constant 192 : index
      %swap3A_1230 = tpu.vector_load %arg5[%swap3A_1228, %swap3A_1229] {strides = array<i32>} : memref<128x256xf32, #tpu.memory_space<vmem>>, vector<1x16xf32>,
      %swap3A_1231 = vector.shape_cast %swap3A_1230 : vector<1x16xf32> to vector<16xf32>
      %swap3A_1232 = vector.shape_cast %get3A_538 : vector<16xf32> to vector<1x16xf32>
      tpu.vector_store %arg5[%swap3A_1228, %swap3A_1229], %swap3A_1232 {strides = array<i32>} : memref<128x256xf32, #tpu.memory_space<vmem>>, vector<1x16xf32>,
      %swap3A_1233 = arith.index_cast %add3A_1167 : i32 to index
      %swap3A_1234 = arith.constant 208 : index
      %swap3A_1235 = tpu.vector_load %arg5[%swap3A_1233, %swap3A_1234] {strides = array<i32>} : memref<128x256xf32, #tpu.memory_space<vmem>>, vector<1x16xf32>,
      %swap3A_1236 = vector.shape_cast %swap3A_1235 : vector<1x16xf32> to vector<16xf32>
      %swap3A_1237 = vector.shape_cast %get3A_541 : vector<16xf32> to vector<1x16xf32>
      tpu.vector_store %arg5[%swap3A_1233, %swap3A_1234], %swap3A_1237 {strides = array<i32>} : memref<128x256xf32, #tpu.memory_space<vmem>>, vector<1x16xf32>,
      %swap3A_1238 = arith.index_cast %add3A_1167 : i32 to index
      %swap3A_1239 = arith.constant 224 : index
      %swap3A_1240 = tpu.vector_load %arg5[%swap3A_1238, %swap3A_1239] {strides = array<i32>} : memref<128x256xf32, #tpu.memory_space<vmem>>, vector<1x16xf32>,
      %swap3A_1241 = vector.shape_cast %swap3A_1240 : vector<1x16xf32> to vector<16xf32>
      %swap3A_1242 = vector.shape_cast %get3A_544 : vector<16xf32> to vector<1x16xf32>
      tpu.vector_store %arg5[%swap3A_1238, %swap3A_1239], %swap3A_1242 {strides = array<i32>} : memref<128x256xf32, #tpu.memory_space<vmem>>, vector<1x16xf32>,
      %swap3A_1243 = arith.index_cast %add3A_1167 : i32 to index
      %swap3A_1244 = arith.constant 240 : index
      %swap3A_1245 = tpu.vector_load %arg5[%swap3A_1243, %swap3A_1244] {strides = array<i32>} : memref<128x256xf32, #tpu.memory_space<vmem>>, vector<1x16xf32>,
      %swap3A_1246 = vector.shape_cast %swap3A_1245 : vector<1x16xf32> to vector<16xf32>
      %swap3A_1247 = vector.shape_cast %get3A_547 : vector<16xf32> to vector<1x16xf32>
      tpu.vector_store %arg5[%swap3A_1243, %swap3A_1244], %swap3A_1247 {strides = array<i32>} : memref<128x256xf32, #tpu.memory_space<vmem>>, vector<1x16xf32>,
    }
    %scan3A_552 = arith.constant 32 : i32
    %dma_start3A_553 = arith.constant 0 : i32
    %dma_start3A_554 = arith.constant 0 : i32
    %dma_start3A_555 = arith.constant 0 : i32
    %dma_start3A_556 = tpu.memref_slice %arg4[%dma_start3A_553, %add3A_27, %dma_start3A_554, %dma_start3A_555] : memref<8x144x128x256xf32, #tpu.memory_space<hbm>> -> memref<1x1x128x256xf32, #tpu.memory_space<hbm>>
    %dma_start3A_557 = tpu.memref_squeeze %dma_start3A_556 : memref<1x1x128x256xf32, #tpu.memory_space<hbm>> -> memref<128x256xf32, #tpu.memory_space<hbm>>
    %dma_start3A_558 = arith.constant 0 : i32
    %dma_start3A_559 = arith.constant 0 : i32
    %dma_start3A_560 = tpu.memref_slice %arg4[%dma_start3A_553, %add3A_27, %dma_start3A_558, %dma_start3A_559] : memref<8x144x128x256xf32, #tpu.memory_space<hbm>> -> memref<1x1x128x256xf32, #tpu.memory_space<hbm>>
    %dma_start3A_561 = tpu.memref_squeeze %dma_start3A_560 : memref<1x1x128x256xf32, #tpu.memory_space<hbm>> -> memref<128x256xf32, #tpu.memory_space<hbm>>
    tpu.enqueue_dma source(%arg5 : memref<128x256xf32, #tpu.memory_space<vmem>>) target(%dma_start3A_561 : memref<128x256xf32, #tpu.memory_space<hbm>>) target_semaphore(%arg10 : memref<!tpu.dma_semaphore, #tpu.memory_space<semaphore_mem>>)
    %dma_start3A_562 = arith.constant 1 : i32
    %dma_start3A_563 = arith.constant 0 : i32
    %dma_start3A_564 = arith.constant 0 : i32
    %dma_start3A_565 = tpu.memref_slice %arg4[%dma_start3A_562, %add3A_27, %dma_start3A_563, %dma_start3A_564] : memref<8x144x128x256xf32, #tpu.memory_space<hbm>> -> memref<1x1x128x256xf32, #tpu.memory_space<hbm>>
    %dma_start3A_566 = tpu.memref_squeeze %dma_start3A_565 : memref<1x1x128x256xf32, #tpu.memory_space<hbm>> -> memref<128x256xf32, #tpu.memory_space<hbm>>
    %dma_start3A_567 = arith.constant 0 : i32
    %dma_start3A_568 = arith.constant 0 : i32
    %dma_start3A_569 = tpu.memref_slice %arg4[%dma_start3A_562, %add3A_27, %dma_start3A_567, %dma_start3A_568] : memref<8x144x128x256xf32, #tpu.memory_space<hbm>> -> memref<1x1x128x256xf32, #tpu.memory_space<hbm>>
    %dma_start3A_570 = tpu.memref_squeeze %dma_start3A_569 : memref<1x1x128x256xf32, #tpu.memory_space<hbm>> -> memref<128x256xf32, #tpu.memory_space<hbm>>
    tpu.enqueue_dma source(%arg5 : memref<128x256xf32, #tpu.memory_space<vmem>>) target(%dma_start3A_570 : memref<128x256xf32, #tpu.memory_space<hbm>>) target_semaphore(%arg10 : memref<!tpu.dma_semaphore, #tpu.memory_space<semaphore_mem>>)
    %dma_start3A_571 = arith.constant 2 : i32
    %dma_start3A_572 = arith.constant 0 : i32
    %dma_start3A_573 = arith.constant 0 : i32
    %dma_start3A_574 = tpu.memref_slice %arg4[%dma_start3A_571, %add3A_27, %dma_start3A_572, %dma_start3A_573] : memref<8x144x128x256xf32, #tpu.memory_space<hbm>> -> memref<1x1x128x256xf32, #tpu.memory_space<hbm>>
    %dma_start3A_575 = tpu.memref_squeeze %dma_start3A_574 : memref<1x1x128x256xf32, #tpu.memory_space<hbm>> -> memref<128x256xf32, #tpu.memory_space<hbm>>
    %dma_start3A_576 = arith.constant 0 : i32
    %dma_start3A_577 = arith.constant 0 : i32
    %dma_start3A_578 = tpu.memref_slice %arg4[%dma_start3A_571, %add3A_27, %dma_start3A_576, %dma_start3A_577] : memref<8x144x128x256xf32, #tpu.memory_space<hbm>> -> memref<1x1x128x256xf32, #tpu.memory_space<hbm>>
    %dma_start3A_579 = tpu.memref_squeeze %dma_start3A_578 : memref<1x1x128x256xf32, #tpu.memory_space<hbm>> -> memref<128x256xf32, #tpu.memory_space<hbm>>
    tpu.enqueue_dma source(%arg5 : memref<128x256xf32, #tpu.memory_space<vmem>>) target(%dma_start3A_579 : memref<128x256xf32, #tpu.memory_space<hbm>>) target_semaphore(%arg10 : memref<!tpu.dma_semaphore, #tpu.memory_space<semaphore_mem>>)
    %dma_start3A_580 = arith.constant 3 : i32
    %dma_start3A_581 = arith.constant 0 : i32
    %dma_start3A_582 = arith.constant 0 : i32
    %dma_start3A_583 = tpu.memref_slice %arg4[%dma_start3A_580, %add3A_27, %dma_start3A_581, %dma_start3A_582] : memref<8x144x128x256xf32, #tpu.memory_space<hbm>> -> memref<1x1x128x256xf32, #tpu.memory_space<hbm>>
    %dma_start3A_584 = tpu.memref_squeeze %dma_start3A_583 : memref<1x1x128x256xf32, #tpu.memory_space<hbm>> -> memref<128x256xf32, #tpu.memory_space<hbm>>
    %dma_start3A_585 = arith.constant 0 : i32
    %dma_start3A_586 = arith.constant 0 : i32
    %dma_start3A_587 = tpu.memref_slice %arg4[%dma_start3A_580, %add3A_27, %dma_start3A_585, %dma_start3A_586] : memref<8x144x128x256xf32, #tpu.memory_space<hbm>> -> memref<1x1x128x256xf32, #tpu.memory_space<hbm>>
    %dma_start3A_588 = tpu.memref_squeeze %dma_start3A_587 : memref<1x1x128x256xf32, #tpu.memory_space<hbm>> -> memref<128x256xf32, #tpu.memory_space<hbm>>
    tpu.enqueue_dma source(%arg5 : memref<128x256xf32, #tpu.memory_space<vmem>>) target(%dma_start3A_588 : memref<128x256xf32, #tpu.memory_space<hbm>>) target_semaphore(%arg10 : memref<!tpu.dma_semaphore, #tpu.memory_space<semaphore_mem>>)
    %dma_start3A_589 = arith.constant 4 : i32
    %dma_start3A_590 = arith.constant 0 : i32
    %dma_start3A_591 = arith.constant 0 : i32
    %dma_start3A_592 = tpu.memref_slice %arg4[%dma_start3A_589, %add3A_27, %dma_start3A_590, %dma_start3A_591] : memref<8x144x128x256xf32, #tpu.memory_space<hbm>> -> memref<1x1x128x256xf32, #tpu.memory_space<hbm>>
    %dma_start3A_593 = tpu.memref_squeeze %dma_start3A_592 : memref<1x1x128x256xf32, #tpu.memory_space<hbm>> -> memref<128x256xf32, #tpu.memory_space<hbm>>
    %dma_start3A_594 = arith.constant 0 : i32
    %dma_start3A_595 = arith.constant 0 : i32
    %dma_start3A_596 = tpu.memref_slice %arg4[%dma_start3A_589, %add3A_27, %dma_start3A_594, %dma_start3A_595] : memref<8x144x128x256xf32, #tpu.memory_space<hbm>> -> memref<1x1x128x256xf32, #tpu.memory_space<hbm>>
    %dma_start3A_597 = tpu.memref_squeeze %dma_start3A_596 : memref<1x1x128x256xf32, #tpu.memory_space<hbm>> -> memref<128x256xf32, #tpu.memory_space<hbm>>
    tpu.enqueue_dma source(%arg5 : memref<128x256xf32, #tpu.memory_space<vmem>>) target(%dma_start3A_597 : memref<128x256xf32, #tpu.memory_space<hbm>>) target_semaphore(%arg10 : memref<!tpu.dma_semaphore, #tpu.memory_space<semaphore_mem>>)
    %dma_start3A_598 = arith.constant 5 : i32
    %dma_start3A_599 = arith.constant 0 : i32
    %dma_start3A_600 = arith.constant 0 : i32
    %dma_start3A_601 = tpu.memref_slice %arg4[%dma_start3A_598, %add3A_27, %dma_start3A_599, %dma_start3A_600] : memref<8x144x128x256xf32, #tpu.memory_space<hbm>> -> memref<1x1x128x256xf32, #tpu.memory_space<hbm>>
    %dma_start3A_602 = tpu.memref_squeeze %dma_start3A_601 : memref<1x1x128x256xf32, #tpu.memory_space<hbm>> -> memref<128x256xf32, #tpu.memory_space<hbm>>
    %dma_start3A_603 = arith.constant 0 : i32
    %dma_start3A_604 = arith.constant 0 : i32
    %dma_start3A_605 = tpu.memref_slice %arg4[%dma_start3A_598, %add3A_27, %dma_start3A_603, %dma_start3A_604] : memref<8x144x128x256xf32, #tpu.memory_space<hbm>> -> memref<1x1x128x256xf32, #tpu.memory_space<hbm>>
    %dma_start3A_606 = tpu.memref_squeeze %dma_start3A_605 : memref<1x1x128x256xf32, #tpu.memory_space<hbm>> -> memref<128x256xf32, #tpu.memory_space<hbm>>
    tpu.enqueue_dma source(%arg5 : memref<128x256xf32, #tpu.memory_space<vmem>>) target(%dma_start3A_606 : memref<128x256xf32, #tpu.memory_space<hbm>>) target_semaphore(%arg10 : memref<!tpu.dma_semaphore, #tpu.memory_space<semaphore_mem>>)
    %dma_start3A_607 = arith.constant 6 : i32
    %dma_start3A_608 = arith.constant 0 : i32
    %dma_start3A_609 = arith.constant 0 : i32
    %dma_start3A_610 = tpu.memref_slice %arg4[%dma_start3A_607, %add3A_27, %dma_start3A_608, %dma_start3A_609] : memref<8x144x128x256xf32, #tpu.memory_space<hbm>> -> memref<1x1x128x256xf32, #tpu.memory_space<hbm>>
    %dma_start3A_611 = tpu.memref_squeeze %dma_start3A_610 : memref<1x1x128x256xf32, #tpu.memory_space<hbm>> -> memref<128x256xf32, #tpu.memory_space<hbm>>
    %dma_start3A_612 = arith.constant 0 : i32
    %dma_start3A_613 = arith.constant 0 : i32
    %dma_start3A_614 = tpu.memref_slice %arg4[%dma_start3A_607, %add3A_27, %dma_start3A_612, %dma_start3A_613] : memref<8x144x128x256xf32, #tpu.memory_space<hbm>> -> memref<1x1x128x256xf32, #tpu.memory_space<hbm>>
    %dma_start3A_615 = tpu.memref_squeeze %dma_start3A_614 : memref<1x1x128x256xf32, #tpu.memory_space<hbm>> -> memref<128x256xf32, #tpu.memory_space<hbm>>
    tpu.enqueue_dma source(%arg5 : memref<128x256xf32, #tpu.memory_space<vmem>>) target(%dma_start3A_615 : memref<128x256xf32, #tpu.memory_space<hbm>>) target_semaphore(%arg10 : memref<!tpu.dma_semaphore, #tpu.memory_space<semaphore_mem>>)
    %dma_start3A_616 = arith.constant 7 : i32
    %dma_start3A_617 = arith.constant 0 : i32
    %dma_start3A_618 = arith.constant 0 : i32
    %dma_start3A_619 = tpu.memref_slice %arg4[%dma_start3A_616, %add3A_27, %dma_start3A_617, %dma_start3A_618] : memref<8x144x128x256xf32, #tpu.memory_space<hbm>> -> memref<1x1x128x256xf32, #tpu.memory_space<hbm>>
    %dma_start3A_620 = tpu.memref_squeeze %dma_start3A_619 : memref<1x1x128x256xf32, #tpu.memory_space<hbm>> -> memref<128x256xf32, #tpu.memory_space<hbm>>
    %dma_start3A_621 = arith.constant 0 : i32
    %dma_start3A_622 = arith.constant 0 : i32
    %dma_start3A_623 = tpu.memref_slice %arg4[%dma_start3A_616, %add3A_27, %dma_start3A_621, %dma_start3A_622] : memref<8x144x128x256xf32, #tpu.memory_space<hbm>> -> memref<1x1x128x256xf32, #tpu.memory_space<hbm>>
    %dma_start3A_624 = tpu.memref_squeeze %dma_start3A_623 : memref<1x1x128x256xf32, #tpu.memory_space<hbm>> -> memref<128x256xf32, #tpu.memory_space<hbm>>
    tpu.enqueue_dma source(%arg5 : memref<128x256xf32, #tpu.memory_space<vmem>>) target(%dma_start3A_624 : memref<128x256xf32, #tpu.memory_space<hbm>>) target_semaphore(%arg10 : memref<!tpu.dma_semaphore, #tpu.memory_space<semaphore_mem>>)
    %dma_wait3A_625 = arith.constant 0 : i32
    %dma_wait3A_626 = arith.constant 0 : i32
    %dma_wait3A_627 = arith.constant 0 : i32
    %dma_wait3A_628 = tpu.memref_slice %arg4[%dma_wait3A_625, %add3A_19, %dma_wait3A_626, %dma_wait3A_627] : memref<8x144x128x256xf32, #tpu.memory_space<hbm>> -> memref<1x1x128x256xf32, #tpu.memory_space<hbm>>
    %dma_wait3A_629 = tpu.memref_squeeze %dma_wait3A_628 : memref<1x1x128x256xf32, #tpu.memory_space<hbm>> -> memref<128x256xf32, #tpu.memory_space<hbm>>
    %dma_wait3A_630 = arith.constant 0 : i32
    %dma_wait3A_631 = arith.constant 0 : i32
    %dma_wait3A_632 = tpu.memref_slice %arg4[%dma_wait3A_625, %add3A_19, %dma_wait3A_630, %dma_wait3A_631] : memref<8x144x128x256xf32, #tpu.memory_space<hbm>> -> memref<1x1x128x256xf32, #tpu.memory_space<hbm>>
    %dma_wait3A_633 = tpu.memref_squeeze %dma_wait3A_632 : memref<1x1x128x256xf32, #tpu.memory_space<hbm>> -> memref<128x256xf32, #tpu.memory_space<hbm>>
    tpu.wait_dma2 semaphore(%arg11 : memref<!tpu.dma_semaphore, #tpu.memory_space<semaphore_mem>>) src(%arg6 : memref<128x256xf32, #tpu.memory_space<vmem>>) dst(%dma_wait3A_633 : memref<128x256xf32, #tpu.memory_space<hbm>>)
    %dma_wait3A_634 = arith.constant 1 : i32
    %dma_wait3A_635 = arith.constant 0 : i32
    %dma_wait3A_636 = arith.constant 0 : i32
    %dma_wait3A_637 = tpu.memref_slice %arg4[%dma_wait3A_634, %add3A_19, %dma_wait3A_635, %dma_wait3A_636] : memref<8x144x128x256xf32, #tpu.memory_space<hbm>> -> memref<1x1x128x256xf32, #tpu.memory_space<hbm>>
    %dma_wait3A_638 = tpu.memref_squeeze %dma_wait3A_637 : memref<1x1x128x256xf32, #tpu.memory_space<hbm>> -> memref<128x256xf32, #tpu.memory_space<hbm>>
    %dma_wait3A_639 = arith.constant 0 : i32
    %dma_wait3A_640 = arith.constant 0 : i32
    %dma_wait3A_641 = tpu.memref_slice %arg4[%dma_wait3A_634, %add3A_19, %dma_wait3A_639, %dma_wait3A_640] : memref<8x144x128x256xf32, #tpu.memory_space<hbm>> -> memref<1x1x128x256xf32, #tpu.memory_space<hbm>>
    %dma_wait3A_642 = tpu.memref_squeeze %dma_wait3A_641 : memref<1x1x128x256xf32, #tpu.memory_space<hbm>> -> memref<128x256xf32, #tpu.memory_space<hbm>>
    tpu.wait_dma2 semaphore(%arg11 : memref<!tpu.dma_semaphore, #tpu.memory_space<semaphore_mem>>) src(%arg6 : memref<128x256xf32, #tpu.memory_space<vmem>>) dst(%dma_wait3A_642 : memref<128x256xf32, #tpu.memory_space<hbm>>)
    %dma_wait3A_643 = arith.constant 2 : i32
    %dma_wait3A_644 = arith.constant 0 : i32
    %dma_wait3A_645 = arith.constant 0 : i32
    %dma_wait3A_646 = tpu.memref_slice %arg4[%dma_wait3A_643, %add3A_19, %dma_wait3A_644, %dma_wait3A_645] : memref<8x144x128x256xf32, #tpu.memory_space<hbm>> -> memref<1x1x128x256xf32, #tpu.memory_space<hbm>>
    %dma_wait3A_647 = tpu.memref_squeeze %dma_wait3A_646 : memref<1x1x128x256xf32, #tpu.memory_space<hbm>> -> memref<128x256xf32, #tpu.memory_space<hbm>>
    %dma_wait3A_648 = arith.constant 0 : i32
    %dma_wait3A_649 = arith.constant 0 : i32
    %dma_wait3A_650 = tpu.memref_slice %arg4[%dma_wait3A_643, %add3A_19, %dma_wait3A_648, %dma_wait3A_649] : memref<8x144x128x256xf32, #tpu.memory_space<hbm>> -> memref<1x1x128x256xf32, #tpu.memory_space<hbm>>
    %dma_wait3A_651 = tpu.memref_squeeze %dma_wait3A_650 : memref<1x1x128x256xf32, #tpu.memory_space<hbm>> -> memref<128x256xf32, #tpu.memory_space<hbm>>
    tpu.wait_dma2 semaphore(%arg11 : memref<!tpu.dma_semaphore, #tpu.memory_space<semaphore_mem>>) src(%arg6 : memref<128x256xf32, #tpu.memory_space<vmem>>) dst(%dma_wait3A_651 : memref<128x256xf32, #tpu.memory_space<hbm>>)
    %dma_wait3A_652 = arith.constant 3 : i32
    %dma_wait3A_653 = arith.constant 0 : i32
    %dma_wait3A_654 = arith.constant 0 : i32
    %dma_wait3A_655 = tpu.memref_slice %arg4[%dma_wait3A_652, %add3A_19, %dma_wait3A_653, %dma_wait3A_654] : memref<8x144x128x256xf32, #tpu.memory_space<hbm>> -> memref<1x1x128x256xf32, #tpu.memory_space<hbm>>
    %dma_wait3A_656 = tpu.memref_squeeze %dma_wait3A_655 : memref<1x1x128x256xf32, #tpu.memory_space<hbm>> -> memref<128x256xf32, #tpu.memory_space<hbm>>
    %dma_wait3A_657 = arith.constant 0 : i32
    %dma_wait3A_658 = arith.constant 0 : i32
    %dma_wait3A_659 = tpu.memref_slice %arg4[%dma_wait3A_652, %add3A_19, %dma_wait3A_657, %dma_wait3A_658] : memref<8x144x128x256xf32, #tpu.memory_space<hbm>> -> memref<1x1x128x256xf32, #tpu.memory_space<hbm>>
    %dma_wait3A_660 = tpu.memref_squeeze %dma_wait3A_659 : memref<1x1x128x256xf32, #tpu.memory_space<hbm>> -> memref<128x256xf32, #tpu.memory_space<hbm>>
    tpu.wait_dma2 semaphore(%arg11 : memref<!tpu.dma_semaphore, #tpu.memory_space<semaphore_mem>>) src(%arg6 : memref<128x256xf32, #tpu.memory_space<vmem>>) dst(%dma_wait3A_660 : memref<128x256xf32, #tpu.memory_space<hbm>>)
    %dma_wait3A_661 = arith.constant 4 : i32
    %dma_wait3A_662 = arith.constant 0 : i32
    %dma_wait3A_663 = arith.constant 0 : i32
    %dma_wait3A_664 = tpu.memref_slice %arg4[%dma_wait3A_661, %add3A_19, %dma_wait3A_662, %dma_wait3A_663] : memref<8x144x128x256xf32, #tpu.memory_space<hbm>> -> memref<1x1x128x256xf32, #tpu.memory_space<hbm>>
    %dma_wait3A_665 = tpu.memref_squeeze %dma_wait3A_664 : memref<1x1x128x256xf32, #tpu.memory_space<hbm>> -> memref<128x256xf32, #tpu.memory_space<hbm>>
    %dma_wait3A_666 = arith.constant 0 : i32
    %dma_wait3A_667 = arith.constant 0 : i32
    %dma_wait3A_668 = tpu.memref_slice %arg4[%dma_wait3A_661, %add3A_19, %dma_wait3A_666, %dma_wait3A_667] : memref<8x144x128x256xf32, #tpu.memory_space<hbm>> -> memref<1x1x128x256xf32, #tpu.memory_space<hbm>>
    %dma_wait3A_669 = tpu.memref_squeeze %dma_wait3A_668 : memref<1x1x128x256xf32, #tpu.memory_space<hbm>> -> memref<128x256xf32, #tpu.memory_space<hbm>>
    tpu.wait_dma2 semaphore(%arg11 : memref<!tpu.dma_semaphore, #tpu.memory_space<semaphore_mem>>) src(%arg6 : memref<128x256xf32, #tpu.memory_space<vmem>>) dst(%dma_wait3A_669 : memref<128x256xf32, #tpu.memory_space<hbm>>)
    %dma_wait3A_670 = arith.constant 5 : i32
    %dma_wait3A_671 = arith.constant 0 : i32
    %dma_wait3A_672 = arith.constant 0 : i32
    %dma_wait3A_673 = tpu.memref_slice %arg4[%dma_wait3A_670, %add3A_19, %dma_wait3A_671, %dma_wait3A_672] : memref<8x144x128x256xf32, #tpu.memory_space<hbm>> -> memref<1x1x128x256xf32, #tpu.memory_space<hbm>>
    %dma_wait3A_674 = tpu.memref_squeeze %dma_wait3A_673 : memref<1x1x128x256xf32, #tpu.memory_space<hbm>> -> memref<128x256xf32, #tpu.memory_space<hbm>>
    %dma_wait3A_675 = arith.constant 0 : i32
    %dma_wait3A_676 = arith.constant 0 : i32
    %dma_wait3A_677 = tpu.memref_slice %arg4[%dma_wait3A_670, %add3A_19, %dma_wait3A_675, %dma_wait3A_676] : memref<8x144x128x256xf32, #tpu.memory_space<hbm>> -> memref<1x1x128x256xf32, #tpu.memory_space<hbm>>
    %dma_wait3A_678 = tpu.memref_squeeze %dma_wait3A_677 : memref<1x1x128x256xf32, #tpu.memory_space<hbm>> -> memref<128x256xf32, #tpu.memory_space<hbm>>
    tpu.wait_dma2 semaphore(%arg11 : memref<!tpu.dma_semaphore, #tpu.memory_space<semaphore_mem>>) src(%arg6 : memref<128x256xf32, #tpu.memory_space<vmem>>) dst(%dma_wait3A_678 : memref<128x256xf32, #tpu.memory_space<hbm>>)
    %dma_wait3A_679 = arith.constant 6 : i32
    %dma_wait3A_680 = arith.constant 0 : i32
    %dma_wait3A_681 = arith.constant 0 : i32
    %dma_wait3A_682 = tpu.memref_slice %arg4[%dma_wait3A_679, %add3A_19, %dma_wait3A_680, %dma_wait3A_681] : memref<8x144x128x256xf32, #tpu.memory_space<hbm>> -> memref<1x1x128x256xf32, #tpu.memory_space<hbm>>
    %dma_wait3A_683 = tpu.memref_squeeze %dma_wait3A_682 : memref<1x1x128x256xf32, #tpu.memory_space<hbm>> -> memref<128x256xf32, #tpu.memory_space<hbm>>
    %dma_wait3A_684 = arith.constant 0 : i32
    %dma_wait3A_685 = arith.constant 0 : i32
    %dma_wait3A_686 = tpu.memref_slice %arg4[%dma_wait3A_679, %add3A_19, %dma_wait3A_684, %dma_wait3A_685] : memref<8x144x128x256xf32, #tpu.memory_space<hbm>> -> memref<1x1x128x256xf32, #tpu.memory_space<hbm>>
    %dma_wait3A_687 = tpu.memref_squeeze %dma_wait3A_686 : memref<1x1x128x256xf32, #tpu.memory_space<hbm>> -> memref<128x256xf32, #tpu.memory_space<hbm>>
    tpu.wait_dma2 semaphore(%arg11 : memref<!tpu.dma_semaphore, #tpu.memory_space<semaphore_mem>>) src(%arg6 : memref<128x256xf32, #tpu.memory_space<vmem>>) dst(%dma_wait3A_687 : memref<128x256xf32, #tpu.memory_space<hbm>>)
    %dma_wait3A_688 = arith.constant 7 : i32
    %dma_wait3A_689 = arith.constant 0 : i32
    %dma_wait3A_690 = arith.constant 0 : i32
    %dma_wait3A_691 = tpu.memref_slice %arg4[%dma_wait3A_688, %add3A_19, %dma_wait3A_689, %dma_wait3A_690] : memref<8x144x128x256xf32, #tpu.memory_space<hbm>> -> memref<1x1x128x256xf32, #tpu.memory_space<hbm>>
    %dma_wait3A_692 = tpu.memref_squeeze %dma_wait3A_691 : memref<1x1x128x256xf32, #tpu.memory_space<hbm>> -> memref<128x256xf32, #tpu.memory_space<hbm>>
    %dma_wait3A_693 = arith.constant 0 : i32
    %dma_wait3A_694 = arith.constant 0 : i32
    %dma_wait3A_695 = tpu.memref_slice %arg4[%dma_wait3A_688, %add3A_19, %dma_wait3A_693, %dma_wait3A_694] : memref<8x144x128x256xf32, #tpu.memory_space<hbm>> -> memref<1x1x128x256xf32, #tpu.memory_space<hbm>>
    %dma_wait3A_696 = tpu.memref_squeeze %dma_wait3A_695 : memref<1x1x128x256xf32, #tpu.memory_space<hbm>> -> memref<128x256xf32, #tpu.memory_space<hbm>>
    tpu.wait_dma2 semaphore(%arg11 : memref<!tpu.dma_semaphore, #tpu.memory_space<semaphore_mem>>) src(%arg6 : memref<128x256xf32, #tpu.memory_space<vmem>>) dst(%dma_wait3A_696 : memref<128x256xf32, #tpu.memory_space<hbm>>)
    "tpu.region"() ({
      %run_scoped3A = tpu.sem_alloc : memref<!tpu.dma_semaphore, #tpu.memory_space<semaphore_mem>>
      %dma_start3A_912 = arith.constant 0 : i32
      %dma_start3A_913 = arith.constant 0 : i32
      %dma_start3A_914 = tpu.memref_slice %arg3[%select_n3A_48, %dma_start3A_912, %dma_start3A_913] : memref<16x128x16xf32, #tpu.memory_space<hbm>> -> memref<1x128x16xf32, #tpu.memory_space<hbm>>
      %dma_start3A_915 = tpu.memref_squeeze %dma_start3A_914 : memref<1x128x16xf32, #tpu.memory_space<hbm>> -> memref<128x16xf32, #tpu.memory_space<hbm>>
      %dma_start3A_916 = arith.constant 0 : i32
      %dma_start3A_917 = arith.constant 0 : i32
      %dma_start3A_918 = tpu.memref_slice %arg3[%select_n3A_48, %dma_start3A_916, %dma_start3A_917] : memref<16x128x16xf32, #tpu.memory_space<hbm>> -> memref<1x128x16xf32, #tpu.memory_space<hbm>>
      %dma_start3A_919 = tpu.memref_squeeze %dma_start3A_918 : memref<1x128x16xf32, #tpu.memory_space<hbm>> -> memref<128x16xf32, #tpu.memory_space<hbm>>
      tpu.enqueue_dma source(%dma_start3A_919 : memref<128x16xf32, #tpu.memory_space<hbm>>) target(%arg9 : memref<128x16xf32, #tpu.memory_space<vmem>>) target_semaphore(%run_scoped3A : memref<!tpu.dma_semaphore, #tpu.memory_space<semaphore_mem>>)
      %dma_wait3A_920 = arith.constant 0 : i32
      %dma_wait3A_921 = arith.constant 0 : i32
      %dma_wait3A_922 = tpu.memref_slice %arg3[%select_n3A_48, %dma_wait3A_920, %dma_wait3A_921] : memref<16x128x16xf32, #tpu.memory_space<hbm>> -> memref<1x128x16xf32, #tpu.memory_space<hbm>>
      %dma_wait3A_923 = tpu.memref_squeeze %dma_wait3A_922 : memref<1x128x16xf32, #tpu.memory_space<hbm>> -> memref<128x16xf32, #tpu.memory_space<hbm>>
      %dma_wait3A_924 = arith.constant 0 : i32
      %dma_wait3A_925 = arith.constant 0 : i32
      %dma_wait3A_926 = tpu.memref_slice %arg3[%select_n3A_48, %dma_wait3A_924, %dma_wait3A_925] : memref<16x128x16xf32, #tpu.memory_space<hbm>> -> memref<1x128x16xf32, #tpu.memory_space<hbm>>
      %dma_wait3A_927 = tpu.memref_squeeze %dma_wait3A_926 : memref<1x128x16xf32, #tpu.memory_space<hbm>> -> memref<128x16xf32, #tpu.memory_space<hbm>>
      tpu.wait_dma2 semaphore(%run_scoped3A : memref<!tpu.dma_semaphore, #tpu.memory_space<semaphore_mem>>) src(%dma_wait3A_927 : memref<128x16xf32, #tpu.memory_space<hbm>>) dst(%arg9 : memref<128x16xf32, #tpu.memory_space<vmem>>)
      tpu.yield
    }) : () -> ()
    %scan3A_697 = arith.constant 0 : i32
    %scan3A_698 = arith.constant 32 : i32
    %scan3A_699 = arith.addi %scan3A_697, %scan3A_698 : i32
    %scan3A_700 = arith.constant 1 : i32
    scf.for %scan3A_912 = %scan3A_697 to %scan3A_699 step %scan3A_700  : i32 {
      %mul3A_913 = arith.constant 4 : i32
      %mul3A_914 = arith.muli %scan3A_912, %mul3A_913 : i32
      %add3A_915 = arith.constant 0 : i32
      %add3A_916 = arith.addi %mul3A_914, %add3A_915 : i32
      %get3A_917 = arith.index_cast %add3A_916 : i32 to index
      %get3A_918 = arith.constant 0 : index
      %get3A_919 = tpu.vector_load %arg9[%get3A_917, %get3A_918] {strides = array<i32>} : memref<128x16xf32, #tpu.memory_space<vmem>>, vector<1x16xf32>,
      %get3A_920 = vector.shape_cast %get3A_919 : vector<1x16xf32> to vector<16xf32>
      %swap3A = arith.index_cast %add3A_916 : i32 to index
      %swap3A_921 = arith.constant 0 : index
      %swap3A_922 = tpu.vector_load %arg6[%swap3A, %swap3A_921] {strides = array<i32>} : memref<128x256xf32, #tpu.memory_space<vmem>>, vector<1x16xf32>,
      %swap3A_923 = vector.shape_cast %swap3A_922 : vector<1x16xf32> to vector<16xf32>
      %swap3A_924 = vector.shape_cast %get3A_920 : vector<16xf32> to vector<1x16xf32>
      tpu.vector_store %arg6[%swap3A, %swap3A_921], %swap3A_924 {strides = array<i32>} : memref<128x256xf32, #tpu.memory_space<vmem>>, vector<1x16xf32>,
      %swap3A_925 = arith.index_cast %add3A_916 : i32 to index
      %swap3A_926 = arith.constant 16 : index
      %swap3A_927 = tpu.vector_load %arg6[%swap3A_925, %swap3A_926] {strides = array<i32>} : memref<128x256xf32, #tpu.memory_space<vmem>>, vector<1x16xf32>,
      %swap3A_928 = vector.shape_cast %swap3A_927 : vector<1x16xf32> to vector<16xf32>
      %swap3A_929 = vector.shape_cast %get3A_920 : vector<16xf32> to vector<1x16xf32>
      tpu.vector_store %arg6[%swap3A_925, %swap3A_926], %swap3A_929 {strides = array<i32>} : memref<128x256xf32, #tpu.memory_space<vmem>>, vector<1x16xf32>,
      %swap3A_930 = arith.index_cast %add3A_916 : i32 to index
      %swap3A_931 = arith.constant 32 : index
      %swap3A_932 = tpu.vector_load %arg6[%swap3A_930, %swap3A_931] {strides = array<i32>} : memref<128x256xf32, #tpu.memory_space<vmem>>, vector<1x16xf32>,
      %swap3A_933 = vector.shape_cast %swap3A_932 : vector<1x16xf32> to vector<16xf32>
      %swap3A_934 = vector.shape_cast %get3A_920 : vector<16xf32> to vector<1x16xf32>
      tpu.vector_store %arg6[%swap3A_930, %swap3A_931], %swap3A_934 {strides = array<i32>} : memref<128x256xf32, #tpu.memory_space<vmem>>, vector<1x16xf32>,
      %swap3A_935 = arith.index_cast %add3A_916 : i32 to index
      %swap3A_936 = arith.constant 48 : index
      %swap3A_937 = tpu.vector_load %arg6[%swap3A_935, %swap3A_936] {strides = array<i32>} : memref<128x256xf32, #tpu.memory_space<vmem>>, vector<1x16xf32>,
      %swap3A_938 = vector.shape_cast %swap3A_937 : vector<1x16xf32> to vector<16xf32>
      %swap3A_939 = vector.shape_cast %get3A_920 : vector<16xf32> to vector<1x16xf32>
      tpu.vector_store %arg6[%swap3A_935, %swap3A_936], %swap3A_939 {strides = array<i32>} : memref<128x256xf32, #tpu.memory_space<vmem>>, vector<1x16xf32>,
      %swap3A_940 = arith.index_cast %add3A_916 : i32 to index
      %swap3A_941 = arith.constant 64 : index
      %swap3A_942 = tpu.vector_load %arg6[%swap3A_940, %swap3A_941] {strides = array<i32>} : memref<128x256xf32, #tpu.memory_space<vmem>>, vector<1x16xf32>,
      %swap3A_943 = vector.shape_cast %swap3A_942 : vector<1x16xf32> to vector<16xf32>
      %swap3A_944 = vector.shape_cast %get3A_920 : vector<16xf32> to vector<1x16xf32>
      tpu.vector_store %arg6[%swap3A_940, %swap3A_941], %swap3A_944 {strides = array<i32>} : memref<128x256xf32, #tpu.memory_space<vmem>>, vector<1x16xf32>,
      %swap3A_945 = arith.index_cast %add3A_916 : i32 to index
      %swap3A_946 = arith.constant 80 : index
      %swap3A_947 = tpu.vector_load %arg6[%swap3A_945, %swap3A_946] {strides = array<i32>} : memref<128x256xf32, #tpu.memory_space<vmem>>, vector<1x16xf32>,
      %swap3A_948 = vector.shape_cast %swap3A_947 : vector<1x16xf32> to vector<16xf32>
      %swap3A_949 = vector.shape_cast %get3A_920 : vector<16xf32> to vector<1x16xf32>
      tpu.vector_store %arg6[%swap3A_945, %swap3A_946], %swap3A_949 {strides = array<i32>} : memref<128x256xf32, #tpu.memory_space<vmem>>, vector<1x16xf32>,
      %swap3A_950 = arith.index_cast %add3A_916 : i32 to index
      %swap3A_951 = arith.constant 96 : index
      %swap3A_952 = tpu.vector_load %arg6[%swap3A_950, %swap3A_951] {strides = array<i32>} : memref<128x256xf32, #tpu.memory_space<vmem>>, vector<1x16xf32>,
      %swap3A_953 = vector.shape_cast %swap3A_952 : vector<1x16xf32> to vector<16xf32>
      %swap3A_954 = vector.shape_cast %get3A_920 : vector<16xf32> to vector<1x16xf32>
      tpu.vector_store %arg6[%swap3A_950, %swap3A_951], %swap3A_954 {strides = array<i32>} : memref<128x256xf32, #tpu.memory_space<vmem>>, vector<1x16xf32>,
      %swap3A_955 = arith.index_cast %add3A_916 : i32 to index
      %swap3A_956 = arith.constant 112 : index
      %swap3A_957 = tpu.vector_load %arg6[%swap3A_955, %swap3A_956] {strides = array<i32>} : memref<128x256xf32, #tpu.memory_space<vmem>>, vector<1x16xf32>,
      %swap3A_958 = vector.shape_cast %swap3A_957 : vector<1x16xf32> to vector<16xf32>
      %swap3A_959 = vector.shape_cast %get3A_920 : vector<16xf32> to vector<1x16xf32>
      tpu.vector_store %arg6[%swap3A_955, %swap3A_956], %swap3A_959 {strides = array<i32>} : memref<128x256xf32, #tpu.memory_space<vmem>>, vector<1x16xf32>,
      %swap3A_960 = arith.index_cast %add3A_916 : i32 to index
      %swap3A_961 = arith.constant 128 : index
      %swap3A_962 = tpu.vector_load %arg6[%swap3A_960, %swap3A_961] {strides = array<i32>} : memref<128x256xf32, #tpu.memory_space<vmem>>, vector<1x16xf32>,
      %swap3A_963 = vector.shape_cast %swap3A_962 : vector<1x16xf32> to vector<16xf32>
      %swap3A_964 = vector.shape_cast %get3A_920 : vector<16xf32> to vector<1x16xf32>
      tpu.vector_store %arg6[%swap3A_960, %swap3A_961], %swap3A_964 {strides = array<i32>} : memref<128x256xf32, #tpu.memory_space<vmem>>, vector<1x16xf32>,
      %swap3A_965 = arith.index_cast %add3A_916 : i32 to index
      %swap3A_966 = arith.constant 144 : index
      %swap3A_967 = tpu.vector_load %arg6[%swap3A_965, %swap3A_966] {strides = array<i32>} : memref<128x256xf32, #tpu.memory_space<vmem>>, vector<1x16xf32>,
      %swap3A_968 = vector.shape_cast %swap3A_967 : vector<1x16xf32> to vector<16xf32>
      %swap3A_969 = vector.shape_cast %get3A_920 : vector<16xf32> to vector<1x16xf32>
      tpu.vector_store %arg6[%swap3A_965, %swap3A_966], %swap3A_969 {strides = array<i32>} : memref<128x256xf32, #tpu.memory_space<vmem>>, vector<1x16xf32>,
      %swap3A_970 = arith.index_cast %add3A_916 : i32 to index
      %swap3A_971 = arith.constant 160 : index
      %swap3A_972 = tpu.vector_load %arg6[%swap3A_970, %swap3A_971] {strides = array<i32>} : memref<128x256xf32, #tpu.memory_space<vmem>>, vector<1x16xf32>,
      %swap3A_973 = vector.shape_cast %swap3A_972 : vector<1x16xf32> to vector<16xf32>
      %swap3A_974 = vector.shape_cast %get3A_920 : vector<16xf32> to vector<1x16xf32>
      tpu.vector_store %arg6[%swap3A_970, %swap3A_971], %swap3A_974 {strides = array<i32>} : memref<128x256xf32, #tpu.memory_space<vmem>>, vector<1x16xf32>,
      %swap3A_975 = arith.index_cast %add3A_916 : i32 to index
      %swap3A_976 = arith.constant 176 : index
      %swap3A_977 = tpu.vector_load %arg6[%swap3A_975, %swap3A_976] {strides = array<i32>} : memref<128x256xf32, #tpu.memory_space<vmem>>, vector<1x16xf32>,
      %swap3A_978 = vector.shape_cast %swap3A_977 : vector<1x16xf32> to vector<16xf32>
      %swap3A_979 = vector.shape_cast %get3A_920 : vector<16xf32> to vector<1x16xf32>
      tpu.vector_store %arg6[%swap3A_975, %swap3A_976], %swap3A_979 {strides = array<i32>} : memref<128x256xf32, #tpu.memory_space<vmem>>, vector<1x16xf32>,
      %swap3A_980 = arith.index_cast %add3A_916 : i32 to index
      %swap3A_981 = arith.constant 192 : index
      %swap3A_982 = tpu.vector_load %arg6[%swap3A_980, %swap3A_981] {strides = array<i32>} : memref<128x256xf32, #tpu.memory_space<vmem>>, vector<1x16xf32>,
      %swap3A_983 = vector.shape_cast %swap3A_982 : vector<1x16xf32> to vector<16xf32>
      %swap3A_984 = vector.shape_cast %get3A_920 : vector<16xf32> to vector<1x16xf32>
      tpu.vector_store %arg6[%swap3A_980, %swap3A_981], %swap3A_984 {strides = array<i32>} : memref<128x256xf32, #tpu.memory_space<vmem>>, vector<1x16xf32>,
      %swap3A_985 = arith.index_cast %add3A_916 : i32 to index
      %swap3A_986 = arith.constant 208 : index
      %swap3A_987 = tpu.vector_load %arg6[%swap3A_985, %swap3A_986] {strides = array<i32>} : memref<128x256xf32, #tpu.memory_space<vmem>>, vector<1x16xf32>,
      %swap3A_988 = vector.shape_cast %swap3A_987 : vector<1x16xf32> to vector<16xf32>
      %swap3A_989 = vector.shape_cast %get3A_920 : vector<16xf32> to vector<1x16xf32>
      tpu.vector_store %arg6[%swap3A_985, %swap3A_986], %swap3A_989 {strides = array<i32>} : memref<128x256xf32, #tpu.memory_space<vmem>>, vector<1x16xf32>,
      %swap3A_990 = arith.index_cast %add3A_916 : i32 to index
      %swap3A_991 = arith.constant 224 : index
      %swap3A_992 = tpu.vector_load %arg6[%swap3A_990, %swap3A_991] {strides = array<i32>} : memref<128x256xf32, #tpu.memory_space<vmem>>, vector<1x16xf32>,
      %swap3A_993 = vector.shape_cast %swap3A_992 : vector<1x16xf32> to vector<16xf32>
      %swap3A_994 = vector.shape_cast %get3A_920 : vector<16xf32> to vector<1x16xf32>
      tpu.vector_store %arg6[%swap3A_990, %swap3A_991], %swap3A_994 {strides = array<i32>} : memref<128x256xf32, #tpu.memory_space<vmem>>, vector<1x16xf32>,
      %swap3A_995 = arith.index_cast %add3A_916 : i32 to index
      %swap3A_996 = arith.constant 240 : index
      %swap3A_997 = tpu.vector_load %arg6[%swap3A_995, %swap3A_996] {strides = array<i32>} : memref<128x256xf32, #tpu.memory_space<vmem>>, vector<1x16xf32>,
      %swap3A_998 = vector.shape_cast %swap3A_997 : vector<1x16xf32> to vector<16xf32>
      %swap3A_999 = vector.shape_cast %get3A_920 : vector<16xf32> to vector<1x16xf32>
      tpu.vector_store %arg6[%swap3A_995, %swap3A_996], %swap3A_999 {strides = array<i32>} : memref<128x256xf32, #tpu.memory_space<vmem>>, vector<1x16xf32>,
      %mul3A_1000 = arith.constant 4 : i32
      %mul3A_1001 = arith.muli %scan3A_912, %mul3A_1000 : i32
      %add3A_1002 = arith.constant 1 : i32
      %add3A_1003 = arith.addi %mul3A_1001, %add3A_1002 : i32
      %get3A_1004 = arith.index_cast %add3A_1003 : i32 to index
      %get3A_1005 = arith.constant 0 : index
      %get3A_1006 = tpu.vector_load %arg9[%get3A_1004, %get3A_1005] {strides = array<i32>} : memref<128x16xf32, #tpu.memory_space<vmem>>, vector<1x16xf32>,
      %get3A_1007 = vector.shape_cast %get3A_1006 : vector<1x16xf32> to vector<16xf32>
      %swap3A_1008 = arith.index_cast %add3A_1003 : i32 to index
      %swap3A_1009 = arith.constant 0 : index
      %swap3A_1010 = tpu.vector_load %arg6[%swap3A_1008, %swap3A_1009] {strides = array<i32>} : memref<128x256xf32, #tpu.memory_space<vmem>>, vector<1x16xf32>,
      %swap3A_1011 = vector.shape_cast %swap3A_1010 : vector<1x16xf32> to vector<16xf32>
      %swap3A_1012 = vector.shape_cast %get3A_1007 : vector<16xf32> to vector<1x16xf32>
      tpu.vector_store %arg6[%swap3A_1008, %swap3A_1009], %swap3A_1012 {strides = array<i32>} : memref<128x256xf32, #tpu.memory_space<vmem>>, vector<1x16xf32>,
      %swap3A_1013 = arith.index_cast %add3A_1003 : i32 to index
      %swap3A_1014 = arith.constant 16 : index
      %swap3A_1015 = tpu.vector_load %arg6[%swap3A_1013, %swap3A_1014] {strides = array<i32>} : memref<128x256xf32, #tpu.memory_space<vmem>>, vector<1x16xf32>,
      %swap3A_1016 = vector.shape_cast %swap3A_1015 : vector<1x16xf32> to vector<16xf32>
      %swap3A_1017 = vector.shape_cast %get3A_1007 : vector<16xf32> to vector<1x16xf32>
      tpu.vector_store %arg6[%swap3A_1013, %swap3A_1014], %swap3A_1017 {strides = array<i32>} : memref<128x256xf32, #tpu.memory_space<vmem>>, vector<1x16xf32>,
      %swap3A_1018 = arith.index_cast %add3A_1003 : i32 to index
      %swap3A_1019 = arith.constant 32 : index
      %swap3A_1020 = tpu.vector_load %arg6[%swap3A_1018, %swap3A_1019] {strides = array<i32>} : memref<128x256xf32, #tpu.memory_space<vmem>>, vector<1x16xf32>,
      %swap3A_1021 = vector.shape_cast %swap3A_1020 : vector<1x16xf32> to vector<16xf32>
      %swap3A_1022 = vector.shape_cast %get3A_1007 : vector<16xf32> to vector<1x16xf32>
      tpu.vector_store %arg6[%swap3A_1018, %swap3A_1019], %swap3A_1022 {strides = array<i32>} : memref<128x256xf32, #tpu.memory_space<vmem>>, vector<1x16xf32>,
      %swap3A_1023 = arith.index_cast %add3A_1003 : i32 to index
      %swap3A_1024 = arith.constant 48 : index
      %swap3A_1025 = tpu.vector_load %arg6[%swap3A_1023, %swap3A_1024] {strides = array<i32>} : memref<128x256xf32, #tpu.memory_space<vmem>>, vector<1x16xf32>,
      %swap3A_1026 = vector.shape_cast %swap3A_1025 : vector<1x16xf32> to vector<16xf32>
      %swap3A_1027 = vector.shape_cast %get3A_1007 : vector<16xf32> to vector<1x16xf32>
      tpu.vector_store %arg6[%swap3A_1023, %swap3A_1024], %swap3A_1027 {strides = array<i32>} : memref<128x256xf32, #tpu.memory_space<vmem>>, vector<1x16xf32>,
      %swap3A_1028 = arith.index_cast %add3A_1003 : i32 to index
      %swap3A_1029 = arith.constant 64 : index
      %swap3A_1030 = tpu.vector_load %arg6[%swap3A_1028, %swap3A_1029] {strides = array<i32>} : memref<128x256xf32, #tpu.memory_space<vmem>>, vector<1x16xf32>,
      %swap3A_1031 = vector.shape_cast %swap3A_1030 : vector<1x16xf32> to vector<16xf32>
      %swap3A_1032 = vector.shape_cast %get3A_1007 : vector<16xf32> to vector<1x16xf32>
      tpu.vector_store %arg6[%swap3A_1028, %swap3A_1029], %swap3A_1032 {strides = array<i32>} : memref<128x256xf32, #tpu.memory_space<vmem>>, vector<1x16xf32>,
      %swap3A_1033 = arith.index_cast %add3A_1003 : i32 to index
      %swap3A_1034 = arith.constant 80 : index
      %swap3A_1035 = tpu.vector_load %arg6[%swap3A_1033, %swap3A_1034] {strides = array<i32>} : memref<128x256xf32, #tpu.memory_space<vmem>>, vector<1x16xf32>,
      %swap3A_1036 = vector.shape_cast %swap3A_1035 : vector<1x16xf32> to vector<16xf32>
      %swap3A_1037 = vector.shape_cast %get3A_1007 : vector<16xf32> to vector<1x16xf32>
      tpu.vector_store %arg6[%swap3A_1033, %swap3A_1034], %swap3A_1037 {strides = array<i32>} : memref<128x256xf32, #tpu.memory_space<vmem>>, vector<1x16xf32>,
      %swap3A_1038 = arith.index_cast %add3A_1003 : i32 to index
      %swap3A_1039 = arith.constant 96 : index
      %swap3A_1040 = tpu.vector_load %arg6[%swap3A_1038, %swap3A_1039] {strides = array<i32>} : memref<128x256xf32, #tpu.memory_space<vmem>>, vector<1x16xf32>,
      %swap3A_1041 = vector.shape_cast %swap3A_1040 : vector<1x16xf32> to vector<16xf32>
      %swap3A_1042 = vector.shape_cast %get3A_1007 : vector<16xf32> to vector<1x16xf32>
      tpu.vector_store %arg6[%swap3A_1038, %swap3A_1039], %swap3A_1042 {strides = array<i32>} : memref<128x256xf32, #tpu.memory_space<vmem>>, vector<1x16xf32>,
      %swap3A_1043 = arith.index_cast %add3A_1003 : i32 to index
      %swap3A_1044 = arith.constant 112 : index
      %swap3A_1045 = tpu.vector_load %arg6[%swap3A_1043, %swap3A_1044] {strides = array<i32>} : memref<128x256xf32, #tpu.memory_space<vmem>>, vector<1x16xf32>,
      %swap3A_1046 = vector.shape_cast %swap3A_1045 : vector<1x16xf32> to vector<16xf32>
      %swap3A_1047 = vector.shape_cast %get3A_1007 : vector<16xf32> to vector<1x16xf32>
      tpu.vector_store %arg6[%swap3A_1043, %swap3A_1044], %swap3A_1047 {strides = array<i32>} : memref<128x256xf32, #tpu.memory_space<vmem>>, vector<1x16xf32>,
      %swap3A_1048 = arith.index_cast %add3A_1003 : i32 to index
      %swap3A_1049 = arith.constant 128 : index
      %swap3A_1050 = tpu.vector_load %arg6[%swap3A_1048, %swap3A_1049] {strides = array<i32>} : memref<128x256xf32, #tpu.memory_space<vmem>>, vector<1x16xf32>,
      %swap3A_1051 = vector.shape_cast %swap3A_1050 : vector<1x16xf32> to vector<16xf32>
      %swap3A_1052 = vector.shape_cast %get3A_1007 : vector<16xf32> to vector<1x16xf32>
      tpu.vector_store %arg6[%swap3A_1048, %swap3A_1049], %swap3A_1052 {strides = array<i32>} : memref<128x256xf32, #tpu.memory_space<vmem>>, vector<1x16xf32>,
      %swap3A_1053 = arith.index_cast %add3A_1003 : i32 to index
      %swap3A_1054 = arith.constant 144 : index
      %swap3A_1055 = tpu.vector_load %arg6[%swap3A_1053, %swap3A_1054] {strides = array<i32>} : memref<128x256xf32, #tpu.memory_space<vmem>>, vector<1x16xf32>,
      %swap3A_1056 = vector.shape_cast %swap3A_1055 : vector<1x16xf32> to vector<16xf32>
      %swap3A_1057 = vector.shape_cast %get3A_1007 : vector<16xf32> to vector<1x16xf32>
      tpu.vector_store %arg6[%swap3A_1053, %swap3A_1054], %swap3A_1057 {strides = array<i32>} : memref<128x256xf32, #tpu.memory_space<vmem>>, vector<1x16xf32>,
      %swap3A_1058 = arith.index_cast %add3A_1003 : i32 to index
      %swap3A_1059 = arith.constant 160 : index
      %swap3A_1060 = tpu.vector_load %arg6[%swap3A_1058, %swap3A_1059] {strides = array<i32>} : memref<128x256xf32, #tpu.memory_space<vmem>>, vector<1x16xf32>,
      %swap3A_1061 = vector.shape_cast %swap3A_1060 : vector<1x16xf32> to vector<16xf32>
      %swap3A_1062 = vector.shape_cast %get3A_1007 : vector<16xf32> to vector<1x16xf32>
      tpu.vector_store %arg6[%swap3A_1058, %swap3A_1059], %swap3A_1062 {strides = array<i32>} : memref<128x256xf32, #tpu.memory_space<vmem>>, vector<1x16xf32>,
      %swap3A_1063 = arith.index_cast %add3A_1003 : i32 to index
      %swap3A_1064 = arith.constant 176 : index
      %swap3A_1065 = tpu.vector_load %arg6[%swap3A_1063, %swap3A_1064] {strides = array<i32>} : memref<128x256xf32, #tpu.memory_space<vmem>>, vector<1x16xf32>,
      %swap3A_1066 = vector.shape_cast %swap3A_1065 : vector<1x16xf32> to vector<16xf32>
      %swap3A_1067 = vector.shape_cast %get3A_1007 : vector<16xf32> to vector<1x16xf32>
      tpu.vector_store %arg6[%swap3A_1063, %swap3A_1064], %swap3A_1067 {strides = array<i32>} : memref<128x256xf32, #tpu.memory_space<vmem>>, vector<1x16xf32>,
      %swap3A_1068 = arith.index_cast %add3A_1003 : i32 to index
      %swap3A_1069 = arith.constant 192 : index
      %swap3A_1070 = tpu.vector_load %arg6[%swap3A_1068, %swap3A_1069] {strides = array<i32>} : memref<128x256xf32, #tpu.memory_space<vmem>>, vector<1x16xf32>,
      %swap3A_1071 = vector.shape_cast %swap3A_1070 : vector<1x16xf32> to vector<16xf32>
      %swap3A_1072 = vector.shape_cast %get3A_1007 : vector<16xf32> to vector<1x16xf32>
      tpu.vector_store %arg6[%swap3A_1068, %swap3A_1069], %swap3A_1072 {strides = array<i32>} : memref<128x256xf32, #tpu.memory_space<vmem>>, vector<1x16xf32>,
      %swap3A_1073 = arith.index_cast %add3A_1003 : i32 to index
      %swap3A_1074 = arith.constant 208 : index
      %swap3A_1075 = tpu.vector_load %arg6[%swap3A_1073, %swap3A_1074] {strides = array<i32>} : memref<128x256xf32, #tpu.memory_space<vmem>>, vector<1x16xf32>,
      %swap3A_1076 = vector.shape_cast %swap3A_1075 : vector<1x16xf32> to vector<16xf32>
      %swap3A_1077 = vector.shape_cast %get3A_1007 : vector<16xf32> to vector<1x16xf32>
      tpu.vector_store %arg6[%swap3A_1073, %swap3A_1074], %swap3A_1077 {strides = array<i32>} : memref<128x256xf32, #tpu.memory_space<vmem>>, vector<1x16xf32>,
      %swap3A_1078 = arith.index_cast %add3A_1003 : i32 to index
      %swap3A_1079 = arith.constant 224 : index
      %swap3A_1080 = tpu.vector_load %arg6[%swap3A_1078, %swap3A_1079] {strides = array<i32>} : memref<128x256xf32, #tpu.memory_space<vmem>>, vector<1x16xf32>,
      %swap3A_1081 = vector.shape_cast %swap3A_1080 : vector<1x16xf32> to vector<16xf32>
      %swap3A_1082 = vector.shape_cast %get3A_1007 : vector<16xf32> to vector<1x16xf32>
      tpu.vector_store %arg6[%swap3A_1078, %swap3A_1079], %swap3A_1082 {strides = array<i32>} : memref<128x256xf32, #tpu.memory_space<vmem>>, vector<1x16xf32>,
      %swap3A_1083 = arith.index_cast %add3A_1003 : i32 to index
      %swap3A_1084 = arith.constant 240 : index
      %swap3A_1085 = tpu.vector_load %arg6[%swap3A_1083, %swap3A_1084] {strides = array<i32>} : memref<128x256xf32, #tpu.memory_space<vmem>>, vector<1x16xf32>,
      %swap3A_1086 = vector.shape_cast %swap3A_1085 : vector<1x16xf32> to vector<16xf32>
      %swap3A_1087 = vector.shape_cast %get3A_1007 : vector<16xf32> to vector<1x16xf32>
      tpu.vector_store %arg6[%swap3A_1083, %swap3A_1084], %swap3A_1087 {strides = array<i32>} : memref<128x256xf32, #tpu.memory_space<vmem>>, vector<1x16xf32>,
      %mul3A_1088 = arith.constant 4 : i32
      %mul3A_1089 = arith.muli %scan3A_912, %mul3A_1088 : i32
      %add3A_1090 = arith.constant 2 : i32
      %add3A_1091 = arith.addi %mul3A_1089, %add3A_1090 : i32
      %get3A_1092 = arith.index_cast %add3A_1091 : i32 to index
      %get3A_1093 = arith.constant 0 : index
      %get3A_1094 = tpu.vector_load %arg9[%get3A_1092, %get3A_1093] {strides = array<i32>} : memref<128x16xf32, #tpu.memory_space<vmem>>, vector<1x16xf32>,
      %get3A_1095 = vector.shape_cast %get3A_1094 : vector<1x16xf32> to vector<16xf32>
      %swap3A_1096 = arith.index_cast %add3A_1091 : i32 to index
      %swap3A_1097 = arith.constant 0 : index
      %swap3A_1098 = tpu.vector_load %arg6[%swap3A_1096, %swap3A_1097] {strides = array<i32>} : memref<128x256xf32, #tpu.memory_space<vmem>>, vector<1x16xf32>,
      %swap3A_1099 = vector.shape_cast %swap3A_1098 : vector<1x16xf32> to vector<16xf32>
      %swap3A_1100 = vector.shape_cast %get3A_1095 : vector<16xf32> to vector<1x16xf32>
      tpu.vector_store %arg6[%swap3A_1096, %swap3A_1097], %swap3A_1100 {strides = array<i32>} : memref<128x256xf32, #tpu.memory_space<vmem>>, vector<1x16xf32>,
      %swap3A_1101 = arith.index_cast %add3A_1091 : i32 to index
      %swap3A_1102 = arith.constant 16 : index
      %swap3A_1103 = tpu.vector_load %arg6[%swap3A_1101, %swap3A_1102] {strides = array<i32>} : memref<128x256xf32, #tpu.memory_space<vmem>>, vector<1x16xf32>,
      %swap3A_1104 = vector.shape_cast %swap3A_1103 : vector<1x16xf32> to vector<16xf32>
      %swap3A_1105 = vector.shape_cast %get3A_1095 : vector<16xf32> to vector<1x16xf32>
      tpu.vector_store %arg6[%swap3A_1101, %swap3A_1102], %swap3A_1105 {strides = array<i32>} : memref<128x256xf32, #tpu.memory_space<vmem>>, vector<1x16xf32>,
      %swap3A_1106 = arith.index_cast %add3A_1091 : i32 to index
      %swap3A_1107 = arith.constant 32 : index
      %swap3A_1108 = tpu.vector_load %arg6[%swap3A_1106, %swap3A_1107] {strides = array<i32>} : memref<128x256xf32, #tpu.memory_space<vmem>>, vector<1x16xf32>,
      %swap3A_1109 = vector.shape_cast %swap3A_1108 : vector<1x16xf32> to vector<16xf32>
      %swap3A_1110 = vector.shape_cast %get3A_1095 : vector<16xf32> to vector<1x16xf32>
      tpu.vector_store %arg6[%swap3A_1106, %swap3A_1107], %swap3A_1110 {strides = array<i32>} : memref<128x256xf32, #tpu.memory_space<vmem>>, vector<1x16xf32>,
      %swap3A_1111 = arith.index_cast %add3A_1091 : i32 to index
      %swap3A_1112 = arith.constant 48 : index
      %swap3A_1113 = tpu.vector_load %arg6[%swap3A_1111, %swap3A_1112] {strides = array<i32>} : memref<128x256xf32, #tpu.memory_space<vmem>>, vector<1x16xf32>,
      %swap3A_1114 = vector.shape_cast %swap3A_1113 : vector<1x16xf32> to vector<16xf32>
      %swap3A_1115 = vector.shape_cast %get3A_1095 : vector<16xf32> to vector<1x16xf32>
      tpu.vector_store %arg6[%swap3A_1111, %swap3A_1112], %swap3A_1115 {strides = array<i32>} : memref<128x256xf32, #tpu.memory_space<vmem>>, vector<1x16xf32>,
      %swap3A_1116 = arith.index_cast %add3A_1091 : i32 to index
      %swap3A_1117 = arith.constant 64 : index
      %swap3A_1118 = tpu.vector_load %arg6[%swap3A_1116, %swap3A_1117] {strides = array<i32>} : memref<128x256xf32, #tpu.memory_space<vmem>>, vector<1x16xf32>,
      %swap3A_1119 = vector.shape_cast %swap3A_1118 : vector<1x16xf32> to vector<16xf32>
      %swap3A_1120 = vector.shape_cast %get3A_1095 : vector<16xf32> to vector<1x16xf32>
      tpu.vector_store %arg6[%swap3A_1116, %swap3A_1117], %swap3A_1120 {strides = array<i32>} : memref<128x256xf32, #tpu.memory_space<vmem>>, vector<1x16xf32>,
      %swap3A_1121 = arith.index_cast %add3A_1091 : i32 to index
      %swap3A_1122 = arith.constant 80 : index
      %swap3A_1123 = tpu.vector_load %arg6[%swap3A_1121, %swap3A_1122] {strides = array<i32>} : memref<128x256xf32, #tpu.memory_space<vmem>>, vector<1x16xf32>,
      %swap3A_1124 = vector.shape_cast %swap3A_1123 : vector<1x16xf32> to vector<16xf32>
      %swap3A_1125 = vector.shape_cast %get3A_1095 : vector<16xf32> to vector<1x16xf32>
      tpu.vector_store %arg6[%swap3A_1121, %swap3A_1122], %swap3A_1125 {strides = array<i32>} : memref<128x256xf32, #tpu.memory_space<vmem>>, vector<1x16xf32>,
      %swap3A_1126 = arith.index_cast %add3A_1091 : i32 to index
      %swap3A_1127 = arith.constant 96 : index
      %swap3A_1128 = tpu.vector_load %arg6[%swap3A_1126, %swap3A_1127] {strides = array<i32>} : memref<128x256xf32, #tpu.memory_space<vmem>>, vector<1x16xf32>,
      %swap3A_1129 = vector.shape_cast %swap3A_1128 : vector<1x16xf32> to vector<16xf32>
      %swap3A_1130 = vector.shape_cast %get3A_1095 : vector<16xf32> to vector<1x16xf32>
      tpu.vector_store %arg6[%swap3A_1126, %swap3A_1127], %swap3A_1130 {strides = array<i32>} : memref<128x256xf32, #tpu.memory_space<vmem>>, vector<1x16xf32>,
      %swap3A_1131 = arith.index_cast %add3A_1091 : i32 to index
      %swap3A_1132 = arith.constant 112 : index
      %swap3A_1133 = tpu.vector_load %arg6[%swap3A_1131, %swap3A_1132] {strides = array<i32>} : memref<128x256xf32, #tpu.memory_space<vmem>>, vector<1x16xf32>,
      %swap3A_1134 = vector.shape_cast %swap3A_1133 : vector<1x16xf32> to vector<16xf32>
      %swap3A_1135 = vector.shape_cast %get3A_1095 : vector<16xf32> to vector<1x16xf32>
      tpu.vector_store %arg6[%swap3A_1131, %swap3A_1132], %swap3A_1135 {strides = array<i32>} : memref<128x256xf32, #tpu.memory_space<vmem>>, vector<1x16xf32>,
      %swap3A_1136 = arith.index_cast %add3A_1091 : i32 to index
      %swap3A_1137 = arith.constant 128 : index
      %swap3A_1138 = tpu.vector_load %arg6[%swap3A_1136, %swap3A_1137] {strides = array<i32>} : memref<128x256xf32, #tpu.memory_space<vmem>>, vector<1x16xf32>,
      %swap3A_1139 = vector.shape_cast %swap3A_1138 : vector<1x16xf32> to vector<16xf32>
      %swap3A_1140 = vector.shape_cast %get3A_1095 : vector<16xf32> to vector<1x16xf32>
      tpu.vector_store %arg6[%swap3A_1136, %swap3A_1137], %swap3A_1140 {strides = array<i32>} : memref<128x256xf32, #tpu.memory_space<vmem>>, vector<1x16xf32>,
      %swap3A_1141 = arith.index_cast %add3A_1091 : i32 to index
      %swap3A_1142 = arith.constant 144 : index
      %swap3A_1143 = tpu.vector_load %arg6[%swap3A_1141, %swap3A_1142] {strides = array<i32>} : memref<128x256xf32, #tpu.memory_space<vmem>>, vector<1x16xf32>,
      %swap3A_1144 = vector.shape_cast %swap3A_1143 : vector<1x16xf32> to vector<16xf32>
      %swap3A_1145 = vector.shape_cast %get3A_1095 : vector<16xf32> to vector<1x16xf32>
      tpu.vector_store %arg6[%swap3A_1141, %swap3A_1142], %swap3A_1145 {strides = array<i32>} : memref<128x256xf32, #tpu.memory_space<vmem>>, vector<1x16xf32>,
      %swap3A_1146 = arith.index_cast %add3A_1091 : i32 to index
      %swap3A_1147 = arith.constant 160 : index
      %swap3A_1148 = tpu.vector_load %arg6[%swap3A_1146, %swap3A_1147] {strides = array<i32>} : memref<128x256xf32, #tpu.memory_space<vmem>>, vector<1x16xf32>,
      %swap3A_1149 = vector.shape_cast %swap3A_1148 : vector<1x16xf32> to vector<16xf32>
      %swap3A_1150 = vector.shape_cast %get3A_1095 : vector<16xf32> to vector<1x16xf32>
      tpu.vector_store %arg6[%swap3A_1146, %swap3A_1147], %swap3A_1150 {strides = array<i32>} : memref<128x256xf32, #tpu.memory_space<vmem>>, vector<1x16xf32>,
      %swap3A_1151 = arith.index_cast %add3A_1091 : i32 to index
      %swap3A_1152 = arith.constant 176 : index
      %swap3A_1153 = tpu.vector_load %arg6[%swap3A_1151, %swap3A_1152] {strides = array<i32>} : memref<128x256xf32, #tpu.memory_space<vmem>>, vector<1x16xf32>,
      %swap3A_1154 = vector.shape_cast %swap3A_1153 : vector<1x16xf32> to vector<16xf32>
      %swap3A_1155 = vector.shape_cast %get3A_1095 : vector<16xf32> to vector<1x16xf32>
      tpu.vector_store %arg6[%swap3A_1151, %swap3A_1152], %swap3A_1155 {strides = array<i32>} : memref<128x256xf32, #tpu.memory_space<vmem>>, vector<1x16xf32>,
      %swap3A_1156 = arith.index_cast %add3A_1091 : i32 to index
      %swap3A_1157 = arith.constant 192 : index
      %swap3A_1158 = tpu.vector_load %arg6[%swap3A_1156, %swap3A_1157] {strides = array<i32>} : memref<128x256xf32, #tpu.memory_space<vmem>>, vector<1x16xf32>,
      %swap3A_1159 = vector.shape_cast %swap3A_1158 : vector<1x16xf32> to vector<16xf32>
      %swap3A_1160 = vector.shape_cast %get3A_1095 : vector<16xf32> to vector<1x16xf32>
      tpu.vector_store %arg6[%swap3A_1156, %swap3A_1157], %swap3A_1160 {strides = array<i32>} : memref<128x256xf32, #tpu.memory_space<vmem>>, vector<1x16xf32>,
      %swap3A_1161 = arith.index_cast %add3A_1091 : i32 to index
      %swap3A_1162 = arith.constant 208 : index
      %swap3A_1163 = tpu.vector_load %arg6[%swap3A_1161, %swap3A_1162] {strides = array<i32>} : memref<128x256xf32, #tpu.memory_space<vmem>>, vector<1x16xf32>,
      %swap3A_1164 = vector.shape_cast %swap3A_1163 : vector<1x16xf32> to vector<16xf32>
      %swap3A_1165 = vector.shape_cast %get3A_1095 : vector<16xf32> to vector<1x16xf32>
      tpu.vector_store %arg6[%swap3A_1161, %swap3A_1162], %swap3A_1165 {strides = array<i32>} : memref<128x256xf32, #tpu.memory_space<vmem>>, vector<1x16xf32>,
      %swap3A_1166 = arith.index_cast %add3A_1091 : i32 to index
      %swap3A_1167 = arith.constant 224 : index
      %swap3A_1168 = tpu.vector_load %arg6[%swap3A_1166, %swap3A_1167] {strides = array<i32>} : memref<128x256xf32, #tpu.memory_space<vmem>>, vector<1x16xf32>,
      %swap3A_1169 = vector.shape_cast %swap3A_1168 : vector<1x16xf32> to vector<16xf32>
      %swap3A_1170 = vector.shape_cast %get3A_1095 : vector<16xf32> to vector<1x16xf32>
      tpu.vector_store %arg6[%swap3A_1166, %swap3A_1167], %swap3A_1170 {strides = array<i32>} : memref<128x256xf32, #tpu.memory_space<vmem>>, vector<1x16xf32>,
      %swap3A_1171 = arith.index_cast %add3A_1091 : i32 to index
      %swap3A_1172 = arith.constant 240 : index
      %swap3A_1173 = tpu.vector_load %arg6[%swap3A_1171, %swap3A_1172] {strides = array<i32>} : memref<128x256xf32, #tpu.memory_space<vmem>>, vector<1x16xf32>,
      %swap3A_1174 = vector.shape_cast %swap3A_1173 : vector<1x16xf32> to vector<16xf32>
      %swap3A_1175 = vector.shape_cast %get3A_1095 : vector<16xf32> to vector<1x16xf32>
      tpu.vector_store %arg6[%swap3A_1171, %swap3A_1172], %swap3A_1175 {strides = array<i32>} : memref<128x256xf32, #tpu.memory_space<vmem>>, vector<1x16xf32>,
      %mul3A_1176 = arith.constant 4 : i32
      %mul3A_1177 = arith.muli %scan3A_912, %mul3A_1176 : i32
      %add3A_1178 = arith.constant 3 : i32
      %add3A_1179 = arith.addi %mul3A_1177, %add3A_1178 : i32
      %get3A_1180 = arith.index_cast %add3A_1179 : i32 to index
      %get3A_1181 = arith.constant 0 : index
      %get3A_1182 = tpu.vector_load %arg9[%get3A_1180, %get3A_1181] {strides = array<i32>} : memref<128x16xf32, #tpu.memory_space<vmem>>, vector<1x16xf32>,
      %get3A_1183 = vector.shape_cast %get3A_1182 : vector<1x16xf32> to vector<16xf32>
      %swap3A_1184 = arith.index_cast %add3A_1179 : i32 to index
      %swap3A_1185 = arith.constant 0 : index
      %swap3A_1186 = tpu.vector_load %arg6[%swap3A_1184, %swap3A_1185] {strides = array<i32>} : memref<128x256xf32, #tpu.memory_space<vmem>>, vector<1x16xf32>,
      %swap3A_1187 = vector.shape_cast %swap3A_1186 : vector<1x16xf32> to vector<16xf32>
      %swap3A_1188 = vector.shape_cast %get3A_1183 : vector<16xf32> to vector<1x16xf32>
      tpu.vector_store %arg6[%swap3A_1184, %swap3A_1185], %swap3A_1188 {strides = array<i32>} : memref<128x256xf32, #tpu.memory_space<vmem>>, vector<1x16xf32>,
      %swap3A_1189 = arith.index_cast %add3A_1179 : i32 to index
      %swap3A_1190 = arith.constant 16 : index
      %swap3A_1191 = tpu.vector_load %arg6[%swap3A_1189, %swap3A_1190] {strides = array<i32>} : memref<128x256xf32, #tpu.memory_space<vmem>>, vector<1x16xf32>,
      %swap3A_1192 = vector.shape_cast %swap3A_1191 : vector<1x16xf32> to vector<16xf32>
      %swap3A_1193 = vector.shape_cast %get3A_1183 : vector<16xf32> to vector<1x16xf32>
      tpu.vector_store %arg6[%swap3A_1189, %swap3A_1190], %swap3A_1193 {strides = array<i32>} : memref<128x256xf32, #tpu.memory_space<vmem>>, vector<1x16xf32>,
      %swap3A_1194 = arith.index_cast %add3A_1179 : i32 to index
      %swap3A_1195 = arith.constant 32 : index
      %swap3A_1196 = tpu.vector_load %arg6[%swap3A_1194, %swap3A_1195] {strides = array<i32>} : memref<128x256xf32, #tpu.memory_space<vmem>>, vector<1x16xf32>,
      %swap3A_1197 = vector.shape_cast %swap3A_1196 : vector<1x16xf32> to vector<16xf32>
      %swap3A_1198 = vector.shape_cast %get3A_1183 : vector<16xf32> to vector<1x16xf32>
      tpu.vector_store %arg6[%swap3A_1194, %swap3A_1195], %swap3A_1198 {strides = array<i32>} : memref<128x256xf32, #tpu.memory_space<vmem>>, vector<1x16xf32>,
      %swap3A_1199 = arith.index_cast %add3A_1179 : i32 to index
      %swap3A_1200 = arith.constant 48 : index
      %swap3A_1201 = tpu.vector_load %arg6[%swap3A_1199, %swap3A_1200] {strides = array<i32>} : memref<128x256xf32, #tpu.memory_space<vmem>>, vector<1x16xf32>,
      %swap3A_1202 = vector.shape_cast %swap3A_1201 : vector<1x16xf32> to vector<16xf32>
      %swap3A_1203 = vector.shape_cast %get3A_1183 : vector<16xf32> to vector<1x16xf32>
      tpu.vector_store %arg6[%swap3A_1199, %swap3A_1200], %swap3A_1203 {strides = array<i32>} : memref<128x256xf32, #tpu.memory_space<vmem>>, vector<1x16xf32>,
      %swap3A_1204 = arith.index_cast %add3A_1179 : i32 to index
      %swap3A_1205 = arith.constant 64 : index
      %swap3A_1206 = tpu.vector_load %arg6[%swap3A_1204, %swap3A_1205] {strides = array<i32>} : memref<128x256xf32, #tpu.memory_space<vmem>>, vector<1x16xf32>,
      %swap3A_1207 = vector.shape_cast %swap3A_1206 : vector<1x16xf32> to vector<16xf32>
      %swap3A_1208 = vector.shape_cast %get3A_1183 : vector<16xf32> to vector<1x16xf32>
      tpu.vector_store %arg6[%swap3A_1204, %swap3A_1205], %swap3A_1208 {strides = array<i32>} : memref<128x256xf32, #tpu.memory_space<vmem>>, vector<1x16xf32>,
      %swap3A_1209 = arith.index_cast %add3A_1179 : i32 to index
      %swap3A_1210 = arith.constant 80 : index
      %swap3A_1211 = tpu.vector_load %arg6[%swap3A_1209, %swap3A_1210] {strides = array<i32>} : memref<128x256xf32, #tpu.memory_space<vmem>>, vector<1x16xf32>,
      %swap3A_1212 = vector.shape_cast %swap3A_1211 : vector<1x16xf32> to vector<16xf32>
      %swap3A_1213 = vector.shape_cast %get3A_1183 : vector<16xf32> to vector<1x16xf32>
      tpu.vector_store %arg6[%swap3A_1209, %swap3A_1210], %swap3A_1213 {strides = array<i32>} : memref<128x256xf32, #tpu.memory_space<vmem>>, vector<1x16xf32>,
      %swap3A_1214 = arith.index_cast %add3A_1179 : i32 to index
      %swap3A_1215 = arith.constant 96 : index
      %swap3A_1216 = tpu.vector_load %arg6[%swap3A_1214, %swap3A_1215] {strides = array<i32>} : memref<128x256xf32, #tpu.memory_space<vmem>>, vector<1x16xf32>,
      %swap3A_1217 = vector.shape_cast %swap3A_1216 : vector<1x16xf32> to vector<16xf32>
      %swap3A_1218 = vector.shape_cast %get3A_1183 : vector<16xf32> to vector<1x16xf32>
      tpu.vector_store %arg6[%swap3A_1214, %swap3A_1215], %swap3A_1218 {strides = array<i32>} : memref<128x256xf32, #tpu.memory_space<vmem>>, vector<1x16xf32>,
      %swap3A_1219 = arith.index_cast %add3A_1179 : i32 to index
      %swap3A_1220 = arith.constant 112 : index
      %swap3A_1221 = tpu.vector_load %arg6[%swap3A_1219, %swap3A_1220] {strides = array<i32>} : memref<128x256xf32, #tpu.memory_space<vmem>>, vector<1x16xf32>,
      %swap3A_1222 = vector.shape_cast %swap3A_1221 : vector<1x16xf32> to vector<16xf32>
      %swap3A_1223 = vector.shape_cast %get3A_1183 : vector<16xf32> to vector<1x16xf32>
      tpu.vector_store %arg6[%swap3A_1219, %swap3A_1220], %swap3A_1223 {strides = array<i32>} : memref<128x256xf32, #tpu.memory_space<vmem>>, vector<1x16xf32>,
      %swap3A_1224 = arith.index_cast %add3A_1179 : i32 to index
      %swap3A_1225 = arith.constant 128 : index
      %swap3A_1226 = tpu.vector_load %arg6[%swap3A_1224, %swap3A_1225] {strides = array<i32>} : memref<128x256xf32, #tpu.memory_space<vmem>>, vector<1x16xf32>,
      %swap3A_1227 = vector.shape_cast %swap3A_1226 : vector<1x16xf32> to vector<16xf32>
      %swap3A_1228 = vector.shape_cast %get3A_1183 : vector<16xf32> to vector<1x16xf32>
      tpu.vector_store %arg6[%swap3A_1224, %swap3A_1225], %swap3A_1228 {strides = array<i32>} : memref<128x256xf32, #tpu.memory_space<vmem>>, vector<1x16xf32>,
      %swap3A_1229 = arith.index_cast %add3A_1179 : i32 to index
      %swap3A_1230 = arith.constant 144 : index
      %swap3A_1231 = tpu.vector_load %arg6[%swap3A_1229, %swap3A_1230] {strides = array<i32>} : memref<128x256xf32, #tpu.memory_space<vmem>>, vector<1x16xf32>,
      %swap3A_1232 = vector.shape_cast %swap3A_1231 : vector<1x16xf32> to vector<16xf32>
      %swap3A_1233 = vector.shape_cast %get3A_1183 : vector<16xf32> to vector<1x16xf32>
      tpu.vector_store %arg6[%swap3A_1229, %swap3A_1230], %swap3A_1233 {strides = array<i32>} : memref<128x256xf32, #tpu.memory_space<vmem>>, vector<1x16xf32>,
      %swap3A_1234 = arith.index_cast %add3A_1179 : i32 to index
      %swap3A_1235 = arith.constant 160 : index
      %swap3A_1236 = tpu.vector_load %arg6[%swap3A_1234, %swap3A_1235] {strides = array<i32>} : memref<128x256xf32, #tpu.memory_space<vmem>>, vector<1x16xf32>,
      %swap3A_1237 = vector.shape_cast %swap3A_1236 : vector<1x16xf32> to vector<16xf32>
      %swap3A_1238 = vector.shape_cast %get3A_1183 : vector<16xf32> to vector<1x16xf32>
      tpu.vector_store %arg6[%swap3A_1234, %swap3A_1235], %swap3A_1238 {strides = array<i32>} : memref<128x256xf32, #tpu.memory_space<vmem>>, vector<1x16xf32>,
      %swap3A_1239 = arith.index_cast %add3A_1179 : i32 to index
      %swap3A_1240 = arith.constant 176 : index
      %swap3A_1241 = tpu.vector_load %arg6[%swap3A_1239, %swap3A_1240] {strides = array<i32>} : memref<128x256xf32, #tpu.memory_space<vmem>>, vector<1x16xf32>,
      %swap3A_1242 = vector.shape_cast %swap3A_1241 : vector<1x16xf32> to vector<16xf32>
      %swap3A_1243 = vector.shape_cast %get3A_1183 : vector<16xf32> to vector<1x16xf32>
      tpu.vector_store %arg6[%swap3A_1239, %swap3A_1240], %swap3A_1243 {strides = array<i32>} : memref<128x256xf32, #tpu.memory_space<vmem>>, vector<1x16xf32>,
      %swap3A_1244 = arith.index_cast %add3A_1179 : i32 to index
      %swap3A_1245 = arith.constant 192 : index
      %swap3A_1246 = tpu.vector_load %arg6[%swap3A_1244, %swap3A_1245] {strides = array<i32>} : memref<128x256xf32, #tpu.memory_space<vmem>>, vector<1x16xf32>,
      %swap3A_1247 = vector.shape_cast %swap3A_1246 : vector<1x16xf32> to vector<16xf32>
      %swap3A_1248 = vector.shape_cast %get3A_1183 : vector<16xf32> to vector<1x16xf32>
      tpu.vector_store %arg6[%swap3A_1244, %swap3A_1245], %swap3A_1248 {strides = array<i32>} : memref<128x256xf32, #tpu.memory_space<vmem>>, vector<1x16xf32>,
      %swap3A_1249 = arith.index_cast %add3A_1179 : i32 to index
      %swap3A_1250 = arith.constant 208 : index
      %swap3A_1251 = tpu.vector_load %arg6[%swap3A_1249, %swap3A_1250] {strides = array<i32>} : memref<128x256xf32, #tpu.memory_space<vmem>>, vector<1x16xf32>,
      %swap3A_1252 = vector.shape_cast %swap3A_1251 : vector<1x16xf32> to vector<16xf32>
      %swap3A_1253 = vector.shape_cast %get3A_1183 : vector<16xf32> to vector<1x16xf32>
      tpu.vector_store %arg6[%swap3A_1249, %swap3A_1250], %swap3A_1253 {strides = array<i32>} : memref<128x256xf32, #tpu.memory_space<vmem>>, vector<1x16xf32>,
      %swap3A_1254 = arith.index_cast %add3A_1179 : i32 to index
      %swap3A_1255 = arith.constant 224 : index
      %swap3A_1256 = tpu.vector_load %arg6[%swap3A_1254, %swap3A_1255] {strides = array<i32>} : memref<128x256xf32, #tpu.memory_space<vmem>>, vector<1x16xf32>,
      %swap3A_1257 = vector.shape_cast %swap3A_1256 : vector<1x16xf32> to vector<16xf32>
      %swap3A_1258 = vector.shape_cast %get3A_1183 : vector<16xf32> to vector<1x16xf32>
      tpu.vector_store %arg6[%swap3A_1254, %swap3A_1255], %swap3A_1258 {strides = array<i32>} : memref<128x256xf32, #tpu.memory_space<vmem>>, vector<1x16xf32>,
      %swap3A_1259 = arith.index_cast %add3A_1179 : i32 to index
      %swap3A_1260 = arith.constant 240 : index
      %swap3A_1261 = tpu.vector_load %arg6[%swap3A_1259, %swap3A_1260] {strides = array<i32>} : memref<128x256xf32, #tpu.memory_space<vmem>>, vector<1x16xf32>,
      %swap3A_1262 = vector.shape_cast %swap3A_1261 : vector<1x16xf32> to vector<16xf32>
      %swap3A_1263 = vector.shape_cast %get3A_1183 : vector<16xf32> to vector<1x16xf32>
      tpu.vector_store %arg6[%swap3A_1259, %swap3A_1260], %swap3A_1263 {strides = array<i32>} : memref<128x256xf32, #tpu.memory_space<vmem>>, vector<1x16xf32>,
    }
    %scan3A_701 = arith.constant 32 : i32
    %add3A_702 = arith.constant 128 : i32
    %add3A_703 = arith.addi %add3A_702, %select_n3A_48 : i32
    %dma_start3A_704 = arith.constant 0 : i32
    %dma_start3A_705 = arith.constant 0 : i32
    %dma_start3A_706 = tpu.memref_slice %arg4[%add3A_50, %add3A_703, %dma_start3A_704, %dma_start3A_705] : memref<8x144x128x256xf32, #tpu.memory_space<hbm>> -> memref<1x1x128x256xf32, #tpu.memory_space<hbm>>
    %dma_start3A_707 = tpu.memref_squeeze %dma_start3A_706 : memref<1x1x128x256xf32, #tpu.memory_space<hbm>> -> memref<128x256xf32, #tpu.memory_space<hbm>>
    %dma_start3A_708 = arith.constant 0 : i32
    %dma_start3A_709 = arith.constant 0 : i32
    %dma_start3A_710 = tpu.memref_slice %arg4[%add3A_50, %add3A_703, %dma_start3A_708, %dma_start3A_709] : memref<8x144x128x256xf32, #tpu.memory_space<hbm>> -> memref<1x1x128x256xf32, #tpu.memory_space<hbm>>
    %dma_start3A_711 = tpu.memref_squeeze %dma_start3A_710 : memref<1x1x128x256xf32, #tpu.memory_space<hbm>> -> memref<128x256xf32, #tpu.memory_space<hbm>>
    tpu.enqueue_dma source(%arg6 : memref<128x256xf32, #tpu.memory_space<vmem>>) target(%dma_start3A_711 : memref<128x256xf32, #tpu.memory_space<hbm>>) target_semaphore(%arg11 : memref<!tpu.dma_semaphore, #tpu.memory_space<semaphore_mem>>)
    %dma_start3A_712 = arith.constant 0 : i32
    %dma_start3A_713 = arith.constant 0 : i32
    %dma_start3A_714 = tpu.memref_slice %arg4[%add3A_52, %add3A_703, %dma_start3A_712, %dma_start3A_713] : memref<8x144x128x256xf32, #tpu.memory_space<hbm>> -> memref<1x1x128x256xf32, #tpu.memory_space<hbm>>
    %dma_start3A_715 = tpu.memref_squeeze %dma_start3A_714 : memref<1x1x128x256xf32, #tpu.memory_space<hbm>> -> memref<128x256xf32, #tpu.memory_space<hbm>>
    %dma_start3A_716 = arith.constant 0 : i32
    %dma_start3A_717 = arith.constant 0 : i32
    %dma_start3A_718 = tpu.memref_slice %arg4[%add3A_52, %add3A_703, %dma_start3A_716, %dma_start3A_717] : memref<8x144x128x256xf32, #tpu.memory_space<hbm>> -> memref<1x1x128x256xf32, #tpu.memory_space<hbm>>
    %dma_start3A_719 = tpu.memref_squeeze %dma_start3A_718 : memref<1x1x128x256xf32, #tpu.memory_space<hbm>> -> memref<128x256xf32, #tpu.memory_space<hbm>>
    tpu.enqueue_dma source(%arg6 : memref<128x256xf32, #tpu.memory_space<vmem>>) target(%dma_start3A_719 : memref<128x256xf32, #tpu.memory_space<hbm>>) target_semaphore(%arg11 : memref<!tpu.dma_semaphore, #tpu.memory_space<semaphore_mem>>)
    %dma_start3A_720 = arith.constant 0 : i32
    %dma_start3A_721 = arith.constant 0 : i32
    %dma_start3A_722 = tpu.memref_slice %arg4[%add3A_54, %add3A_703, %dma_start3A_720, %dma_start3A_721] : memref<8x144x128x256xf32, #tpu.memory_space<hbm>> -> memref<1x1x128x256xf32, #tpu.memory_space<hbm>>
    %dma_start3A_723 = tpu.memref_squeeze %dma_start3A_722 : memref<1x1x128x256xf32, #tpu.memory_space<hbm>> -> memref<128x256xf32, #tpu.memory_space<hbm>>
    %dma_start3A_724 = arith.constant 0 : i32
    %dma_start3A_725 = arith.constant 0 : i32
    %dma_start3A_726 = tpu.memref_slice %arg4[%add3A_54, %add3A_703, %dma_start3A_724, %dma_start3A_725] : memref<8x144x128x256xf32, #tpu.memory_space<hbm>> -> memref<1x1x128x256xf32, #tpu.memory_space<hbm>>
    %dma_start3A_727 = tpu.memref_squeeze %dma_start3A_726 : memref<1x1x128x256xf32, #tpu.memory_space<hbm>> -> memref<128x256xf32, #tpu.memory_space<hbm>>
    tpu.enqueue_dma source(%arg6 : memref<128x256xf32, #tpu.memory_space<vmem>>) target(%dma_start3A_727 : memref<128x256xf32, #tpu.memory_space<hbm>>) target_semaphore(%arg11 : memref<!tpu.dma_semaphore, #tpu.memory_space<semaphore_mem>>)
    %dma_start3A_728 = arith.constant 0 : i32
    %dma_start3A_729 = arith.constant 0 : i32
    %dma_start3A_730 = tpu.memref_slice %arg4[%add3A_56, %add3A_703, %dma_start3A_728, %dma_start3A_729] : memref<8x144x128x256xf32, #tpu.memory_space<hbm>> -> memref<1x1x128x256xf32, #tpu.memory_space<hbm>>
    %dma_start3A_731 = tpu.memref_squeeze %dma_start3A_730 : memref<1x1x128x256xf32, #tpu.memory_space<hbm>> -> memref<128x256xf32, #tpu.memory_space<hbm>>
    %dma_start3A_732 = arith.constant 0 : i32
    %dma_start3A_733 = arith.constant 0 : i32
    %dma_start3A_734 = tpu.memref_slice %arg4[%add3A_56, %add3A_703, %dma_start3A_732, %dma_start3A_733] : memref<8x144x128x256xf32, #tpu.memory_space<hbm>> -> memref<1x1x128x256xf32, #tpu.memory_space<hbm>>
    %dma_start3A_735 = tpu.memref_squeeze %dma_start3A_734 : memref<1x1x128x256xf32, #tpu.memory_space<hbm>> -> memref<128x256xf32, #tpu.memory_space<hbm>>
    tpu.enqueue_dma source(%arg6 : memref<128x256xf32, #tpu.memory_space<vmem>>) target(%dma_start3A_735 : memref<128x256xf32, #tpu.memory_space<hbm>>) target_semaphore(%arg11 : memref<!tpu.dma_semaphore, #tpu.memory_space<semaphore_mem>>)
    %dma_wait3A_736 = arith.constant 0 : i32
    %dma_wait3A_737 = arith.constant 0 : i32
    %dma_wait3A_738 = arith.constant 0 : i32
    %dma_wait3A_739 = tpu.memref_slice %arg4[%dma_wait3A_736, %add3A_27, %dma_wait3A_737, %dma_wait3A_738] : memref<8x144x128x256xf32, #tpu.memory_space<hbm>> -> memref<1x1x128x256xf32, #tpu.memory_space<hbm>>
    %dma_wait3A_740 = tpu.memref_squeeze %dma_wait3A_739 : memref<1x1x128x256xf32, #tpu.memory_space<hbm>> -> memref<128x256xf32, #tpu.memory_space<hbm>>
    %dma_wait3A_741 = arith.constant 0 : i32
    %dma_wait3A_742 = arith.constant 0 : i32
    %dma_wait3A_743 = tpu.memref_slice %arg4[%dma_wait3A_736, %add3A_27, %dma_wait3A_741, %dma_wait3A_742] : memref<8x144x128x256xf32, #tpu.memory_space<hbm>> -> memref<1x1x128x256xf32, #tpu.memory_space<hbm>>
    %dma_wait3A_744 = tpu.memref_squeeze %dma_wait3A_743 : memref<1x1x128x256xf32, #tpu.memory_space<hbm>> -> memref<128x256xf32, #tpu.memory_space<hbm>>
    tpu.wait_dma2 semaphore(%arg10 : memref<!tpu.dma_semaphore, #tpu.memory_space<semaphore_mem>>) src(%arg5 : memref<128x256xf32, #tpu.memory_space<vmem>>) dst(%dma_wait3A_744 : memref<128x256xf32, #tpu.memory_space<hbm>>)
    %dma_wait3A_745 = arith.constant 1 : i32
    %dma_wait3A_746 = arith.constant 0 : i32
    %dma_wait3A_747 = arith.constant 0 : i32
    %dma_wait3A_748 = tpu.memref_slice %arg4[%dma_wait3A_745, %add3A_27, %dma_wait3A_746, %dma_wait3A_747] : memref<8x144x128x256xf32, #tpu.memory_space<hbm>> -> memref<1x1x128x256xf32, #tpu.memory_space<hbm>>
    %dma_wait3A_749 = tpu.memref_squeeze %dma_wait3A_748 : memref<1x1x128x256xf32, #tpu.memory_space<hbm>> -> memref<128x256xf32, #tpu.memory_space<hbm>>
    %dma_wait3A_750 = arith.constant 0 : i32
    %dma_wait3A_751 = arith.constant 0 : i32
    %dma_wait3A_752 = tpu.memref_slice %arg4[%dma_wait3A_745, %add3A_27, %dma_wait3A_750, %dma_wait3A_751] : memref<8x144x128x256xf32, #tpu.memory_space<hbm>> -> memref<1x1x128x256xf32, #tpu.memory_space<hbm>>
    %dma_wait3A_753 = tpu.memref_squeeze %dma_wait3A_752 : memref<1x1x128x256xf32, #tpu.memory_space<hbm>> -> memref<128x256xf32, #tpu.memory_space<hbm>>
    tpu.wait_dma2 semaphore(%arg10 : memref<!tpu.dma_semaphore, #tpu.memory_space<semaphore_mem>>) src(%arg5 : memref<128x256xf32, #tpu.memory_space<vmem>>) dst(%dma_wait3A_753 : memref<128x256xf32, #tpu.memory_space<hbm>>)
    %dma_wait3A_754 = arith.constant 2 : i32
    %dma_wait3A_755 = arith.constant 0 : i32
    %dma_wait3A_756 = arith.constant 0 : i32
    %dma_wait3A_757 = tpu.memref_slice %arg4[%dma_wait3A_754, %add3A_27, %dma_wait3A_755, %dma_wait3A_756] : memref<8x144x128x256xf32, #tpu.memory_space<hbm>> -> memref<1x1x128x256xf32, #tpu.memory_space<hbm>>
    %dma_wait3A_758 = tpu.memref_squeeze %dma_wait3A_757 : memref<1x1x128x256xf32, #tpu.memory_space<hbm>> -> memref<128x256xf32, #tpu.memory_space<hbm>>
    %dma_wait3A_759 = arith.constant 0 : i32
    %dma_wait3A_760 = arith.constant 0 : i32
    %dma_wait3A_761 = tpu.memref_slice %arg4[%dma_wait3A_754, %add3A_27, %dma_wait3A_759, %dma_wait3A_760] : memref<8x144x128x256xf32, #tpu.memory_space<hbm>> -> memref<1x1x128x256xf32, #tpu.memory_space<hbm>>
    %dma_wait3A_762 = tpu.memref_squeeze %dma_wait3A_761 : memref<1x1x128x256xf32, #tpu.memory_space<hbm>> -> memref<128x256xf32, #tpu.memory_space<hbm>>
    tpu.wait_dma2 semaphore(%arg10 : memref<!tpu.dma_semaphore, #tpu.memory_space<semaphore_mem>>) src(%arg5 : memref<128x256xf32, #tpu.memory_space<vmem>>) dst(%dma_wait3A_762 : memref<128x256xf32, #tpu.memory_space<hbm>>)
    %dma_wait3A_763 = arith.constant 3 : i32
    %dma_wait3A_764 = arith.constant 0 : i32
    %dma_wait3A_765 = arith.constant 0 : i32
    %dma_wait3A_766 = tpu.memref_slice %arg4[%dma_wait3A_763, %add3A_27, %dma_wait3A_764, %dma_wait3A_765] : memref<8x144x128x256xf32, #tpu.memory_space<hbm>> -> memref<1x1x128x256xf32, #tpu.memory_space<hbm>>
    %dma_wait3A_767 = tpu.memref_squeeze %dma_wait3A_766 : memref<1x1x128x256xf32, #tpu.memory_space<hbm>> -> memref<128x256xf32, #tpu.memory_space<hbm>>
    %dma_wait3A_768 = arith.constant 0 : i32
    %dma_wait3A_769 = arith.constant 0 : i32
    %dma_wait3A_770 = tpu.memref_slice %arg4[%dma_wait3A_763, %add3A_27, %dma_wait3A_768, %dma_wait3A_769] : memref<8x144x128x256xf32, #tpu.memory_space<hbm>> -> memref<1x1x128x256xf32, #tpu.memory_space<hbm>>
    %dma_wait3A_771 = tpu.memref_squeeze %dma_wait3A_770 : memref<1x1x128x256xf32, #tpu.memory_space<hbm>> -> memref<128x256xf32, #tpu.memory_space<hbm>>
    tpu.wait_dma2 semaphore(%arg10 : memref<!tpu.dma_semaphore, #tpu.memory_space<semaphore_mem>>) src(%arg5 : memref<128x256xf32, #tpu.memory_space<vmem>>) dst(%dma_wait3A_771 : memref<128x256xf32, #tpu.memory_space<hbm>>)
    %dma_wait3A_772 = arith.constant 4 : i32
    %dma_wait3A_773 = arith.constant 0 : i32
    %dma_wait3A_774 = arith.constant 0 : i32
    %dma_wait3A_775 = tpu.memref_slice %arg4[%dma_wait3A_772, %add3A_27, %dma_wait3A_773, %dma_wait3A_774] : memref<8x144x128x256xf32, #tpu.memory_space<hbm>> -> memref<1x1x128x256xf32, #tpu.memory_space<hbm>>
    %dma_wait3A_776 = tpu.memref_squeeze %dma_wait3A_775 : memref<1x1x128x256xf32, #tpu.memory_space<hbm>> -> memref<128x256xf32, #tpu.memory_space<hbm>>
    %dma_wait3A_777 = arith.constant 0 : i32
    %dma_wait3A_778 = arith.constant 0 : i32
    %dma_wait3A_779 = tpu.memref_slice %arg4[%dma_wait3A_772, %add3A_27, %dma_wait3A_777, %dma_wait3A_778] : memref<8x144x128x256xf32, #tpu.memory_space<hbm>> -> memref<1x1x128x256xf32, #tpu.memory_space<hbm>>
    %dma_wait3A_780 = tpu.memref_squeeze %dma_wait3A_779 : memref<1x1x128x256xf32, #tpu.memory_space<hbm>> -> memref<128x256xf32, #tpu.memory_space<hbm>>
    tpu.wait_dma2 semaphore(%arg10 : memref<!tpu.dma_semaphore, #tpu.memory_space<semaphore_mem>>) src(%arg5 : memref<128x256xf32, #tpu.memory_space<vmem>>) dst(%dma_wait3A_780 : memref<128x256xf32, #tpu.memory_space<hbm>>)
    %dma_wait3A_781 = arith.constant 5 : i32
    %dma_wait3A_782 = arith.constant 0 : i32
    %dma_wait3A_783 = arith.constant 0 : i32
    %dma_wait3A_784 = tpu.memref_slice %arg4[%dma_wait3A_781, %add3A_27, %dma_wait3A_782, %dma_wait3A_783] : memref<8x144x128x256xf32, #tpu.memory_space<hbm>> -> memref<1x1x128x256xf32, #tpu.memory_space<hbm>>
    %dma_wait3A_785 = tpu.memref_squeeze %dma_wait3A_784 : memref<1x1x128x256xf32, #tpu.memory_space<hbm>> -> memref<128x256xf32, #tpu.memory_space<hbm>>
    %dma_wait3A_786 = arith.constant 0 : i32
    %dma_wait3A_787 = arith.constant 0 : i32
    %dma_wait3A_788 = tpu.memref_slice %arg4[%dma_wait3A_781, %add3A_27, %dma_wait3A_786, %dma_wait3A_787] : memref<8x144x128x256xf32, #tpu.memory_space<hbm>> -> memref<1x1x128x256xf32, #tpu.memory_space<hbm>>
    %dma_wait3A_789 = tpu.memref_squeeze %dma_wait3A_788 : memref<1x1x128x256xf32, #tpu.memory_space<hbm>> -> memref<128x256xf32, #tpu.memory_space<hbm>>
    tpu.wait_dma2 semaphore(%arg10 : memref<!tpu.dma_semaphore, #tpu.memory_space<semaphore_mem>>) src(%arg5 : memref<128x256xf32, #tpu.memory_space<vmem>>) dst(%dma_wait3A_789 : memref<128x256xf32, #tpu.memory_space<hbm>>)
    %dma_wait3A_790 = arith.constant 6 : i32
    %dma_wait3A_791 = arith.constant 0 : i32
    %dma_wait3A_792 = arith.constant 0 : i32
    %dma_wait3A_793 = tpu.memref_slice %arg4[%dma_wait3A_790, %add3A_27, %dma_wait3A_791, %dma_wait3A_792] : memref<8x144x128x256xf32, #tpu.memory_space<hbm>> -> memref<1x1x128x256xf32, #tpu.memory_space<hbm>>
    %dma_wait3A_794 = tpu.memref_squeeze %dma_wait3A_793 : memref<1x1x128x256xf32, #tpu.memory_space<hbm>> -> memref<128x256xf32, #tpu.memory_space<hbm>>
    %dma_wait3A_795 = arith.constant 0 : i32
    %dma_wait3A_796 = arith.constant 0 : i32
    %dma_wait3A_797 = tpu.memref_slice %arg4[%dma_wait3A_790, %add3A_27, %dma_wait3A_795, %dma_wait3A_796] : memref<8x144x128x256xf32, #tpu.memory_space<hbm>> -> memref<1x1x128x256xf32, #tpu.memory_space<hbm>>
    %dma_wait3A_798 = tpu.memref_squeeze %dma_wait3A_797 : memref<1x1x128x256xf32, #tpu.memory_space<hbm>> -> memref<128x256xf32, #tpu.memory_space<hbm>>
    tpu.wait_dma2 semaphore(%arg10 : memref<!tpu.dma_semaphore, #tpu.memory_space<semaphore_mem>>) src(%arg5 : memref<128x256xf32, #tpu.memory_space<vmem>>) dst(%dma_wait3A_798 : memref<128x256xf32, #tpu.memory_space<hbm>>)
    %dma_wait3A_799 = arith.constant 7 : i32
    %dma_wait3A_800 = arith.constant 0 : i32
    %dma_wait3A_801 = arith.constant 0 : i32
    %dma_wait3A_802 = tpu.memref_slice %arg4[%dma_wait3A_799, %add3A_27, %dma_wait3A_800, %dma_wait3A_801] : memref<8x144x128x256xf32, #tpu.memory_space<hbm>> -> memref<1x1x128x256xf32, #tpu.memory_space<hbm>>
    %dma_wait3A_803 = tpu.memref_squeeze %dma_wait3A_802 : memref<1x1x128x256xf32, #tpu.memory_space<hbm>> -> memref<128x256xf32, #tpu.memory_space<hbm>>
    %dma_wait3A_804 = arith.constant 0 : i32
    %dma_wait3A_805 = arith.constant 0 : i32
    %dma_wait3A_806 = tpu.memref_slice %arg4[%dma_wait3A_799, %add3A_27, %dma_wait3A_804, %dma_wait3A_805] : memref<8x144x128x256xf32, #tpu.memory_space<hbm>> -> memref<1x1x128x256xf32, #tpu.memory_space<hbm>>
    %dma_wait3A_807 = tpu.memref_squeeze %dma_wait3A_806 : memref<1x1x128x256xf32, #tpu.memory_space<hbm>> -> memref<128x256xf32, #tpu.memory_space<hbm>>
    tpu.wait_dma2 semaphore(%arg10 : memref<!tpu.dma_semaphore, #tpu.memory_space<semaphore_mem>>) src(%arg5 : memref<128x256xf32, #tpu.memory_space<vmem>>) dst(%dma_wait3A_807 : memref<128x256xf32, #tpu.memory_space<hbm>>)
    %dma_wait3A_808 = arith.constant 0 : i32
    %dma_wait3A_809 = arith.constant 0 : i32
    %dma_wait3A_810 = tpu.memref_slice %arg4[%add3A_50, %add3A_703, %dma_wait3A_808, %dma_wait3A_809] : memref<8x144x128x256xf32, #tpu.memory_space<hbm>> -> memref<1x1x128x256xf32, #tpu.memory_space<hbm>>
    %dma_wait3A_811 = tpu.memref_squeeze %dma_wait3A_810 : memref<1x1x128x256xf32, #tpu.memory_space<hbm>> -> memref<128x256xf32, #tpu.memory_space<hbm>>
    %dma_wait3A_812 = arith.constant 0 : i32
    %dma_wait3A_813 = arith.constant 0 : i32
    %dma_wait3A_814 = tpu.memref_slice %arg4[%add3A_50, %add3A_703, %dma_wait3A_812, %dma_wait3A_813] : memref<8x144x128x256xf32, #tpu.memory_space<hbm>> -> memref<1x1x128x256xf32, #tpu.memory_space<hbm>>
    %dma_wait3A_815 = tpu.memref_squeeze %dma_wait3A_814 : memref<1x1x128x256xf32, #tpu.memory_space<hbm>> -> memref<128x256xf32, #tpu.memory_space<hbm>>
    tpu.wait_dma2 semaphore(%arg11 : memref<!tpu.dma_semaphore, #tpu.memory_space<semaphore_mem>>) src(%arg6 : memref<128x256xf32, #tpu.memory_space<vmem>>) dst(%dma_wait3A_815 : memref<128x256xf32, #tpu.memory_space<hbm>>)
    %dma_wait3A_816 = arith.constant 0 : i32
    %dma_wait3A_817 = arith.constant 0 : i32
    %dma_wait3A_818 = tpu.memref_slice %arg4[%add3A_52, %add3A_703, %dma_wait3A_816, %dma_wait3A_817] : memref<8x144x128x256xf32, #tpu.memory_space<hbm>> -> memref<1x1x128x256xf32, #tpu.memory_space<hbm>>
    %dma_wait3A_819 = tpu.memref_squeeze %dma_wait3A_818 : memref<1x1x128x256xf32, #tpu.memory_space<hbm>> -> memref<128x256xf32, #tpu.memory_space<hbm>>
    %dma_wait3A_820 = arith.constant 0 : i32
    %dma_wait3A_821 = arith.constant 0 : i32
    %dma_wait3A_822 = tpu.memref_slice %arg4[%add3A_52, %add3A_703, %dma_wait3A_820, %dma_wait3A_821] : memref<8x144x128x256xf32, #tpu.memory_space<hbm>> -> memref<1x1x128x256xf32, #tpu.memory_space<hbm>>
    %dma_wait3A_823 = tpu.memref_squeeze %dma_wait3A_822 : memref<1x1x128x256xf32, #tpu.memory_space<hbm>> -> memref<128x256xf32, #tpu.memory_space<hbm>>
    tpu.wait_dma2 semaphore(%arg11 : memref<!tpu.dma_semaphore, #tpu.memory_space<semaphore_mem>>) src(%arg6 : memref<128x256xf32, #tpu.memory_space<vmem>>) dst(%dma_wait3A_823 : memref<128x256xf32, #tpu.memory_space<hbm>>)
    %dma_wait3A_824 = arith.constant 0 : i32
    %dma_wait3A_825 = arith.constant 0 : i32
    %dma_wait3A_826 = tpu.memref_slice %arg4[%add3A_54, %add3A_703, %dma_wait3A_824, %dma_wait3A_825] : memref<8x144x128x256xf32, #tpu.memory_space<hbm>> -> memref<1x1x128x256xf32, #tpu.memory_space<hbm>>
    %dma_wait3A_827 = tpu.memref_squeeze %dma_wait3A_826 : memref<1x1x128x256xf32, #tpu.memory_space<hbm>> -> memref<128x256xf32, #tpu.memory_space<hbm>>
    %dma_wait3A_828 = arith.constant 0 : i32
    %dma_wait3A_829 = arith.constant 0 : i32
    %dma_wait3A_830 = tpu.memref_slice %arg4[%add3A_54, %add3A_703, %dma_wait3A_828, %dma_wait3A_829] : memref<8x144x128x256xf32, #tpu.memory_space<hbm>> -> memref<1x1x128x256xf32, #tpu.memory_space<hbm>>
    %dma_wait3A_831 = tpu.memref_squeeze %dma_wait3A_830 : memref<1x1x128x256xf32, #tpu.memory_space<hbm>> -> memref<128x256xf32, #tpu.memory_space<hbm>>
    tpu.wait_dma2 semaphore(%arg11 : memref<!tpu.dma_semaphore, #tpu.memory_space<semaphore_mem>>) src(%arg6 : memref<128x256xf32, #tpu.memory_space<vmem>>) dst(%dma_wait3A_831 : memref<128x256xf32, #tpu.memory_space<hbm>>)
    %dma_wait3A_832 = arith.constant 0 : i32
    %dma_wait3A_833 = arith.constant 0 : i32
    %dma_wait3A_834 = tpu.memref_slice %arg4[%add3A_56, %add3A_703, %dma_wait3A_832, %dma_wait3A_833] : memref<8x144x128x256xf32, #tpu.memory_space<hbm>> -> memref<1x1x128x256xf32, #tpu.memory_space<hbm>>
    %dma_wait3A_835 = tpu.memref_squeeze %dma_wait3A_834 : memref<1x1x128x256xf32, #tpu.memory_space<hbm>> -> memref<128x256xf32, #tpu.memory_space<hbm>>
    %dma_wait3A_836 = arith.constant 0 : i32
    %dma_wait3A_837 = arith.constant 0 : i32
    %dma_wait3A_838 = tpu.memref_slice %arg4[%add3A_56, %add3A_703, %dma_wait3A_836, %dma_wait3A_837] : memref<8x144x128x256xf32, #tpu.memory_space<hbm>> -> memref<1x1x128x256xf32, #tpu.memory_space<hbm>>
    %dma_wait3A_839 = tpu.memref_squeeze %dma_wait3A_838 : memref<1x1x128x256xf32, #tpu.memory_space<hbm>> -> memref<128x256xf32, #tpu.memory_space<hbm>>
    tpu.wait_dma2 semaphore(%arg11 : memref<!tpu.dma_semaphore, #tpu.memory_space<semaphore_mem>>) src(%arg6 : memref<128x256xf32, #tpu.memory_space<vmem>>) dst(%dma_wait3A_839 : memref<128x256xf32, #tpu.memory_space<hbm>>)
    %dma_wait3A_840 = arith.constant 0 : i32
    %dma_wait3A_841 = arith.constant 0 : i32
    %dma_wait3A_842 = arith.constant 0 : i32
    %dma_wait3A_843 = tpu.memref_slice %arg4[%dma_wait3A_840, %add3A_23, %dma_wait3A_841, %dma_wait3A_842] : memref<8x144x128x256xf32, #tpu.memory_space<hbm>> -> memref<1x1x128x256xf32, #tpu.memory_space<hbm>>
    %dma_wait3A_844 = tpu.memref_squeeze %dma_wait3A_843 : memref<1x1x128x256xf32, #tpu.memory_space<hbm>> -> memref<128x256xf32, #tpu.memory_space<hbm>>
    %dma_wait3A_845 = arith.constant 0 : i32
    %dma_wait3A_846 = arith.constant 0 : i32
    %dma_wait3A_847 = tpu.memref_slice %arg4[%dma_wait3A_840, %add3A_23, %dma_wait3A_845, %dma_wait3A_846] : memref<8x144x128x256xf32, #tpu.memory_space<hbm>> -> memref<1x1x128x256xf32, #tpu.memory_space<hbm>>
    %dma_wait3A_848 = tpu.memref_squeeze %dma_wait3A_847 : memref<1x1x128x256xf32, #tpu.memory_space<hbm>> -> memref<128x256xf32, #tpu.memory_space<hbm>>
    tpu.wait_dma2 semaphore(%arg12 : memref<!tpu.dma_semaphore, #tpu.memory_space<semaphore_mem>>) src(%arg7 : memref<128x256xf32, #tpu.memory_space<vmem>>) dst(%dma_wait3A_848 : memref<128x256xf32, #tpu.memory_space<hbm>>)
    %dma_wait3A_849 = arith.constant 1 : i32
    %dma_wait3A_850 = arith.constant 0 : i32
    %dma_wait3A_851 = arith.constant 0 : i32
    %dma_wait3A_852 = tpu.memref_slice %arg4[%dma_wait3A_849, %add3A_23, %dma_wait3A_850, %dma_wait3A_851] : memref<8x144x128x256xf32, #tpu.memory_space<hbm>> -> memref<1x1x128x256xf32, #tpu.memory_space<hbm>>
    %dma_wait3A_853 = tpu.memref_squeeze %dma_wait3A_852 : memref<1x1x128x256xf32, #tpu.memory_space<hbm>> -> memref<128x256xf32, #tpu.memory_space<hbm>>
    %dma_wait3A_854 = arith.constant 0 : i32
    %dma_wait3A_855 = arith.constant 0 : i32
    %dma_wait3A_856 = tpu.memref_slice %arg4[%dma_wait3A_849, %add3A_23, %dma_wait3A_854, %dma_wait3A_855] : memref<8x144x128x256xf32, #tpu.memory_space<hbm>> -> memref<1x1x128x256xf32, #tpu.memory_space<hbm>>
    %dma_wait3A_857 = tpu.memref_squeeze %dma_wait3A_856 : memref<1x1x128x256xf32, #tpu.memory_space<hbm>> -> memref<128x256xf32, #tpu.memory_space<hbm>>
    tpu.wait_dma2 semaphore(%arg12 : memref<!tpu.dma_semaphore, #tpu.memory_space<semaphore_mem>>) src(%arg7 : memref<128x256xf32, #tpu.memory_space<vmem>>) dst(%dma_wait3A_857 : memref<128x256xf32, #tpu.memory_space<hbm>>)
    %dma_wait3A_858 = arith.constant 2 : i32
    %dma_wait3A_859 = arith.constant 0 : i32
    %dma_wait3A_860 = arith.constant 0 : i32
    %dma_wait3A_861 = tpu.memref_slice %arg4[%dma_wait3A_858, %add3A_23, %dma_wait3A_859, %dma_wait3A_860] : memref<8x144x128x256xf32, #tpu.memory_space<hbm>> -> memref<1x1x128x256xf32, #tpu.memory_space<hbm>>
    %dma_wait3A_862 = tpu.memref_squeeze %dma_wait3A_861 : memref<1x1x128x256xf32, #tpu.memory_space<hbm>> -> memref<128x256xf32, #tpu.memory_space<hbm>>
    %dma_wait3A_863 = arith.constant 0 : i32
    %dma_wait3A_864 = arith.constant 0 : i32
    %dma_wait3A_865 = tpu.memref_slice %arg4[%dma_wait3A_858, %add3A_23, %dma_wait3A_863, %dma_wait3A_864] : memref<8x144x128x256xf32, #tpu.memory_space<hbm>> -> memref<1x1x128x256xf32, #tpu.memory_space<hbm>>
    %dma_wait3A_866 = tpu.memref_squeeze %dma_wait3A_865 : memref<1x1x128x256xf32, #tpu.memory_space<hbm>> -> memref<128x256xf32, #tpu.memory_space<hbm>>
    tpu.wait_dma2 semaphore(%arg12 : memref<!tpu.dma_semaphore, #tpu.memory_space<semaphore_mem>>) src(%arg7 : memref<128x256xf32, #tpu.memory_space<vmem>>) dst(%dma_wait3A_866 : memref<128x256xf32, #tpu.memory_space<hbm>>)
    %dma_wait3A_867 = arith.constant 3 : i32
    %dma_wait3A_868 = arith.constant 0 : i32
    %dma_wait3A_869 = arith.constant 0 : i32
    %dma_wait3A_870 = tpu.memref_slice %arg4[%dma_wait3A_867, %add3A_23, %dma_wait3A_868, %dma_wait3A_869] : memref<8x144x128x256xf32, #tpu.memory_space<hbm>> -> memref<1x1x128x256xf32, #tpu.memory_space<hbm>>
    %dma_wait3A_871 = tpu.memref_squeeze %dma_wait3A_870 : memref<1x1x128x256xf32, #tpu.memory_space<hbm>> -> memref<128x256xf32, #tpu.memory_space<hbm>>
    %dma_wait3A_872 = arith.constant 0 : i32
    %dma_wait3A_873 = arith.constant 0 : i32
    %dma_wait3A_874 = tpu.memref_slice %arg4[%dma_wait3A_867, %add3A_23, %dma_wait3A_872, %dma_wait3A_873] : memref<8x144x128x256xf32, #tpu.memory_space<hbm>> -> memref<1x1x128x256xf32, #tpu.memory_space<hbm>>
    %dma_wait3A_875 = tpu.memref_squeeze %dma_wait3A_874 : memref<1x1x128x256xf32, #tpu.memory_space<hbm>> -> memref<128x256xf32, #tpu.memory_space<hbm>>
    tpu.wait_dma2 semaphore(%arg12 : memref<!tpu.dma_semaphore, #tpu.memory_space<semaphore_mem>>) src(%arg7 : memref<128x256xf32, #tpu.memory_space<vmem>>) dst(%dma_wait3A_875 : memref<128x256xf32, #tpu.memory_space<hbm>>)
    %dma_wait3A_876 = arith.constant 4 : i32
    %dma_wait3A_877 = arith.constant 0 : i32
    %dma_wait3A_878 = arith.constant 0 : i32
    %dma_wait3A_879 = tpu.memref_slice %arg4[%dma_wait3A_876, %add3A_23, %dma_wait3A_877, %dma_wait3A_878] : memref<8x144x128x256xf32, #tpu.memory_space<hbm>> -> memref<1x1x128x256xf32, #tpu.memory_space<hbm>>
    %dma_wait3A_880 = tpu.memref_squeeze %dma_wait3A_879 : memref<1x1x128x256xf32, #tpu.memory_space<hbm>> -> memref<128x256xf32, #tpu.memory_space<hbm>>
    %dma_wait3A_881 = arith.constant 0 : i32
    %dma_wait3A_882 = arith.constant 0 : i32
    %dma_wait3A_883 = tpu.memref_slice %arg4[%dma_wait3A_876, %add3A_23, %dma_wait3A_881, %dma_wait3A_882] : memref<8x144x128x256xf32, #tpu.memory_space<hbm>> -> memref<1x1x128x256xf32, #tpu.memory_space<hbm>>
    %dma_wait3A_884 = tpu.memref_squeeze %dma_wait3A_883 : memref<1x1x128x256xf32, #tpu.memory_space<hbm>> -> memref<128x256xf32, #tpu.memory_space<hbm>>
    tpu.wait_dma2 semaphore(%arg12 : memref<!tpu.dma_semaphore, #tpu.memory_space<semaphore_mem>>) src(%arg7 : memref<128x256xf32, #tpu.memory_space<vmem>>) dst(%dma_wait3A_884 : memref<128x256xf32, #tpu.memory_space<hbm>>)
    %dma_wait3A_885 = arith.constant 5 : i32
    %dma_wait3A_886 = arith.constant 0 : i32
    %dma_wait3A_887 = arith.constant 0 : i32
    %dma_wait3A_888 = tpu.memref_slice %arg4[%dma_wait3A_885, %add3A_23, %dma_wait3A_886, %dma_wait3A_887] : memref<8x144x128x256xf32, #tpu.memory_space<hbm>> -> memref<1x1x128x256xf32, #tpu.memory_space<hbm>>
    %dma_wait3A_889 = tpu.memref_squeeze %dma_wait3A_888 : memref<1x1x128x256xf32, #tpu.memory_space<hbm>> -> memref<128x256xf32, #tpu.memory_space<hbm>>
    %dma_wait3A_890 = arith.constant 0 : i32
    %dma_wait3A_891 = arith.constant 0 : i32
    %dma_wait3A_892 = tpu.memref_slice %arg4[%dma_wait3A_885, %add3A_23, %dma_wait3A_890, %dma_wait3A_891] : memref<8x144x128x256xf32, #tpu.memory_space<hbm>> -> memref<1x1x128x256xf32, #tpu.memory_space<hbm>>
    %dma_wait3A_893 = tpu.memref_squeeze %dma_wait3A_892 : memref<1x1x128x256xf32, #tpu.memory_space<hbm>> -> memref<128x256xf32, #tpu.memory_space<hbm>>
    tpu.wait_dma2 semaphore(%arg12 : memref<!tpu.dma_semaphore, #tpu.memory_space<semaphore_mem>>) src(%arg7 : memref<128x256xf32, #tpu.memory_space<vmem>>) dst(%dma_wait3A_893 : memref<128x256xf32, #tpu.memory_space<hbm>>)
    %dma_wait3A_894 = arith.constant 6 : i32
    %dma_wait3A_895 = arith.constant 0 : i32
    %dma_wait3A_896 = arith.constant 0 : i32
    %dma_wait3A_897 = tpu.memref_slice %arg4[%dma_wait3A_894, %add3A_23, %dma_wait3A_895, %dma_wait3A_896] : memref<8x144x128x256xf32, #tpu.memory_space<hbm>> -> memref<1x1x128x256xf32, #tpu.memory_space<hbm>>
    %dma_wait3A_898 = tpu.memref_squeeze %dma_wait3A_897 : memref<1x1x128x256xf32, #tpu.memory_space<hbm>> -> memref<128x256xf32, #tpu.memory_space<hbm>>
    %dma_wait3A_899 = arith.constant 0 : i32
    %dma_wait3A_900 = arith.constant 0 : i32
    %dma_wait3A_901 = tpu.memref_slice %arg4[%dma_wait3A_894, %add3A_23, %dma_wait3A_899, %dma_wait3A_900] : memref<8x144x128x256xf32, #tpu.memory_space<hbm>> -> memref<1x1x128x256xf32, #tpu.memory_space<hbm>>
    %dma_wait3A_902 = tpu.memref_squeeze %dma_wait3A_901 : memref<1x1x128x256xf32, #tpu.memory_space<hbm>> -> memref<128x256xf32, #tpu.memory_space<hbm>>
    tpu.wait_dma2 semaphore(%arg12 : memref<!tpu.dma_semaphore, #tpu.memory_space<semaphore_mem>>) src(%arg7 : memref<128x256xf32, #tpu.memory_space<vmem>>) dst(%dma_wait3A_902 : memref<128x256xf32, #tpu.memory_space<hbm>>)
    %dma_wait3A_903 = arith.constant 7 : i32
    %dma_wait3A_904 = arith.constant 0 : i32
    %dma_wait3A_905 = arith.constant 0 : i32
    %dma_wait3A_906 = tpu.memref_slice %arg4[%dma_wait3A_903, %add3A_23, %dma_wait3A_904, %dma_wait3A_905] : memref<8x144x128x256xf32, #tpu.memory_space<hbm>> -> memref<1x1x128x256xf32, #tpu.memory_space<hbm>>
    %dma_wait3A_907 = tpu.memref_squeeze %dma_wait3A_906 : memref<1x1x128x256xf32, #tpu.memory_space<hbm>> -> memref<128x256xf32, #tpu.memory_space<hbm>>
    %dma_wait3A_908 = arith.constant 0 : i32
    %dma_wait3A_909 = arith.constant 0 : i32
    %dma_wait3A_910 = tpu.memref_slice %arg4[%dma_wait3A_903, %add3A_23, %dma_wait3A_908, %dma_wait3A_909] : memref<8x144x128x256xf32, #tpu.memory_space<hbm>> -> memref<1x1x128x256xf32, #tpu.memory_space<hbm>>
    %dma_wait3A_911 = tpu.memref_squeeze %dma_wait3A_910 : memref<1x1x128x256xf32, #tpu.memory_space<hbm>> -> memref<128x256xf32, #tpu.memory_space<hbm>>
    tpu.wait_dma2 semaphore(%arg12 : memref<!tpu.dma_semaphore, #tpu.memory_space<semaphore_mem>>) src(%arg7 : memref<128x256xf32, #tpu.memory_space<vmem>>) dst(%dma_wait3A_911 : memref<128x256xf32, #tpu.memory_space<hbm>>)
    return
  }
}

module attributes {stable_mosaic.version = 14 : i64} {
  func.func @_prep_body(%arg0: memref<16x128x1xf32, #tpu.memory_space<vmem>>, %arg1: memref<128x256xf32, #tpu.memory_space<vmem>>, %arg2: memref<16x128x16xf32, #tpu.memory_space<vmem>>) attributes {dimension_semantics = [], scalar_prefetch = 0 : i64, scratch_operands = 0 : i64, tpu.core_type = #tpu.core_type<tc>} {
    %iota3A = tpu.iota {dimensions = array<i32: 0>} : vector<128x256xi32>
    %iota3A_0 = tpu.iota {dimensions = array<i32: 1>} : vector<128x256xi32>
    %convert_element_type3A = arith.sitofp %iota3A_0 : vector<128x256xi32> to vector<128x256xf32>
    %jit3A = arith.constant 2 : i32
    %div3A = vector.broadcast %jit3A : i32 to vector<128x256xi32>
    %div3A_1 = arith.divsi %iota3A, %div3A : vector<128x256xi32>
    %sign3A = arith.constant 0 : i32
    %sign3A_2 = vector.broadcast %sign3A : i32 to vector<128x256xi32>
    %sign3A_3 = arith.cmpi sgt, %iota3A, %sign3A_2 : vector<128x256xi32>
    %sign3A_4 = arith.extui %sign3A_3 : vector<128x256xi1> to vector<128x256xi32>
    %sign3A_5 = arith.constant 0 : i32
    %sign3A_6 = vector.broadcast %sign3A_5 : i32 to vector<128x256xi32>
    %sign3A_7 = arith.cmpi slt, %iota3A, %sign3A_6 : vector<128x256xi32>
    %sign3A_8 = arith.extui %sign3A_7 : vector<128x256xi1> to vector<128x256xi32>
    %sign3A_9 = arith.subi %sign3A_4, %sign3A_8 : vector<128x256xi32>
    %sign3A_10 = arith.constant 0 : i32
    %sign3A_11 = arith.cmpi sgt, %jit3A, %sign3A_10 : i32
    %sign3A_12 = arith.extui %sign3A_11 : i1 to i32
    %sign3A_13 = arith.constant 0 : i32
    %sign3A_14 = arith.cmpi slt, %jit3A, %sign3A_13 : i32
    %sign3A_15 = arith.extui %sign3A_14 : i1 to i32
    %sign3A_16 = arith.subi %sign3A_12, %sign3A_15 : i32
    %ne3A = vector.broadcast %sign3A_16 : i32 to vector<128x256xi32>
    %ne3A_17 = arith.cmpi ne, %sign3A_9, %ne3A : vector<128x256xi32>
    %rem3A = vector.broadcast %jit3A : i32 to vector<128x256xi32>
    %rem3A_18 = arith.remsi %iota3A, %rem3A : vector<128x256xi32>
    %ne3A_19 = arith.constant 0 : i32
    %ne3A_20 = vector.broadcast %ne3A_19 : i32 to vector<128x256xi32>
    %ne3A_21 = arith.cmpi ne, %rem3A_18, %ne3A_20 : vector<128x256xi32>
    %and3A = arith.andi %ne3A_17, %ne3A_21 : vector<128x256xi1>
    %sub3A = arith.constant 1 : i32
    %sub3A_22 = vector.broadcast %sub3A : i32 to vector<128x256xi32>
    %sub3A_23 = arith.subi %div3A_1, %sub3A_22 : vector<128x256xi32>
    %select_n3A = arith.select %and3A, %sub3A_23, %div3A_1 : vector<128x256xi1>, vector<128x256xi32>
    %convert_element_type3A_24 = arith.sitofp %select_n3A : vector<128x256xi32> to vector<128x256xf32>
    %log3A = arith.constant 1.000000e+04 : f32
    %log3A_25 = math.log %log3A : f32
    %neg3A = arith.constant 0.000000e+00 : f32
    %neg3A_26 = arith.subf %neg3A, %log3A_25 : f32
    %mul3A = arith.constant 2.000000e+00 : f32
    %mul3A_27 = arith.mulf %neg3A_26, %mul3A : f32
    %div3A_28 = arith.constant 1.280000e+02 : f32
    %div3A_29 = arith.divf %mul3A_27, %div3A_28 : f32
    %mul3A_30 = vector.broadcast %div3A_29 : f32 to vector<128x256xf32>
    %mul3A_31 = arith.mulf %convert_element_type3A_24, %mul3A_30 : vector<128x256xf32>
    %exp3A = math.exp %mul3A_31 : vector<128x256xf32>
    %mul3A_32 = arith.mulf %convert_element_type3A, %exp3A : vector<128x256xf32>
    %jit3A_33 = arith.constant 2 : i32
    %eq3A = arith.constant 0 : i32
    %eq3A_34 = arith.cmpi eq, %jit3A_33, %eq3A : i32
    %jit3A_35 = arith.constant 1 : i32
    %select_n3A_36 = arith.select %eq3A_34, %jit3A_35, %jit3A_33 : i32
    %rem3A_37 = vector.broadcast %select_n3A_36 : i32 to vector<128x256xi32>
    %rem3A_38 = arith.remsi %iota3A, %rem3A_37 : vector<128x256xi32>
    %ne3A_39 = arith.constant 0 : i32
    %ne3A_40 = vector.broadcast %ne3A_39 : i32 to vector<128x256xi32>
    %ne3A_41 = arith.cmpi ne, %rem3A_38, %ne3A_40 : vector<128x256xi32>
    %lt3A = arith.constant 0 : i32
    %lt3A_42 = vector.broadcast %lt3A : i32 to vector<128x256xi32>
    %lt3A_43 = arith.cmpi slt, %rem3A_38, %lt3A_42 : vector<128x256xi32>
    %lt3A_44 = arith.constant 0 : i32
    %lt3A_45 = arith.cmpi slt, %select_n3A_36, %lt3A_44 : i32
    %ne3A_46 = vector.broadcast %lt3A_45 : i1 to vector<128x256xi1>
    %ne3A_47 = vector.broadcast %ne3A_46 : vector<128x256xi1> to vector<128x256xi1>
    %ne3A_48 = arith.xori %lt3A_43, %ne3A_47 : vector<128x256xi1>
    %and3A_49 = arith.andi %ne3A_48, %ne3A_41 : vector<128x256xi1>
    %add3A = vector.broadcast %select_n3A_36 : i32 to vector<128x256xi32>
    %add3A_50 = arith.addi %rem3A_38, %add3A : vector<128x256xi32>
    %select_n3A_51 = arith.select %and3A_49, %add3A_50, %rem3A_38 : vector<128x256xi1>, vector<128x256xi32>
    %eq3A_52 = arith.constant 0 : i32
    %eq3A_53 = vector.broadcast %eq3A_52 : i32 to vector<128x256xi32>
    %eq3A_54 = arith.cmpi eq, %select_n3A_51, %eq3A_53 : vector<128x256xi32>
    %sin3A = math.sin %mul3A_32 : vector<128x256xf32>
    %cos3A = math.cos %mul3A_32 : vector<128x256xf32>
    %select_n3A_55 = arith.select %eq3A_54, %sin3A, %cos3A : vector<128x256xi1>, vector<128x256xf32>
    %swap3A = arith.constant 0 : index
    %swap3A_56 = arith.constant 0 : index
    %swap3A_57 = vector.load %arg1[%swap3A, %swap3A_56] : memref<128x256xf32, #tpu.memory_space<vmem>>, vector<128x256xf32>
    tpu.vector_store %arg1[%swap3A, %swap3A_56], %select_n3A_55 {strides = array<i32>} : memref<128x256xf32, #tpu.memory_space<vmem>>, vector<128x256xf32>,
    %get3A = arith.constant 0 : index
    %get3A_58 = arith.constant 0 : index
    %get3A_59 = arith.constant 0 : index
    %get3A_60 = vector.load %arg0[%get3A, %get3A_58, %get3A_59] : memref<16x128x1xf32, #tpu.memory_space<vmem>>, vector<16x128x1xf32>
    %broadcast_in_dim3A = vector.shape_cast %get3A_60 : vector<16x128x1xf32> to vector<16x128x1xf32>
    %broadcast_in_dim3A_61 = vector.broadcast %broadcast_in_dim3A : vector<16x128x1xf32> to vector<16x128x16xf32>
    %swap3A_62 = arith.constant 0 : index
    %swap3A_63 = arith.constant 0 : index
    %swap3A_64 = arith.constant 0 : index
    %swap3A_65 = vector.load %arg2[%swap3A_62, %swap3A_63, %swap3A_64] : memref<16x128x16xf32, #tpu.memory_space<vmem>>, vector<16x128x16xf32>
    tpu.vector_store %arg2[%swap3A_62, %swap3A_63, %swap3A_64], %broadcast_in_dim3A_61 {strides = array<i32>} : memref<16x128x16xf32, #tpu.memory_space<vmem>>, vector<16x128x16xf32>,
    return
  }
}

</mosaic_0001>

<sc_bundles>
// kernel: kernel.4.cloned.1.call-start
scs
__scs_entry_jumppad:
0x0: {  	(pc) =	sbr.rel $0x88, $3  }
0x1: {  	(tag) =	ssettag $0x0;
	lr =	simm.s32 $0x1  }
0x2: {  	[smem:$0x3FA0] =	sst lr;
	_ =	strace $0xD0000000  }
0x3: {  	_ = 	snop  }
0x4: {  	_ = 	snop  }
0x5: {  	_ = 	snop  }
0x6: {  	_ = 	snop  }
0x7: {  	_ = 	snop  }
__scs_overlays_trampoline_lowered:
0x8: {  	[smem:$0x3FAF] =	sst s0  }
0x9: {  	[smem:$0x3FB0] =	sst s1  }
0xa: {  	[smem:$0x3FB1] =	sst s2  }
0xb: {  	[smem:$0x3FB2] =	sst s3  }
0xc: {  	[smem:$0x3FB3] =	sst s4  }
0xd: {  	[smem:$0x3FB4] =	sst s5  }
0xe: {  	[smem:$0x3FB5] =	sst s6  }
0xf: {  	[smem:$0x3FB6] =	sst s7  }
0x10: {  	[smem:$0x3FB7] =	sst s8  }
0x11: {  	[smem:$0x3FB8] =	sst s9;
	s0 =	simm.s32 @!p0 $0x0  }
0x12: {  	s1 =	sld [smem:$0x3F9E];
	s0 =	simm.s32 @p0 $0x1  }
0x13: {  	[smem:$0x3FB9] =	sst s0;
	s0 =	simm.s32 @!p1 $0x0  }
0x14: {  	s2 =	sld [smem:$0x3F9D];
	s0 =	simm.s32 @p1 $0x1  }
0x15: {  	[smem:$0x3FBA] =	sst s0;
	s0 =	simm.s32 @!p2 $0x0  }
0x16: {  	s3 =	sld [smem:$0x3FDB];
	s0 =	simm.s32 @p2 $0x1  }
0x17: {  	s4 =	simm.s32 $0x1BF5;
	[smem:$0x3FBC] =	sst s0  }
0x18: {  	s0 =	sld [smem:$0x3F9F];
	_ =	swait.ge [sflag:s4], $0x0  }
0x19: {  	s7 =	sld [smem:$0x3FA0]  }
0x1a: {  	s8 =	sadd.s32 $0xFFFFE003, lr  }
0x1b: {  	s9 =	sadd.s32 $0xFFFFFEF7, lr;
	s5 =	simm.s32 $0xFFFFFFFF;
	p2 =	slt.u32 s8, $0xFFFFF086  }
0x1c: {  	p1 =	slt.u32 s9, $0xF7A;
	s5 =	simm.s32 @!p2 $0x0  }
0x1d: {  	s5 =	simm.s32 @p1 $0x1;
	p0 =	seq.s32 s7, s2  }
0x1e: {  	s7 =	smul.u32 @!p0 $0xF7A, s2;
	p2 =	seq.s32 @!p0 s5, $0x0  }
0x1f: {  	s9 =	smul.u32 $0xF7A, s1;
	s8 =	simm.s32 @!p0 $0x1BF5;
	p2 =	por !p2, p0  }
0x20: {  	[sflag:s8] =	ssyncset.s32 @!p0 $0xFFFFF086;
	s6 =	sadd.s32 @!p0 s3, s7;
	s7 =	simm.s32 @!p0 $0x108  }
0x21: {  	s3 =	sadd.s32 s3, s9;
	s6 =	sadd.s32 @!p0 $0x88, s6;
	s7 =	simm.s32 @p2 $0x1082  }
0x22: {  	[simem:s7], [sflag:s8] =	dma.local @!p0 [hbm:s6], $0xF7A  }
0x23: {  	s9 =	sor.u32 $0xD0000000, s2;
	s6 =	simm.s32 $0x108;
	_ =	swait.ge @!p0 [sflag:s8], $0x0  }
0x24: {  	s3 =	sadd.s32 $0x88, s3;
	s6 =	simm.s32 @!p1 $0x1082;
	[sflag:s4] =	ssyncset.s32 $0xFFFFF086  }
0x25: {  	[simem:s6], [sflag:s4] =	dma.local [hbm:s3], $0xF7A  }
0x26: {  	[smem:$0x3FA0] =	sst s1;
	(tag) =	ssettag s2;
	_ =	strace s9  }
0x27: {  	s1 =	sld [smem:$0x3FB0]  }
0x28: {  	s2 =	sld [smem:$0x3FB1]  }
0x29: {  	s4 =	sld [smem:$0x3FB3]  }
0x2a: {  	p0 =	seq.s32 s5, $0x0;
	s5 =	sld [smem:$0x3FB4]  }
0x2b: {  	s6 =	sld [smem:$0x3FB5]  }
0x2c: {  	s7 =	sld [smem:$0x3FB6]  }
0x2d: {  	s3 =	simm.s32 $0x108;
	s8 =	sld [smem:$0x3FB7]  }
0x2e: {  	s3 =	simm.s32 @!p0 $0x1082;
	s9 =	sld [smem:$0x3FB8]  }
0x2f: {  	lr =	sadd.s32 s0, s3;
	s0 =	sld [smem:$0x3FAF]  }
0x30: {  	s3 =	sld [smem:$0x3FB2]  }
0x31: {  	[smem:$0x3FBB] =	sst s10  }
0x32: {  	s10 =	sld [smem:$0x3FB9];
	_ =	sdelay $0x3  }
0x33: {  	p0 =	seq.s32 s10, $0x1;
	s10 =	sld [smem:$0x3FBB];
	_ =	sdelay $0x3  }
0x34: {  	[smem:$0x3FBB] =	sst s10  }
0x35: {  	s10 =	sld [smem:$0x3FBA];
	_ =	sdelay $0x3  }
0x36: {  	p1 =	seq.s32 s10, $0x1;
	s10 =	sld [smem:$0x3FBB];
	_ =	sdelay $0x3  }
0x37: {  	[smem:$0x3FBB] =	sst s10  }
0x38: {  	s10 =	sld [smem:$0x3FBC]  }
0x39: {  	_ = 	snop;
	(pc) =	sbr.ind lr, $3  }
0x3a: {  	_ = 	snop  }
0x3b: {  	_ = 	snop  }
0x3c: {  	p2 =	seq.s32 s10, $0x1;
	s10 =	sld [smem:$0x3FBB]  }
0x3d: {  	_ =	shalt  }
0x3e: {  	_ =	shalt  }
0x3f: {  	_ =	shalt  }
0x40: {  	_ =	shalt  }
0x41: {  	_ =	shalt  }
0x42: {  	_ =	shalt  }
0x43: {  	_ =	shalt  }
0x44: {  	_ =	shalt  }
0x45: {  	_ =	shalt  }
0x46: {  	_ =	shalt  }
0x47: {  	_ =	shalt  }
0x48: {  	_ =	shalt  }
0x49: {  	_ =	shalt  }
0x4a: {  	_ =	shalt  }
0x4b: {  	_ =	shalt  }
0x4c: {  	_ =	shalt  }
0x4d: {  	_ =	shalt  }
0x4e: {  	_ =	shalt  }
0x4f: {  	_ =	shalt  }
0x50: {  	_ =	shalt  }
0x51: {  	_ =	shalt  }
0x52: {  	_ =	shalt  }
0x53: {  	_ =	shalt  }
0x54: {  	_ =	shalt  }
0x55: {  	_ =	shalt  }
0x56: {  	_ =	shalt  }
0x57: {  	_ =	shalt  }
0x58: {  	_ =	shalt  }
0x59: {  	_ =	shalt  }
0x5a: {  	_ =	shalt  }
0x5b: {  	_ =	shalt  }
0x5c: {  	_ =	shalt  }
0x5d: {  	_ =	shalt  }
0x5e: {  	_ =	shalt  }
0x5f: {  	_ =	shalt  }
0x60: {  	_ =	shalt  }
0x61: {  	_ =	shalt  }
0x62: {  	_ =	shalt  }
0x63: {  	_ =	shalt  }
0x64: {  	_ =	shalt  }
0x65: {  	_ =	shalt  }
0x66: {  	_ =	shalt  }
0x67: {  	_ =	shalt  }
0x68: {  	_ =	shalt  }
0x69: {  	_ =	shalt  }
0x6a: {  	_ =	shalt  }
0x6b: {  	_ =	shalt  }
0x6c: {  	_ =	shalt  }
0x6d: {  	_ =	shalt  }
0x6e: {  	_ =	shalt  }
0x6f: {  	_ =	shalt  }
0x70: {  	_ =	shalt  }
0x71: {  	_ =	shalt  }
0x72: {  	_ =	shalt  }
0x73: {  	_ =	shalt  }
0x74: {  	_ =	shalt  }
0x75: {  	_ =	shalt  }
0x76: {  	_ =	shalt  }
0x77: {  	_ =	shalt  }
0x78: {  	_ =	shalt  }
0x79: {  	_ =	shalt  }
0x7a: {  	_ =	shalt  }
0x7b: {  	_ =	shalt  }
0x7c: {  	_ =	shalt  }
0x7d: {  	_ =	shalt  }
0x7e: {  	_ =	shalt  }
0x7f: {  	_ =	shalt  }
0x80: {  	_ =	shalt  }
0x81: {  	_ =	shalt  }
0x82: {  	_ =	shalt  }
0x83: {  	_ =	shalt  }
0x84: {  	_ =	shalt  }
0x85: {  	_ =	shalt  }
0x86: {  	_ =	shalt  }
0x87: {  	_ =	shalt  }
.Lfunc_end0:
.L_simem_size_0:
called_computation_lowered:
.L_overlay_start_0:
0x88: {  	s2 =	sld [smem:$0x3FD9]  }
0x89: {  	s3 =	sld [smem:$0x3FFE];
	_ =	sdelay $0x1  }
0x8a: {  	s1 =	srdreg.scid  }
0x8b: {  	s0 =	sand.u32 $0x1, s1  }
0x8c: {  	s17 =	sshll.u32 s0, $0xA;
	s2 =	sadd.s32 s3, s2  }
0x8d: {  	s2 =	sadd.s32 s2, s17  }
0x8e: {  	[smem:$0x3FC7] =	sst s2  }
0x8f: {  	_ = 	snop  }
0x90: {  	s2 =	sld [smem:$0x3FD0];
	(tm) =	ssettm $0x1  }
0x91: {  	s18 =	sld [smem:$0x3FFB];
	_ =	sdelay $0x3  }
0x92: {  	_ =	strace s18  }
0x93: {  	s3 =	sld [smem:$0x3FFC];
	_ =	sdelay $0x3  }
0x94: {  	_ =	strace s3  }
0x95: {  	s3 =	sld [smem:$0x3FFD];
	_ =	sdelay $0x3  }
0x96: {  	_ =	strace s3  }
0x97: {  	_ =	strace $0x8FFFFFFF  }
0x98: {  	s19 =	sld [smem:$0x3FDB];
	_ =	sdelay $0x1  }
0x99: {  	s4 =	simm.s32 $_scs_section_size  }
0x9a: {  	s5 =	simm.s32 $_size__tile_overlayer_lowered;
	s6 =	simm.s32 $_tile_overlayer_lowered  }
0x9b: {  	s22 =	simm.s32 $0x1BFF;
	s21 =	sshll.u32 s6, $0x1;
	s3 =	sadd.s32 s4, s19  }
0x9c: {  	s7 =	simm.s32 $0x0;
	s20 =	sshll.u32 s5, $0x1;
	s5 =	sadd.s32 s21, s3  }
0x9d: {  	[timem:s7], [sflag:s22] =	dma.local [hbm:s5], s20  }
0x9e: {  	_ =	swait.ge [sflag:s22], s20  }
0x9f: {  	s4 =	ssub.s32 $0x0, s20;
	[sflag:s22] =	ssyncset.done $0x0  }
0xa0: {  	[sflag:s22] =	ssyncadd.s32 s4;
	_ =	sdelay $0x1  }
0xa1: {  	s23 =	simm.s32 $0x1B8B  }
0xa2: {  	_ =	swait.ge [sflag:s23], $0x1  }
0xa3: {  	[sflag:s23] =	ssyncset.done $0x0  }
0xa4: {  	s25 =	simm.s32 $0x1B8E;
	s24 =	sld [smem:$0x3FFE];
	[sflag:s23] =	ssyncadd.s32 $0xFFFFFFFF  }
0xa5: {  	s26 =	simm.s32 $execute0_lowered;
	[smem:$0x3FD2] =	sst s25  }
0xa6: {  	s5 =	sshll.u32 s26, $0x1;
	_ =	strace $0x80000046;
	[dreg:$0x1] =	wrdreg $0xFFFFFFFF  }
0xa7: {  	s28 =	simm.s32 $_size_execute0_lowered;
	s3 =	sadd.s32 s3, s5;
	[dreg:$0x0] =	wrdreg $0x0  }
0xa8: {  	s5 =	sshll.u32 s28, $0x1;
	[dreg:$0x2] =	wrdreg s3  }
0xa9: {  	[dreg:$0x3] =	wrdreg s5  }
0xaa: {  	[dreg:$0x4] =	wrdreg $0xC0  }
0xab: {  	_ =	task [dreg:s7], $0x5FFFF  }
0xac: {  	[dreg:$0x1] =	wrdreg $0xFFFFFFFF  }
0xad: {  	[dreg:$0x0] =	wrdreg $0x60  }
0xae: {  	[dreg:$0x2] =	wrdreg s24  }
0xaf: {  	[dreg:$0x3] =	wrdreg s2  }
0xb0: {  	[dreg:$0x4] =	wrdreg $0x9  }
0xb1: {  	_ =	task.clear_ibuf [dreg:s7], $0x5FFFF;
	_ =	strace $0x90000046  }
0xb2: {  	s29 =	simm.s32 $0x9;
	_ =	strace $0x80000048  }
0xb3: {  	_ =	swait.ge [sflag:s29], $0x1  }
0xb4: {  	[sflag:s29] =	ssyncadd.s32 $0xFFFFFFFF  }
0xb5: {  	_ =	strace $0x90000048  }
0xb6: {  	_ =	sfence  }
0xb7: {  	s30 =	sld [smem:$0x0];
	_ =	sdelay $0x2  }
0xb8: {  	s31 =	sshll.u32 s1, $0xD;
	s1 =	sshrl.u32 s1, $0x2  }
0xb9: {  	s3 =	sand.u32 $0x4000, s31;
	s1 =	sadd.s32 s1, s30  }
0xba: {  	s0 =	sor.u32 s3, s0;
	s1 =	sshll.u32 s1, $0x11  }
0xbb: {  	s0 =	sor.u32 s1, s0  }
0xbc: {  	s0 =	sadd.s32 $0x8F2B, s0  }
0xbd: {  	[sflag:s0] =	ssyncadd.remote.s32 $0x1  }
0xbe: {  	_ =	sfence.sel $0xFFFF  }
0xbf: {  	[dreg:$0x0] =	wrdreg $0xFFFFFFFF;
	(pc) =	sbr.abs _section_cstart, $3  }
0xc0: {  	[dreg:$0x1] =	wrdreg $0xFFFFFFFF  }
0xc1: {  	_ =	task.clear_ibuf [dreg:s7], $0x2FFFF;
	_ =	strace $0x9FFFFFFF  }
0xc2: {  	(tm) =	ssettm $0x7FFFFFFF  }
0xc3: {  	_ =	shalt  }
tec
execute0_lowered:
.L_overlay_start_1:
0x0: {  	(tag) =	ssettag $0x1  }
0x1: {  	s0 =	srdreg.scid;
	s11 =	stileid.u32  }
0x2: {  	s5 =	rddreg [dreg:$0x0];
	s3 =	simm.s32 $0x1;
	s2 =	simm.s32 $0x0  }
0x3: {  	s28 =	simm.s32 $0x10000;
	s29 =	simm.s32 $0x2;
	s30 =	simm.s32 $0x3  }
0x4: {  	s31 =	simm.s32 $0x0;
	s1 =	sand.u32 $0x1, s0;
	s0 =	rddreg [dreg:$0x1]  }
0x5: {  	s19 =	sshll.u32 s11, $0x1;
	[smem:$0x7FF] =	sst s2;
	s8 =	sadd.s32 $0x8A00, s5  }
0x6: {  	s4 =	sor.u32 s1, s19;
	p0 =	seq.s32 s1, $0x1;
	_ =	strace $0x80000047  }
0x7: {  	s7 =	ssub.s32 $0x2, s1;
	s21 =	sshll.u32 s1, $0x9;
	p1 =	seq.s32 s4, $0x0  }
0x8: {  	s1 =	smul.u32 $0x1200000, s1;
	s10 =	sshrl.u32 s7, $0x1;
	p0 =	por !p1, !p0  }
0x9: {  	s20 =	sshll.u32 s4, $0x2;
	s7 =	ssub.s32 s7, s10;
	p0 =	por !p0, !p0  }
0xa: {  	s10 =	sshll.u32 s11, $0xB;
	s12 =	sor.u32 $0x1, s20;
	s3 =	simm.s32 @!p0 $0x0  }
0xb: {  	s13 =	sor.u32 $0x2, s20;
	s22 =	sor.u32 s21, s10;
	s6 =	ssub.s32 s11, s3  }
0xc: {  	s23 =	sshll.u32 s12, $0x7;
	s7 =	smax.u32 s7, $0x1;
	s3 =	sshll.u32 s6, $0xB  }
0xd: {  	[dreg:$0x13] =	wrdreg s7;
	s11 =	sshllo.u32 s4, $0x2;
	s9 =	sand.u32 $0x1FFFF800, s3  }
0xe: {  	s6 =	sshll.u32 s6, $0xF;
	s9 =	sadd.s32 s9, s5;
	s5 =	sshrl.u32 s22, $0x3  }
0xf: {  	s4 =	sshll.u32 s4, $0xE;
	s1 =	sadd.s32 s1, s6;
	s5 =	sadd.s32 s8, s5  }
0x10: {  	s6 =	sadd.s32 $0xA00, s9;
	[dreg:$0x3] =	wrdreg s5;
	s5 =	sadd.s32 s0, s4  }
0x11: {  	s18 =	sshll.u32 s12, $0xC;
	[dreg:$0x12] =	wrdreg s6;
	s14 =	sadd.s32 $0x90000, s5  }
0x12: {  	s19 =	sshll.u32 s13, $0x7;
	s24 =	sadd.s32 $0x120000, s5;
	[dreg:$0x4] =	wrdreg s14  }
0x13: {  	s20 =	sshll.u32 s11, $0x7;
	s25 =	sadd.s32 $0x1B0000, s5;
	[dreg:$0x5] =	wrdreg s24  }
0x14: {  	s3 =	simm.s32 $0x1;
	s26 =	sadd.s32 $0x240000, s5;
	[dreg:$0x6] =	wrdreg s25  }
0x15: {  	s4 =	sand.u32 $0x280, s23;
	s15 =	sadd.s32 $0x2D0000, s5;
	[dreg:$0x7] =	wrdreg s26  }
0x16: {  	s4 =	sor.u32 s10, s4;
	s16 =	sadd.s32 $0x360000, s5;
	[dreg:$0x8] =	wrdreg s15  }
0x17: {  	s17 =	sadd.s32 $0x3F0000, s5;
	[dreg:$0x9] =	wrdreg s16;
	s4 =	sshrl.u32 s4, $0x3  }
0x18: {  	[dreg:$0xa] =	wrdreg s17;
	s14 =	sadd.s32 s0, s18;
	s4 =	sadd.s32 s8, s4  }
0x19: {  	s12 =	sand.u32 $0x380, s20;
	s21 =	sadd.s32 $0x90000, s14;
	[dreg:$0xb] =	wrdreg s4  }
0x1a: {  	s1 =	sadd.s32 $0x400000, s1;
	s22 =	sadd.s32 $0x120000, s14;
	[dreg:$0xc] =	wrdreg s21  }
0x1b: {  	s25 =	sshll.u32 s13, $0xC;
	s24 =	sadd.s32 $0x1B0000, s14;
	[dreg:$0xd] =	wrdreg s22  }
0x1c: {  	s20 =	sadd.s32 s0, s25;
	s9 =	sadd.s32 $0x360000, s14;
	[dreg:$0x10] =	wrdreg s24  }
0x1d: {  	s26 =	sshll.u32 s11, $0xC;
	[dreg:$0x15] =	wrdreg s9;
	s11 =	sadd.s32 $0x90000, s20  }
0x1e: {  	s1 =	sshrl.u32 s1, $0x3;
	s13 =	sadd.s32 $0x1B0000, s20;
	[dreg:$0x17] =	wrdreg s11  }
0x1f: {  	s4 =	sand.u32 $0x300, s19;
	s15 =	sadd.s32 $0x240000, s20;
	[dreg:$0x19] =	wrdreg s13  }
0x20: {  	s21 =	sadd.s32 s0, s26;
	s16 =	sadd.s32 $0x2D0000, s20;
	[dreg:$0x1a] =	wrdreg s15  }
0x21: {  	s22 =	sadd.s32 s0, s1;
	s17 =	sadd.s32 $0x360000, s20;
	[dreg:$0x1b] =	wrdreg s16  }
0x22: {  	s18 =	sadd.s32 $0x3F0000, s20;
	s4 =	sor.u32 s10, s4;
	[dreg:$0x1c] =	wrdreg s17  }
0x23: {  	s10 =	sor.u32 s10, s12;
	s12 =	sadd.s32 $0x120000, s20;
	[dreg:$0x1d] =	wrdreg s18  }
0x24: {  	s19 =	sadd.s32 $0x90000, s21;
	s24 =	sadd.s32 $0x1B0000, s21;
	[dreg:$0x18] =	wrdreg s12  }
0x25: {  	s25 =	sadd.s32 $0x240000, s21;
	s26 =	sadd.s32 $0x2D0000, s21;
	[dreg:$0x1e] =	wrdreg s19  }
0x26: {  	s13 =	sadd.s32 $0x360000, s21;
	s15 =	sadd.s32 $0x3F0000, s21;
	[smem:$0x7FB] =	sst s24  }
0x27: {  	s16 =	sadd.s32 $0x90000, s22;
	s4 =	sshrl.u32 s4, $0x3;
	[smem:$0x7FC] =	sst s25  }
0x28: {  	s23 =	sshrl.u32 s10, $0x3;
	s10 =	sadd.s32 $0x3F0000, s14;
	[smem:$0x7FD] =	sst s26  }
0x29: {  	s17 =	sadd.s32 $0x120000, s22;
	s4 =	sadd.s32 s8, s4;
	[dreg:$0x16] =	wrdreg s10  }
0x2a: {  	s18 =	sadd.s32 $0x1B0000, s22;
	[dreg:$0xe] =	wrdreg s4;
	s4 =	sadd.s32 s8, s23  }
0x2b: {  	s19 =	simm.s32 $0x80;
	s8 =	sadd.s32 $0x2D0000, s14;
	[dreg:$0xf] =	wrdreg s4  }
0x2c: {  	s24 =	simm.s32 $0x18000;
	s23 =	sadd.s32 $0x120000, s21;
	[dreg:$0x14] =	wrdreg s8  }
0x2d: {  	s25 =	simm.s32 $0x4;
	s4 =	sadd.s32 $0x240000, s14;
	[dreg:$0x1f] =	wrdreg s23  }
0x2e: {  	s26 =	simm.s32 $0x8000;
	s23 =	simm.s32 $0x400;
	[dreg:$0x11] =	wrdreg s4  }
.LBB2_1:
0x2f: {  	s0 =	rddreg [dreg:$0x3]  }
0x30: {  	[tilespmem:s24], [sflag:$0x4] =	stream.strided.gather [hbm4b:s0+s19], $0x100, s23, s19, $0x38;
	[tilespmem:$0x1C100] =	vst v63  }
0x31: {  	_ =	swait.ge [sflag:s25], $0x100  }
0x32: {  	[sflag:s25] =	ssyncset.done $0x0  }
0x33: {  	[sflag:s25] =	ssyncadd.s32 $0xFFFFFF00  }
0x34: {  	v0 =	vld [tilespmem:$0x18000]  }
0x35: {  	v1 =	vld [tilespmem:$0x18010]  }
0x36: {  	v2 =	vld [tilespmem:$0x18020]  }
0x37: {  	v3 =	vld [tilespmem:$0x18030]  }
0x38: {  	v4 =	vld [tilespmem:$0x18040]  }
0x39: {  	v5 =	vld [tilespmem:$0x18050]  }
0x3a: {  	v6 =	vld [tilespmem:$0x18060]  }
0x3b: {  	v7 =	vld [tilespmem:$0x18070]  }
0x3c: {  	v8 =	vld [tilespmem:$0x18080]  }
0x3d: {  	v9 =	vld [tilespmem:$0x18090]  }
0x3e: {  	v10 =	vld [tilespmem:$0x180A0]  }
0x3f: {  	v11 =	vld [tilespmem:$0x180B0]  }
0x40: {  	v12 =	vld [tilespmem:$0x180C0]  }
0x41: {  	s11 =	sand.u32 $0x7800, s2;
	s1 =	sand.u32 $0x200, s2;
	v14 =	vld [tilespmem:$0x180D0]  }
0x42: {  	s0 =	sor.u32 s1, s11;
	v13 =	vld [tilespmem:$0x180E0]  }
0x43: {  	v15 =	vld [tilespmem:$0x180F0];
	[tilespmem:s0+$0x70] =	vst v7  }
0x44: {  	[tilespmem:s0+$0x60] =	vst v6  }
0x45: {  	[tilespmem:s0+$0x40] =	vst v4  }
0x46: {  	p0 =	por $0x0, $0x0;
	s1 =	simm.s32 $0x1;
	[tilespmem:s0+$0x50] =	vst v5  }
0x47: {  	s1 =	simm.s32 @!p0 $0x0;
	[tilespmem:s0+$0x20] =	vst v2  }
0x48: {  	s1 =	sshll.u32 s1, $0x9;
	[tilespmem:s0+$0x10] =	vst v1  }
0x49: {  	s1 =	sadd.s32 $0x0, s1;
	[tilespmem:s0+$0x0] =	vst v0  }
0x4a: {  	s4 =	sor.u32 $0x400, s1;
	[tilespmem:s0+$0x30] =	vst v3  }
0x4b: {  	s12 =	sor.u32 $0x410, s1;
	[tilespmem:s4+$0x0] =	vst v8  }
0x4c: {  	s6 =	sor.u32 $0x420, s1;
	[tilespmem:s12+$0x0] =	vst v9  }
0x4d: {  	s7 =	sor.u32 $0x430, s1;
	[tilespmem:s6+$0x0] =	vst v10  }
0x4e: {  	s6 =	sor.u32 $0x440, s1;
	[tilespmem:s7+$0x0] =	vst v11  }
0x4f: {  	s8 =	sor.u32 $0x450, s1;
	[tilespmem:s6+$0x0] =	vst v12  }
0x50: {  	s9 =	sor.u32 $0x460, s1;
	[tilespmem:s8+$0x0] =	vst v14  }
0x51: {  	s10 =	sor.u32 $0x470, s1;
	[tilespmem:s9+$0x0] =	vst v13  }
0x52: {  	[tilespmem:s10+$0x0] =	vst v15  }
0x53: {  	[tilespmem:s0+$0xC0] =	vst v4  }
0x54: {  	[tilespmem:s0+$0xF0] =	vst v7  }
0x55: {  	[tilespmem:s0+$0xE0] =	vst v6  }
0x56: {  	[tilespmem:s0+$0x90] =	vst v1  }
0x57: {  	[tilespmem:s0+$0xB0] =	vst v3  }
0x58: {  	[tilespmem:s0+$0xA0] =	vst v2  }
0x59: {  	s4 =	sadd.s32 $0x80, s1;
	[tilespmem:s0+$0xD0] =	vst v5  }
0x5a: {  	s11 =	sor.u32 $0x400, s4;
	[tilespmem:s0+$0x80] =	vst v0  }
0x5b: {  	s12 =	sor.u32 $0x410, s4;
	[tilespmem:s11+$0x0] =	vst v8  }
0x5c: {  	s7 =	sor.u32 $0x420, s4;
	[tilespmem:s12+$0x0] =	vst v9  }
0x5d: {  	s8 =	sor.u32 $0x430, s4;
	[tilespmem:s7+$0x0] =	vst v10  }
0x5e: {  	s9 =	sor.u32 $0x440, s4;
	[tilespmem:s8+$0x0] =	vst v11  }
0x5f: {  	s10 =	sor.u32 $0x450, s4;
	[tilespmem:s9+$0x0] =	vst v12  }
0x60: {  	s11 =	sor.u32 $0x460, s4;
	[tilespmem:s10+$0x0] =	vst v14  }
0x61: {  	s4 =	sor.u32 $0x470, s4;
	[tilespmem:s11+$0x0] =	vst v13  }
0x62: {  	[tilespmem:s4+$0x0] =	vst v15  }
0x63: {  	[tilespmem:s0+$0x160] =	vst v6  }
0x64: {  	[tilespmem:s0+$0x170] =	vst v7  }
0x65: {  	[tilespmem:s0+$0x150] =	vst v5  }
0x66: {  	[tilespmem:s0+$0x140] =	vst v4  }
0x67: {  	[tilespmem:s0+$0x120] =	vst v2  }
0x68: {  	[tilespmem:s0+$0x110] =	vst v1  }
0x69: {  	s4 =	sadd.s32 $0x100, s1;
	[tilespmem:s0+$0x130] =	vst v3  }
0x6a: {  	[tilespmem:s0+$0x100] =	vst v0;
	s12 =	sor.u32 $0x400, s4  }
0x6b: {  	s7 =	sor.u32 $0x410, s4;
	[tilespmem:s12+$0x0] =	vst v8  }
0x6c: {  	s8 =	sor.u32 $0x420, s4;
	[tilespmem:s7+$0x0] =	vst v9  }
0x6d: {  	s9 =	sor.u32 $0x430, s4;
	[tilespmem:s8+$0x0] =	vst v10  }
0x6e: {  	s10 =	sor.u32 $0x440, s4;
	[tilespmem:s9+$0x0] =	vst v11  }
0x6f: {  	s11 =	sor.u32 $0x450, s4;
	[tilespmem:s10+$0x0] =	vst v12  }
0x70: {  	s12 =	sor.u32 $0x460, s4;
	[tilespmem:s11+$0x0] =	vst v14  }
0x71: {  	s4 =	sor.u32 $0x470, s4;
	[tilespmem:s12+$0x0] =	vst v13  }
0x72: {  	[tilespmem:s4+$0x0] =	vst v15  }
0x73: {  	[tilespmem:s0+$0x1C0] =	vst v4  }
0x74: {  	[tilespmem:s0+$0x1F0] =	vst v7  }
0x75: {  	[tilespmem:s0+$0x1E0] =	vst v6  }
0x76: {  	[tilespmem:s0+$0x1D0] =	vst v5  }
0x77: {  	[tilespmem:s0+$0x190] =	vst v1  }
0x78: {  	[tilespmem:s0+$0x1B0] =	vst v3  }
0x79: {  	s1 =	sadd.s32 $0x180, s1;
	[tilespmem:s0+$0x1A0] =	vst v2  }
0x7a: {  	s7 =	sor.u32 $0x400, s1;
	[tilespmem:s0+$0x180] =	vst v0  }
0x7b: {  	s8 =	sor.u32 $0x410, s1;
	[tilespmem:s7+$0x0] =	vst v8  }
0x7c: {  	s9 =	sor.u32 $0x420, s1;
	[tilespmem:s8+$0x0] =	vst v9  }
0x7d: {  	s10 =	sor.u32 $0x430, s1;
	[tilespmem:s9+$0x0] =	vst v10  }
0x7e: {  	s11 =	sor.u32 $0x440, s1;
	[tilespmem:s10+$0x0] =	vst v11  }
0x7f: {  	p0 =	por !p0, !p0;
	s6 =	sor.u32 $0x460, s1;
	s12 =	sor.u32 $0x450, s1;
	[tilespmem:s11+$0x0] =	vst v12  }
0x80: {  	s4 =	sor.u32 $0x470, s1;
	s1 =	simm.s32 $0x400;
	s7 =	simm.s32 $0x200;
	[tilespmem:s12+$0x0] =	vst v14  }
.LBB2_2:
0x81: {  	s8 =	sand.u32 $0x7800, s1;
	s0 =	smov.u32 s7  }
0x82: {  	s9 =	sand.u32 $0x200, s7;
	[tilespmem:s6+$0x0] =	vst v13;
	s10 =	simm.s32 $0x1;
	s0 =	sadd.s32 $0x200, s7  }
0x83: {  	p1 =	sne.s32 s7, $0x3E00;
	s10 =	simm.s32 @!p0 $0x0;
	s6 =	sor.u32 s9, s8;
	[tilespmem:s4+$0x0] =	vst v15  }
0x84: {  	s4 =	sshll.u32 s10, $0x9;
	[tilespmem:s6+$0x70] =	vst v7  }
0x85: {  	s9 =	sadd.s32 s4, s1;
	[tilespmem:s6+$0x60] =	vst v6  }
0x86: {  	s10 =	sor.u32 $0x400, s9;
	s8 =	sadd.s32 $0x80, s9;
	s7 =	sadd.s32 $0x100, s9;
	[tilespmem:s6+$0x40] =	vst v4  }
0x87: {  	s4 =	sadd.s32 $0x180, s9;
	[tilespmem:s6+$0x50] =	vst v5  }
0x88: {  	[tilespmem:s6+$0x20] =	vst v2  }
0x89: {  	[tilespmem:s6+$0x10] =	vst v1  }
0x8a: {  	[tilespmem:s6+$0x0] =	vst v0  }
0x8b: {  	[tilespmem:s6+$0x30] =	vst v3  }
0x8c: {  	s11 =	sor.u32 $0x440, s9;
	[tilespmem:s10+$0x0] =	vst v8;
	s10 =	sor.u32 $0x410, s9  }
0x8d: {  	[tilespmem:s10+$0x0] =	vst v9;
	s10 =	sor.u32 $0x420, s9  }
0x8e: {  	s12 =	sor.u32 $0x450, s9;
	[tilespmem:s10+$0x0] =	vst v10;
	s10 =	sor.u32 $0x430, s9  }
0x8f: {  	[tilespmem:s10+$0x0] =	vst v11  }
0x90: {  	[tilespmem:s11+$0x0] =	vst v12  }
0x91: {  	s10 =	sor.u32 $0x460, s9;
	[tilespmem:s12+$0x0] =	vst v14  }
0x92: {  	s9 =	sor.u32 $0x470, s9;
	[tilespmem:s10+$0x0] =	vst v13  }
0x93: {  	[tilespmem:s9+$0x0] =	vst v15  }
0x94: {  	[tilespmem:s6+$0xC0] =	vst v4  }
0x95: {  	[tilespmem:s6+$0xF0] =	vst v7  }
0x96: {  	[tilespmem:s6+$0xE0] =	vst v6  }
0x97: {  	[tilespmem:s6+$0x90] =	vst v1  }
0x98: {  	[tilespmem:s6+$0xB0] =	vst v3  }
0x99: {  	[tilespmem:s6+$0xA0] =	vst v2  }
0x9a: {  	[tilespmem:s6+$0xD0] =	vst v5  }
0x9b: {  	s9 =	sor.u32 $0x400, s8;
	[tilespmem:s6+$0x80] =	vst v0  }
0x9c: {  	[tilespmem:s9+$0x0] =	vst v8;
	s9 =	sor.u32 $0x410, s8  }
0x9d: {  	[tilespmem:s9+$0x0] =	vst v9;
	s9 =	sor.u32 $0x420, s8  }
0x9e: {  	[tilespmem:s9+$0x0] =	vst v10;
	s9 =	sor.u32 $0x430, s8  }
0x9f: {  	[tilespmem:s9+$0x0] =	vst v11;
	s9 =	sor.u32 $0x440, s8  }
0xa0: {  	[tilespmem:s9+$0x0] =	vst v12;
	s9 =	sor.u32 $0x450, s8  }
0xa1: {  	[tilespmem:s9+$0x0] =	vst v14;
	s9 =	sor.u32 $0x460, s8  }
0xa2: {  	s8 =	sor.u32 $0x470, s8;
	[tilespmem:s9+$0x0] =	vst v13  }
0xa3: {  	[tilespmem:s8+$0x0] =	vst v15  }
0xa4: {  	[tilespmem:s6+$0x160] =	vst v6  }
0xa5: {  	[tilespmem:s6+$0x170] =	vst v7  }
0xa6: {  	[tilespmem:s6+$0x150] =	vst v5  }
0xa7: {  	[tilespmem:s6+$0x140] =	vst v4  }
0xa8: {  	[tilespmem:s6+$0x120] =	vst v2  }
0xa9: {  	[tilespmem:s6+$0x110] =	vst v1  }
0xaa: {  	[tilespmem:s6+$0x130] =	vst v3  }
0xab: {  	s8 =	sor.u32 $0x400, s7;
	[tilespmem:s6+$0x100] =	vst v0  }
0xac: {  	[tilespmem:s8+$0x0] =	vst v8;
	s8 =	sor.u32 $0x410, s7  }
0xad: {  	[tilespmem:s8+$0x0] =	vst v9;
	s8 =	sor.u32 $0x420, s7  }
0xae: {  	[tilespmem:s8+$0x0] =	vst v10;
	s8 =	sor.u32 $0x430, s7  }
0xaf: {  	[tilespmem:s8+$0x0] =	vst v11;
	s8 =	sor.u32 $0x440, s7  }
0xb0: {  	[tilespmem:s8+$0x0] =	vst v12;
	s8 =	sor.u32 $0x450, s7  }
0xb1: {  	[tilespmem:s8+$0x0] =	vst v14;
	s8 =	sor.u32 $0x460, s7  }
0xb2: {  	s7 =	sor.u32 $0x470, s7;
	[tilespmem:s8+$0x0] =	vst v13  }
0xb3: {  	[tilespmem:s7+$0x0] =	vst v15  }
0xb4: {  	[tilespmem:s6+$0x1C0] =	vst v4  }
0xb5: {  	[tilespmem:s6+$0x1F0] =	vst v7  }
0xb6: {  	[tilespmem:s6+$0x1E0] =	vst v6  }
0xb7: {  	[tilespmem:s6+$0x1D0] =	vst v5  }
0xb8: {  	[tilespmem:s6+$0x190] =	vst v1  }
0xb9: {  	[tilespmem:s6+$0x1B0] =	vst v3  }
0xba: {  	s7 =	sor.u32 $0x400, s4;
	[tilespmem:s6+$0x1A0] =	vst v2  }
0xbb: {  	[tilespmem:s6+$0x180] =	vst v0;
	s6 =	sor.u32 $0x410, s4  }
0xbc: {  	[tilespmem:s7+$0x0] =	vst v8;
	s7 =	sor.u32 $0x420, s4  }
.Ltmp0:
0xbd: {  	[tilespmem:s6+$0x0] =	vst v9;
	s6 =	sor.u32 $0x430, s4;
	(pc) =	sbr.rel @p1 .LBB2_2-.Ltmp0, $4  }
0xbe: {  	[tilespmem:s7+$0x0] =	vst v10;
	s7 =	sor.u32 $0x440, s4  }
0xbf: {  	s8 =	sor.u32 $0x450, s4;
	[tilespmem:s6+$0x0] =	vst v11  }
0xc0: {  	p0 =	por !p0, !p0;
	s6 =	sor.u32 $0x460, s4;
	[tilespmem:s7+$0x0] =	vst v12  }
0xc1: {  	s1 =	sadd.s32 $0x400, s1;
	s4 =	sor.u32 $0x470, s4;
	s7 =	smov.u32 s0;
	[tilespmem:s8+$0x0] =	vst v14  }
0xc2: {  	[tilespmem:s6+$0x0] =	vst v13  }
0xc3: {  	s0 =	simm.s32 $0x0;
	[tilespmem:s4+$0x0] =	vst v15  }
0xc4: {  	[hbm4b:s5+s0] =	stream.linear.scatter [tilespmem:s0], [sflag:$0x1], $0x8000, $0x38;
	[tilespmem:$0x1C100] =	vst v63  }
0xc5: {  	s1 =	rddreg [dreg:$0x4]  }
0xc6: {  	[hbm4b:s1+s0] =	stream.linear.scatter [tilespmem:s0], [sflag:$0x1], $0x8000, $0x38;
	[tilespmem:$0x1C100] =	vst v63  }
0xc7: {  	s10 =	rddreg [dreg:$0x5]  }
0xc8: {  	[hbm4b:s10+s0] =	stream.linear.scatter [tilespmem:s0], [sflag:$0x1], $0x8000, $0x38;
	[tilespmem:$0x1C100] =	vst v63  }
0xc9: {  	s11 =	rddreg [dreg:$0x6]  }
0xca: {  	[hbm4b:s11+s0] =	stream.linear.scatter [tilespmem:s0], [sflag:$0x1], $0x8000, $0x38;
	[tilespmem:$0x1C100] =	vst v63  }
0xcb: {  	s12 =	rddreg [dreg:$0x7]  }
0xcc: {  	[hbm4b:s12+s0] =	stream.linear.scatter [tilespmem:s0], [sflag:$0x1], $0x8000, $0x38;
	[tilespmem:$0x1C100] =	vst v63  }
0xcd: {  	s4 =	rddreg [dreg:$0x8]  }
0xce: {  	[hbm4b:s4+s0] =	stream.linear.scatter [tilespmem:s0], [sflag:$0x1], $0x8000, $0x38;
	[tilespmem:$0x1C100] =	vst v63  }
0xcf: {  	s6 =	rddreg [dreg:$0x9]  }
0xd0: {  	[hbm4b:s6+s0] =	stream.linear.scatter [tilespmem:s0], [sflag:$0x1], $0x8000, $0x38;
	[tilespmem:$0x1C100] =	vst v63  }
0xd1: {  	s7 =	rddreg [dreg:$0xa]  }
0xd2: {  	[hbm4b:s7+s0] =	stream.linear.scatter [tilespmem:s0], [sflag:$0x1], $0x8000, $0x38;
	[tilespmem:$0x1C100] =	vst v63  }
0xd3: {  	s8 =	rddreg [dreg:$0xb]  }
0xd4: {  	[tilespmem:s24], [sflag:$0x4] =	stream.strided.gather [hbm4b:s8+s19], $0x100, s23, s19, $0x38;
	[tilespmem:$0x1C100] =	vst v63  }
0xd5: {  	_ =	swait.ge [sflag:s25], $0x100  }
0xd6: {  	[sflag:s25] =	ssyncset.done $0x0  }
0xd7: {  	[sflag:s25] =	ssyncadd.s32 $0xFFFFFF00  }
0xd8: {  	v0 =	vld [tilespmem:$0x18000]  }
0xd9: {  	v1 =	vld [tilespmem:$0x18010]  }
0xda: {  	v2 =	vld [tilespmem:$0x18020]  }
0xdb: {  	v3 =	vld [tilespmem:$0x18030]  }
0xdc: {  	v4 =	vld [tilespmem:$0x18040]  }
0xdd: {  	v5 =	vld [tilespmem:$0x18050]  }
0xde: {  	v6 =	vld [tilespmem:$0x18060]  }
0xdf: {  	v7 =	vld [tilespmem:$0x18070]  }
0xe0: {  	v8 =	vld [tilespmem:$0x18080]  }
0xe1: {  	v9 =	vld [tilespmem:$0x18090]  }
0xe2: {  	v10 =	vld [tilespmem:$0x180A0]  }
0xe3: {  	v11 =	vld [tilespmem:$0x180B0]  }
0xe4: {  	v12 =	vld [tilespmem:$0x180C0]  }
0xe5: {  	s9 =	sand.u32 $0x7800, s0;
	s0 =	sand.u32 $0x200, s0;
	v14 =	vld [tilespmem:$0x180D0]  }
0xe6: {  	s0 =	sor.u32 s0, s9;
	v13 =	vld [tilespmem:$0x180E0]  }
0xe7: {  	v15 =	vld [tilespmem:$0x180F0];
	[tilespmem:s0+$0x8070] =	vst v7  }
0xe8: {  	[tilespmem:s0+$0x8060] =	vst v6  }
0xe9: {  	[tilespmem:s0+$0x8040] =	vst v4  }
0xea: {  	p0 =	por $0x0, $0x0;
	s1 =	simm.s32 $0x1;
	[tilespmem:s0+$0x8050] =	vst v5  }
0xeb: {  	s1 =	simm.s32 @!p0 $0x0;
	[tilespmem:s0+$0x8020] =	vst v2  }
0xec: {  	s1 =	sshll.u32 s1, $0x9;
	[tilespmem:s0+$0x8010] =	vst v1  }
0xed: {  	s1 =	sadd.s32 $0x0, s1;
	[tilespmem:s0+$0x8000] =	vst v0  }
0xee: {  	s10 =	sor.u32 $0x400, s1;
	[tilespmem:s0+$0x8030] =	vst v3  }
0xef: {  	s11 =	sor.u32 $0x410, s1;
	[tilespmem:s10+$0x8000] =	vst v8  }
0xf0: {  	s12 =	sor.u32 $0x420, s1;
	[tilespmem:s11+$0x8000] =	vst v9  }
0xf1: {  	s6 =	sor.u32 $0x430, s1;
	[tilespmem:s12+$0x8000] =	vst v10  }
0xf2: {  	s7 =	sor.u32 $0x440, s1;
	[tilespmem:s6+$0x8000] =	vst v11  }
0xf3: {  	s8 =	sor.u32 $0x450, s1;
	[tilespmem:s7+$0x8000] =	vst v12  }
0xf4: {  	s9 =	sor.u32 $0x460, s1;
	[tilespmem:s8+$0x8000] =	vst v14  }
0xf5: {  	s10 =	sor.u32 $0x470, s1;
	[tilespmem:s9+$0x8000] =	vst v13  }
0xf6: {  	[tilespmem:s10+$0x8000] =	vst v15  }
0xf7: {  	[tilespmem:s0+$0x80C0] =	vst v4  }
0xf8: {  	[tilespmem:s0+$0x80F0] =	vst v7  }
0xf9: {  	[tilespmem:s0+$0x80E0] =	vst v6  }
0xfa: {  	[tilespmem:s0+$0x8090] =	vst v1  }
0xfb: {  	[tilespmem:s0+$0x80B0] =	vst v3  }
0xfc: {  	[tilespmem:s0+$0x80A0] =	vst v2  }
0xfd: {  	s4 =	sadd.s32 $0x80, s1;
	[tilespmem:s0+$0x80D0] =	vst v5  }
0xfe: {  	s11 =	sor.u32 $0x400, s4;
	[tilespmem:s0+$0x8080] =	vst v0  }
0xff: {  	s12 =	sor.u32 $0x410, s4;
	[tilespmem:s11+$0x8000] =	vst v8  }
0x100: {  	s7 =	sor.u32 $0x420, s4;
	[tilespmem:s12+$0x8000] =	vst v9  }
0x101: {  	s8 =	sor.u32 $0x430, s4;
	[tilespmem:s7+$0x8000] =	vst v10  }
0x102: {  	s9 =	sor.u32 $0x440, s4;
	[tilespmem:s8+$0x8000] =	vst v11  }
0x103: {  	s10 =	sor.u32 $0x450, s4;
	[tilespmem:s9+$0x8000] =	vst v12  }
0x104: {  	s11 =	sor.u32 $0x460, s4;
	[tilespmem:s10+$0x8000] =	vst v14  }
0x105: {  	s4 =	sor.u32 $0x470, s4;
	[tilespmem:s11+$0x8000] =	vst v13  }
0x106: {  	[tilespmem:s4+$0x8000] =	vst v15  }
0x107: {  	[tilespmem:s0+$0x8160] =	vst v6  }
0x108: {  	[tilespmem:s0+$0x8170] =	vst v7  }
0x109: {  	[tilespmem:s0+$0x8150] =	vst v5  }
0x10a: {  	[tilespmem:s0+$0x8140] =	vst v4  }
0x10b: {  	[tilespmem:s0+$0x8120] =	vst v2  }
0x10c: {  	[tilespmem:s0+$0x8110] =	vst v1  }
0x10d: {  	s4 =	sadd.s32 $0x100, s1;
	[tilespmem:s0+$0x8130] =	vst v3  }
0x10e: {  	[tilespmem:s0+$0x8100] =	vst v0;
	s12 =	sor.u32 $0x400, s4  }
0x10f: {  	s7 =	sor.u32 $0x410, s4;
	[tilespmem:s12+$0x8000] =	vst v8  }
0x110: {  	s8 =	sor.u32 $0x420, s4;
	[tilespmem:s7+$0x8000] =	vst v9  }
0x111: {  	s9 =	sor.u32 $0x430, s4;
	[tilespmem:s8+$0x8000] =	vst v10  }
0x112: {  	s10 =	sor.u32 $0x440, s4;
	[tilespmem:s9+$0x8000] =	vst v11  }
0x113: {  	s11 =	sor.u32 $0x450, s4;
	[tilespmem:s10+$0x8000] =	vst v12  }
0x114: {  	s12 =	sor.u32 $0x460, s4;
	[tilespmem:s11+$0x8000] =	vst v14  }
0x115: {  	s4 =	sor.u32 $0x470, s4;
	[tilespmem:s12+$0x8000] =	vst v13  }
0x116: {  	[tilespmem:s4+$0x8000] =	vst v15  }
0x117: {  	[tilespmem:s0+$0x81C0] =	vst v4  }
0x118: {  	[tilespmem:s0+$0x81F0] =	vst v7  }
0x119: {  	[tilespmem:s0+$0x81E0] =	vst v6  }
0x11a: {  	[tilespmem:s0+$0x81D0] =	vst v5  }
0x11b: {  	[tilespmem:s0+$0x8190] =	vst v1  }
0x11c: {  	[tilespmem:s0+$0x81B0] =	vst v3  }
0x11d: {  	s1 =	sadd.s32 $0x180, s1;
	[tilespmem:s0+$0x81A0] =	vst v2  }
0x11e: {  	s7 =	sor.u32 $0x400, s1;
	[tilespmem:s0+$0x8180] =	vst v0  }
0x11f: {  	s8 =	sor.u32 $0x410, s1;
	[tilespmem:s7+$0x8000] =	vst v8  }
0x120: {  	s9 =	sor.u32 $0x420, s1;
	[tilespmem:s8+$0x8000] =	vst v9  }
0x121: {  	s10 =	sor.u32 $0x430, s1;
	[tilespmem:s9+$0x8000] =	vst v10  }
0x122: {  	s11 =	sor.u32 $0x440, s1;
	[tilespmem:s10+$0x8000] =	vst v11  }
0x123: {  	p0 =	por !p0, !p0;
	s6 =	sor.u32 $0x460, s1;
	s12 =	sor.u32 $0x450, s1;
	[tilespmem:s11+$0x8000] =	vst v12  }
0x124: {  	s4 =	sor.u32 $0x470, s1;
	s1 =	simm.s32 $0x400;
	s7 =	simm.s32 $0x200;
	[tilespmem:s12+$0x8000] =	vst v14  }
.LBB2_4:
0x125: {  	s8 =	sand.u32 $0x7800, s1;
	s0 =	smov.u32 s7  }
0x126: {  	s9 =	sand.u32 $0x200, s7;
	[tilespmem:s6+$0x8000] =	vst v13;
	s10 =	simm.s32 $0x1;
	s0 =	sadd.s32 $0x200, s7  }
0x127: {  	p1 =	sne.s32 s7, $0x3E00;
	s10 =	simm.s32 @!p0 $0x0;
	s6 =	sor.u32 s9, s8;
	[tilespmem:s4+$0x8000] =	vst v15  }
0x128: {  	s4 =	sshll.u32 s10, $0x9;
	[tilespmem:s6+$0x8070] =	vst v7  }
0x129: {  	s9 =	sadd.s32 s4, s1;
	[tilespmem:s6+$0x8060] =	vst v6  }
0x12a: {  	s10 =	sor.u32 $0x400, s9;
	s8 =	sadd.s32 $0x80, s9;
	s7 =	sadd.s32 $0x100, s9;
	[tilespmem:s6+$0x8040] =	vst v4  }
0x12b: {  	s4 =	sadd.s32 $0x180, s9;
	[tilespmem:s6+$0x8050] =	vst v5  }
0x12c: {  	[tilespmem:s6+$0x8020] =	vst v2  }
0x12d: {  	[tilespmem:s6+$0x8010] =	vst v1  }
0x12e: {  	[tilespmem:s6+$0x8000] =	vst v0  }
0x12f: {  	[tilespmem:s6+$0x8030] =	vst v3  }
0x130: {  	s11 =	sor.u32 $0x440, s9;
	[tilespmem:s10+$0x8000] =	vst v8;
	s10 =	sor.u32 $0x410, s9  }
0x131: {  	[tilespmem:s10+$0x8000] =	vst v9;
	s10 =	sor.u32 $0x420, s9  }
0x132: {  	s12 =	sor.u32 $0x450, s9;
	[tilespmem:s10+$0x8000] =	vst v10;
	s10 =	sor.u32 $0x430, s9  }
0x133: {  	[tilespmem:s10+$0x8000] =	vst v11  }
0x134: {  	[tilespmem:s11+$0x8000] =	vst v12  }
0x135: {  	s10 =	sor.u32 $0x460, s9;
	[tilespmem:s12+$0x8000] =	vst v14  }
0x136: {  	s9 =	sor.u32 $0x470, s9;
	[tilespmem:s10+$0x8000] =	vst v13  }
0x137: {  	[tilespmem:s9+$0x8000] =	vst v15  }
0x138: {  	[tilespmem:s6+$0x80C0] =	vst v4  }
0x139: {  	[tilespmem:s6+$0x80F0] =	vst v7  }
0x13a: {  	[tilespmem:s6+$0x80E0] =	vst v6  }
0x13b: {  	[tilespmem:s6+$0x8090] =	vst v1  }
0x13c: {  	[tilespmem:s6+$0x80B0] =	vst v3  }
0x13d: {  	[tilespmem:s6+$0x80A0] =	vst v2  }
0x13e: {  	[tilespmem:s6+$0x80D0] =	vst v5  }
0x13f: {  	s9 =	sor.u32 $0x400, s8;
	[tilespmem:s6+$0x8080] =	vst v0  }
0x140: {  	[tilespmem:s9+$0x8000] =	vst v8;
	s9 =	sor.u32 $0x410, s8  }
0x141: {  	[tilespmem:s9+$0x8000] =	vst v9;
	s9 =	sor.u32 $0x420, s8  }
0x142: {  	[tilespmem:s9+$0x8000] =	vst v10;
	s9 =	sor.u32 $0x430, s8  }
0x143: {  	[tilespmem:s9+$0x8000] =	vst v11;
	s9 =	sor.u32 $0x440, s8  }
0x144: {  	[tilespmem:s9+$0x8000] =	vst v12;
	s9 =	sor.u32 $0x450, s8  }
0x145: {  	[tilespmem:s9+$0x8000] =	vst v14;
	s9 =	sor.u32 $0x460, s8  }
0x146: {  	s8 =	sor.u32 $0x470, s8;
	[tilespmem:s9+$0x8000] =	vst v13  }
0x147: {  	[tilespmem:s8+$0x8000] =	vst v15  }
0x148: {  	[tilespmem:s6+$0x8160] =	vst v6  }
0x149: {  	[tilespmem:s6+$0x8170] =	vst v7  }
0x14a: {  	[tilespmem:s6+$0x8150] =	vst v5  }
0x14b: {  	[tilespmem:s6+$0x8140] =	vst v4  }
0x14c: {  	[tilespmem:s6+$0x8120] =	vst v2  }
0x14d: {  	[tilespmem:s6+$0x8110] =	vst v1  }
0x14e: {  	[tilespmem:s6+$0x8130] =	vst v3  }
0x14f: {  	s8 =	sor.u32 $0x400, s7;
	[tilespmem:s6+$0x8100] =	vst v0  }
0x150: {  	[tilespmem:s8+$0x8000] =	vst v8;
	s8 =	sor.u32 $0x410, s7  }
0x151: {  	[tilespmem:s8+$0x8000] =	vst v9;
	s8 =	sor.u32 $0x420, s7  }
0x152: {  	[tilespmem:s8+$0x8000] =	vst v10;
	s8 =	sor.u32 $0x430, s7  }
0x153: {  	[tilespmem:s8+$0x8000] =	vst v11;
	s8 =	sor.u32 $0x440, s7  }
0x154: {  	[tilespmem:s8+$0x8000] =	vst v12;
	s8 =	sor.u32 $0x450, s7  }
0x155: {  	[tilespmem:s8+$0x8000] =	vst v14;
	s8 =	sor.u32 $0x460, s7  }
0x156: {  	s7 =	sor.u32 $0x470, s7;
	[tilespmem:s8+$0x8000] =	vst v13  }
0x157: {  	[tilespmem:s7+$0x8000] =	vst v15  }
0x158: {  	[tilespmem:s6+$0x81C0] =	vst v4  }
0x159: {  	[tilespmem:s6+$0x81F0] =	vst v7  }
0x15a: {  	[tilespmem:s6+$0x81E0] =	vst v6  }
0x15b: {  	[tilespmem:s6+$0x81D0] =	vst v5  }
0x15c: {  	[tilespmem:s6+$0x8190] =	vst v1  }
0x15d: {  	[tilespmem:s6+$0x81B0] =	vst v3  }
0x15e: {  	s7 =	sor.u32 $0x400, s4;
	[tilespmem:s6+$0x81A0] =	vst v2  }
0x15f: {  	[tilespmem:s6+$0x8180] =	vst v0;
	s6 =	sor.u32 $0x410, s4  }
0x160: {  	[tilespmem:s7+$0x8000] =	vst v8;
	s7 =	sor.u32 $0x420, s4  }
.Ltmp1:
0x161: {  	[tilespmem:s6+$0x8000] =	vst v9;
	s6 =	sor.u32 $0x430, s4;
	(pc) =	sbr.rel @p1 .LBB2_4-.Ltmp1, $4  }
0x162: {  	[tilespmem:s7+$0x8000] =	vst v10;
	s7 =	sor.u32 $0x440, s4  }
0x163: {  	s8 =	sor.u32 $0x450, s4;
	[tilespmem:s6+$0x8000] =	vst v11  }
0x164: {  	p0 =	por !p0, !p0;
	s6 =	sor.u32 $0x460, s4;
	[tilespmem:s7+$0x8000] =	vst v12  }
0x165: {  	s1 =	sadd.s32 $0x400, s1;
	s4 =	sor.u32 $0x470, s4;
	s7 =	smov.u32 s0;
	[tilespmem:s8+$0x8000] =	vst v14  }
0x166: {  	[tilespmem:s6+$0x8000] =	vst v13  }
0x167: {  	s0 =	simm.s32 $0x0;
	[tilespmem:s4+$0x8000] =	vst v15  }
0x168: {  	[hbm4b:s14+s0] =	stream.linear.scatter [tilespmem:s26], [sflag:$0x2], $0x8000, $0x38;
	[tilespmem:$0x1C100] =	vst v63  }
0x169: {  	s1 =	rddreg [dreg:$0xc]  }
0x16a: {  	[hbm4b:s1+s0] =	stream.linear.scatter [tilespmem:s26], [sflag:$0x2], $0x8000, $0x38;
	[tilespmem:$0x1C100] =	vst v63  }
0x16b: {  	s10 =	rddreg [dreg:$0xd]  }
0x16c: {  	[hbm4b:s10+s0] =	stream.linear.scatter [tilespmem:s26], [sflag:$0x2], $0x8000, $0x38;
	[tilespmem:$0x1C100] =	vst v63  }
0x16d: {  	s11 =	rddreg [dreg:$0x10]  }
0x16e: {  	[hbm4b:s11+s0] =	stream.linear.scatter [tilespmem:s26], [sflag:$0x2], $0x8000, $0x38;
	[tilespmem:$0x1C100] =	vst v63  }
0x16f: {  	s12 =	rddreg [dreg:$0x11]  }
0x170: {  	[hbm4b:s12+s0] =	stream.linear.scatter [tilespmem:s26], [sflag:$0x2], $0x8000, $0x38;
	[tilespmem:$0x1C100] =	vst v63  }
0x171: {  	s4 =	rddreg [dreg:$0x14]  }
0x172: {  	[hbm4b:s4+s0] =	stream.linear.scatter [tilespmem:s26], [sflag:$0x2], $0x8000, $0x38;
	[tilespmem:$0x1C100] =	vst v63  }
0x173: {  	s6 =	rddreg [dreg:$0x15]  }
0x174: {  	[hbm4b:s6+s0] =	stream.linear.scatter [tilespmem:s26], [sflag:$0x2], $0x8000, $0x38;
	[tilespmem:$0x1C100] =	vst v63  }
0x175: {  	s7 =	rddreg [dreg:$0x16]  }
0x176: {  	[hbm4b:s7+s0] =	stream.linear.scatter [tilespmem:s26], [sflag:$0x2], $0x8000, $0x38;
	[tilespmem:$0x1C100] =	vst v63  }
0x177: {  	s8 =	rddreg [dreg:$0xe]  }
0x178: {  	[tilespmem:s24], [sflag:$0x4] =	stream.strided.gather [hbm4b:s8+s19], $0x100, s23, s19, $0x38;
	[tilespmem:$0x1C100] =	vst v63  }
0x179: {  	_ =	swait.ge [sflag:s25], $0x100  }
0x17a: {  	[sflag:s25] =	ssyncset.done $0x0  }
0x17b: {  	[sflag:s25] =	ssyncadd.s32 $0xFFFFFF00  }
0x17c: {  	v0 =	vld [tilespmem:$0x18000]  }
0x17d: {  	v1 =	vld [tilespmem:$0x18010]  }
0x17e: {  	v2 =	vld [tilespmem:$0x18020]  }
0x17f: {  	v3 =	vld [tilespmem:$0x18030]  }
0x180: {  	v4 =	vld [tilespmem:$0x18040]  }
0x181: {  	v5 =	vld [tilespmem:$0x18050]  }
0x182: {  	v6 =	vld [tilespmem:$0x18060]  }
0x183: {  	v7 =	vld [tilespmem:$0x18070]  }
0x184: {  	v8 =	vld [tilespmem:$0x18080]  }
0x185: {  	v9 =	vld [tilespmem:$0x18090]  }
0x186: {  	v10 =	vld [tilespmem:$0x180A0]  }
0x187: {  	v11 =	vld [tilespmem:$0x180B0]  }
0x188: {  	v12 =	vld [tilespmem:$0x180C0]  }
0x189: {  	s9 =	sand.u32 $0x7800, s0;
	s0 =	sand.u32 $0x200, s0;
	v14 =	vld [tilespmem:$0x180D0]  }
0x18a: {  	s0 =	sor.u32 s0, s9;
	v13 =	vld [tilespmem:$0x180E0]  }
0x18b: {  	v15 =	vld [tilespmem:$0x180F0];
	[tilespmem:s0+$0x10070] =	vst v7  }
0x18c: {  	[tilespmem:s0+$0x10060] =	vst v6  }
0x18d: {  	[tilespmem:s0+$0x10040] =	vst v4  }
0x18e: {  	p0 =	por $0x0, $0x0;
	s1 =	simm.s32 $0x1;
	[tilespmem:s0+$0x10050] =	vst v5  }
0x18f: {  	s1 =	simm.s32 @!p0 $0x0;
	[tilespmem:s0+$0x10020] =	vst v2  }
0x190: {  	s1 =	sshll.u32 s1, $0x9;
	[tilespmem:s0+$0x10010] =	vst v1  }
0x191: {  	s1 =	sadd.s32 $0x0, s1;
	[tilespmem:s0+$0x10000] =	vst v0  }
0x192: {  	s10 =	sor.u32 $0x400, s1;
	[tilespmem:s0+$0x10030] =	vst v3  }
0x193: {  	s11 =	sor.u32 $0x410, s1;
	[tilespmem:s10+$0x10000] =	vst v8  }
0x194: {  	s12 =	sor.u32 $0x420, s1;
	[tilespmem:s11+$0x10000] =	vst v9  }
0x195: {  	s6 =	sor.u32 $0x430, s1;
	[tilespmem:s12+$0x10000] =	vst v10  }
0x196: {  	s7 =	sor.u32 $0x440, s1;
	[tilespmem:s6+$0x10000] =	vst v11  }
0x197: {  	s8 =	sor.u32 $0x450, s1;
	[tilespmem:s7+$0x10000] =	vst v12  }
0x198: {  	s9 =	sor.u32 $0x460, s1;
	[tilespmem:s8+$0x10000] =	vst v14  }
0x199: {  	s10 =	sor.u32 $0x470, s1;
	[tilespmem:s9+$0x10000] =	vst v13  }
0x19a: {  	[tilespmem:s10+$0x10000] =	vst v15  }
0x19b: {  	[tilespmem:s0+$0x100C0] =	vst v4  }
0x19c: {  	[tilespmem:s0+$0x100F0] =	vst v7  }
0x19d: {  	[tilespmem:s0+$0x100E0] =	vst v6  }
0x19e: {  	[tilespmem:s0+$0x10090] =	vst v1  }
0x19f: {  	[tilespmem:s0+$0x100B0] =	vst v3  }
0x1a0: {  	[tilespmem:s0+$0x100A0] =	vst v2  }
0x1a1: {  	s4 =	sadd.s32 $0x80, s1;
	[tilespmem:s0+$0x100D0] =	vst v5  }
0x1a2: {  	s11 =	sor.u32 $0x400, s4;
	[tilespmem:s0+$0x10080] =	vst v0  }
0x1a3: {  	s12 =	sor.u32 $0x410, s4;
	[tilespmem:s11+$0x10000] =	vst v8  }
0x1a4: {  	s7 =	sor.u32 $0x420, s4;
	[tilespmem:s12+$0x10000] =	vst v9  }
0x1a5: {  	s8 =	sor.u32 $0x430, s4;
	[tilespmem:s7+$0x10000] =	vst v10  }
0x1a6: {  	s9 =	sor.u32 $0x440, s4;
	[tilespmem:s8+$0x10000] =	vst v11  }
0x1a7: {  	s10 =	sor.u32 $0x450, s4;
	[tilespmem:s9+$0x10000] =	vst v12  }
0x1a8: {  	s11 =	sor.u32 $0x460, s4;
	[tilespmem:s10+$0x10000] =	vst v14  }
0x1a9: {  	s4 =	sor.u32 $0x470, s4;
	[tilespmem:s11+$0x10000] =	vst v13  }
0x1aa: {  	[tilespmem:s4+$0x10000] =	vst v15  }
0x1ab: {  	[tilespmem:s0+$0x10160] =	vst v6  }
0x1ac: {  	[tilespmem:s0+$0x10170] =	vst v7  }
0x1ad: {  	[tilespmem:s0+$0x10150] =	vst v5  }
0x1ae: {  	[tilespmem:s0+$0x10140] =	vst v4  }
0x1af: {  	[tilespmem:s0+$0x10120] =	vst v2  }
0x1b0: {  	[tilespmem:s0+$0x10110] =	vst v1  }
0x1b1: {  	s4 =	sadd.s32 $0x100, s1;
	[tilespmem:s0+$0x10130] =	vst v3  }
0x1b2: {  	[tilespmem:s0+$0x10100] =	vst v0;
	s12 =	sor.u32 $0x400, s4  }
0x1b3: {  	s7 =	sor.u32 $0x410, s4;
	[tilespmem:s12+$0x10000] =	vst v8  }
0x1b4: {  	s8 =	sor.u32 $0x420, s4;
	[tilespmem:s7+$0x10000] =	vst v9  }
0x1b5: {  	s9 =	sor.u32 $0x430, s4;
	[tilespmem:s8+$0x10000] =	vst v10  }
0x1b6: {  	s10 =	sor.u32 $0x440, s4;
	[tilespmem:s9+$0x10000] =	vst v11  }
0x1b7: {  	s11 =	sor.u32 $0x450, s4;
	[tilespmem:s10+$0x10000] =	vst v12  }
0x1b8: {  	s12 =	sor.u32 $0x460, s4;
	[tilespmem:s11+$0x10000] =	vst v14  }
0x1b9: {  	s4 =	sor.u32 $0x470, s4;
	[tilespmem:s12+$0x10000] =	vst v13  }
0x1ba: {  	[tilespmem:s4+$0x10000] =	vst v15  }
0x1bb: {  	[tilespmem:s0+$0x101C0] =	vst v4  }
0x1bc: {  	[tilespmem:s0+$0x101F0] =	vst v7  }
0x1bd: {  	[tilespmem:s0+$0x101E0] =	vst v6  }
0x1be: {  	[tilespmem:s0+$0x101D0] =	vst v5  }
0x1bf: {  	[tilespmem:s0+$0x10190] =	vst v1  }
0x1c0: {  	[tilespmem:s0+$0x101B0] =	vst v3  }
0x1c1: {  	s1 =	sadd.s32 $0x180, s1;
	[tilespmem:s0+$0x101A0] =	vst v2  }
0x1c2: {  	s7 =	sor.u32 $0x400, s1;
	[tilespmem:s0+$0x10180] =	vst v0  }
0x1c3: {  	s8 =	sor.u32 $0x410, s1;
	[tilespmem:s7+$0x10000] =	vst v8  }
0x1c4: {  	s9 =	sor.u32 $0x420, s1;
	[tilespmem:s8+$0x10000] =	vst v9  }
0x1c5: {  	s10 =	sor.u32 $0x430, s1;
	[tilespmem:s9+$0x10000] =	vst v10  }
0x1c6: {  	s11 =	sor.u32 $0x440, s1;
	[tilespmem:s10+$0x10000] =	vst v11  }
0x1c7: {  	p0 =	por !p0, !p0;
	s6 =	sor.u32 $0x460, s1;
	s12 =	sor.u32 $0x450, s1;
	[tilespmem:s11+$0x10000] =	vst v12  }
0x1c8: {  	s4 =	sor.u32 $0x470, s1;
	s1 =	simm.s32 $0x400;
	s7 =	simm.s32 $0x200;
	[tilespmem:s12+$0x10000] =	vst v14  }
.LBB2_6:
0x1c9: {  	s8 =	sand.u32 $0x7800, s1;
	s0 =	smov.u32 s7  }
0x1ca: {  	s9 =	sand.u32 $0x200, s7;
	[tilespmem:s6+$0x10000] =	vst v13;
	s10 =	simm.s32 $0x1;
	s0 =	sadd.s32 $0x200, s7  }
0x1cb: {  	p1 =	sne.s32 s7, $0x3E00;
	s10 =	simm.s32 @!p0 $0x0;
	s6 =	sor.u32 s9, s8;
	[tilespmem:s4+$0x10000] =	vst v15  }
0x1cc: {  	s4 =	sshll.u32 s10, $0x9;
	[tilespmem:s6+$0x10070] =	vst v7  }
0x1cd: {  	s9 =	sadd.s32 s4, s1;
	[tilespmem:s6+$0x10060] =	vst v6  }
0x1ce: {  	s10 =	sor.u32 $0x400, s9;
	s8 =	sadd.s32 $0x80, s9;
	s7 =	sadd.s32 $0x100, s9;
	[tilespmem:s6+$0x10040] =	vst v4  }
0x1cf: {  	s4 =	sadd.s32 $0x180, s9;
	[tilespmem:s6+$0x10050] =	vst v5  }
0x1d0: {  	[tilespmem:s6+$0x10020] =	vst v2  }
0x1d1: {  	[tilespmem:s6+$0x10010] =	vst v1  }
0x1d2: {  	[tilespmem:s6+$0x10000] =	vst v0  }
0x1d3: {  	[tilespmem:s6+$0x10030] =	vst v3  }
0x1d4: {  	s11 =	sor.u32 $0x440, s9;
	[tilespmem:s10+$0x10000] =	vst v8;
	s10 =	sor.u32 $0x410, s9  }
0x1d5: {  	[tilespmem:s10+$0x10000] =	vst v9;
	s10 =	sor.u32 $0x420, s9  }
0x1d6: {  	s12 =	sor.u32 $0x450, s9;
	[tilespmem:s10+$0x10000] =	vst v10;
	s10 =	sor.u32 $0x430, s9  }
0x1d7: {  	[tilespmem:s10+$0x10000] =	vst v11  }
0x1d8: {  	[tilespmem:s11+$0x10000] =	vst v12  }
0x1d9: {  	s10 =	sor.u32 $0x460, s9;
	[tilespmem:s12+$0x10000] =	vst v14  }
0x1da: {  	s9 =	sor.u32 $0x470, s9;
	[tilespmem:s10+$0x10000] =	vst v13  }
0x1db: {  	[tilespmem:s9+$0x10000] =	vst v15  }
0x1dc: {  	[tilespmem:s6+$0x100C0] =	vst v4  }
0x1dd: {  	[tilespmem:s6+$0x100F0] =	vst v7  }
0x1de: {  	[tilespmem:s6+$0x100E0] =	vst v6  }
0x1df: {  	[tilespmem:s6+$0x10090] =	vst v1  }
0x1e0: {  	[tilespmem:s6+$0x100B0] =	vst v3  }
0x1e1: {  	[tilespmem:s6+$0x100A0] =	vst v2  }
0x1e2: {  	[tilespmem:s6+$0x100D0] =	vst v5  }
0x1e3: {  	s9 =	sor.u32 $0x400, s8;
	[tilespmem:s6+$0x10080] =	vst v0  }
0x1e4: {  	[tilespmem:s9+$0x10000] =	vst v8;
	s9 =	sor.u32 $0x410, s8  }
0x1e5: {  	[tilespmem:s9+$0x10000] =	vst v9;
	s9 =	sor.u32 $0x420, s8  }
0x1e6: {  	[tilespmem:s9+$0x10000] =	vst v10;
	s9 =	sor.u32 $0x430, s8  }
0x1e7: {  	[tilespmem:s9+$0x10000] =	vst v11;
	s9 =	sor.u32 $0x440, s8  }
0x1e8: {  	[tilespmem:s9+$0x10000] =	vst v12;
	s9 =	sor.u32 $0x450, s8  }
0x1e9: {  	[tilespmem:s9+$0x10000] =	vst v14;
	s9 =	sor.u32 $0x460, s8  }
0x1ea: {  	s8 =	sor.u32 $0x470, s8;
	[tilespmem:s9+$0x10000] =	vst v13  }
0x1eb: {  	[tilespmem:s8+$0x10000] =	vst v15  }
0x1ec: {  	[tilespmem:s6+$0x10160] =	vst v6  }
0x1ed: {  	[tilespmem:s6+$0x10170] =	vst v7  }
0x1ee: {  	[tilespmem:s6+$0x10150] =	vst v5  }
0x1ef: {  	[tilespmem:s6+$0x10140] =	vst v4  }
0x1f0: {  	[tilespmem:s6+$0x10120] =	vst v2  }
0x1f1: {  	[tilespmem:s6+$0x10110] =	vst v1  }
0x1f2: {  	[tilespmem:s6+$0x10130] =	vst v3  }
0x1f3: {  	s8 =	sor.u32 $0x400, s7;
	[tilespmem:s6+$0x10100] =	vst v0  }
0x1f4: {  	[tilespmem:s8+$0x10000] =	vst v8;
	s8 =	sor.u32 $0x410, s7  }
0x1f5: {  	[tilespmem:s8+$0x10000] =	vst v9;
	s8 =	sor.u32 $0x420, s7  }
0x1f6: {  	[tilespmem:s8+$0x10000] =	vst v10;
	s8 =	sor.u32 $0x430, s7  }
0x1f7: {  	[tilespmem:s8+$0x10000] =	vst v11;
	s8 =	sor.u32 $0x440, s7  }
0x1f8: {  	[tilespmem:s8+$0x10000] =	vst v12;
	s8 =	sor.u32 $0x450, s7  }
0x1f9: {  	[tilespmem:s8+$0x10000] =	vst v14;
	s8 =	sor.u32 $0x460, s7  }
0x1fa: {  	s7 =	sor.u32 $0x470, s7;
	[tilespmem:s8+$0x10000] =	vst v13  }
0x1fb: {  	[tilespmem:s7+$0x10000] =	vst v15  }
0x1fc: {  	[tilespmem:s6+$0x101C0] =	vst v4  }
0x1fd: {  	[tilespmem:s6+$0x101F0] =	vst v7  }
0x1fe: {  	[tilespmem:s6+$0x101E0] =	vst v6  }
0x1ff: {  	[tilespmem:s6+$0x101D0] =	vst v5  }
0x200: {  	[tilespmem:s6+$0x10190] =	vst v1  }
0x201: {  	[tilespmem:s6+$0x101B0] =	vst v3  }
0x202: {  	s7 =	sor.u32 $0x400, s4;
	[tilespmem:s6+$0x101A0] =	vst v2  }
0x203: {  	[tilespmem:s6+$0x10180] =	vst v0;
	s6 =	sor.u32 $0x410, s4  }
0x204: {  	[tilespmem:s7+$0x10000] =	vst v8;
	s7 =	sor.u32 $0x420, s4  }
.Ltmp2:
0x205: {  	[tilespmem:s6+$0x10000] =	vst v9;
	s6 =	sor.u32 $0x430, s4;
	(pc) =	sbr.rel @p1 .LBB2_6-.Ltmp2, $4  }
0x206: {  	[tilespmem:s7+$0x10000] =	vst v10;
	s7 =	sor.u32 $0x440, s4  }
0x207: {  	s8 =	sor.u32 $0x450, s4;
	[tilespmem:s6+$0x10000] =	vst v11  }
0x208: {  	p0 =	por !p0, !p0;
	s6 =	sor.u32 $0x460, s4;
	[tilespmem:s7+$0x10000] =	vst v12  }
0x209: {  	s1 =	sadd.s32 $0x400, s1;
	s4 =	sor.u32 $0x470, s4;
	s7 =	smov.u32 s0;
	[tilespmem:s8+$0x10000] =	vst v14  }
0x20a: {  	[tilespmem:s6+$0x10000] =	vst v13  }
0x20b: {  	s0 =	simm.s32 $0x0;
	[tilespmem:s4+$0x10000] =	vst v15  }
0x20c: {  	[hbm4b:s20+s0] =	stream.linear.scatter [tilespmem:s28], [sflag:$0x3], $0x8000, $0x38;
	[tilespmem:$0x1C100] =	vst v63  }
0x20d: {  	s1 =	rddreg [dreg:$0x17]  }
0x20e: {  	[hbm4b:s1+s0] =	stream.linear.scatter [tilespmem:s28], [sflag:$0x3], $0x8000, $0x38;
	[tilespmem:$0x1C100] =	vst v63  }
0x20f: {  	s10 =	rddreg [dreg:$0x18]  }
0x210: {  	[hbm4b:s10+s0] =	stream.linear.scatter [tilespmem:s28], [sflag:$0x3], $0x8000, $0x38;
	[tilespmem:$0x1C100] =	vst v63  }
0x211: {  	s11 =	rddreg [dreg:$0x19]  }
0x212: {  	[hbm4b:s11+s0] =	stream.linear.scatter [tilespmem:s28], [sflag:$0x3], $0x8000, $0x38;
	[tilespmem:$0x1C100] =	vst v63  }
0x213: {  	s12 =	rddreg [dreg:$0x1a]  }
0x214: {  	[hbm4b:s12+s0] =	stream.linear.scatter [tilespmem:s28], [sflag:$0x3], $0x8000, $0x38;
	[tilespmem:$0x1C100] =	vst v63  }
0x215: {  	s4 =	rddreg [dreg:$0x1b]  }
0x216: {  	[hbm4b:s4+s0] =	stream.linear.scatter [tilespmem:s28], [sflag:$0x3], $0x8000, $0x38;
	[tilespmem:$0x1C100] =	vst v63  }
0x217: {  	s6 =	rddreg [dreg:$0x1c]  }
0x218: {  	[hbm4b:s6+s0] =	stream.linear.scatter [tilespmem:s28], [sflag:$0x3], $0x8000, $0x38;
	[tilespmem:$0x1C100] =	vst v63  }
0x219: {  	s7 =	rddreg [dreg:$0x1d]  }
0x21a: {  	[hbm4b:s7+s0] =	stream.linear.scatter [tilespmem:s28], [sflag:$0x3], $0x8000, $0x38;
	[tilespmem:$0x1C100] =	vst v63  }
0x21b: {  	_ =	swait.ge [sflag:s3], $0x8000  }
0x21c: {  	[sflag:s3] =	ssyncset.done $0x0  }
0x21d: {  	[sflag:s3] =	ssyncadd.s32 $0xFFFF8000  }
0x21e: {  	_ =	swait.ge [sflag:s3], $0x8000  }
0x21f: {  	[sflag:s3] =	ssyncset.done $0x0  }
0x220: {  	[sflag:s3] =	ssyncadd.s32 $0xFFFF8000  }
0x221: {  	_ =	swait.ge [sflag:s3], $0x8000  }
0x222: {  	[sflag:s3] =	ssyncset.done $0x0  }
0x223: {  	[sflag:s3] =	ssyncadd.s32 $0xFFFF8000  }
0x224: {  	_ =	swait.ge [sflag:s3], $0x8000  }
0x225: {  	[sflag:s3] =	ssyncset.done $0x0  }
0x226: {  	[sflag:s3] =	ssyncadd.s32 $0xFFFF8000  }
0x227: {  	_ =	swait.ge [sflag:s3], $0x8000  }
0x228: {  	[sflag:s3] =	ssyncset.done $0x0  }
0x229: {  	[sflag:s3] =	ssyncadd.s32 $0xFFFF8000  }
0x22a: {  	_ =	swait.ge [sflag:s3], $0x8000  }
0x22b: {  	[sflag:s3] =	ssyncset.done $0x0  }
0x22c: {  	[sflag:s3] =	ssyncadd.s32 $0xFFFF8000  }
0x22d: {  	_ =	swait.ge [sflag:s3], $0x8000  }
0x22e: {  	[sflag:s3] =	ssyncset.done $0x0  }
0x22f: {  	[sflag:s3] =	ssyncadd.s32 $0xFFFF8000  }
0x230: {  	_ =	swait.ge [sflag:s3], $0x8000  }
0x231: {  	[sflag:s3] =	ssyncset.done $0x0  }
0x232: {  	s8 =	rddreg [dreg:$0xf];
	[sflag:s3] =	ssyncadd.s32 $0xFFFF8000  }
0x233: {  	[tilespmem:s24], [sflag:$0x4] =	stream.strided.gather [hbm4b:s8+s19], $0x100, s23, s19, $0x38;
	[tilespmem:$0x1C100] =	vst v63  }
0x234: {  	_ =	swait.ge [sflag:s25], $0x100  }
0x235: {  	[sflag:s25] =	ssyncset.done $0x0  }
0x236: {  	[sflag:s25] =	ssyncadd.s32 $0xFFFFFF00  }
0x237: {  	v0 =	vld [tilespmem:$0x18000]  }
0x238: {  	v1 =	vld [tilespmem:$0x18010]  }
0x239: {  	v2 =	vld [tilespmem:$0x18020]  }
0x23a: {  	v3 =	vld [tilespmem:$0x18030]  }
0x23b: {  	v4 =	vld [tilespmem:$0x18040]  }
0x23c: {  	v5 =	vld [tilespmem:$0x18050]  }
0x23d: {  	v6 =	vld [tilespmem:$0x18060]  }
0x23e: {  	v7 =	vld [tilespmem:$0x18070]  }
0x23f: {  	v8 =	vld [tilespmem:$0x18080]  }
0x240: {  	v9 =	vld [tilespmem:$0x18090]  }
0x241: {  	v10 =	vld [tilespmem:$0x180A0]  }
0x242: {  	v11 =	vld [tilespmem:$0x180B0]  }
0x243: {  	v12 =	vld [tilespmem:$0x180C0]  }
0x244: {  	s9 =	sand.u32 $0x7800, s0;
	s0 =	sand.u32 $0x200, s0;
	v14 =	vld [tilespmem:$0x180D0]  }
0x245: {  	s0 =	sor.u32 s0, s9;
	v13 =	vld [tilespmem:$0x180E0]  }
0x246: {  	v15 =	vld [tilespmem:$0x180F0];
	[tilespmem:s0+$0x70] =	vst v7  }
0x247: {  	[tilespmem:s0+$0x60] =	vst v6  }
0x248: {  	[tilespmem:s0+$0x40] =	vst v4  }
0x249: {  	p0 =	por $0x0, $0x0;
	s1 =	simm.s32 $0x1;
	[tilespmem:s0+$0x50] =	vst v5  }
0x24a: {  	s1 =	simm.s32 @!p0 $0x0;
	[tilespmem:s0+$0x20] =	vst v2  }
0x24b: {  	s1 =	sshll.u32 s1, $0x9;
	[tilespmem:s0+$0x10] =	vst v1  }
0x24c: {  	s1 =	sadd.s32 $0x0, s1;
	[tilespmem:s0+$0x0] =	vst v0  }
0x24d: {  	s10 =	sor.u32 $0x400, s1;
	[tilespmem:s0+$0x30] =	vst v3  }
0x24e: {  	s11 =	sor.u32 $0x410, s1;
	[tilespmem:s10+$0x0] =	vst v8  }
0x24f: {  	s12 =	sor.u32 $0x420, s1;
	[tilespmem:s11+$0x0] =	vst v9  }
0x250: {  	s6 =	sor.u32 $0x430, s1;
	[tilespmem:s12+$0x0] =	vst v10  }
0x251: {  	s7 =	sor.u32 $0x440, s1;
	[tilespmem:s6+$0x0] =	vst v11  }
0x252: {  	s8 =	sor.u32 $0x450, s1;
	[tilespmem:s7+$0x0] =	vst v12  }
0x253: {  	s9 =	sor.u32 $0x460, s1;
	[tilespmem:s8+$0x0] =	vst v14  }
0x254: {  	s10 =	sor.u32 $0x470, s1;
	[tilespmem:s9+$0x0] =	vst v13  }
0x255: {  	[tilespmem:s10+$0x0] =	vst v15  }
0x256: {  	[tilespmem:s0+$0xC0] =	vst v4  }
0x257: {  	[tilespmem:s0+$0xF0] =	vst v7  }
0x258: {  	[tilespmem:s0+$0xE0] =	vst v6  }
0x259: {  	[tilespmem:s0+$0x90] =	vst v1  }
0x25a: {  	[tilespmem:s0+$0xB0] =	vst v3  }
0x25b: {  	[tilespmem:s0+$0xA0] =	vst v2  }
0x25c: {  	s4 =	sadd.s32 $0x80, s1;
	[tilespmem:s0+$0xD0] =	vst v5  }
0x25d: {  	s11 =	sor.u32 $0x400, s4;
	[tilespmem:s0+$0x80] =	vst v0  }
0x25e: {  	s12 =	sor.u32 $0x410, s4;
	[tilespmem:s11+$0x0] =	vst v8  }
0x25f: {  	s7 =	sor.u32 $0x420, s4;
	[tilespmem:s12+$0x0] =	vst v9  }
0x260: {  	s8 =	sor.u32 $0x430, s4;
	[tilespmem:s7+$0x0] =	vst v10  }
0x261: {  	s9 =	sor.u32 $0x440, s4;
	[tilespmem:s8+$0x0] =	vst v11  }
0x262: {  	s10 =	sor.u32 $0x450, s4;
	[tilespmem:s9+$0x0] =	vst v12  }
0x263: {  	s11 =	sor.u32 $0x460, s4;
	[tilespmem:s10+$0x0] =	vst v14  }
0x264: {  	s4 =	sor.u32 $0x470, s4;
	[tilespmem:s11+$0x0] =	vst v13  }
0x265: {  	[tilespmem:s4+$0x0] =	vst v15  }
0x266: {  	[tilespmem:s0+$0x160] =	vst v6  }
0x267: {  	[tilespmem:s0+$0x170] =	vst v7  }
0x268: {  	[tilespmem:s0+$0x150] =	vst v5  }
0x269: {  	[tilespmem:s0+$0x140] =	vst v4  }
0x26a: {  	[tilespmem:s0+$0x120] =	vst v2  }
0x26b: {  	[tilespmem:s0+$0x110] =	vst v1  }
0x26c: {  	s4 =	sadd.s32 $0x100, s1;
	[tilespmem:s0+$0x130] =	vst v3  }
0x26d: {  	[tilespmem:s0+$0x100] =	vst v0;
	s12 =	sor.u32 $0x400, s4  }
0x26e: {  	s7 =	sor.u32 $0x410, s4;
	[tilespmem:s12+$0x0] =	vst v8  }
0x26f: {  	s8 =	sor.u32 $0x420, s4;
	[tilespmem:s7+$0x0] =	vst v9  }
0x270: {  	s9 =	sor.u32 $0x430, s4;
	[tilespmem:s8+$0x0] =	vst v10  }
0x271: {  	s10 =	sor.u32 $0x440, s4;
	[tilespmem:s9+$0x0] =	vst v11  }
0x272: {  	s11 =	sor.u32 $0x450, s4;
	[tilespmem:s10+$0x0] =	vst v12  }
0x273: {  	s12 =	sor.u32 $0x460, s4;
	[tilespmem:s11+$0x0] =	vst v14  }
0x274: {  	s4 =	sor.u32 $0x470, s4;
	[tilespmem:s12+$0x0] =	vst v13  }
0x275: {  	[tilespmem:s4+$0x0] =	vst v15  }
0x276: {  	[tilespmem:s0+$0x1C0] =	vst v4  }
0x277: {  	[tilespmem:s0+$0x1F0] =	vst v7  }
0x278: {  	[tilespmem:s0+$0x1E0] =	vst v6  }
0x279: {  	[tilespmem:s0+$0x1D0] =	vst v5  }
0x27a: {  	[tilespmem:s0+$0x190] =	vst v1  }
0x27b: {  	[tilespmem:s0+$0x1B0] =	vst v3  }
0x27c: {  	s1 =	sadd.s32 $0x180, s1;
	[tilespmem:s0+$0x1A0] =	vst v2  }
0x27d: {  	s7 =	sor.u32 $0x400, s1;
	[tilespmem:s0+$0x180] =	vst v0  }
0x27e: {  	s8 =	sor.u32 $0x410, s1;
	[tilespmem:s7+$0x0] =	vst v8  }
0x27f: {  	s9 =	sor.u32 $0x420, s1;
	[tilespmem:s8+$0x0] =	vst v9  }
0x280: {  	s10 =	sor.u32 $0x430, s1;
	[tilespmem:s9+$0x0] =	vst v10  }
0x281: {  	s11 =	sor.u32 $0x440, s1;
	[tilespmem:s10+$0x0] =	vst v11  }
0x282: {  	p0 =	por !p0, !p0;
	s6 =	sor.u32 $0x460, s1;
	s12 =	sor.u32 $0x450, s1;
	[tilespmem:s11+$0x0] =	vst v12  }
0x283: {  	s4 =	sor.u32 $0x470, s1;
	s1 =	simm.s32 $0x400;
	s7 =	simm.s32 $0x200;
	[tilespmem:s12+$0x0] =	vst v14  }
.LBB2_8:
0x284: {  	s8 =	sand.u32 $0x7800, s1;
	s0 =	smov.u32 s7  }
0x285: {  	s9 =	sand.u32 $0x200, s7;
	[tilespmem:s6+$0x0] =	vst v13;
	s10 =	simm.s32 $0x1;
	s0 =	sadd.s32 $0x200, s7  }
0x286: {  	p1 =	sne.s32 s7, $0x3E00;
	s10 =	simm.s32 @!p0 $0x0;
	s6 =	sor.u32 s9, s8;
	[tilespmem:s4+$0x0] =	vst v15  }
0x287: {  	s4 =	sshll.u32 s10, $0x9;
	[tilespmem:s6+$0x70] =	vst v7  }
0x288: {  	s9 =	sadd.s32 s4, s1;
	[tilespmem:s6+$0x60] =	vst v6  }
0x289: {  	s10 =	sor.u32 $0x400, s9;
	s8 =	sadd.s32 $0x80, s9;
	s7 =	sadd.s32 $0x100, s9;
	[tilespmem:s6+$0x40] =	vst v4  }
0x28a: {  	s4 =	sadd.s32 $0x180, s9;
	[tilespmem:s6+$0x50] =	vst v5  }
0x28b: {  	[tilespmem:s6+$0x20] =	vst v2  }
0x28c: {  	[tilespmem:s6+$0x10] =	vst v1  }
0x28d: {  	[tilespmem:s6+$0x0] =	vst v0  }
0x28e: {  	[tilespmem:s6+$0x30] =	vst v3  }
0x28f: {  	s11 =	sor.u32 $0x440, s9;
	[tilespmem:s10+$0x0] =	vst v8;
	s10 =	sor.u32 $0x410, s9  }
0x290: {  	[tilespmem:s10+$0x0] =	vst v9;
	s10 =	sor.u32 $0x420, s9  }
0x291: {  	s12 =	sor.u32 $0x450, s9;
	[tilespmem:s10+$0x0] =	vst v10;
	s10 =	sor.u32 $0x430, s9  }
0x292: {  	[tilespmem:s10+$0x0] =	vst v11  }
0x293: {  	[tilespmem:s11+$0x0] =	vst v12  }
0x294: {  	s10 =	sor.u32 $0x460, s9;
	[tilespmem:s12+$0x0] =	vst v14  }
0x295: {  	s9 =	sor.u32 $0x470, s9;
	[tilespmem:s10+$0x0] =	vst v13  }
0x296: {  	[tilespmem:s9+$0x0] =	vst v15  }
0x297: {  	[tilespmem:s6+$0xC0] =	vst v4  }
0x298: {  	[tilespmem:s6+$0xF0] =	vst v7  }
0x299: {  	[tilespmem:s6+$0xE0] =	vst v6  }
0x29a: {  	[tilespmem:s6+$0x90] =	vst v1  }
0x29b: {  	[tilespmem:s6+$0xB0] =	vst v3  }
0x29c: {  	[tilespmem:s6+$0xA0] =	vst v2  }
0x29d: {  	[tilespmem:s6+$0xD0] =	vst v5  }
0x29e: {  	s9 =	sor.u32 $0x400, s8;
	[tilespmem:s6+$0x80] =	vst v0  }
0x29f: {  	[tilespmem:s9+$0x0] =	vst v8;
	s9 =	sor.u32 $0x410, s8  }
0x2a0: {  	[tilespmem:s9+$0x0] =	vst v9;
	s9 =	sor.u32 $0x420, s8  }
0x2a1: {  	[tilespmem:s9+$0x0] =	vst v10;
	s9 =	sor.u32 $0x430, s8  }
0x2a2: {  	[tilespmem:s9+$0x0] =	vst v11;
	s9 =	sor.u32 $0x440, s8  }
0x2a3: {  	[tilespmem:s9+$0x0] =	vst v12;
	s9 =	sor.u32 $0x450, s8  }
0x2a4: {  	[tilespmem:s9+$0x0] =	vst v14;
	s9 =	sor.u32 $0x460, s8  }
0x2a5: {  	s8 =	sor.u32 $0x470, s8;
	[tilespmem:s9+$0x0] =	vst v13  }
0x2a6: {  	[tilespmem:s8+$0x0] =	vst v15  }
0x2a7: {  	[tilespmem:s6+$0x160] =	vst v6  }
0x2a8: {  	[tilespmem:s6+$0x170] =	vst v7  }
0x2a9: {  	[tilespmem:s6+$0x150] =	vst v5  }
0x2aa: {  	[tilespmem:s6+$0x140] =	vst v4  }
0x2ab: {  	[tilespmem:s6+$0x120] =	vst v2  }
0x2ac: {  	[tilespmem:s6+$0x110] =	vst v1  }
0x2ad: {  	[tilespmem:s6+$0x130] =	vst v3  }
0x2ae: {  	s8 =	sor.u32 $0x400, s7;
	[tilespmem:s6+$0x100] =	vst v0  }
0x2af: {  	[tilespmem:s8+$0x0] =	vst v8;
	s8 =	sor.u32 $0x410, s7  }
0x2b0: {  	[tilespmem:s8+$0x0] =	vst v9;
	s8 =	sor.u32 $0x420, s7  }
0x2b1: {  	[tilespmem:s8+$0x0] =	vst v10;
	s8 =	sor.u32 $0x430, s7  }
0x2b2: {  	[tilespmem:s8+$0x0] =	vst v11;
	s8 =	sor.u32 $0x440, s7  }
0x2b3: {  	[tilespmem:s8+$0x0] =	vst v12;
	s8 =	sor.u32 $0x450, s7  }
0x2b4: {  	[tilespmem:s8+$0x0] =	vst v14;
	s8 =	sor.u32 $0x460, s7  }
0x2b5: {  	s7 =	sor.u32 $0x470, s7;
	[tilespmem:s8+$0x0] =	vst v13  }
0x2b6: {  	[tilespmem:s7+$0x0] =	vst v15  }
0x2b7: {  	[tilespmem:s6+$0x1C0] =	vst v4  }
0x2b8: {  	[tilespmem:s6+$0x1F0] =	vst v7  }
0x2b9: {  	[tilespmem:s6+$0x1E0] =	vst v6  }
0x2ba: {  	[tilespmem:s6+$0x1D0] =	vst v5  }
0x2bb: {  	[tilespmem:s6+$0x190] =	vst v1  }
0x2bc: {  	[tilespmem:s6+$0x1B0] =	vst v3  }
0x2bd: {  	s7 =	sor.u32 $0x400, s4;
	[tilespmem:s6+$0x1A0] =	vst v2  }
0x2be: {  	[tilespmem:s6+$0x180] =	vst v0;
	s6 =	sor.u32 $0x410, s4  }
0x2bf: {  	[tilespmem:s7+$0x0] =	vst v8;
	s7 =	sor.u32 $0x420, s4  }
.Ltmp3:
0x2c0: {  	[tilespmem:s6+$0x0] =	vst v9;
	s6 =	sor.u32 $0x430, s4;
	(pc) =	sbr.rel @p1 .LBB2_8-.Ltmp3, $4  }
0x2c1: {  	[tilespmem:s7+$0x0] =	vst v10;
	s7 =	sor.u32 $0x440, s4  }
0x2c2: {  	s8 =	sor.u32 $0x450, s4;
	[tilespmem:s6+$0x0] =	vst v11  }
0x2c3: {  	p0 =	por !p0, !p0;
	s6 =	sor.u32 $0x460, s4;
	[tilespmem:s7+$0x0] =	vst v12  }
0x2c4: {  	s1 =	sadd.s32 $0x400, s1;
	s4 =	sor.u32 $0x470, s4;
	s7 =	smov.u32 s0;
	[tilespmem:s8+$0x0] =	vst v14  }
0x2c5: {  	[tilespmem:s6+$0x0] =	vst v13  }
0x2c6: {  	s1 =	simm.s32 $0x0;
	s0 =	rddreg [dreg:$0x1e];
	[tilespmem:s4+$0x0] =	vst v15  }
0x2c7: {  	[hbm4b:s21+s1] =	stream.linear.scatter [tilespmem:s1], [sflag:$0x1], $0x8000, $0x38;
	[tilespmem:$0x1C100] =	vst v63  }
0x2c8: {  	s7 =	rddreg [dreg:$0x1f]  }
0x2c9: {  	[hbm4b:s0+s1] =	stream.linear.scatter [tilespmem:s1], [sflag:$0x1], $0x8000, $0x38;
	[tilespmem:$0x1C100] =	vst v63  }
0x2ca: {  	s8 =	sld [smem:$0x7FB]  }
0x2cb: {  	[hbm4b:s7+s1] =	stream.linear.scatter [tilespmem:s1], [sflag:$0x1], $0x8000, $0x38;
	[tilespmem:$0x1C100] =	vst v63  }
0x2cc: {  	s9 =	sld [smem:$0x7FC]  }
0x2cd: {  	[hbm4b:s8+s1] =	stream.linear.scatter [tilespmem:s1], [sflag:$0x1], $0x8000, $0x38;
	[tilespmem:$0x1C100] =	vst v63  }
0x2ce: {  	s10 =	sld [smem:$0x7FD]  }
0x2cf: {  	[hbm4b:s9+s1] =	stream.linear.scatter [tilespmem:s1], [sflag:$0x1], $0x8000, $0x38;
	[tilespmem:$0x1C100] =	vst v63  }
0x2d0: {  	_ = 	snop  }
0x2d1: {  	[hbm4b:s10+s1] =	stream.linear.scatter [tilespmem:s1], [sflag:$0x1], $0x8000, $0x38;
	[tilespmem:$0x1C100] =	vst v63  }
0x2d2: {  	_ = 	snop  }
0x2d3: {  	[hbm4b:s13+s1] =	stream.linear.scatter [tilespmem:s1], [sflag:$0x1], $0x8000, $0x38;
	[tilespmem:$0x1C100] =	vst v63  }
0x2d4: {  	_ = 	snop  }
0x2d5: {  	[hbm4b:s15+s1] =	stream.linear.scatter [tilespmem:s1], [sflag:$0x1], $0x8000, $0x38;
	[tilespmem:$0x1C100] =	vst v63  }
0x2d6: {  	_ =	swait.ge [sflag:s29], $0x8000  }
0x2d7: {  	[sflag:s29] =	ssyncset.done $0x0  }
0x2d8: {  	[sflag:s29] =	ssyncadd.s32 $0xFFFF8000  }
0x2d9: {  	_ =	swait.ge [sflag:s29], $0x8000  }
0x2da: {  	[sflag:s29] =	ssyncset.done $0x0  }
0x2db: {  	[sflag:s29] =	ssyncadd.s32 $0xFFFF8000  }
0x2dc: {  	_ =	swait.ge [sflag:s29], $0x8000  }
0x2dd: {  	[sflag:s29] =	ssyncset.done $0x0  }
0x2de: {  	[sflag:s29] =	ssyncadd.s32 $0xFFFF8000  }
0x2df: {  	_ =	swait.ge [sflag:s29], $0x8000  }
0x2e0: {  	[sflag:s29] =	ssyncset.done $0x0  }
0x2e1: {  	[sflag:s29] =	ssyncadd.s32 $0xFFFF8000  }
0x2e2: {  	_ =	swait.ge [sflag:s29], $0x8000  }
0x2e3: {  	[sflag:s29] =	ssyncset.done $0x0  }
0x2e4: {  	[sflag:s29] =	ssyncadd.s32 $0xFFFF8000  }
0x2e5: {  	_ =	swait.ge [sflag:s29], $0x8000  }
0x2e6: {  	[sflag:s29] =	ssyncset.done $0x0  }
0x2e7: {  	[sflag:s29] =	ssyncadd.s32 $0xFFFF8000  }
0x2e8: {  	_ =	swait.ge [sflag:s29], $0x8000  }
0x2e9: {  	[sflag:s29] =	ssyncset.done $0x0  }
0x2ea: {  	[sflag:s29] =	ssyncadd.s32 $0xFFFF8000  }
0x2eb: {  	_ =	swait.ge [sflag:s29], $0x8000  }
0x2ec: {  	[sflag:s29] =	ssyncset.done $0x0  }
0x2ed: {  	s12 =	simm.s32 $0x18100;
	s11 =	rddreg [dreg:$0x12];
	[sflag:s29] =	ssyncadd.s32 $0xFFFF8000  }
0x2ee: {  	[tilespmem:s12], [sflag:$0x4] =	stream.linear.gather [hbm4b:s11+s1], $0x4000, $0x38;
	[tilespmem:$0x1C100] =	vst v63  }
0x2ef: {  	p0 =	por $0x0, $0x0;
	_ =	swait.ge [sflag:s25], $0x4000  }
0x2f0: {  	s6 =	simm.s32 $0x0;
	s4 =	simm.s32 $0x0;
	[sflag:s25] =	ssyncset.done $0x0  }
0x2f1: {  	s0 =	simm.s32 $0x18200;
	s7 =	simm.s32 $0x0;
	[sflag:s25] =	ssyncadd.s32 $0xFFFFC000  }
.LBB2_10:
0x2f2: {  	v0 =	vld [tilespmem:s0+$0xFFFFFF00];
	_ =	sdelay $0x1  }
0x2f3: {  	s8 =	sand.u32 $0x7800, s7  }
0x2f4: {  	s9 =	sand.u32 $0x200, s6;
	s8 =	sor.u32 $0x8000, s8  }
0x2f5: {  	s9 =	sor.u32 s9, s8  }
0x2f6: {  	[tilespmem:s9+$0x0] =	vst v0  }
0x2f7: {  	[tilespmem:s9+$0x10] =	vst v0  }
0x2f8: {  	[tilespmem:s9+$0x20] =	vst v0  }
0x2f9: {  	s10 =	simm.s32 $0x1;
	[tilespmem:s9+$0x30] =	vst v0  }
0x2fa: {  	s10 =	simm.s32 @!p0 $0x0;
	[tilespmem:s9+$0x40] =	vst v0  }
0x2fb: {  	s10 =	sshll.u32 s10, $0x9;
	[tilespmem:s9+$0x50] =	vst v0  }
0x2fc: {  	s10 =	sadd.s32 s10, s7;
	[tilespmem:s9+$0x60] =	vst v0  }
0x2fd: {  	s12 =	sor.u32 $0x400, s10;
	[tilespmem:s9+$0x70] =	vst v0  }
0x2fe: {  	s11 =	sor.u32 $0x410, s10;
	[tilespmem:s12+$0x8000] =	vst v0  }
0x2ff: {  	s12 =	sor.u32 $0x420, s10;
	[tilespmem:s11+$0x8000] =	vst v0  }
0x300: {  	s11 =	sor.u32 $0x430, s10;
	[tilespmem:s12+$0x8000] =	vst v0  }
0x301: {  	s12 =	sor.u32 $0x440, s10;
	[tilespmem:s11+$0x8000] =	vst v0  }
0x302: {  	s11 =	sor.u32 $0x450, s10;
	[tilespmem:s12+$0x8000] =	vst v0  }
0x303: {  	s12 =	sor.u32 $0x460, s10;
	[tilespmem:s11+$0x8000] =	vst v0  }
0x304: {  	s10 =	sor.u32 $0x470, s10;
	[tilespmem:s12+$0x8000] =	vst v0  }
0x305: {  	[tilespmem:s10+$0x8000] =	vst v0  }
0x306: {  	v0 =	vld [tilespmem:s0+$0xFFFFFF80];
	_ =	sdelay $0x1  }
0x307: {  	s11 =	sadd.s32 $0x80, s6  }
0x308: {  	s9 =	sand.u32 $0x280, s11  }
0x309: {  	s12 =	sor.u32 s9, s8  }
0x30a: {  	[tilespmem:s12+$0x0] =	vst v0  }
0x30b: {  	[tilespmem:s12+$0x10] =	vst v0  }
0x30c: {  	[tilespmem:s12+$0x20] =	vst v0  }
0x30d: {  	s11 =	sand.u32 $0x7, s4;
	[tilespmem:s12+$0x30] =	vst v0  }
0x30e: {  	s9 =	sshll.u32 s11, $0x7;
	[tilespmem:s12+$0x40] =	vst v0  }
0x30f: {  	s9 =	sadd.s32 s7, s9;
	[tilespmem:s12+$0x50] =	vst v0  }
0x310: {  	s11 =	sadd.s32 $0x80, s9;
	[tilespmem:s12+$0x60] =	vst v0  }
0x311: {  	[tilespmem:s12+$0x70] =	vst v0;
	s12 =	sor.u32 $0x400, s11  }
0x312: {  	[tilespmem:s12+$0x8000] =	vst v0;
	s12 =	sor.u32 $0x410, s11  }
0x313: {  	[tilespmem:s12+$0x8000] =	vst v0;
	s12 =	sor.u32 $0x420, s11  }
0x314: {  	[tilespmem:s12+$0x8000] =	vst v0;
	s12 =	sor.u32 $0x430, s11  }
0x315: {  	[tilespmem:s12+$0x8000] =	vst v0;
	s12 =	sor.u32 $0x440, s11  }
0x316: {  	[tilespmem:s12+$0x8000] =	vst v0;
	s12 =	sor.u32 $0x450, s11  }
0x317: {  	[tilespmem:s12+$0x8000] =	vst v0;
	s12 =	sor.u32 $0x460, s11  }
0x318: {  	[tilespmem:s12+$0x8000] =	vst v0;
	s12 =	sor.u32 $0x470, s11  }
0x319: {  	[tilespmem:s12+$0x8000] =	vst v0  }
0x31a: {  	v0 =	vld [tilespmem:s0+$0x0];
	_ =	sdelay $0x1  }
0x31b: {  	s11 =	sadd.s32 $0x100, s6  }
0x31c: {  	s10 =	sand.u32 $0x300, s11  }
0x31d: {  	s10 =	sor.u32 s10, s8  }
0x31e: {  	[tilespmem:s10+$0x0] =	vst v0  }
0x31f: {  	[tilespmem:s10+$0x10] =	vst v0  }
0x320: {  	[tilespmem:s10+$0x20] =	vst v0  }
0x321: {  	s12 =	sand.u32 $0x3, s1;
	[tilespmem:s10+$0x30] =	vst v0  }
0x322: {  	s11 =	sshll.u32 s12, $0x8;
	[tilespmem:s10+$0x40] =	vst v0  }
0x323: {  	s11 =	sadd.s32 s7, s11;
	[tilespmem:s10+$0x50] =	vst v0  }
0x324: {  	s11 =	sadd.s32 $0x100, s11;
	[tilespmem:s10+$0x60] =	vst v0  }
0x325: {  	s12 =	sor.u32 $0x400, s11;
	[tilespmem:s10+$0x70] =	vst v0  }
0x326: {  	[tilespmem:s12+$0x8000] =	vst v0;
	s12 =	sor.u32 $0x410, s11  }
0x327: {  	[tilespmem:s12+$0x8000] =	vst v0;
	s12 =	sor.u32 $0x420, s11  }
0x328: {  	[tilespmem:s12+$0x8000] =	vst v0;
	s12 =	sor.u32 $0x430, s11  }
0x329: {  	[tilespmem:s12+$0x8000] =	vst v0;
	s12 =	sor.u32 $0x440, s11  }
0x32a: {  	[tilespmem:s12+$0x8000] =	vst v0;
	s12 =	sor.u32 $0x450, s11  }
0x32b: {  	[tilespmem:s12+$0x8000] =	vst v0;
	s12 =	sor.u32 $0x460, s11  }
0x32c: {  	[tilespmem:s12+$0x8000] =	vst v0;
	s12 =	sor.u32 $0x470, s11  }
0x32d: {  	[tilespmem:s12+$0x8000] =	vst v0  }
0x32e: {  	v0 =	vld [tilespmem:s0+$0x80];
	_ =	sdelay $0x1  }
0x32f: {  	s11 =	sadd.s32 $0x180, s6  }
0x330: {  	s10 =	sand.u32 $0x380, s11  }
0x331: {  	s8 =	sor.u32 s10, s8  }
0x332: {  	[tilespmem:s8+$0x0] =	vst v0  }
0x333: {  	[tilespmem:s8+$0x10] =	vst v0  }
0x334: {  	[tilespmem:s8+$0x20] =	vst v0  }
0x335: {  	[tilespmem:s8+$0x30] =	vst v0  }
0x336: {  	[tilespmem:s8+$0x40] =	vst v0  }
0x337: {  	[tilespmem:s8+$0x50] =	vst v0  }
0x338: {  	s9 =	sadd.s32 $0x180, s9;
	[tilespmem:s8+$0x60] =	vst v0  }
0x339: {  	s12 =	sor.u32 $0x400, s9;
	[tilespmem:s8+$0x70] =	vst v0  }
0x33a: {  	s10 =	sor.u32 $0x410, s9;
	[tilespmem:s12+$0x8000] =	vst v0  }
0x33b: {  	s11 =	sor.u32 $0x420, s9;
	[tilespmem:s10+$0x8000] =	vst v0  }
0x33c: {  	p1 =	sne.s32 s7, $0x7C00;
	s12 =	sor.u32 $0x430, s9;
	[tilespmem:s11+$0x8000] =	vst v0  }
.Ltmp4:
0x33d: {  	s10 =	sor.u32 $0x440, s9;
	[tilespmem:s12+$0x8000] =	vst v0;
	(pc) =	sbr.rel @p1 .LBB2_10-.Ltmp4, $4  }
0x33e: {  	s11 =	sor.u32 $0x450, s9;
	[tilespmem:s10+$0x8000] =	vst v0  }
0x33f: {  	p0 =	por !p0, !p0;
	s12 =	sor.u32 $0x460, s9;
	[tilespmem:s11+$0x8000] =	vst v0  }
0x340: {  	s4 =	sadd.s32 $0x4, s4;
	s1 =	sadd.s32 $0x2, s1;
	s9 =	sor.u32 $0x470, s9;
	[tilespmem:s12+$0x8000] =	vst v0  }
0x341: {  	s7 =	sadd.s32 $0x400, s7;
	s6 =	sadd.s32 $0x200, s6;
	s0 =	sadd.s32 $0x200, s0;
	[tilespmem:s9+$0x8000] =	vst v0  }
0x342: {  	[hbm4b:s22+s2] =	stream.linear.scatter [tilespmem:s26], [sflag:$0x2], $0x8000, $0x38;
	[tilespmem:$0x1C100] =	vst v63  }
0x343: {  	_ = 	snop  }
0x344: {  	[hbm4b:s16+s2] =	stream.linear.scatter [tilespmem:s26], [sflag:$0x2], $0x8000, $0x38;
	[tilespmem:$0x1C100] =	vst v63  }
0x345: {  	_ = 	snop  }
0x346: {  	[hbm4b:s17+s2] =	stream.linear.scatter [tilespmem:s26], [sflag:$0x2], $0x8000, $0x38;
	[tilespmem:$0x1C100] =	vst v63  }
0x347: {  	_ = 	snop  }
0x348: {  	[hbm4b:s18+s2] =	stream.linear.scatter [tilespmem:s26], [sflag:$0x2], $0x8000, $0x38;
	[tilespmem:$0x1C100] =	vst v63  }
0x349: {  	_ =	swait.ge [sflag:s3], $0x8000  }
0x34a: {  	[sflag:s3] =	ssyncset.done $0x0  }
0x34b: {  	[sflag:s3] =	ssyncadd.s32 $0xFFFF8000  }
0x34c: {  	_ =	swait.ge [sflag:s3], $0x8000  }
0x34d: {  	[sflag:s3] =	ssyncset.done $0x0  }
0x34e: {  	[sflag:s3] =	ssyncadd.s32 $0xFFFF8000  }
0x34f: {  	_ =	swait.ge [sflag:s3], $0x8000  }
0x350: {  	[sflag:s3] =	ssyncset.done $0x0  }
0x351: {  	[sflag:s3] =	ssyncadd.s32 $0xFFFF8000  }
0x352: {  	_ =	swait.ge [sflag:s3], $0x8000  }
0x353: {  	[sflag:s3] =	ssyncset.done $0x0  }
0x354: {  	[sflag:s3] =	ssyncadd.s32 $0xFFFF8000  }
0x355: {  	_ =	swait.ge [sflag:s3], $0x8000  }
0x356: {  	[sflag:s3] =	ssyncset.done $0x0  }
0x357: {  	[sflag:s3] =	ssyncadd.s32 $0xFFFF8000  }
0x358: {  	_ =	swait.ge [sflag:s3], $0x8000  }
0x359: {  	[sflag:s3] =	ssyncset.done $0x0  }
0x35a: {  	[sflag:s3] =	ssyncadd.s32 $0xFFFF8000  }
0x35b: {  	_ =	swait.ge [sflag:s3], $0x8000  }
0x35c: {  	[sflag:s3] =	ssyncset.done $0x0  }
0x35d: {  	[sflag:s3] =	ssyncadd.s32 $0xFFFF8000  }
0x35e: {  	_ =	swait.ge [sflag:s3], $0x8000  }
0x35f: {  	[sflag:s3] =	ssyncset.done $0x0  }
0x360: {  	[sflag:s3] =	ssyncadd.s32 $0xFFFF8000  }
0x361: {  	_ =	swait.ge [sflag:s29], $0x8000  }
0x362: {  	[sflag:s29] =	ssyncset.done $0x0  }
0x363: {  	[sflag:s29] =	ssyncadd.s32 $0xFFFF8000  }
0x364: {  	_ =	swait.ge [sflag:s29], $0x8000  }
0x365: {  	[sflag:s29] =	ssyncset.done $0x0  }
0x366: {  	[sflag:s29] =	ssyncadd.s32 $0xFFFF8000  }
0x367: {  	_ =	swait.ge [sflag:s29], $0x8000  }
0x368: {  	[sflag:s29] =	ssyncset.done $0x0  }
0x369: {  	[sflag:s29] =	ssyncadd.s32 $0xFFFF8000  }
0x36a: {  	_ =	swait.ge [sflag:s29], $0x8000  }
0x36b: {  	[sflag:s29] =	ssyncset.done $0x0  }
0x36c: {  	[sflag:s29] =	ssyncadd.s32 $0xFFFF8000  }
0x36d: {  	_ =	swait.ge [sflag:s30], $0x8000  }
0x36e: {  	[sflag:s30] =	ssyncset.done $0x0  }
0x36f: {  	[sflag:s30] =	ssyncadd.s32 $0xFFFF8000  }
0x370: {  	_ =	swait.ge [sflag:s30], $0x8000  }
0x371: {  	[sflag:s30] =	ssyncset.done $0x0  }
0x372: {  	[sflag:s30] =	ssyncadd.s32 $0xFFFF8000  }
0x373: {  	_ =	swait.ge [sflag:s30], $0x8000  }
0x374: {  	[sflag:s30] =	ssyncset.done $0x0  }
0x375: {  	[sflag:s30] =	ssyncadd.s32 $0xFFFF8000  }
0x376: {  	_ =	swait.ge [sflag:s30], $0x8000  }
0x377: {  	[sflag:s30] =	ssyncset.done $0x0  }
0x378: {  	[sflag:s30] =	ssyncadd.s32 $0xFFFF8000  }
0x379: {  	_ =	swait.ge [sflag:s30], $0x8000  }
0x37a: {  	[sflag:s30] =	ssyncset.done $0x0  }
0x37b: {  	[sflag:s30] =	ssyncadd.s32 $0xFFFF8000  }
0x37c: {  	_ =	swait.ge [sflag:s30], $0x8000  }
0x37d: {  	[sflag:s30] =	ssyncset.done $0x0  }
0x37e: {  	[sflag:s30] =	ssyncadd.s32 $0xFFFF8000  }
0x37f: {  	_ =	swait.ge [sflag:s30], $0x8000  }
0x380: {  	[sflag:s30] =	ssyncset.done $0x0  }
0x381: {  	[sflag:s30] =	ssyncadd.s32 $0xFFFF8000  }
0x382: {  	_ =	swait.ge [sflag:s30], $0x8000  }
0x383: {  	s31 =	sadd.s32 $0x1, s31;
	s0 =	rddreg [dreg:$0x13]  }
0x384: {  	p0 =	sne.s32 s31, s0  }
.Ltmp5:
0x385: {  	_ = 	snop;
	(pc) =	sbr.rel @p0 .LBB2_1-.Ltmp5, $3  }
0x386: {  	_ =	sdelay $0x1  }
0x387: {  	[sflag:s30] =	ssyncset.done $0x0  }
0x388: {  	[sflag:s30] =	ssyncadd.s32 $0xFFFF8000  }
0x389: {  	_ =	sfence.sel $0x180000  }
0x38a: {  	[bflag:$0x0] =	sbarrier.arrive $0xFFFF  }
0x38b: {  	_ =	strace $0x90000047  }
0x38c: {  	s0 =	stileid.u32;
	[bflag:$0x2] =	sbarrier.arrive $0xFFFF  }
0x38d: {  	p0 =	sne.s32 s0, $0x0;
	s0 =	rddreg [dreg:$0x2]  }
0x38e: {  	s0 =	sadd.s32 @!p0 $0x100000, s0  }
0x38f: {  	[sflag:s0] =	ssyncadd.tile.s32 @!p0 $0x1;
	_ =	shalt  }
.Lfunc_end2:
_tile_overlayer_lowered:
.L_overlay_start_2:
0x390: {  	(tag) =	ssettag $0x2  }
0x391: {  	s0 =	rddreg [dreg:$0x0];
	s2 =	stileid.u32  }
0x392: {  	s1 =	rddreg [dreg:$0x1];
	p0 =	sne.s32 s2, $0x0  }
0x393: {  	s3 =	rddreg [dreg:$0x2];
	[bflag:$0x3] =	sbarrier.arrive $0xFFFF;
	s2 =	simm.s32 @!p0 $0x1C04  }
0x394: {  	[timem:s3], [sflag:s2] =	dma.local @!p0 [hbm:s0], s1  }
0x395: {  	s0 =	simm.s32 @!p0 $0x4  }
0x396: {  	_ =	swait.ge @!p0 [sflag:s0], s1  }
0x397: {  	s1 =	ssub.s32 @!p0 $0x0, s1;
	[sflag:s0] =	ssyncset.done @!p0 $0x0  }
0x398: {  	[sflag:s0] =	ssyncadd.s32 @!p0 s1  }
0x399: {  	[bflag:$0x3] =	sbarrier.arrive $0xFFFF  }
0x39a: {  	_ =	shalt  }

</sc_bundles>
